<compile_context>
chip_gen: v7x
topology: tpu7x:2x2x1
jax: 0.10.2.dev20260603
libtpu: 0.0.44.dev20260713+nightly
codegen_flags: <defaults>
</compile_context>

<pallas_src>
import jax
import jax.numpy as jnp
from jax import lax
from jax.experimental import pallas as pl
from jax.experimental.pallas import tpu as pltpu
from jax.experimental.pallas import tpu_sc as plsc

D = 256
H = 128
W = 64
G = 512
B = 16
CHUNK = 128
NT = 16
SEG_T = G // NT
NBUF = 2


def _sc_pool(x_hbm, b_hbm, bt_hbm, out_hbm,
             acc_sh, cnt_sh,
             ids_v, idxb_v, rows0_v, rows1_v,
             zbuf_v, ones_v, zcnt_v,
             rb_v, rbc_v, inv_v, ostage_v,
             idx_t, idxb_t, rows_t, ones_t,
             lsem0, lsem1, ssem0, ssem1,
             csem):
    n = x_hbm.shape[0]
    n_full = n // CHUNK
    tail = n - n_full * CHUNK
    trips = (n_full + NT - 1) // NT
    c = lax.axis_index("c")
    s = lax.axis_index("s")

    zero16 = jnp.zeros((16,), jnp.float32)
    one16 = jnp.ones((16,), jnp.float32)
    lane16 = lax.iota(jnp.int32, 16)
    g0 = SEG_T * s
    rows = (rows0_v, rows1_v)
    lsems = (lsem0, lsem1)
    ssems = (ssem0, ssem1)

    pltpu.sync_copy(bt_hbm.at[:, pl.ds(CHUNK * s, CHUNK)], ids_v)

    def mk_idxb(t, carry):
        for j in range(CHUNK // 16):
            idxb_v[t, pl.ds(16 * j, 16)] = (
                ids_v[t, pl.ds(16 * j, 16)] * B + lane16)
        return carry

    lax.fori_loop(0, trips, mk_idxb, 0)

    def zrow(r, carry):
        for j in range(W // 16):
            zbuf_v[r, pl.ds(16 * j, 16)] = zero16
        return carry

    lax.fori_loop(0, CHUNK, zrow, 0)
    for r in range(64):
        zcnt_v[r, :] = zero16
    for r in range(CHUNK):
        ones_v[r, :] = one16
    if tail:
        for r in range(tail):
            ones_t[r, :] = one16

    for p in range(H // W):
        col0 = H * c + W * p

        for k in range(B * G // (NT * CHUNK)):
            base = (B * G // NT) * s + CHUNK * k
            pltpu.sync_copy(zbuf_v, acc_sh.at[pl.ds(base, CHUNK)])
        if p == 0:
            for k in range(B * G // (NT * 64)):
                base = (B * G // NT) * s + 64 * k
                pltpu.sync_copy(zcnt_v, cnt_sh.at[pl.ds(base, 64)])
        plsc.subcore_barrier()

        def start_load(t, slot):
            @pl.when(s + NT * t < n_full)
            def _():
                base = (s + NT * t) * CHUNK
                pltpu.async_copy(
                    x_hbm.at[pl.ds(base, CHUNK), pl.ds(col0, W)],
                    rows[slot], lsems[slot])

        def wait_load(slot):
            pltpu.make_async_copy(
                x_hbm.at[pl.ds(0, CHUNK), pl.ds(col0, W)],
                rows[slot], lsems[slot]).wait()

        def wait_scatter(t, slot):
            pltpu.make_async_copy(rows[slot], acc_sh.at[idxb_v.at[t]],
                                  ssems[slot]).wait()

        for b in range(NBUF):
            start_load(b, b)

        def body(t2, carry):
            for b in range(NBUF):
                t = NBUF * t2 + b

                @pl.when(s + NT * t < n_full)
                def _():
                    wait_load(b)
                    pltpu.async_copy(rows[b], acc_sh.at[idxb_v.at[t]],
                                     ssems[b], add=True)
                    if p == 0:
                        pltpu.async_copy(ones_v, cnt_sh.at[idxb_v.at[t]],
                                         csem, add=True)

                @pl.when(s + NT * (t + NBUF) < n_full)
                def _():
                    wait_scatter(t, b)
                    start_load(t + NBUF, b)
            return carry

        lax.fori_loop(0, (trips + NBUF - 1) // NBUF, body, 0)

        v = (n_full - 1 - s) // NT + 1

        for b in range(NBUF):
            t_last = b + NBUF * ((v - 1 - b) // NBUF)

            @pl.when(v > b)
            def _():
                wait_scatter(t_last, b)

        if p == 0:
            def drain_cnt(t, carry):
                @pl.when(s + NT * t < n_full)
                def _():
                    pltpu.make_async_copy(
                        ones_v, cnt_sh.at[idxb_v.at[t]], csem).wait()
                return carry

            lax.fori_loop(0, trips, drain_cnt, 0)

        if tail:
            @pl.when(s == NT - 1)
            def _():
                base = n_full * CHUNK
                pltpu.sync_copy(b_hbm.at[pl.ds(base, tail)], idx_t)
                pltpu.sync_copy(
                    x_hbm.at[pl.ds(base, tail), pl.ds(col0, W)], rows_t)
                for j in range(tail // 16):
                    idxb_t[pl.ds(16 * j, 16)] = (
                        idx_t[pl.ds(16 * j, 16)] * B + lane16)
                pltpu.sync_copy(rows_t, acc_sh.at[idxb_t], add=True)
                if p == 0:
                    pltpu.sync_copy(ones_t, cnt_sh.at[idxb_t], add=True)

        plsc.subcore_barrier()

        pltpu.sync_copy(acc_sh.at[pl.ds(B * g0, B * SEG_T)], rb_v)
        if p == 0:
            pltpu.sync_copy(cnt_sh.at[pl.ds(B * g0, B * SEG_T)], rbc_v)
        plsc.subcore_barrier()

        if p == 0:
            def inv_one(g, carry):
                cb = rbc_v[B * g, :]
                for b in range(1, B):
                    cb = cb + rbc_v[B * g + b, :]
                inv_v[g, :] = 1.0 / jnp.maximum(cb, 1.0)
                return carry

            lax.fori_loop(0, SEG_T, inv_one, 0)

        def reduce_one(g, carry):
            inv = inv_v[g, :]
            for j in range(W // 16):
                acc = rb_v[B * g, pl.ds(16 * j, 16)]
                for b in range(1, B):
                    acc = acc + rb_v[B * g + b, pl.ds(16 * j, 16)]
                ostage_v[g, pl.ds(16 * j, 16)] = acc * inv
            return carry

        lax.fori_loop(0, SEG_T, reduce_one, 0)
        pltpu.sync_copy(ostage_v,
                        out_hbm.at[pl.ds(g0, SEG_T), pl.ds(col0, W)])


def kernel(x, batch):
    n, d = x.shape
    assert d == D
    b32 = batch.astype(jnp.int32)

    n_full = n // CHUNK
    tail = n - n_full * CHUNK
    trips = (n_full + NT - 1) // NT
    tl = max(tail, 16)
    bt = jnp.pad(b32, (0, trips * NT * CHUNK - n)).reshape(trips, NT * CHUNK)

    mesh = plsc.VectorSubcoreMesh(core_axis_name="c", subcore_axis_name="s")
    out = pl.kernel(
        _sc_pool,
        out_type=jax.ShapeDtypeStruct((G, D), jnp.float32),
        mesh=mesh,
        scratch_types=[
            pltpu.VMEM_SHARED((B * G, W), jnp.float32),
            pltpu.VMEM_SHARED((B * G, 16), jnp.float32),
            pltpu.VMEM((trips, CHUNK), jnp.int32),
            pltpu.VMEM((trips, CHUNK), jnp.int32),
            pltpu.VMEM((CHUNK, W), jnp.float32),
            pltpu.VMEM((CHUNK, W), jnp.float32),
            pltpu.VMEM((CHUNK, W), jnp.float32),
            pltpu.VMEM((CHUNK, 16), jnp.float32),
            pltpu.VMEM((64, 16), jnp.float32),
            pltpu.VMEM((B * SEG_T, W), jnp.float32),
            pltpu.VMEM((B * SEG_T, 16), jnp.float32),
            pltpu.VMEM((SEG_T, 16), jnp.float32),
            pltpu.VMEM((SEG_T, W), jnp.float32),
            pltpu.VMEM((tl,), jnp.int32),
            pltpu.VMEM((tl,), jnp.int32),
            pltpu.VMEM((tl, W), jnp.float32),
            pltpu.VMEM((tl, 16), jnp.float32),
            pltpu.SemaphoreType.DMA,
            pltpu.SemaphoreType.DMA,
            pltpu.SemaphoreType.DMA,
            pltpu.SemaphoreType.DMA,
            pltpu.SemaphoreType.DMA,
        ],
        compiler_params=pltpu.CompilerParams(use_tc_tiling_on_sc=False),
    )(x, b32, bt)
    return out

# --- scband reference (transcript-rebuilt; emitter-appended) ---
"""Pipeline reference for scband-global-pooling-23493471109946 (READ-ONLY COPY).

The authoritative reference and input builder live on the scoring server;
editing this copy changes nothing except your own understanding.
"""

import jax, jax.numpy as jnp
import numpy as np

N_NODES = 50000
D_FEAT = 256
NUM_GRAPHS = 512


def setup_inputs(seed: int = 0) -> dict:
    key = jax.random.key(seed)
    k1, k2 = jax.random.split(key)
    x = jax.random.normal(k1, (N_NODES, D_FEAT), dtype=jnp.float32)
    batch = jnp.sort(jax.random.randint(k2, (N_NODES,), 0, NUM_GRAPHS, dtype=jnp.int64))
    return {"x": x, "batch": batch}


def reference(x, batch):
    # global_mean_pool: segment-wise mean of node features per graph
    sums = jax.ops.segment_sum(x, batch, num_segments=NUM_GRAPHS)
    counts = jax.ops.segment_sum(jnp.ones((x.shape[0],), dtype=x.dtype), batch, num_segments=NUM_GRAPHS)
    counts = jnp.maximum(counts, 1.0)
    return sums / counts[:, None]

if __name__ == "__main__":
    import jax
    _d = setup_inputs()
    print(jax.jit(kernel)(*tuple(_d.values())))

</pallas_src>

<mosaic_0001>
#map = affine_map<(d0, d1) -> (0, 0)>
#map1 = affine_map<(d0, d1) -> (0)>
module attributes {stable_mosaic.version = 14 : i64} {
  func.func @_sc_pool(%arg0: i32, %arg1: i32, %arg2: memref<50000x256xf32, #tpu.memory_space<hbm>>, %arg3: memref<50000xi32, #tpu.memory_space<hbm>>, %arg4: memref<25x2048xi32, #tpu.memory_space<hbm>>, %arg5: memref<512x256xf32, #tpu.memory_space<hbm>>, %arg6: memref<8192x64xf32, #tpu.memory_space<vmem_shared>>, %arg7: memref<8192x16xf32, #tpu.memory_space<vmem_shared>>, %arg8: memref<25x128xi32, #tpu.memory_space<vmem>>, %arg9: memref<25x128xi32, #tpu.memory_space<vmem>>, %arg10: memref<128x64xf32, #tpu.memory_space<vmem>>, %arg11: memref<128x64xf32, #tpu.memory_space<vmem>>, %arg12: memref<128x64xf32, #tpu.memory_space<vmem>>, %arg13: memref<128x16xf32, #tpu.memory_space<vmem>>, %arg14: memref<64x16xf32, #tpu.memory_space<vmem>>, %arg15: memref<512x64xf32, #tpu.memory_space<vmem>>, %arg16: memref<512x16xf32, #tpu.memory_space<vmem>>, %arg17: memref<32x16xf32, #tpu.memory_space<vmem>>, %arg18: memref<32x64xf32, #tpu.memory_space<vmem>>, %arg19: memref<80xi32, #tpu.memory_space<vmem>>, %arg20: memref<80xi32, #tpu.memory_space<vmem>>, %arg21: memref<80x64xf32, #tpu.memory_space<vmem>>, %arg22: memref<80x16xf32, #tpu.memory_space<vmem>>, %arg23: memref<!tpu.dma_semaphore, #tpu.memory_space<semaphore_mem>>, %arg24: memref<!tpu.dma_semaphore, #tpu.memory_space<semaphore_mem>>, %arg25: memref<!tpu.dma_semaphore, #tpu.memory_space<semaphore_mem>>, %arg26: memref<!tpu.dma_semaphore, #tpu.memory_space<semaphore_mem>>, %arg27: memref<!tpu.dma_semaphore, #tpu.memory_space<semaphore_mem>>) attributes {dimension_semantics = [#tpu.dimension_semantics<core_parallel>, #tpu.dimension_semantics<subcore_parallel>], iteration_bounds = array<i64: 2, 16>, scalar_prefetch = 0 : i64, scratch_operands = 22 : i64, tpu.core_type = #tpu.core_type<sc_vector_subcore>, window_params = [{transform_indices = #map}, {transform_indices = #map1}, {transform_indices = #map}, {transform_indices = #map}]} {
    %broadcast_in_dim3A = arith.constant 0.000000e+00 : f32
    %broadcast_in_dim3A_0 = vector.broadcast %broadcast_in_dim3A : f32 to vector<16xf32>
    %broadcast_in_dim3A_1 = arith.constant 1.000000e+00 : f32
    %broadcast_in_dim3A_2 = vector.broadcast %broadcast_in_dim3A_1 : f32 to vector<16xf32>
    %iota3A = tpu.iota {dimensions = array<i32: 0>} : vector<16xi32>
    %mul3A = arith.constant 32 : i32
    %mul3A_3 = arith.muli %mul3A, %arg1 : i32
    %mul3A_4 = arith.constant 128 : i32
    %mul3A_5 = arith.muli %mul3A_4, %arg1 : i32
    "tpu.region"() ({
      %run_scoped3A = tpu.sem_alloc : memref<!tpu.dma_semaphore, #tpu.memory_space<semaphore_mem>>
      %dma_start3A = arith.constant 0 : i32
      %dma_start3A_1995 = tpu.memref_slice %arg4[%dma_start3A, %mul3A_5] : memref<25x2048xi32, #tpu.memory_space<hbm>> -> memref<25x128xi32, #tpu.memory_space<hbm>>
      %dma_start3A_1996 = arith.constant 0 : i32
      %dma_start3A_1997 = tpu.memref_slice %arg4[%dma_start3A_1996, %mul3A_5] : memref<25x2048xi32, #tpu.memory_space<hbm>> -> memref<25x128xi32, #tpu.memory_space<hbm>>
      tpu.enqueue_dma source(%dma_start3A_1997 : memref<25x128xi32, #tpu.memory_space<hbm>>) target(%arg8 : memref<25x128xi32, #tpu.memory_space<vmem>>) target_semaphore(%run_scoped3A : memref<!tpu.dma_semaphore, #tpu.memory_space<semaphore_mem>>)
      %dma_wait3A = arith.constant 0 : i32
      %dma_wait3A_1998 = tpu.memref_slice %arg4[%dma_wait3A, %mul3A_5] : memref<25x2048xi32, #tpu.memory_space<hbm>> -> memref<25x128xi32, #tpu.memory_space<hbm>>
      %dma_wait3A_1999 = arith.constant 0 : i32
      %dma_wait3A_2000 = tpu.memref_slice %arg4[%dma_wait3A_1999, %mul3A_5] : memref<25x2048xi32, #tpu.memory_space<hbm>> -> memref<25x128xi32, #tpu.memory_space<hbm>>
      tpu.wait_dma2 semaphore(%run_scoped3A : memref<!tpu.dma_semaphore, #tpu.memory_space<semaphore_mem>>) src(%dma_wait3A_2000 : memref<25x128xi32, #tpu.memory_space<hbm>>) dst(%arg8 : memref<25x128xi32, #tpu.memory_space<vmem>>)
      tpu.yield
    }) : () -> ()
    %scan3A = arith.constant 0 : i32
    %scan3A_6 = arith.constant 0 : i32
    %scan3A_7 = arith.constant 25 : i32
    %scan3A_8 = arith.addi %scan3A_6, %scan3A_7 : i32
    %scan3A_9 = arith.constant 1 : i32
    scf.for %scan3A_1995 = %scan3A_6 to %scan3A_8 step %scan3A_9  : i32 {
      %get3A = arith.index_cast %scan3A_1995 : i32 to index
      %get3A_1996 = arith.constant 0 : index
      %get3A_1997 = tpu.vector_load %arg8[%get3A, %get3A_1996] {strides = array<i32>} : memref<25x128xi32, #tpu.memory_space<vmem>>, vector<1x16xi32>,
      %get3A_1998 = vector.shape_cast %get3A_1997 : vector<1x16xi32> to vector<16xi32>
      %mul3A_1999 = arith.constant 16 : i32
      %mul3A_2000 = vector.broadcast %mul3A_1999 : i32 to vector<16xi32>
      %mul3A_2001 = arith.muli %get3A_1998, %mul3A_2000 : vector<16xi32>
      %add3A_2002 = arith.addi %mul3A_2001, %iota3A : vector<16xi32>
      %swap3A_2003 = arith.index_cast %scan3A_1995 : i32 to index
      %swap3A_2004 = arith.constant 0 : index
      %swap3A_2005 = tpu.vector_load %arg9[%swap3A_2003, %swap3A_2004] {strides = array<i32>} : memref<25x128xi32, #tpu.memory_space<vmem>>, vector<1x16xi32>,
      %swap3A_2006 = vector.shape_cast %swap3A_2005 : vector<1x16xi32> to vector<16xi32>
      %swap3A_2007 = vector.shape_cast %add3A_2002 : vector<16xi32> to vector<1x16xi32>
      tpu.vector_store %arg9[%swap3A_2003, %swap3A_2004], %swap3A_2007 {strides = array<i32>} : memref<25x128xi32, #tpu.memory_space<vmem>>, vector<1x16xi32>,
      %get3A_2008 = arith.index_cast %scan3A_1995 : i32 to index
      %get3A_2009 = arith.constant 16 : index
      %get3A_2010 = tpu.vector_load %arg8[%get3A_2008, %get3A_2009] {strides = array<i32>} : memref<25x128xi32, #tpu.memory_space<vmem>>, vector<1x16xi32>,
      %get3A_2011 = vector.shape_cast %get3A_2010 : vector<1x16xi32> to vector<16xi32>
      %mul3A_2012 = arith.constant 16 : i32
      %mul3A_2013 = vector.broadcast %mul3A_2012 : i32 to vector<16xi32>
      %mul3A_2014 = arith.muli %get3A_2011, %mul3A_2013 : vector<16xi32>
      %add3A_2015 = arith.addi %mul3A_2014, %iota3A : vector<16xi32>
      %swap3A_2016 = arith.index_cast %scan3A_1995 : i32 to index
      %swap3A_2017 = arith.constant 16 : index
      %swap3A_2018 = tpu.vector_load %arg9[%swap3A_2016, %swap3A_2017] {strides = array<i32>} : memref<25x128xi32, #tpu.memory_space<vmem>>, vector<1x16xi32>,
      %swap3A_2019 = vector.shape_cast %swap3A_2018 : vector<1x16xi32> to vector<16xi32>
      %swap3A_2020 = vector.shape_cast %add3A_2015 : vector<16xi32> to vector<1x16xi32>
      tpu.vector_store %arg9[%swap3A_2016, %swap3A_2017], %swap3A_2020 {strides = array<i32>} : memref<25x128xi32, #tpu.memory_space<vmem>>, vector<1x16xi32>,
      %get3A_2021 = arith.index_cast %scan3A_1995 : i32 to index
      %get3A_2022 = arith.constant 32 : index
      %get3A_2023 = tpu.vector_load %arg8[%get3A_2021, %get3A_2022] {strides = array<i32>} : memref<25x128xi32, #tpu.memory_space<vmem>>, vector<1x16xi32>,
      %get3A_2024 = vector.shape_cast %get3A_2023 : vector<1x16xi32> to vector<16xi32>
      %mul3A_2025 = arith.constant 16 : i32
      %mul3A_2026 = vector.broadcast %mul3A_2025 : i32 to vector<16xi32>
      %mul3A_2027 = arith.muli %get3A_2024, %mul3A_2026 : vector<16xi32>
      %add3A_2028 = arith.addi %mul3A_2027, %iota3A : vector<16xi32>
      %swap3A_2029 = arith.index_cast %scan3A_1995 : i32 to index
      %swap3A_2030 = arith.constant 32 : index
      %swap3A_2031 = tpu.vector_load %arg9[%swap3A_2029, %swap3A_2030] {strides = array<i32>} : memref<25x128xi32, #tpu.memory_space<vmem>>, vector<1x16xi32>,
      %swap3A_2032 = vector.shape_cast %swap3A_2031 : vector<1x16xi32> to vector<16xi32>
      %swap3A_2033 = vector.shape_cast %add3A_2028 : vector<16xi32> to vector<1x16xi32>
      tpu.vector_store %arg9[%swap3A_2029, %swap3A_2030], %swap3A_2033 {strides = array<i32>} : memref<25x128xi32, #tpu.memory_space<vmem>>, vector<1x16xi32>,
      %get3A_2034 = arith.index_cast %scan3A_1995 : i32 to index
      %get3A_2035 = arith.constant 48 : index
      %get3A_2036 = tpu.vector_load %arg8[%get3A_2034, %get3A_2035] {strides = array<i32>} : memref<25x128xi32, #tpu.memory_space<vmem>>, vector<1x16xi32>,
      %get3A_2037 = vector.shape_cast %get3A_2036 : vector<1x16xi32> to vector<16xi32>
      %mul3A_2038 = arith.constant 16 : i32
      %mul3A_2039 = vector.broadcast %mul3A_2038 : i32 to vector<16xi32>
      %mul3A_2040 = arith.muli %get3A_2037, %mul3A_2039 : vector<16xi32>
      %add3A_2041 = arith.addi %mul3A_2040, %iota3A : vector<16xi32>
      %swap3A_2042 = arith.index_cast %scan3A_1995 : i32 to index
      %swap3A_2043 = arith.constant 48 : index
      %swap3A_2044 = tpu.vector_load %arg9[%swap3A_2042, %swap3A_2043] {strides = array<i32>} : memref<25x128xi32, #tpu.memory_space<vmem>>, vector<1x16xi32>,
      %swap3A_2045 = vector.shape_cast %swap3A_2044 : vector<1x16xi32> to vector<16xi32>
      %swap3A_2046 = vector.shape_cast %add3A_2041 : vector<16xi32> to vector<1x16xi32>
      tpu.vector_store %arg9[%swap3A_2042, %swap3A_2043], %swap3A_2046 {strides = array<i32>} : memref<25x128xi32, #tpu.memory_space<vmem>>, vector<1x16xi32>,
      %get3A_2047 = arith.index_cast %scan3A_1995 : i32 to index
      %get3A_2048 = arith.constant 64 : index
      %get3A_2049 = tpu.vector_load %arg8[%get3A_2047, %get3A_2048] {strides = array<i32>} : memref<25x128xi32, #tpu.memory_space<vmem>>, vector<1x16xi32>,
      %get3A_2050 = vector.shape_cast %get3A_2049 : vector<1x16xi32> to vector<16xi32>
      %mul3A_2051 = arith.constant 16 : i32
      %mul3A_2052 = vector.broadcast %mul3A_2051 : i32 to vector<16xi32>
      %mul3A_2053 = arith.muli %get3A_2050, %mul3A_2052 : vector<16xi32>
      %add3A_2054 = arith.addi %mul3A_2053, %iota3A : vector<16xi32>
      %swap3A_2055 = arith.index_cast %scan3A_1995 : i32 to index
      %swap3A_2056 = arith.constant 64 : index
      %swap3A_2057 = tpu.vector_load %arg9[%swap3A_2055, %swap3A_2056] {strides = array<i32>} : memref<25x128xi32, #tpu.memory_space<vmem>>, vector<1x16xi32>,
      %swap3A_2058 = vector.shape_cast %swap3A_2057 : vector<1x16xi32> to vector<16xi32>
      %swap3A_2059 = vector.shape_cast %add3A_2054 : vector<16xi32> to vector<1x16xi32>
      tpu.vector_store %arg9[%swap3A_2055, %swap3A_2056], %swap3A_2059 {strides = array<i32>} : memref<25x128xi32, #tpu.memory_space<vmem>>, vector<1x16xi32>,
      %get3A_2060 = arith.index_cast %scan3A_1995 : i32 to index
      %get3A_2061 = arith.constant 80 : index
      %get3A_2062 = tpu.vector_load %arg8[%get3A_2060, %get3A_2061] {strides = array<i32>} : memref<25x128xi32, #tpu.memory_space<vmem>>, vector<1x16xi32>,
      %get3A_2063 = vector.shape_cast %get3A_2062 : vector<1x16xi32> to vector<16xi32>
      %mul3A_2064 = arith.constant 16 : i32
      %mul3A_2065 = vector.broadcast %mul3A_2064 : i32 to vector<16xi32>
      %mul3A_2066 = arith.muli %get3A_2063, %mul3A_2065 : vector<16xi32>
      %add3A_2067 = arith.addi %mul3A_2066, %iota3A : vector<16xi32>
      %swap3A_2068 = arith.index_cast %scan3A_1995 : i32 to index
      %swap3A_2069 = arith.constant 80 : index
      %swap3A_2070 = tpu.vector_load %arg9[%swap3A_2068, %swap3A_2069] {strides = array<i32>} : memref<25x128xi32, #tpu.memory_space<vmem>>, vector<1x16xi32>,
      %swap3A_2071 = vector.shape_cast %swap3A_2070 : vector<1x16xi32> to vector<16xi32>
      %swap3A_2072 = vector.shape_cast %add3A_2067 : vector<16xi32> to vector<1x16xi32>
      tpu.vector_store %arg9[%swap3A_2068, %swap3A_2069], %swap3A_2072 {strides = array<i32>} : memref<25x128xi32, #tpu.memory_space<vmem>>, vector<1x16xi32>,
      %get3A_2073 = arith.index_cast %scan3A_1995 : i32 to index
      %get3A_2074 = arith.constant 96 : index
      %get3A_2075 = tpu.vector_load %arg8[%get3A_2073, %get3A_2074] {strides = array<i32>} : memref<25x128xi32, #tpu.memory_space<vmem>>, vector<1x16xi32>,
      %get3A_2076 = vector.shape_cast %get3A_2075 : vector<1x16xi32> to vector<16xi32>
      %mul3A_2077 = arith.constant 16 : i32
      %mul3A_2078 = vector.broadcast %mul3A_2077 : i32 to vector<16xi32>
      %mul3A_2079 = arith.muli %get3A_2076, %mul3A_2078 : vector<16xi32>
      %add3A_2080 = arith.addi %mul3A_2079, %iota3A : vector<16xi32>
      %swap3A_2081 = arith.index_cast %scan3A_1995 : i32 to index
      %swap3A_2082 = arith.constant 96 : index
      %swap3A_2083 = tpu.vector_load %arg9[%swap3A_2081, %swap3A_2082] {strides = array<i32>} : memref<25x128xi32, #tpu.memory_space<vmem>>, vector<1x16xi32>,
      %swap3A_2084 = vector.shape_cast %swap3A_2083 : vector<1x16xi32> to vector<16xi32>
      %swap3A_2085 = vector.shape_cast %add3A_2080 : vector<16xi32> to vector<1x16xi32>
      tpu.vector_store %arg9[%swap3A_2081, %swap3A_2082], %swap3A_2085 {strides = array<i32>} : memref<25x128xi32, #tpu.memory_space<vmem>>, vector<1x16xi32>,
      %get3A_2086 = arith.index_cast %scan3A_1995 : i32 to index
      %get3A_2087 = arith.constant 112 : index
      %get3A_2088 = tpu.vector_load %arg8[%get3A_2086, %get3A_2087] {strides = array<i32>} : memref<25x128xi32, #tpu.memory_space<vmem>>, vector<1x16xi32>,
      %get3A_2089 = vector.shape_cast %get3A_2088 : vector<1x16xi32> to vector<16xi32>
      %mul3A_2090 = arith.constant 16 : i32
      %mul3A_2091 = vector.broadcast %mul3A_2090 : i32 to vector<16xi32>
      %mul3A_2092 = arith.muli %get3A_2089, %mul3A_2091 : vector<16xi32>
      %add3A_2093 = arith.addi %mul3A_2092, %iota3A : vector<16xi32>
      %swap3A_2094 = arith.index_cast %scan3A_1995 : i32 to index
      %swap3A_2095 = arith.constant 112 : index
      %swap3A_2096 = tpu.vector_load %arg9[%swap3A_2094, %swap3A_2095] {strides = array<i32>} : memref<25x128xi32, #tpu.memory_space<vmem>>, vector<1x16xi32>,
      %swap3A_2097 = vector.shape_cast %swap3A_2096 : vector<1x16xi32> to vector<16xi32>
      %swap3A_2098 = vector.shape_cast %add3A_2093 : vector<16xi32> to vector<1x16xi32>
      tpu.vector_store %arg9[%swap3A_2094, %swap3A_2095], %swap3A_2098 {strides = array<i32>} : memref<25x128xi32, #tpu.memory_space<vmem>>, vector<1x16xi32>,
    }
    %scan3A_10 = arith.constant 25 : i32
    %scan3A_11 = arith.constant 0 : i32
    %scan3A_12 = arith.constant 0 : i32
    %scan3A_13 = arith.constant 128 : i32
    %scan3A_14 = arith.addi %scan3A_12, %scan3A_13 : i32
    %scan3A_15 = arith.constant 1 : i32
    scf.for %scan3A_1995 = %scan3A_12 to %scan3A_14 step %scan3A_15  : i32 {
      %swap3A_1996 = arith.index_cast %scan3A_1995 : i32 to index
      %swap3A_1997 = arith.constant 0 : index
      %swap3A_1998 = tpu.vector_load %arg12[%swap3A_1996, %swap3A_1997] {strides = array<i32>} : memref<128x64xf32, #tpu.memory_space<vmem>>, vector<1x16xf32>,
      %swap3A_1999 = vector.shape_cast %swap3A_1998 : vector<1x16xf32> to vector<16xf32>
      %swap3A_2000 = vector.shape_cast %broadcast_in_dim3A_0 : vector<16xf32> to vector<1x16xf32>
      tpu.vector_store %arg12[%swap3A_1996, %swap3A_1997], %swap3A_2000 {strides = array<i32>} : memref<128x64xf32, #tpu.memory_space<vmem>>, vector<1x16xf32>,
      %swap3A_2001 = arith.index_cast %scan3A_1995 : i32 to index
      %swap3A_2002 = arith.constant 16 : index
      %swap3A_2003 = tpu.vector_load %arg12[%swap3A_2001, %swap3A_2002] {strides = array<i32>} : memref<128x64xf32, #tpu.memory_space<vmem>>, vector<1x16xf32>,
      %swap3A_2004 = vector.shape_cast %swap3A_2003 : vector<1x16xf32> to vector<16xf32>
      %swap3A_2005 = vector.shape_cast %broadcast_in_dim3A_0 : vector<16xf32> to vector<1x16xf32>
      tpu.vector_store %arg12[%swap3A_2001, %swap3A_2002], %swap3A_2005 {strides = array<i32>} : memref<128x64xf32, #tpu.memory_space<vmem>>, vector<1x16xf32>,
      %swap3A_2006 = arith.index_cast %scan3A_1995 : i32 to index
      %swap3A_2007 = arith.constant 32 : index
      %swap3A_2008 = tpu.vector_load %arg12[%swap3A_2006, %swap3A_2007] {strides = array<i32>} : memref<128x64xf32, #tpu.memory_space<vmem>>, vector<1x16xf32>,
      %swap3A_2009 = vector.shape_cast %swap3A_2008 : vector<1x16xf32> to vector<16xf32>
      %swap3A_2010 = vector.shape_cast %broadcast_in_dim3A_0 : vector<16xf32> to vector<1x16xf32>
      tpu.vector_store %arg12[%swap3A_2006, %swap3A_2007], %swap3A_2010 {strides = array<i32>} : memref<128x64xf32, #tpu.memory_space<vmem>>, vector<1x16xf32>,
      %swap3A_2011 = arith.index_cast %scan3A_1995 : i32 to index
      %swap3A_2012 = arith.constant 48 : index
      %swap3A_2013 = tpu.vector_load %arg12[%swap3A_2011, %swap3A_2012] {strides = array<i32>} : memref<128x64xf32, #tpu.memory_space<vmem>>, vector<1x16xf32>,
      %swap3A_2014 = vector.shape_cast %swap3A_2013 : vector<1x16xf32> to vector<16xf32>
      %swap3A_2015 = vector.shape_cast %broadcast_in_dim3A_0 : vector<16xf32> to vector<1x16xf32>
      tpu.vector_store %arg12[%swap3A_2011, %swap3A_2012], %swap3A_2015 {strides = array<i32>} : memref<128x64xf32, #tpu.memory_space<vmem>>, vector<1x16xf32>,
    }
    %scan3A_16 = arith.constant 128 : i32
    %swap3A = arith.constant 0 : i32
    %swap3A_17 = arith.index_cast %swap3A : i32 to index
    %swap3A_18 = arith.constant 0 : index
    %swap3A_19 = tpu.vector_load %arg14[%swap3A_17, %swap3A_18] {strides = array<i32>} : memref<64x16xf32, #tpu.memory_space<vmem>>, vector<1x16xf32>,
    %swap3A_20 = vector.shape_cast %swap3A_19 : vector<1x16xf32> to vector<16xf32>
    %swap3A_21 = vector.shape_cast %broadcast_in_dim3A_0 : vector<16xf32> to vector<1x16xf32>
    tpu.vector_store %arg14[%swap3A_17, %swap3A_18], %swap3A_21 {strides = array<i32>} : memref<64x16xf32, #tpu.memory_space<vmem>>, vector<1x16xf32>,
    %swap3A_22 = arith.constant 1 : i32
    %swap3A_23 = arith.index_cast %swap3A_22 : i32 to index
    %swap3A_24 = arith.constant 0 : index
    %swap3A_25 = tpu.vector_load %arg14[%swap3A_23, %swap3A_24] {strides = array<i32>} : memref<64x16xf32, #tpu.memory_space<vmem>>, vector<1x16xf32>,
    %swap3A_26 = vector.shape_cast %swap3A_25 : vector<1x16xf32> to vector<16xf32>
    %swap3A_27 = vector.shape_cast %broadcast_in_dim3A_0 : vector<16xf32> to vector<1x16xf32>
    tpu.vector_store %arg14[%swap3A_23, %swap3A_24], %swap3A_27 {strides = array<i32>} : memref<64x16xf32, #tpu.memory_space<vmem>>, vector<1x16xf32>,
    %swap3A_28 = arith.constant 2 : i32
    %swap3A_29 = arith.index_cast %swap3A_28 : i32 to index
    %swap3A_30 = arith.constant 0 : index
    %swap3A_31 = tpu.vector_load %arg14[%swap3A_29, %swap3A_30] {strides = array<i32>} : memref<64x16xf32, #tpu.memory_space<vmem>>, vector<1x16xf32>,
    %swap3A_32 = vector.shape_cast %swap3A_31 : vector<1x16xf32> to vector<16xf32>
    %swap3A_33 = vector.shape_cast %broadcast_in_dim3A_0 : vector<16xf32> to vector<1x16xf32>
    tpu.vector_store %arg14[%swap3A_29, %swap3A_30], %swap3A_33 {strides = array<i32>} : memref<64x16xf32, #tpu.memory_space<vmem>>, vector<1x16xf32>,
    %swap3A_34 = arith.constant 3 : i32
    %swap3A_35 = arith.index_cast %swap3A_34 : i32 to index
    %swap3A_36 = arith.constant 0 : index
    %swap3A_37 = tpu.vector_load %arg14[%swap3A_35, %swap3A_36] {strides = array<i32>} : memref<64x16xf32, #tpu.memory_space<vmem>>, vector<1x16xf32>,
    %swap3A_38 = vector.shape_cast %swap3A_37 : vector<1x16xf32> to vector<16xf32>
    %swap3A_39 = vector.shape_cast %broadcast_in_dim3A_0 : vector<16xf32> to vector<1x16xf32>
    tpu.vector_store %arg14[%swap3A_35, %swap3A_36], %swap3A_39 {strides = array<i32>} : memref<64x16xf32, #tpu.memory_space<vmem>>, vector<1x16xf32>,
    %swap3A_40 = arith.constant 4 : i32
    %swap3A_41 = arith.index_cast %swap3A_40 : i32 to index
    %swap3A_42 = arith.constant 0 : index
    %swap3A_43 = tpu.vector_load %arg14[%swap3A_41, %swap3A_42] {strides = array<i32>} : memref<64x16xf32, #tpu.memory_space<vmem>>, vector<1x16xf32>,
    %swap3A_44 = vector.shape_cast %swap3A_43 : vector<1x16xf32> to vector<16xf32>
    %swap3A_45 = vector.shape_cast %broadcast_in_dim3A_0 : vector<16xf32> to vector<1x16xf32>
    tpu.vector_store %arg14[%swap3A_41, %swap3A_42], %swap3A_45 {strides = array<i32>} : memref<64x16xf32, #tpu.memory_space<vmem>>, vector<1x16xf32>,
    %swap3A_46 = arith.constant 5 : i32
    %swap3A_47 = arith.index_cast %swap3A_46 : i32 to index
    %swap3A_48 = arith.constant 0 : index
    %swap3A_49 = tpu.vector_load %arg14[%swap3A_47, %swap3A_48] {strides = array<i32>} : memref<64x16xf32, #tpu.memory_space<vmem>>, vector<1x16xf32>,
    %swap3A_50 = vector.shape_cast %swap3A_49 : vector<1x16xf32> to vector<16xf32>
    %swap3A_51 = vector.shape_cast %broadcast_in_dim3A_0 : vector<16xf32> to vector<1x16xf32>
    tpu.vector_store %arg14[%swap3A_47, %swap3A_48], %swap3A_51 {strides = array<i32>} : memref<64x16xf32, #tpu.memory_space<vmem>>, vector<1x16xf32>,
    %swap3A_52 = arith.constant 6 : i32
    %swap3A_53 = arith.index_cast %swap3A_52 : i32 to index
    %swap3A_54 = arith.constant 0 : index
    %swap3A_55 = tpu.vector_load %arg14[%swap3A_53, %swap3A_54] {strides = array<i32>} : memref<64x16xf32, #tpu.memory_space<vmem>>, vector<1x16xf32>,
    %swap3A_56 = vector.shape_cast %swap3A_55 : vector<1x16xf32> to vector<16xf32>
    %swap3A_57 = vector.shape_cast %broadcast_in_dim3A_0 : vector<16xf32> to vector<1x16xf32>
    tpu.vector_store %arg14[%swap3A_53, %swap3A_54], %swap3A_57 {strides = array<i32>} : memref<64x16xf32, #tpu.memory_space<vmem>>, vector<1x16xf32>,
    %swap3A_58 = arith.constant 7 : i32
    %swap3A_59 = arith.index_cast %swap3A_58 : i32 to index
    %swap3A_60 = arith.constant 0 : index
    %swap3A_61 = tpu.vector_load %arg14[%swap3A_59, %swap3A_60] {strides = array<i32>} : memref<64x16xf32, #tpu.memory_space<vmem>>, vector<1x16xf32>,
    %swap3A_62 = vector.shape_cast %swap3A_61 : vector<1x16xf32> to vector<16xf32>
    %swap3A_63 = vector.shape_cast %broadcast_in_dim3A_0 : vector<16xf32> to vector<1x16xf32>
    tpu.vector_store %arg14[%swap3A_59, %swap3A_60], %swap3A_63 {strides = array<i32>} : memref<64x16xf32, #tpu.memory_space<vmem>>, vector<1x16xf32>,
    %swap3A_64 = arith.constant 8 : i32
    %swap3A_65 = arith.index_cast %swap3A_64 : i32 to index
    %swap3A_66 = arith.constant 0 : index
    %swap3A_67 = tpu.vector_load %arg14[%swap3A_65, %swap3A_66] {strides = array<i32>} : memref<64x16xf32, #tpu.memory_space<vmem>>, vector<1x16xf32>,
    %swap3A_68 = vector.shape_cast %swap3A_67 : vector<1x16xf32> to vector<16xf32>
    %swap3A_69 = vector.shape_cast %broadcast_in_dim3A_0 : vector<16xf32> to vector<1x16xf32>
    tpu.vector_store %arg14[%swap3A_65, %swap3A_66], %swap3A_69 {strides = array<i32>} : memref<64x16xf32, #tpu.memory_space<vmem>>, vector<1x16xf32>,
    %swap3A_70 = arith.constant 9 : i32
    %swap3A_71 = arith.index_cast %swap3A_70 : i32 to index
    %swap3A_72 = arith.constant 0 : index
    %swap3A_73 = tpu.vector_load %arg14[%swap3A_71, %swap3A_72] {strides = array<i32>} : memref<64x16xf32, #tpu.memory_space<vmem>>, vector<1x16xf32>,
    %swap3A_74 = vector.shape_cast %swap3A_73 : vector<1x16xf32> to vector<16xf32>
    %swap3A_75 = vector.shape_cast %broadcast_in_dim3A_0 : vector<16xf32> to vector<1x16xf32>
    tpu.vector_store %arg14[%swap3A_71, %swap3A_72], %swap3A_75 {strides = array<i32>} : memref<64x16xf32, #tpu.memory_space<vmem>>, vector<1x16xf32>,
    %swap3A_76 = arith.constant 10 : i32
    %swap3A_77 = arith.index_cast %swap3A_76 : i32 to index
    %swap3A_78 = arith.constant 0 : index
    %swap3A_79 = tpu.vector_load %arg14[%swap3A_77, %swap3A_78] {strides = array<i32>} : memref<64x16xf32, #tpu.memory_space<vmem>>, vector<1x16xf32>,
    %swap3A_80 = vector.shape_cast %swap3A_79 : vector<1x16xf32> to vector<16xf32>
    %swap3A_81 = vector.shape_cast %broadcast_in_dim3A_0 : vector<16xf32> to vector<1x16xf32>
    tpu.vector_store %arg14[%swap3A_77, %swap3A_78], %swap3A_81 {strides = array<i32>} : memref<64x16xf32, #tpu.memory_space<vmem>>, vector<1x16xf32>,
    %swap3A_82 = arith.constant 11 : i32
    %swap3A_83 = arith.index_cast %swap3A_82 : i32 to index
    %swap3A_84 = arith.constant 0 : index
    %swap3A_85 = tpu.vector_load %arg14[%swap3A_83, %swap3A_84] {strides = array<i32>} : memref<64x16xf32, #tpu.memory_space<vmem>>, vector<1x16xf32>,
    %swap3A_86 = vector.shape_cast %swap3A_85 : vector<1x16xf32> to vector<16xf32>
    %swap3A_87 = vector.shape_cast %broadcast_in_dim3A_0 : vector<16xf32> to vector<1x16xf32>
    tpu.vector_store %arg14[%swap3A_83, %swap3A_84], %swap3A_87 {strides = array<i32>} : memref<64x16xf32, #tpu.memory_space<vmem>>, vector<1x16xf32>,
    %swap3A_88 = arith.constant 12 : i32
    %swap3A_89 = arith.index_cast %swap3A_88 : i32 to index
    %swap3A_90 = arith.constant 0 : index
    %swap3A_91 = tpu.vector_load %arg14[%swap3A_89, %swap3A_90] {strides = array<i32>} : memref<64x16xf32, #tpu.memory_space<vmem>>, vector<1x16xf32>,
    %swap3A_92 = vector.shape_cast %swap3A_91 : vector<1x16xf32> to vector<16xf32>
    %swap3A_93 = vector.shape_cast %broadcast_in_dim3A_0 : vector<16xf32> to vector<1x16xf32>
    tpu.vector_store %arg14[%swap3A_89, %swap3A_90], %swap3A_93 {strides = array<i32>} : memref<64x16xf32, #tpu.memory_space<vmem>>, vector<1x16xf32>,
    %swap3A_94 = arith.constant 13 : i32
    %swap3A_95 = arith.index_cast %swap3A_94 : i32 to index
    %swap3A_96 = arith.constant 0 : index
    %swap3A_97 = tpu.vector_load %arg14[%swap3A_95, %swap3A_96] {strides = array<i32>} : memref<64x16xf32, #tpu.memory_space<vmem>>, vector<1x16xf32>,
    %swap3A_98 = vector.shape_cast %swap3A_97 : vector<1x16xf32> to vector<16xf32>
    %swap3A_99 = vector.shape_cast %broadcast_in_dim3A_0 : vector<16xf32> to vector<1x16xf32>
    tpu.vector_store %arg14[%swap3A_95, %swap3A_96], %swap3A_99 {strides = array<i32>} : memref<64x16xf32, #tpu.memory_space<vmem>>, vector<1x16xf32>,
    %swap3A_100 = arith.constant 14 : i32
    %swap3A_101 = arith.index_cast %swap3A_100 : i32 to index
    %swap3A_102 = arith.constant 0 : index
    %swap3A_103 = tpu.vector_load %arg14[%swap3A_101, %swap3A_102] {strides = array<i32>} : memref<64x16xf32, #tpu.memory_space<vmem>>, vector<1x16xf32>,
    %swap3A_104 = vector.shape_cast %swap3A_103 : vector<1x16xf32> to vector<16xf32>
    %swap3A_105 = vector.shape_cast %broadcast_in_dim3A_0 : vector<16xf32> to vector<1x16xf32>
    tpu.vector_store %arg14[%swap3A_101, %swap3A_102], %swap3A_105 {strides = array<i32>} : memref<64x16xf32, #tpu.memory_space<vmem>>, vector<1x16xf32>,
    %swap3A_106 = arith.constant 15 : i32
    %swap3A_107 = arith.index_cast %swap3A_106 : i32 to index
    %swap3A_108 = arith.constant 0 : index
    %swap3A_109 = tpu.vector_load %arg14[%swap3A_107, %swap3A_108] {strides = array<i32>} : memref<64x16xf32, #tpu.memory_space<vmem>>, vector<1x16xf32>,
    %swap3A_110 = vector.shape_cast %swap3A_109 : vector<1x16xf32> to vector<16xf32>
    %swap3A_111 = vector.shape_cast %broadcast_in_dim3A_0 : vector<16xf32> to vector<1x16xf32>
    tpu.vector_store %arg14[%swap3A_107, %swap3A_108], %swap3A_111 {strides = array<i32>} : memref<64x16xf32, #tpu.memory_space<vmem>>, vector<1x16xf32>,
    %swap3A_112 = arith.constant 16 : i32
    %swap3A_113 = arith.index_cast %swap3A_112 : i32 to index
    %swap3A_114 = arith.constant 0 : index
    %swap3A_115 = tpu.vector_load %arg14[%swap3A_113, %swap3A_114] {strides = array<i32>} : memref<64x16xf32, #tpu.memory_space<vmem>>, vector<1x16xf32>,
    %swap3A_116 = vector.shape_cast %swap3A_115 : vector<1x16xf32> to vector<16xf32>
    %swap3A_117 = vector.shape_cast %broadcast_in_dim3A_0 : vector<16xf32> to vector<1x16xf32>
    tpu.vector_store %arg14[%swap3A_113, %swap3A_114], %swap3A_117 {strides = array<i32>} : memref<64x16xf32, #tpu.memory_space<vmem>>, vector<1x16xf32>,
    %swap3A_118 = arith.constant 17 : i32
    %swap3A_119 = arith.index_cast %swap3A_118 : i32 to index
    %swap3A_120 = arith.constant 0 : index
    %swap3A_121 = tpu.vector_load %arg14[%swap3A_119, %swap3A_120] {strides = array<i32>} : memref<64x16xf32, #tpu.memory_space<vmem>>, vector<1x16xf32>,
    %swap3A_122 = vector.shape_cast %swap3A_121 : vector<1x16xf32> to vector<16xf32>
    %swap3A_123 = vector.shape_cast %broadcast_in_dim3A_0 : vector<16xf32> to vector<1x16xf32>
    tpu.vector_store %arg14[%swap3A_119, %swap3A_120], %swap3A_123 {strides = array<i32>} : memref<64x16xf32, #tpu.memory_space<vmem>>, vector<1x16xf32>,
    %swap3A_124 = arith.constant 18 : i32
    %swap3A_125 = arith.index_cast %swap3A_124 : i32 to index
    %swap3A_126 = arith.constant 0 : index
    %swap3A_127 = tpu.vector_load %arg14[%swap3A_125, %swap3A_126] {strides = array<i32>} : memref<64x16xf32, #tpu.memory_space<vmem>>, vector<1x16xf32>,
    %swap3A_128 = vector.shape_cast %swap3A_127 : vector<1x16xf32> to vector<16xf32>
    %swap3A_129 = vector.shape_cast %broadcast_in_dim3A_0 : vector<16xf32> to vector<1x16xf32>
    tpu.vector_store %arg14[%swap3A_125, %swap3A_126], %swap3A_129 {strides = array<i32>} : memref<64x16xf32, #tpu.memory_space<vmem>>, vector<1x16xf32>,
    %swap3A_130 = arith.constant 19 : i32
    %swap3A_131 = arith.index_cast %swap3A_130 : i32 to index
    %swap3A_132 = arith.constant 0 : index
    %swap3A_133 = tpu.vector_load %arg14[%swap3A_131, %swap3A_132] {strides = array<i32>} : memref<64x16xf32, #tpu.memory_space<vmem>>, vector<1x16xf32>,
    %swap3A_134 = vector.shape_cast %swap3A_133 : vector<1x16xf32> to vector<16xf32>
    %swap3A_135 = vector.shape_cast %broadcast_in_dim3A_0 : vector<16xf32> to vector<1x16xf32>
    tpu.vector_store %arg14[%swap3A_131, %swap3A_132], %swap3A_135 {strides = array<i32>} : memref<64x16xf32, #tpu.memory_space<vmem>>, vector<1x16xf32>,
    %swap3A_136 = arith.constant 20 : i32
    %swap3A_137 = arith.index_cast %swap3A_136 : i32 to index
    %swap3A_138 = arith.constant 0 : index
    %swap3A_139 = tpu.vector_load %arg14[%swap3A_137, %swap3A_138] {strides = array<i32>} : memref<64x16xf32, #tpu.memory_space<vmem>>, vector<1x16xf32>,
    %swap3A_140 = vector.shape_cast %swap3A_139 : vector<1x16xf32> to vector<16xf32>
    %swap3A_141 = vector.shape_cast %broadcast_in_dim3A_0 : vector<16xf32> to vector<1x16xf32>
    tpu.vector_store %arg14[%swap3A_137, %swap3A_138], %swap3A_141 {strides = array<i32>} : memref<64x16xf32, #tpu.memory_space<vmem>>, vector<1x16xf32>,
    %swap3A_142 = arith.constant 21 : i32
    %swap3A_143 = arith.index_cast %swap3A_142 : i32 to index
    %swap3A_144 = arith.constant 0 : index
    %swap3A_145 = tpu.vector_load %arg14[%swap3A_143, %swap3A_144] {strides = array<i32>} : memref<64x16xf32, #tpu.memory_space<vmem>>, vector<1x16xf32>,
    %swap3A_146 = vector.shape_cast %swap3A_145 : vector<1x16xf32> to vector<16xf32>
    %swap3A_147 = vector.shape_cast %broadcast_in_dim3A_0 : vector<16xf32> to vector<1x16xf32>
    tpu.vector_store %arg14[%swap3A_143, %swap3A_144], %swap3A_147 {strides = array<i32>} : memref<64x16xf32, #tpu.memory_space<vmem>>, vector<1x16xf32>,
    %swap3A_148 = arith.constant 22 : i32
    %swap3A_149 = arith.index_cast %swap3A_148 : i32 to index
    %swap3A_150 = arith.constant 0 : index
    %swap3A_151 = tpu.vector_load %arg14[%swap3A_149, %swap3A_150] {strides = array<i32>} : memref<64x16xf32, #tpu.memory_space<vmem>>, vector<1x16xf32>,
    %swap3A_152 = vector.shape_cast %swap3A_151 : vector<1x16xf32> to vector<16xf32>
    %swap3A_153 = vector.shape_cast %broadcast_in_dim3A_0 : vector<16xf32> to vector<1x16xf32>
    tpu.vector_store %arg14[%swap3A_149, %swap3A_150], %swap3A_153 {strides = array<i32>} : memref<64x16xf32, #tpu.memory_space<vmem>>, vector<1x16xf32>,
    %swap3A_154 = arith.constant 23 : i32
    %swap3A_155 = arith.index_cast %swap3A_154 : i32 to index
    %swap3A_156 = arith.constant 0 : index
    %swap3A_157 = tpu.vector_load %arg14[%swap3A_155, %swap3A_156] {strides = array<i32>} : memref<64x16xf32, #tpu.memory_space<vmem>>, vector<1x16xf32>,
    %swap3A_158 = vector.shape_cast %swap3A_157 : vector<1x16xf32> to vector<16xf32>
    %swap3A_159 = vector.shape_cast %broadcast_in_dim3A_0 : vector<16xf32> to vector<1x16xf32>
    tpu.vector_store %arg14[%swap3A_155, %swap3A_156], %swap3A_159 {strides = array<i32>} : memref<64x16xf32, #tpu.memory_space<vmem>>, vector<1x16xf32>,
    %swap3A_160 = arith.constant 24 : i32
    %swap3A_161 = arith.index_cast %swap3A_160 : i32 to index
    %swap3A_162 = arith.constant 0 : index
    %swap3A_163 = tpu.vector_load %arg14[%swap3A_161, %swap3A_162] {strides = array<i32>} : memref<64x16xf32, #tpu.memory_space<vmem>>, vector<1x16xf32>,
    %swap3A_164 = vector.shape_cast %swap3A_163 : vector<1x16xf32> to vector<16xf32>
    %swap3A_165 = vector.shape_cast %broadcast_in_dim3A_0 : vector<16xf32> to vector<1x16xf32>
    tpu.vector_store %arg14[%swap3A_161, %swap3A_162], %swap3A_165 {strides = array<i32>} : memref<64x16xf32, #tpu.memory_space<vmem>>, vector<1x16xf32>,
    %swap3A_166 = arith.constant 25 : i32
    %swap3A_167 = arith.index_cast %swap3A_166 : i32 to index
    %swap3A_168 = arith.constant 0 : index
    %swap3A_169 = tpu.vector_load %arg14[%swap3A_167, %swap3A_168] {strides = array<i32>} : memref<64x16xf32, #tpu.memory_space<vmem>>, vector<1x16xf32>,
    %swap3A_170 = vector.shape_cast %swap3A_169 : vector<1x16xf32> to vector<16xf32>
    %swap3A_171 = vector.shape_cast %broadcast_in_dim3A_0 : vector<16xf32> to vector<1x16xf32>
    tpu.vector_store %arg14[%swap3A_167, %swap3A_168], %swap3A_171 {strides = array<i32>} : memref<64x16xf32, #tpu.memory_space<vmem>>, vector<1x16xf32>,
    %swap3A_172 = arith.constant 26 : i32
    %swap3A_173 = arith.index_cast %swap3A_172 : i32 to index
    %swap3A_174 = arith.constant 0 : index
    %swap3A_175 = tpu.vector_load %arg14[%swap3A_173, %swap3A_174] {strides = array<i32>} : memref<64x16xf32, #tpu.memory_space<vmem>>, vector<1x16xf32>,
    %swap3A_176 = vector.shape_cast %swap3A_175 : vector<1x16xf32> to vector<16xf32>
    %swap3A_177 = vector.shape_cast %broadcast_in_dim3A_0 : vector<16xf32> to vector<1x16xf32>
    tpu.vector_store %arg14[%swap3A_173, %swap3A_174], %swap3A_177 {strides = array<i32>} : memref<64x16xf32, #tpu.memory_space<vmem>>, vector<1x16xf32>,
    %swap3A_178 = arith.constant 27 : i32
    %swap3A_179 = arith.index_cast %swap3A_178 : i32 to index
    %swap3A_180 = arith.constant 0 : index
    %swap3A_181 = tpu.vector_load %arg14[%swap3A_179, %swap3A_180] {strides = array<i32>} : memref<64x16xf32, #tpu.memory_space<vmem>>, vector<1x16xf32>,
    %swap3A_182 = vector.shape_cast %swap3A_181 : vector<1x16xf32> to vector<16xf32>
    %swap3A_183 = vector.shape_cast %broadcast_in_dim3A_0 : vector<16xf32> to vector<1x16xf32>
    tpu.vector_store %arg14[%swap3A_179, %swap3A_180], %swap3A_183 {strides = array<i32>} : memref<64x16xf32, #tpu.memory_space<vmem>>, vector<1x16xf32>,
    %swap3A_184 = arith.constant 28 : i32
    %swap3A_185 = arith.index_cast %swap3A_184 : i32 to index
    %swap3A_186 = arith.constant 0 : index
    %swap3A_187 = tpu.vector_load %arg14[%swap3A_185, %swap3A_186] {strides = array<i32>} : memref<64x16xf32, #tpu.memory_space<vmem>>, vector<1x16xf32>,
    %swap3A_188 = vector.shape_cast %swap3A_187 : vector<1x16xf32> to vector<16xf32>
    %swap3A_189 = vector.shape_cast %broadcast_in_dim3A_0 : vector<16xf32> to vector<1x16xf32>
    tpu.vector_store %arg14[%swap3A_185, %swap3A_186], %swap3A_189 {strides = array<i32>} : memref<64x16xf32, #tpu.memory_space<vmem>>, vector<1x16xf32>,
    %swap3A_190 = arith.constant 29 : i32
    %swap3A_191 = arith.index_cast %swap3A_190 : i32 to index
    %swap3A_192 = arith.constant 0 : index
    %swap3A_193 = tpu.vector_load %arg14[%swap3A_191, %swap3A_192] {strides = array<i32>} : memref<64x16xf32, #tpu.memory_space<vmem>>, vector<1x16xf32>,
    %swap3A_194 = vector.shape_cast %swap3A_193 : vector<1x16xf32> to vector<16xf32>
    %swap3A_195 = vector.shape_cast %broadcast_in_dim3A_0 : vector<16xf32> to vector<1x16xf32>
    tpu.vector_store %arg14[%swap3A_191, %swap3A_192], %swap3A_195 {strides = array<i32>} : memref<64x16xf32, #tpu.memory_space<vmem>>, vector<1x16xf32>,
    %swap3A_196 = arith.constant 30 : i32
    %swap3A_197 = arith.index_cast %swap3A_196 : i32 to index
    %swap3A_198 = arith.constant 0 : index
    %swap3A_199 = tpu.vector_load %arg14[%swap3A_197, %swap3A_198] {strides = array<i32>} : memref<64x16xf32, #tpu.memory_space<vmem>>, vector<1x16xf32>,
    %swap3A_200 = vector.shape_cast %swap3A_199 : vector<1x16xf32> to vector<16xf32>
    %swap3A_201 = vector.shape_cast %broadcast_in_dim3A_0 : vector<16xf32> to vector<1x16xf32>
    tpu.vector_store %arg14[%swap3A_197, %swap3A_198], %swap3A_201 {strides = array<i32>} : memref<64x16xf32, #tpu.memory_space<vmem>>, vector<1x16xf32>,
    %swap3A_202 = arith.constant 31 : i32
    %swap3A_203 = arith.index_cast %swap3A_202 : i32 to index
    %swap3A_204 = arith.constant 0 : index
    %swap3A_205 = tpu.vector_load %arg14[%swap3A_203, %swap3A_204] {strides = array<i32>} : memref<64x16xf32, #tpu.memory_space<vmem>>, vector<1x16xf32>,
    %swap3A_206 = vector.shape_cast %swap3A_205 : vector<1x16xf32> to vector<16xf32>
    %swap3A_207 = vector.shape_cast %broadcast_in_dim3A_0 : vector<16xf32> to vector<1x16xf32>
    tpu.vector_store %arg14[%swap3A_203, %swap3A_204], %swap3A_207 {strides = array<i32>} : memref<64x16xf32, #tpu.memory_space<vmem>>, vector<1x16xf32>,
    %swap3A_208 = arith.constant 32 : i32
    %swap3A_209 = arith.index_cast %swap3A_208 : i32 to index
    %swap3A_210 = arith.constant 0 : index
    %swap3A_211 = tpu.vector_load %arg14[%swap3A_209, %swap3A_210] {strides = array<i32>} : memref<64x16xf32, #tpu.memory_space<vmem>>, vector<1x16xf32>,
    %swap3A_212 = vector.shape_cast %swap3A_211 : vector<1x16xf32> to vector<16xf32>
    %swap3A_213 = vector.shape_cast %broadcast_in_dim3A_0 : vector<16xf32> to vector<1x16xf32>
    tpu.vector_store %arg14[%swap3A_209, %swap3A_210], %swap3A_213 {strides = array<i32>} : memref<64x16xf32, #tpu.memory_space<vmem>>, vector<1x16xf32>,
    %swap3A_214 = arith.constant 33 : i32
    %swap3A_215 = arith.index_cast %swap3A_214 : i32 to index
    %swap3A_216 = arith.constant 0 : index
    %swap3A_217 = tpu.vector_load %arg14[%swap3A_215, %swap3A_216] {strides = array<i32>} : memref<64x16xf32, #tpu.memory_space<vmem>>, vector<1x16xf32>,
    %swap3A_218 = vector.shape_cast %swap3A_217 : vector<1x16xf32> to vector<16xf32>
    %swap3A_219 = vector.shape_cast %broadcast_in_dim3A_0 : vector<16xf32> to vector<1x16xf32>
    tpu.vector_store %arg14[%swap3A_215, %swap3A_216], %swap3A_219 {strides = array<i32>} : memref<64x16xf32, #tpu.memory_space<vmem>>, vector<1x16xf32>,
    %swap3A_220 = arith.constant 34 : i32
    %swap3A_221 = arith.index_cast %swap3A_220 : i32 to index
    %swap3A_222 = arith.constant 0 : index
    %swap3A_223 = tpu.vector_load %arg14[%swap3A_221, %swap3A_222] {strides = array<i32>} : memref<64x16xf32, #tpu.memory_space<vmem>>, vector<1x16xf32>,
    %swap3A_224 = vector.shape_cast %swap3A_223 : vector<1x16xf32> to vector<16xf32>
    %swap3A_225 = vector.shape_cast %broadcast_in_dim3A_0 : vector<16xf32> to vector<1x16xf32>
    tpu.vector_store %arg14[%swap3A_221, %swap3A_222], %swap3A_225 {strides = array<i32>} : memref<64x16xf32, #tpu.memory_space<vmem>>, vector<1x16xf32>,
    %swap3A_226 = arith.constant 35 : i32
    %swap3A_227 = arith.index_cast %swap3A_226 : i32 to index
    %swap3A_228 = arith.constant 0 : index
    %swap3A_229 = tpu.vector_load %arg14[%swap3A_227, %swap3A_228] {strides = array<i32>} : memref<64x16xf32, #tpu.memory_space<vmem>>, vector<1x16xf32>,
    %swap3A_230 = vector.shape_cast %swap3A_229 : vector<1x16xf32> to vector<16xf32>
    %swap3A_231 = vector.shape_cast %broadcast_in_dim3A_0 : vector<16xf32> to vector<1x16xf32>
    tpu.vector_store %arg14[%swap3A_227, %swap3A_228], %swap3A_231 {strides = array<i32>} : memref<64x16xf32, #tpu.memory_space<vmem>>, vector<1x16xf32>,
    %swap3A_232 = arith.constant 36 : i32
    %swap3A_233 = arith.index_cast %swap3A_232 : i32 to index
    %swap3A_234 = arith.constant 0 : index
    %swap3A_235 = tpu.vector_load %arg14[%swap3A_233, %swap3A_234] {strides = array<i32>} : memref<64x16xf32, #tpu.memory_space<vmem>>, vector<1x16xf32>,
    %swap3A_236 = vector.shape_cast %swap3A_235 : vector<1x16xf32> to vector<16xf32>
    %swap3A_237 = vector.shape_cast %broadcast_in_dim3A_0 : vector<16xf32> to vector<1x16xf32>
    tpu.vector_store %arg14[%swap3A_233, %swap3A_234], %swap3A_237 {strides = array<i32>} : memref<64x16xf32, #tpu.memory_space<vmem>>, vector<1x16xf32>,
    %swap3A_238 = arith.constant 37 : i32
    %swap3A_239 = arith.index_cast %swap3A_238 : i32 to index
    %swap3A_240 = arith.constant 0 : index
    %swap3A_241 = tpu.vector_load %arg14[%swap3A_239, %swap3A_240] {strides = array<i32>} : memref<64x16xf32, #tpu.memory_space<vmem>>, vector<1x16xf32>,
    %swap3A_242 = vector.shape_cast %swap3A_241 : vector<1x16xf32> to vector<16xf32>
    %swap3A_243 = vector.shape_cast %broadcast_in_dim3A_0 : vector<16xf32> to vector<1x16xf32>
    tpu.vector_store %arg14[%swap3A_239, %swap3A_240], %swap3A_243 {strides = array<i32>} : memref<64x16xf32, #tpu.memory_space<vmem>>, vector<1x16xf32>,
    %swap3A_244 = arith.constant 38 : i32
    %swap3A_245 = arith.index_cast %swap3A_244 : i32 to index
    %swap3A_246 = arith.constant 0 : index
    %swap3A_247 = tpu.vector_load %arg14[%swap3A_245, %swap3A_246] {strides = array<i32>} : memref<64x16xf32, #tpu.memory_space<vmem>>, vector<1x16xf32>,
    %swap3A_248 = vector.shape_cast %swap3A_247 : vector<1x16xf32> to vector<16xf32>
    %swap3A_249 = vector.shape_cast %broadcast_in_dim3A_0 : vector<16xf32> to vector<1x16xf32>
    tpu.vector_store %arg14[%swap3A_245, %swap3A_246], %swap3A_249 {strides = array<i32>} : memref<64x16xf32, #tpu.memory_space<vmem>>, vector<1x16xf32>,
    %swap3A_250 = arith.constant 39 : i32
    %swap3A_251 = arith.index_cast %swap3A_250 : i32 to index
    %swap3A_252 = arith.constant 0 : index
    %swap3A_253 = tpu.vector_load %arg14[%swap3A_251, %swap3A_252] {strides = array<i32>} : memref<64x16xf32, #tpu.memory_space<vmem>>, vector<1x16xf32>,
    %swap3A_254 = vector.shape_cast %swap3A_253 : vector<1x16xf32> to vector<16xf32>
    %swap3A_255 = vector.shape_cast %broadcast_in_dim3A_0 : vector<16xf32> to vector<1x16xf32>
    tpu.vector_store %arg14[%swap3A_251, %swap3A_252], %swap3A_255 {strides = array<i32>} : memref<64x16xf32, #tpu.memory_space<vmem>>, vector<1x16xf32>,
    %swap3A_256 = arith.constant 40 : i32
    %swap3A_257 = arith.index_cast %swap3A_256 : i32 to index
    %swap3A_258 = arith.constant 0 : index
    %swap3A_259 = tpu.vector_load %arg14[%swap3A_257, %swap3A_258] {strides = array<i32>} : memref<64x16xf32, #tpu.memory_space<vmem>>, vector<1x16xf32>,
    %swap3A_260 = vector.shape_cast %swap3A_259 : vector<1x16xf32> to vector<16xf32>
    %swap3A_261 = vector.shape_cast %broadcast_in_dim3A_0 : vector<16xf32> to vector<1x16xf32>
    tpu.vector_store %arg14[%swap3A_257, %swap3A_258], %swap3A_261 {strides = array<i32>} : memref<64x16xf32, #tpu.memory_space<vmem>>, vector<1x16xf32>,
    %swap3A_262 = arith.constant 41 : i32
    %swap3A_263 = arith.index_cast %swap3A_262 : i32 to index
    %swap3A_264 = arith.constant 0 : index
    %swap3A_265 = tpu.vector_load %arg14[%swap3A_263, %swap3A_264] {strides = array<i32>} : memref<64x16xf32, #tpu.memory_space<vmem>>, vector<1x16xf32>,
    %swap3A_266 = vector.shape_cast %swap3A_265 : vector<1x16xf32> to vector<16xf32>
    %swap3A_267 = vector.shape_cast %broadcast_in_dim3A_0 : vector<16xf32> to vector<1x16xf32>
    tpu.vector_store %arg14[%swap3A_263, %swap3A_264], %swap3A_267 {strides = array<i32>} : memref<64x16xf32, #tpu.memory_space<vmem>>, vector<1x16xf32>,
    %swap3A_268 = arith.constant 42 : i32
    %swap3A_269 = arith.index_cast %swap3A_268 : i32 to index
    %swap3A_270 = arith.constant 0 : index
    %swap3A_271 = tpu.vector_load %arg14[%swap3A_269, %swap3A_270] {strides = array<i32>} : memref<64x16xf32, #tpu.memory_space<vmem>>, vector<1x16xf32>,
    %swap3A_272 = vector.shape_cast %swap3A_271 : vector<1x16xf32> to vector<16xf32>
    %swap3A_273 = vector.shape_cast %broadcast_in_dim3A_0 : vector<16xf32> to vector<1x16xf32>
    tpu.vector_store %arg14[%swap3A_269, %swap3A_270], %swap3A_273 {strides = array<i32>} : memref<64x16xf32, #tpu.memory_space<vmem>>, vector<1x16xf32>,
    %swap3A_274 = arith.constant 43 : i32
    %swap3A_275 = arith.index_cast %swap3A_274 : i32 to index
    %swap3A_276 = arith.constant 0 : index
    %swap3A_277 = tpu.vector_load %arg14[%swap3A_275, %swap3A_276] {strides = array<i32>} : memref<64x16xf32, #tpu.memory_space<vmem>>, vector<1x16xf32>,
    %swap3A_278 = vector.shape_cast %swap3A_277 : vector<1x16xf32> to vector<16xf32>
    %swap3A_279 = vector.shape_cast %broadcast_in_dim3A_0 : vector<16xf32> to vector<1x16xf32>
    tpu.vector_store %arg14[%swap3A_275, %swap3A_276], %swap3A_279 {strides = array<i32>} : memref<64x16xf32, #tpu.memory_space<vmem>>, vector<1x16xf32>,
    %swap3A_280 = arith.constant 44 : i32
    %swap3A_281 = arith.index_cast %swap3A_280 : i32 to index
    %swap3A_282 = arith.constant 0 : index
    %swap3A_283 = tpu.vector_load %arg14[%swap3A_281, %swap3A_282] {strides = array<i32>} : memref<64x16xf32, #tpu.memory_space<vmem>>, vector<1x16xf32>,
    %swap3A_284 = vector.shape_cast %swap3A_283 : vector<1x16xf32> to vector<16xf32>
    %swap3A_285 = vector.shape_cast %broadcast_in_dim3A_0 : vector<16xf32> to vector<1x16xf32>
    tpu.vector_store %arg14[%swap3A_281, %swap3A_282], %swap3A_285 {strides = array<i32>} : memref<64x16xf32, #tpu.memory_space<vmem>>, vector<1x16xf32>,
    %swap3A_286 = arith.constant 45 : i32
    %swap3A_287 = arith.index_cast %swap3A_286 : i32 to index
    %swap3A_288 = arith.constant 0 : index
    %swap3A_289 = tpu.vector_load %arg14[%swap3A_287, %swap3A_288] {strides = array<i32>} : memref<64x16xf32, #tpu.memory_space<vmem>>, vector<1x16xf32>,
    %swap3A_290 = vector.shape_cast %swap3A_289 : vector<1x16xf32> to vector<16xf32>
    %swap3A_291 = vector.shape_cast %broadcast_in_dim3A_0 : vector<16xf32> to vector<1x16xf32>
    tpu.vector_store %arg14[%swap3A_287, %swap3A_288], %swap3A_291 {strides = array<i32>} : memref<64x16xf32, #tpu.memory_space<vmem>>, vector<1x16xf32>,
    %swap3A_292 = arith.constant 46 : i32
    %swap3A_293 = arith.index_cast %swap3A_292 : i32 to index
    %swap3A_294 = arith.constant 0 : index
    %swap3A_295 = tpu.vector_load %arg14[%swap3A_293, %swap3A_294] {strides = array<i32>} : memref<64x16xf32, #tpu.memory_space<vmem>>, vector<1x16xf32>,
    %swap3A_296 = vector.shape_cast %swap3A_295 : vector<1x16xf32> to vector<16xf32>
    %swap3A_297 = vector.shape_cast %broadcast_in_dim3A_0 : vector<16xf32> to vector<1x16xf32>
    tpu.vector_store %arg14[%swap3A_293, %swap3A_294], %swap3A_297 {strides = array<i32>} : memref<64x16xf32, #tpu.memory_space<vmem>>, vector<1x16xf32>,
    %swap3A_298 = arith.constant 47 : i32
    %swap3A_299 = arith.index_cast %swap3A_298 : i32 to index
    %swap3A_300 = arith.constant 0 : index
    %swap3A_301 = tpu.vector_load %arg14[%swap3A_299, %swap3A_300] {strides = array<i32>} : memref<64x16xf32, #tpu.memory_space<vmem>>, vector<1x16xf32>,
    %swap3A_302 = vector.shape_cast %swap3A_301 : vector<1x16xf32> to vector<16xf32>
    %swap3A_303 = vector.shape_cast %broadcast_in_dim3A_0 : vector<16xf32> to vector<1x16xf32>
    tpu.vector_store %arg14[%swap3A_299, %swap3A_300], %swap3A_303 {strides = array<i32>} : memref<64x16xf32, #tpu.memory_space<vmem>>, vector<1x16xf32>,
    %swap3A_304 = arith.constant 48 : i32
    %swap3A_305 = arith.index_cast %swap3A_304 : i32 to index
    %swap3A_306 = arith.constant 0 : index
    %swap3A_307 = tpu.vector_load %arg14[%swap3A_305, %swap3A_306] {strides = array<i32>} : memref<64x16xf32, #tpu.memory_space<vmem>>, vector<1x16xf32>,
    %swap3A_308 = vector.shape_cast %swap3A_307 : vector<1x16xf32> to vector<16xf32>
    %swap3A_309 = vector.shape_cast %broadcast_in_dim3A_0 : vector<16xf32> to vector<1x16xf32>
    tpu.vector_store %arg14[%swap3A_305, %swap3A_306], %swap3A_309 {strides = array<i32>} : memref<64x16xf32, #tpu.memory_space<vmem>>, vector<1x16xf32>,
    %swap3A_310 = arith.constant 49 : i32
    %swap3A_311 = arith.index_cast %swap3A_310 : i32 to index
    %swap3A_312 = arith.constant 0 : index
    %swap3A_313 = tpu.vector_load %arg14[%swap3A_311, %swap3A_312] {strides = array<i32>} : memref<64x16xf32, #tpu.memory_space<vmem>>, vector<1x16xf32>,
    %swap3A_314 = vector.shape_cast %swap3A_313 : vector<1x16xf32> to vector<16xf32>
    %swap3A_315 = vector.shape_cast %broadcast_in_dim3A_0 : vector<16xf32> to vector<1x16xf32>
    tpu.vector_store %arg14[%swap3A_311, %swap3A_312], %swap3A_315 {strides = array<i32>} : memref<64x16xf32, #tpu.memory_space<vmem>>, vector<1x16xf32>,
    %swap3A_316 = arith.constant 50 : i32
    %swap3A_317 = arith.index_cast %swap3A_316 : i32 to index
    %swap3A_318 = arith.constant 0 : index
    %swap3A_319 = tpu.vector_load %arg14[%swap3A_317, %swap3A_318] {strides = array<i32>} : memref<64x16xf32, #tpu.memory_space<vmem>>, vector<1x16xf32>,
    %swap3A_320 = vector.shape_cast %swap3A_319 : vector<1x16xf32> to vector<16xf32>
    %swap3A_321 = vector.shape_cast %broadcast_in_dim3A_0 : vector<16xf32> to vector<1x16xf32>
    tpu.vector_store %arg14[%swap3A_317, %swap3A_318], %swap3A_321 {strides = array<i32>} : memref<64x16xf32, #tpu.memory_space<vmem>>, vector<1x16xf32>,
    %swap3A_322 = arith.constant 51 : i32
    %swap3A_323 = arith.index_cast %swap3A_322 : i32 to index
    %swap3A_324 = arith.constant 0 : index
    %swap3A_325 = tpu.vector_load %arg14[%swap3A_323, %swap3A_324] {strides = array<i32>} : memref<64x16xf32, #tpu.memory_space<vmem>>, vector<1x16xf32>,
    %swap3A_326 = vector.shape_cast %swap3A_325 : vector<1x16xf32> to vector<16xf32>
    %swap3A_327 = vector.shape_cast %broadcast_in_dim3A_0 : vector<16xf32> to vector<1x16xf32>
    tpu.vector_store %arg14[%swap3A_323, %swap3A_324], %swap3A_327 {strides = array<i32>} : memref<64x16xf32, #tpu.memory_space<vmem>>, vector<1x16xf32>,
    %swap3A_328 = arith.constant 52 : i32
    %swap3A_329 = arith.index_cast %swap3A_328 : i32 to index
    %swap3A_330 = arith.constant 0 : index
    %swap3A_331 = tpu.vector_load %arg14[%swap3A_329, %swap3A_330] {strides = array<i32>} : memref<64x16xf32, #tpu.memory_space<vmem>>, vector<1x16xf32>,
    %swap3A_332 = vector.shape_cast %swap3A_331 : vector<1x16xf32> to vector<16xf32>
    %swap3A_333 = vector.shape_cast %broadcast_in_dim3A_0 : vector<16xf32> to vector<1x16xf32>
    tpu.vector_store %arg14[%swap3A_329, %swap3A_330], %swap3A_333 {strides = array<i32>} : memref<64x16xf32, #tpu.memory_space<vmem>>, vector<1x16xf32>,
    %swap3A_334 = arith.constant 53 : i32
    %swap3A_335 = arith.index_cast %swap3A_334 : i32 to index
    %swap3A_336 = arith.constant 0 : index
    %swap3A_337 = tpu.vector_load %arg14[%swap3A_335, %swap3A_336] {strides = array<i32>} : memref<64x16xf32, #tpu.memory_space<vmem>>, vector<1x16xf32>,
    %swap3A_338 = vector.shape_cast %swap3A_337 : vector<1x16xf32> to vector<16xf32>
    %swap3A_339 = vector.shape_cast %broadcast_in_dim3A_0 : vector<16xf32> to vector<1x16xf32>
    tpu.vector_store %arg14[%swap3A_335, %swap3A_336], %swap3A_339 {strides = array<i32>} : memref<64x16xf32, #tpu.memory_space<vmem>>, vector<1x16xf32>,
    %swap3A_340 = arith.constant 54 : i32
    %swap3A_341 = arith.index_cast %swap3A_340 : i32 to index
    %swap3A_342 = arith.constant 0 : index
    %swap3A_343 = tpu.vector_load %arg14[%swap3A_341, %swap3A_342] {strides = array<i32>} : memref<64x16xf32, #tpu.memory_space<vmem>>, vector<1x16xf32>,
    %swap3A_344 = vector.shape_cast %swap3A_343 : vector<1x16xf32> to vector<16xf32>
    %swap3A_345 = vector.shape_cast %broadcast_in_dim3A_0 : vector<16xf32> to vector<1x16xf32>
    tpu.vector_store %arg14[%swap3A_341, %swap3A_342], %swap3A_345 {strides = array<i32>} : memref<64x16xf32, #tpu.memory_space<vmem>>, vector<1x16xf32>,
    %swap3A_346 = arith.constant 55 : i32
    %swap3A_347 = arith.index_cast %swap3A_346 : i32 to index
    %swap3A_348 = arith.constant 0 : index
    %swap3A_349 = tpu.vector_load %arg14[%swap3A_347, %swap3A_348] {strides = array<i32>} : memref<64x16xf32, #tpu.memory_space<vmem>>, vector<1x16xf32>,
    %swap3A_350 = vector.shape_cast %swap3A_349 : vector<1x16xf32> to vector<16xf32>
    %swap3A_351 = vector.shape_cast %broadcast_in_dim3A_0 : vector<16xf32> to vector<1x16xf32>
    tpu.vector_store %arg14[%swap3A_347, %swap3A_348], %swap3A_351 {strides = array<i32>} : memref<64x16xf32, #tpu.memory_space<vmem>>, vector<1x16xf32>,
    %swap3A_352 = arith.constant 56 : i32
    %swap3A_353 = arith.index_cast %swap3A_352 : i32 to index
    %swap3A_354 = arith.constant 0 : index
    %swap3A_355 = tpu.vector_load %arg14[%swap3A_353, %swap3A_354] {strides = array<i32>} : memref<64x16xf32, #tpu.memory_space<vmem>>, vector<1x16xf32>,
    %swap3A_356 = vector.shape_cast %swap3A_355 : vector<1x16xf32> to vector<16xf32>
    %swap3A_357 = vector.shape_cast %broadcast_in_dim3A_0 : vector<16xf32> to vector<1x16xf32>
    tpu.vector_store %arg14[%swap3A_353, %swap3A_354], %swap3A_357 {strides = array<i32>} : memref<64x16xf32, #tpu.memory_space<vmem>>, vector<1x16xf32>,
    %swap3A_358 = arith.constant 57 : i32
    %swap3A_359 = arith.index_cast %swap3A_358 : i32 to index
    %swap3A_360 = arith.constant 0 : index
    %swap3A_361 = tpu.vector_load %arg14[%swap3A_359, %swap3A_360] {strides = array<i32>} : memref<64x16xf32, #tpu.memory_space<vmem>>, vector<1x16xf32>,
    %swap3A_362 = vector.shape_cast %swap3A_361 : vector<1x16xf32> to vector<16xf32>
    %swap3A_363 = vector.shape_cast %broadcast_in_dim3A_0 : vector<16xf32> to vector<1x16xf32>
    tpu.vector_store %arg14[%swap3A_359, %swap3A_360], %swap3A_363 {strides = array<i32>} : memref<64x16xf32, #tpu.memory_space<vmem>>, vector<1x16xf32>,
    %swap3A_364 = arith.constant 58 : i32
    %swap3A_365 = arith.index_cast %swap3A_364 : i32 to index
    %swap3A_366 = arith.constant 0 : index
    %swap3A_367 = tpu.vector_load %arg14[%swap3A_365, %swap3A_366] {strides = array<i32>} : memref<64x16xf32, #tpu.memory_space<vmem>>, vector<1x16xf32>,
    %swap3A_368 = vector.shape_cast %swap3A_367 : vector<1x16xf32> to vector<16xf32>
    %swap3A_369 = vector.shape_cast %broadcast_in_dim3A_0 : vector<16xf32> to vector<1x16xf32>
    tpu.vector_store %arg14[%swap3A_365, %swap3A_366], %swap3A_369 {strides = array<i32>} : memref<64x16xf32, #tpu.memory_space<vmem>>, vector<1x16xf32>,
    %swap3A_370 = arith.constant 59 : i32
    %swap3A_371 = arith.index_cast %swap3A_370 : i32 to index
    %swap3A_372 = arith.constant 0 : index
    %swap3A_373 = tpu.vector_load %arg14[%swap3A_371, %swap3A_372] {strides = array<i32>} : memref<64x16xf32, #tpu.memory_space<vmem>>, vector<1x16xf32>,
    %swap3A_374 = vector.shape_cast %swap3A_373 : vector<1x16xf32> to vector<16xf32>
    %swap3A_375 = vector.shape_cast %broadcast_in_dim3A_0 : vector<16xf32> to vector<1x16xf32>
    tpu.vector_store %arg14[%swap3A_371, %swap3A_372], %swap3A_375 {strides = array<i32>} : memref<64x16xf32, #tpu.memory_space<vmem>>, vector<1x16xf32>,
    %swap3A_376 = arith.constant 60 : i32
    %swap3A_377 = arith.index_cast %swap3A_376 : i32 to index
    %swap3A_378 = arith.constant 0 : index
    %swap3A_379 = tpu.vector_load %arg14[%swap3A_377, %swap3A_378] {strides = array<i32>} : memref<64x16xf32, #tpu.memory_space<vmem>>, vector<1x16xf32>,
    %swap3A_380 = vector.shape_cast %swap3A_379 : vector<1x16xf32> to vector<16xf32>
    %swap3A_381 = vector.shape_cast %broadcast_in_dim3A_0 : vector<16xf32> to vector<1x16xf32>
    tpu.vector_store %arg14[%swap3A_377, %swap3A_378], %swap3A_381 {strides = array<i32>} : memref<64x16xf32, #tpu.memory_space<vmem>>, vector<1x16xf32>,
    %swap3A_382 = arith.constant 61 : i32
    %swap3A_383 = arith.index_cast %swap3A_382 : i32 to index
    %swap3A_384 = arith.constant 0 : index
    %swap3A_385 = tpu.vector_load %arg14[%swap3A_383, %swap3A_384] {strides = array<i32>} : memref<64x16xf32, #tpu.memory_space<vmem>>, vector<1x16xf32>,
    %swap3A_386 = vector.shape_cast %swap3A_385 : vector<1x16xf32> to vector<16xf32>
    %swap3A_387 = vector.shape_cast %broadcast_in_dim3A_0 : vector<16xf32> to vector<1x16xf32>
    tpu.vector_store %arg14[%swap3A_383, %swap3A_384], %swap3A_387 {strides = array<i32>} : memref<64x16xf32, #tpu.memory_space<vmem>>, vector<1x16xf32>,
    %swap3A_388 = arith.constant 62 : i32
    %swap3A_389 = arith.index_cast %swap3A_388 : i32 to index
    %swap3A_390 = arith.constant 0 : index
    %swap3A_391 = tpu.vector_load %arg14[%swap3A_389, %swap3A_390] {strides = array<i32>} : memref<64x16xf32, #tpu.memory_space<vmem>>, vector<1x16xf32>,
    %swap3A_392 = vector.shape_cast %swap3A_391 : vector<1x16xf32> to vector<16xf32>
    %swap3A_393 = vector.shape_cast %broadcast_in_dim3A_0 : vector<16xf32> to vector<1x16xf32>
    tpu.vector_store %arg14[%swap3A_389, %swap3A_390], %swap3A_393 {strides = array<i32>} : memref<64x16xf32, #tpu.memory_space<vmem>>, vector<1x16xf32>,
    %swap3A_394 = arith.constant 63 : i32
    %swap3A_395 = arith.index_cast %swap3A_394 : i32 to index
    %swap3A_396 = arith.constant 0 : index
    %swap3A_397 = tpu.vector_load %arg14[%swap3A_395, %swap3A_396] {strides = array<i32>} : memref<64x16xf32, #tpu.memory_space<vmem>>, vector<1x16xf32>,
    %swap3A_398 = vector.shape_cast %swap3A_397 : vector<1x16xf32> to vector<16xf32>
    %swap3A_399 = vector.shape_cast %broadcast_in_dim3A_0 : vector<16xf32> to vector<1x16xf32>
    tpu.vector_store %arg14[%swap3A_395, %swap3A_396], %swap3A_399 {strides = array<i32>} : memref<64x16xf32, #tpu.memory_space<vmem>>, vector<1x16xf32>,
    %swap3A_400 = arith.constant 0 : i32
    %swap3A_401 = arith.index_cast %swap3A_400 : i32 to index
    %swap3A_402 = arith.constant 0 : index
    %swap3A_403 = tpu.vector_load %arg13[%swap3A_401, %swap3A_402] {strides = array<i32>} : memref<128x16xf32, #tpu.memory_space<vmem>>, vector<1x16xf32>,
    %swap3A_404 = vector.shape_cast %swap3A_403 : vector<1x16xf32> to vector<16xf32>
    %swap3A_405 = vector.shape_cast %broadcast_in_dim3A_2 : vector<16xf32> to vector<1x16xf32>
    tpu.vector_store %arg13[%swap3A_401, %swap3A_402], %swap3A_405 {strides = array<i32>} : memref<128x16xf32, #tpu.memory_space<vmem>>, vector<1x16xf32>,
    %swap3A_406 = arith.constant 1 : i32
    %swap3A_407 = arith.index_cast %swap3A_406 : i32 to index
    %swap3A_408 = arith.constant 0 : index
    %swap3A_409 = tpu.vector_load %arg13[%swap3A_407, %swap3A_408] {strides = array<i32>} : memref<128x16xf32, #tpu.memory_space<vmem>>, vector<1x16xf32>,
    %swap3A_410 = vector.shape_cast %swap3A_409 : vector<1x16xf32> to vector<16xf32>
    %swap3A_411 = vector.shape_cast %broadcast_in_dim3A_2 : vector<16xf32> to vector<1x16xf32>
    tpu.vector_store %arg13[%swap3A_407, %swap3A_408], %swap3A_411 {strides = array<i32>} : memref<128x16xf32, #tpu.memory_space<vmem>>, vector<1x16xf32>,
    %swap3A_412 = arith.constant 2 : i32
    %swap3A_413 = arith.index_cast %swap3A_412 : i32 to index
    %swap3A_414 = arith.constant 0 : index
    %swap3A_415 = tpu.vector_load %arg13[%swap3A_413, %swap3A_414] {strides = array<i32>} : memref<128x16xf32, #tpu.memory_space<vmem>>, vector<1x16xf32>,
    %swap3A_416 = vector.shape_cast %swap3A_415 : vector<1x16xf32> to vector<16xf32>
    %swap3A_417 = vector.shape_cast %broadcast_in_dim3A_2 : vector<16xf32> to vector<1x16xf32>
    tpu.vector_store %arg13[%swap3A_413, %swap3A_414], %swap3A_417 {strides = array<i32>} : memref<128x16xf32, #tpu.memory_space<vmem>>, vector<1x16xf32>,
    %swap3A_418 = arith.constant 3 : i32
    %swap3A_419 = arith.index_cast %swap3A_418 : i32 to index
    %swap3A_420 = arith.constant 0 : index
    %swap3A_421 = tpu.vector_load %arg13[%swap3A_419, %swap3A_420] {strides = array<i32>} : memref<128x16xf32, #tpu.memory_space<vmem>>, vector<1x16xf32>,
    %swap3A_422 = vector.shape_cast %swap3A_421 : vector<1x16xf32> to vector<16xf32>
    %swap3A_423 = vector.shape_cast %broadcast_in_dim3A_2 : vector<16xf32> to vector<1x16xf32>
    tpu.vector_store %arg13[%swap3A_419, %swap3A_420], %swap3A_423 {strides = array<i32>} : memref<128x16xf32, #tpu.memory_space<vmem>>, vector<1x16xf32>,
    %swap3A_424 = arith.constant 4 : i32
    %swap3A_425 = arith.index_cast %swap3A_424 : i32 to index
    %swap3A_426 = arith.constant 0 : index
    %swap3A_427 = tpu.vector_load %arg13[%swap3A_425, %swap3A_426] {strides = array<i32>} : memref<128x16xf32, #tpu.memory_space<vmem>>, vector<1x16xf32>,
    %swap3A_428 = vector.shape_cast %swap3A_427 : vector<1x16xf32> to vector<16xf32>
    %swap3A_429 = vector.shape_cast %broadcast_in_dim3A_2 : vector<16xf32> to vector<1x16xf32>
    tpu.vector_store %arg13[%swap3A_425, %swap3A_426], %swap3A_429 {strides = array<i32>} : memref<128x16xf32, #tpu.memory_space<vmem>>, vector<1x16xf32>,
    %swap3A_430 = arith.constant 5 : i32
    %swap3A_431 = arith.index_cast %swap3A_430 : i32 to index
    %swap3A_432 = arith.constant 0 : index
    %swap3A_433 = tpu.vector_load %arg13[%swap3A_431, %swap3A_432] {strides = array<i32>} : memref<128x16xf32, #tpu.memory_space<vmem>>, vector<1x16xf32>,
    %swap3A_434 = vector.shape_cast %swap3A_433 : vector<1x16xf32> to vector<16xf32>
    %swap3A_435 = vector.shape_cast %broadcast_in_dim3A_2 : vector<16xf32> to vector<1x16xf32>
    tpu.vector_store %arg13[%swap3A_431, %swap3A_432], %swap3A_435 {strides = array<i32>} : memref<128x16xf32, #tpu.memory_space<vmem>>, vector<1x16xf32>,
    %swap3A_436 = arith.constant 6 : i32
    %swap3A_437 = arith.index_cast %swap3A_436 : i32 to index
    %swap3A_438 = arith.constant 0 : index
    %swap3A_439 = tpu.vector_load %arg13[%swap3A_437, %swap3A_438] {strides = array<i32>} : memref<128x16xf32, #tpu.memory_space<vmem>>, vector<1x16xf32>,
    %swap3A_440 = vector.shape_cast %swap3A_439 : vector<1x16xf32> to vector<16xf32>
    %swap3A_441 = vector.shape_cast %broadcast_in_dim3A_2 : vector<16xf32> to vector<1x16xf32>
    tpu.vector_store %arg13[%swap3A_437, %swap3A_438], %swap3A_441 {strides = array<i32>} : memref<128x16xf32, #tpu.memory_space<vmem>>, vector<1x16xf32>,
    %swap3A_442 = arith.constant 7 : i32
    %swap3A_443 = arith.index_cast %swap3A_442 : i32 to index
    %swap3A_444 = arith.constant 0 : index
    %swap3A_445 = tpu.vector_load %arg13[%swap3A_443, %swap3A_444] {strides = array<i32>} : memref<128x16xf32, #tpu.memory_space<vmem>>, vector<1x16xf32>,
    %swap3A_446 = vector.shape_cast %swap3A_445 : vector<1x16xf32> to vector<16xf32>
    %swap3A_447 = vector.shape_cast %broadcast_in_dim3A_2 : vector<16xf32> to vector<1x16xf32>
    tpu.vector_store %arg13[%swap3A_443, %swap3A_444], %swap3A_447 {strides = array<i32>} : memref<128x16xf32, #tpu.memory_space<vmem>>, vector<1x16xf32>,
    %swap3A_448 = arith.constant 8 : i32
    %swap3A_449 = arith.index_cast %swap3A_448 : i32 to index
    %swap3A_450 = arith.constant 0 : index
    %swap3A_451 = tpu.vector_load %arg13[%swap3A_449, %swap3A_450] {strides = array<i32>} : memref<128x16xf32, #tpu.memory_space<vmem>>, vector<1x16xf32>,
    %swap3A_452 = vector.shape_cast %swap3A_451 : vector<1x16xf32> to vector<16xf32>
    %swap3A_453 = vector.shape_cast %broadcast_in_dim3A_2 : vector<16xf32> to vector<1x16xf32>
    tpu.vector_store %arg13[%swap3A_449, %swap3A_450], %swap3A_453 {strides = array<i32>} : memref<128x16xf32, #tpu.memory_space<vmem>>, vector<1x16xf32>,
    %swap3A_454 = arith.constant 9 : i32
    %swap3A_455 = arith.index_cast %swap3A_454 : i32 to index
    %swap3A_456 = arith.constant 0 : index
    %swap3A_457 = tpu.vector_load %arg13[%swap3A_455, %swap3A_456] {strides = array<i32>} : memref<128x16xf32, #tpu.memory_space<vmem>>, vector<1x16xf32>,
    %swap3A_458 = vector.shape_cast %swap3A_457 : vector<1x16xf32> to vector<16xf32>
    %swap3A_459 = vector.shape_cast %broadcast_in_dim3A_2 : vector<16xf32> to vector<1x16xf32>
    tpu.vector_store %arg13[%swap3A_455, %swap3A_456], %swap3A_459 {strides = array<i32>} : memref<128x16xf32, #tpu.memory_space<vmem>>, vector<1x16xf32>,
    %swap3A_460 = arith.constant 10 : i32
    %swap3A_461 = arith.index_cast %swap3A_460 : i32 to index
    %swap3A_462 = arith.constant 0 : index
    %swap3A_463 = tpu.vector_load %arg13[%swap3A_461, %swap3A_462] {strides = array<i32>} : memref<128x16xf32, #tpu.memory_space<vmem>>, vector<1x16xf32>,
    %swap3A_464 = vector.shape_cast %swap3A_463 : vector<1x16xf32> to vector<16xf32>
    %swap3A_465 = vector.shape_cast %broadcast_in_dim3A_2 : vector<16xf32> to vector<1x16xf32>
    tpu.vector_store %arg13[%swap3A_461, %swap3A_462], %swap3A_465 {strides = array<i32>} : memref<128x16xf32, #tpu.memory_space<vmem>>, vector<1x16xf32>,
    %swap3A_466 = arith.constant 11 : i32
    %swap3A_467 = arith.index_cast %swap3A_466 : i32 to index
    %swap3A_468 = arith.constant 0 : index
    %swap3A_469 = tpu.vector_load %arg13[%swap3A_467, %swap3A_468] {strides = array<i32>} : memref<128x16xf32, #tpu.memory_space<vmem>>, vector<1x16xf32>,
    %swap3A_470 = vector.shape_cast %swap3A_469 : vector<1x16xf32> to vector<16xf32>
    %swap3A_471 = vector.shape_cast %broadcast_in_dim3A_2 : vector<16xf32> to vector<1x16xf32>
    tpu.vector_store %arg13[%swap3A_467, %swap3A_468], %swap3A_471 {strides = array<i32>} : memref<128x16xf32, #tpu.memory_space<vmem>>, vector<1x16xf32>,
    %swap3A_472 = arith.constant 12 : i32
    %swap3A_473 = arith.index_cast %swap3A_472 : i32 to index
    %swap3A_474 = arith.constant 0 : index
    %swap3A_475 = tpu.vector_load %arg13[%swap3A_473, %swap3A_474] {strides = array<i32>} : memref<128x16xf32, #tpu.memory_space<vmem>>, vector<1x16xf32>,
    %swap3A_476 = vector.shape_cast %swap3A_475 : vector<1x16xf32> to vector<16xf32>
    %swap3A_477 = vector.shape_cast %broadcast_in_dim3A_2 : vector<16xf32> to vector<1x16xf32>
    tpu.vector_store %arg13[%swap3A_473, %swap3A_474], %swap3A_477 {strides = array<i32>} : memref<128x16xf32, #tpu.memory_space<vmem>>, vector<1x16xf32>,
    %swap3A_478 = arith.constant 13 : i32
    %swap3A_479 = arith.index_cast %swap3A_478 : i32 to index
    %swap3A_480 = arith.constant 0 : index
    %swap3A_481 = tpu.vector_load %arg13[%swap3A_479, %swap3A_480] {strides = array<i32>} : memref<128x16xf32, #tpu.memory_space<vmem>>, vector<1x16xf32>,
    %swap3A_482 = vector.shape_cast %swap3A_481 : vector<1x16xf32> to vector<16xf32>
    %swap3A_483 = vector.shape_cast %broadcast_in_dim3A_2 : vector<16xf32> to vector<1x16xf32>
    tpu.vector_store %arg13[%swap3A_479, %swap3A_480], %swap3A_483 {strides = array<i32>} : memref<128x16xf32, #tpu.memory_space<vmem>>, vector<1x16xf32>,
    %swap3A_484 = arith.constant 14 : i32
    %swap3A_485 = arith.index_cast %swap3A_484 : i32 to index
    %swap3A_486 = arith.constant 0 : index
    %swap3A_487 = tpu.vector_load %arg13[%swap3A_485, %swap3A_486] {strides = array<i32>} : memref<128x16xf32, #tpu.memory_space<vmem>>, vector<1x16xf32>,
    %swap3A_488 = vector.shape_cast %swap3A_487 : vector<1x16xf32> to vector<16xf32>
    %swap3A_489 = vector.shape_cast %broadcast_in_dim3A_2 : vector<16xf32> to vector<1x16xf32>
    tpu.vector_store %arg13[%swap3A_485, %swap3A_486], %swap3A_489 {strides = array<i32>} : memref<128x16xf32, #tpu.memory_space<vmem>>, vector<1x16xf32>,
    %swap3A_490 = arith.constant 15 : i32
    %swap3A_491 = arith.index_cast %swap3A_490 : i32 to index
    %swap3A_492 = arith.constant 0 : index
    %swap3A_493 = tpu.vector_load %arg13[%swap3A_491, %swap3A_492] {strides = array<i32>} : memref<128x16xf32, #tpu.memory_space<vmem>>, vector<1x16xf32>,
    %swap3A_494 = vector.shape_cast %swap3A_493 : vector<1x16xf32> to vector<16xf32>
    %swap3A_495 = vector.shape_cast %broadcast_in_dim3A_2 : vector<16xf32> to vector<1x16xf32>
    tpu.vector_store %arg13[%swap3A_491, %swap3A_492], %swap3A_495 {strides = array<i32>} : memref<128x16xf32, #tpu.memory_space<vmem>>, vector<1x16xf32>,
    %swap3A_496 = arith.constant 16 : i32
    %swap3A_497 = arith.index_cast %swap3A_496 : i32 to index
    %swap3A_498 = arith.constant 0 : index
    %swap3A_499 = tpu.vector_load %arg13[%swap3A_497, %swap3A_498] {strides = array<i32>} : memref<128x16xf32, #tpu.memory_space<vmem>>, vector<1x16xf32>,
    %swap3A_500 = vector.shape_cast %swap3A_499 : vector<1x16xf32> to vector<16xf32>
    %swap3A_501 = vector.shape_cast %broadcast_in_dim3A_2 : vector<16xf32> to vector<1x16xf32>
    tpu.vector_store %arg13[%swap3A_497, %swap3A_498], %swap3A_501 {strides = array<i32>} : memref<128x16xf32, #tpu.memory_space<vmem>>, vector<1x16xf32>,
    %swap3A_502 = arith.constant 17 : i32
    %swap3A_503 = arith.index_cast %swap3A_502 : i32 to index
    %swap3A_504 = arith.constant 0 : index
    %swap3A_505 = tpu.vector_load %arg13[%swap3A_503, %swap3A_504] {strides = array<i32>} : memref<128x16xf32, #tpu.memory_space<vmem>>, vector<1x16xf32>,
    %swap3A_506 = vector.shape_cast %swap3A_505 : vector<1x16xf32> to vector<16xf32>
    %swap3A_507 = vector.shape_cast %broadcast_in_dim3A_2 : vector<16xf32> to vector<1x16xf32>
    tpu.vector_store %arg13[%swap3A_503, %swap3A_504], %swap3A_507 {strides = array<i32>} : memref<128x16xf32, #tpu.memory_space<vmem>>, vector<1x16xf32>,
    %swap3A_508 = arith.constant 18 : i32
    %swap3A_509 = arith.index_cast %swap3A_508 : i32 to index
    %swap3A_510 = arith.constant 0 : index
    %swap3A_511 = tpu.vector_load %arg13[%swap3A_509, %swap3A_510] {strides = array<i32>} : memref<128x16xf32, #tpu.memory_space<vmem>>, vector<1x16xf32>,
    %swap3A_512 = vector.shape_cast %swap3A_511 : vector<1x16xf32> to vector<16xf32>
    %swap3A_513 = vector.shape_cast %broadcast_in_dim3A_2 : vector<16xf32> to vector<1x16xf32>
    tpu.vector_store %arg13[%swap3A_509, %swap3A_510], %swap3A_513 {strides = array<i32>} : memref<128x16xf32, #tpu.memory_space<vmem>>, vector<1x16xf32>,
    %swap3A_514 = arith.constant 19 : i32
    %swap3A_515 = arith.index_cast %swap3A_514 : i32 to index
    %swap3A_516 = arith.constant 0 : index
    %swap3A_517 = tpu.vector_load %arg13[%swap3A_515, %swap3A_516] {strides = array<i32>} : memref<128x16xf32, #tpu.memory_space<vmem>>, vector<1x16xf32>,
    %swap3A_518 = vector.shape_cast %swap3A_517 : vector<1x16xf32> to vector<16xf32>
    %swap3A_519 = vector.shape_cast %broadcast_in_dim3A_2 : vector<16xf32> to vector<1x16xf32>
    tpu.vector_store %arg13[%swap3A_515, %swap3A_516], %swap3A_519 {strides = array<i32>} : memref<128x16xf32, #tpu.memory_space<vmem>>, vector<1x16xf32>,
    %swap3A_520 = arith.constant 20 : i32
    %swap3A_521 = arith.index_cast %swap3A_520 : i32 to index
    %swap3A_522 = arith.constant 0 : index
    %swap3A_523 = tpu.vector_load %arg13[%swap3A_521, %swap3A_522] {strides = array<i32>} : memref<128x16xf32, #tpu.memory_space<vmem>>, vector<1x16xf32>,
    %swap3A_524 = vector.shape_cast %swap3A_523 : vector<1x16xf32> to vector<16xf32>
    %swap3A_525 = vector.shape_cast %broadcast_in_dim3A_2 : vector<16xf32> to vector<1x16xf32>
    tpu.vector_store %arg13[%swap3A_521, %swap3A_522], %swap3A_525 {strides = array<i32>} : memref<128x16xf32, #tpu.memory_space<vmem>>, vector<1x16xf32>,
    %swap3A_526 = arith.constant 21 : i32
    %swap3A_527 = arith.index_cast %swap3A_526 : i32 to index
    %swap3A_528 = arith.constant 0 : index
    %swap3A_529 = tpu.vector_load %arg13[%swap3A_527, %swap3A_528] {strides = array<i32>} : memref<128x16xf32, #tpu.memory_space<vmem>>, vector<1x16xf32>,
    %swap3A_530 = vector.shape_cast %swap3A_529 : vector<1x16xf32> to vector<16xf32>
    %swap3A_531 = vector.shape_cast %broadcast_in_dim3A_2 : vector<16xf32> to vector<1x16xf32>
    tpu.vector_store %arg13[%swap3A_527, %swap3A_528], %swap3A_531 {strides = array<i32>} : memref<128x16xf32, #tpu.memory_space<vmem>>, vector<1x16xf32>,
    %swap3A_532 = arith.constant 22 : i32
    %swap3A_533 = arith.index_cast %swap3A_532 : i32 to index
    %swap3A_534 = arith.constant 0 : index
    %swap3A_535 = tpu.vector_load %arg13[%swap3A_533, %swap3A_534] {strides = array<i32>} : memref<128x16xf32, #tpu.memory_space<vmem>>, vector<1x16xf32>,
    %swap3A_536 = vector.shape_cast %swap3A_535 : vector<1x16xf32> to vector<16xf32>
    %swap3A_537 = vector.shape_cast %broadcast_in_dim3A_2 : vector<16xf32> to vector<1x16xf32>
    tpu.vector_store %arg13[%swap3A_533, %swap3A_534], %swap3A_537 {strides = array<i32>} : memref<128x16xf32, #tpu.memory_space<vmem>>, vector<1x16xf32>,
    %swap3A_538 = arith.constant 23 : i32
    %swap3A_539 = arith.index_cast %swap3A_538 : i32 to index
    %swap3A_540 = arith.constant 0 : index
    %swap3A_541 = tpu.vector_load %arg13[%swap3A_539, %swap3A_540] {strides = array<i32>} : memref<128x16xf32, #tpu.memory_space<vmem>>, vector<1x16xf32>,
    %swap3A_542 = vector.shape_cast %swap3A_541 : vector<1x16xf32> to vector<16xf32>
    %swap3A_543 = vector.shape_cast %broadcast_in_dim3A_2 : vector<16xf32> to vector<1x16xf32>
    tpu.vector_store %arg13[%swap3A_539, %swap3A_540], %swap3A_543 {strides = array<i32>} : memref<128x16xf32, #tpu.memory_space<vmem>>, vector<1x16xf32>,
    %swap3A_544 = arith.constant 24 : i32
    %swap3A_545 = arith.index_cast %swap3A_544 : i32 to index
    %swap3A_546 = arith.constant 0 : index
    %swap3A_547 = tpu.vector_load %arg13[%swap3A_545, %swap3A_546] {strides = array<i32>} : memref<128x16xf32, #tpu.memory_space<vmem>>, vector<1x16xf32>,
    %swap3A_548 = vector.shape_cast %swap3A_547 : vector<1x16xf32> to vector<16xf32>
    %swap3A_549 = vector.shape_cast %broadcast_in_dim3A_2 : vector<16xf32> to vector<1x16xf32>
    tpu.vector_store %arg13[%swap3A_545, %swap3A_546], %swap3A_549 {strides = array<i32>} : memref<128x16xf32, #tpu.memory_space<vmem>>, vector<1x16xf32>,
    %swap3A_550 = arith.constant 25 : i32
    %swap3A_551 = arith.index_cast %swap3A_550 : i32 to index
    %swap3A_552 = arith.constant 0 : index
    %swap3A_553 = tpu.vector_load %arg13[%swap3A_551, %swap3A_552] {strides = array<i32>} : memref<128x16xf32, #tpu.memory_space<vmem>>, vector<1x16xf32>,
    %swap3A_554 = vector.shape_cast %swap3A_553 : vector<1x16xf32> to vector<16xf32>
    %swap3A_555 = vector.shape_cast %broadcast_in_dim3A_2 : vector<16xf32> to vector<1x16xf32>
    tpu.vector_store %arg13[%swap3A_551, %swap3A_552], %swap3A_555 {strides = array<i32>} : memref<128x16xf32, #tpu.memory_space<vmem>>, vector<1x16xf32>,
    %swap3A_556 = arith.constant 26 : i32
    %swap3A_557 = arith.index_cast %swap3A_556 : i32 to index
    %swap3A_558 = arith.constant 0 : index
    %swap3A_559 = tpu.vector_load %arg13[%swap3A_557, %swap3A_558] {strides = array<i32>} : memref<128x16xf32, #tpu.memory_space<vmem>>, vector<1x16xf32>,
    %swap3A_560 = vector.shape_cast %swap3A_559 : vector<1x16xf32> to vector<16xf32>
    %swap3A_561 = vector.shape_cast %broadcast_in_dim3A_2 : vector<16xf32> to vector<1x16xf32>
    tpu.vector_store %arg13[%swap3A_557, %swap3A_558], %swap3A_561 {strides = array<i32>} : memref<128x16xf32, #tpu.memory_space<vmem>>, vector<1x16xf32>,
    %swap3A_562 = arith.constant 27 : i32
    %swap3A_563 = arith.index_cast %swap3A_562 : i32 to index
    %swap3A_564 = arith.constant 0 : index
    %swap3A_565 = tpu.vector_load %arg13[%swap3A_563, %swap3A_564] {strides = array<i32>} : memref<128x16xf32, #tpu.memory_space<vmem>>, vector<1x16xf32>,
    %swap3A_566 = vector.shape_cast %swap3A_565 : vector<1x16xf32> to vector<16xf32>
    %swap3A_567 = vector.shape_cast %broadcast_in_dim3A_2 : vector<16xf32> to vector<1x16xf32>
    tpu.vector_store %arg13[%swap3A_563, %swap3A_564], %swap3A_567 {strides = array<i32>} : memref<128x16xf32, #tpu.memory_space<vmem>>, vector<1x16xf32>,
    %swap3A_568 = arith.constant 28 : i32
    %swap3A_569 = arith.index_cast %swap3A_568 : i32 to index
    %swap3A_570 = arith.constant 0 : index
    %swap3A_571 = tpu.vector_load %arg13[%swap3A_569, %swap3A_570] {strides = array<i32>} : memref<128x16xf32, #tpu.memory_space<vmem>>, vector<1x16xf32>,
    %swap3A_572 = vector.shape_cast %swap3A_571 : vector<1x16xf32> to vector<16xf32>
    %swap3A_573 = vector.shape_cast %broadcast_in_dim3A_2 : vector<16xf32> to vector<1x16xf32>
    tpu.vector_store %arg13[%swap3A_569, %swap3A_570], %swap3A_573 {strides = array<i32>} : memref<128x16xf32, #tpu.memory_space<vmem>>, vector<1x16xf32>,
    %swap3A_574 = arith.constant 29 : i32
    %swap3A_575 = arith.index_cast %swap3A_574 : i32 to index
    %swap3A_576 = arith.constant 0 : index
    %swap3A_577 = tpu.vector_load %arg13[%swap3A_575, %swap3A_576] {strides = array<i32>} : memref<128x16xf32, #tpu.memory_space<vmem>>, vector<1x16xf32>,
    %swap3A_578 = vector.shape_cast %swap3A_577 : vector<1x16xf32> to vector<16xf32>
    %swap3A_579 = vector.shape_cast %broadcast_in_dim3A_2 : vector<16xf32> to vector<1x16xf32>
    tpu.vector_store %arg13[%swap3A_575, %swap3A_576], %swap3A_579 {strides = array<i32>} : memref<128x16xf32, #tpu.memory_space<vmem>>, vector<1x16xf32>,
    %swap3A_580 = arith.constant 30 : i32
    %swap3A_581 = arith.index_cast %swap3A_580 : i32 to index
    %swap3A_582 = arith.constant 0 : index
    %swap3A_583 = tpu.vector_load %arg13[%swap3A_581, %swap3A_582] {strides = array<i32>} : memref<128x16xf32, #tpu.memory_space<vmem>>, vector<1x16xf32>,
    %swap3A_584 = vector.shape_cast %swap3A_583 : vector<1x16xf32> to vector<16xf32>
    %swap3A_585 = vector.shape_cast %broadcast_in_dim3A_2 : vector<16xf32> to vector<1x16xf32>
    tpu.vector_store %arg13[%swap3A_581, %swap3A_582], %swap3A_585 {strides = array<i32>} : memref<128x16xf32, #tpu.memory_space<vmem>>, vector<1x16xf32>,
    %swap3A_586 = arith.constant 31 : i32
    %swap3A_587 = arith.index_cast %swap3A_586 : i32 to index
    %swap3A_588 = arith.constant 0 : index
    %swap3A_589 = tpu.vector_load %arg13[%swap3A_587, %swap3A_588] {strides = array<i32>} : memref<128x16xf32, #tpu.memory_space<vmem>>, vector<1x16xf32>,
    %swap3A_590 = vector.shape_cast %swap3A_589 : vector<1x16xf32> to vector<16xf32>
    %swap3A_591 = vector.shape_cast %broadcast_in_dim3A_2 : vector<16xf32> to vector<1x16xf32>
    tpu.vector_store %arg13[%swap3A_587, %swap3A_588], %swap3A_591 {strides = array<i32>} : memref<128x16xf32, #tpu.memory_space<vmem>>, vector<1x16xf32>,
    %swap3A_592 = arith.constant 32 : i32
    %swap3A_593 = arith.index_cast %swap3A_592 : i32 to index
    %swap3A_594 = arith.constant 0 : index
    %swap3A_595 = tpu.vector_load %arg13[%swap3A_593, %swap3A_594] {strides = array<i32>} : memref<128x16xf32, #tpu.memory_space<vmem>>, vector<1x16xf32>,
    %swap3A_596 = vector.shape_cast %swap3A_595 : vector<1x16xf32> to vector<16xf32>
    %swap3A_597 = vector.shape_cast %broadcast_in_dim3A_2 : vector<16xf32> to vector<1x16xf32>
    tpu.vector_store %arg13[%swap3A_593, %swap3A_594], %swap3A_597 {strides = array<i32>} : memref<128x16xf32, #tpu.memory_space<vmem>>, vector<1x16xf32>,
    %swap3A_598 = arith.constant 33 : i32
    %swap3A_599 = arith.index_cast %swap3A_598 : i32 to index
    %swap3A_600 = arith.constant 0 : index
    %swap3A_601 = tpu.vector_load %arg13[%swap3A_599, %swap3A_600] {strides = array<i32>} : memref<128x16xf32, #tpu.memory_space<vmem>>, vector<1x16xf32>,
    %swap3A_602 = vector.shape_cast %swap3A_601 : vector<1x16xf32> to vector<16xf32>
    %swap3A_603 = vector.shape_cast %broadcast_in_dim3A_2 : vector<16xf32> to vector<1x16xf32>
    tpu.vector_store %arg13[%swap3A_599, %swap3A_600], %swap3A_603 {strides = array<i32>} : memref<128x16xf32, #tpu.memory_space<vmem>>, vector<1x16xf32>,
    %swap3A_604 = arith.constant 34 : i32
    %swap3A_605 = arith.index_cast %swap3A_604 : i32 to index
    %swap3A_606 = arith.constant 0 : index
    %swap3A_607 = tpu.vector_load %arg13[%swap3A_605, %swap3A_606] {strides = array<i32>} : memref<128x16xf32, #tpu.memory_space<vmem>>, vector<1x16xf32>,
    %swap3A_608 = vector.shape_cast %swap3A_607 : vector<1x16xf32> to vector<16xf32>
    %swap3A_609 = vector.shape_cast %broadcast_in_dim3A_2 : vector<16xf32> to vector<1x16xf32>
    tpu.vector_store %arg13[%swap3A_605, %swap3A_606], %swap3A_609 {strides = array<i32>} : memref<128x16xf32, #tpu.memory_space<vmem>>, vector<1x16xf32>,
    %swap3A_610 = arith.constant 35 : i32
    %swap3A_611 = arith.index_cast %swap3A_610 : i32 to index
    %swap3A_612 = arith.constant 0 : index
    %swap3A_613 = tpu.vector_load %arg13[%swap3A_611, %swap3A_612] {strides = array<i32>} : memref<128x16xf32, #tpu.memory_space<vmem>>, vector<1x16xf32>,
    %swap3A_614 = vector.shape_cast %swap3A_613 : vector<1x16xf32> to vector<16xf32>
    %swap3A_615 = vector.shape_cast %broadcast_in_dim3A_2 : vector<16xf32> to vector<1x16xf32>
    tpu.vector_store %arg13[%swap3A_611, %swap3A_612], %swap3A_615 {strides = array<i32>} : memref<128x16xf32, #tpu.memory_space<vmem>>, vector<1x16xf32>,
    %swap3A_616 = arith.constant 36 : i32
    %swap3A_617 = arith.index_cast %swap3A_616 : i32 to index
    %swap3A_618 = arith.constant 0 : index
    %swap3A_619 = tpu.vector_load %arg13[%swap3A_617, %swap3A_618] {strides = array<i32>} : memref<128x16xf32, #tpu.memory_space<vmem>>, vector<1x16xf32>,
    %swap3A_620 = vector.shape_cast %swap3A_619 : vector<1x16xf32> to vector<16xf32>
    %swap3A_621 = vector.shape_cast %broadcast_in_dim3A_2 : vector<16xf32> to vector<1x16xf32>
    tpu.vector_store %arg13[%swap3A_617, %swap3A_618], %swap3A_621 {strides = array<i32>} : memref<128x16xf32, #tpu.memory_space<vmem>>, vector<1x16xf32>,
    %swap3A_622 = arith.constant 37 : i32
    %swap3A_623 = arith.index_cast %swap3A_622 : i32 to index
    %swap3A_624 = arith.constant 0 : index
    %swap3A_625 = tpu.vector_load %arg13[%swap3A_623, %swap3A_624] {strides = array<i32>} : memref<128x16xf32, #tpu.memory_space<vmem>>, vector<1x16xf32>,
    %swap3A_626 = vector.shape_cast %swap3A_625 : vector<1x16xf32> to vector<16xf32>
    %swap3A_627 = vector.shape_cast %broadcast_in_dim3A_2 : vector<16xf32> to vector<1x16xf32>
    tpu.vector_store %arg13[%swap3A_623, %swap3A_624], %swap3A_627 {strides = array<i32>} : memref<128x16xf32, #tpu.memory_space<vmem>>, vector<1x16xf32>,
    %swap3A_628 = arith.constant 38 : i32
    %swap3A_629 = arith.index_cast %swap3A_628 : i32 to index
    %swap3A_630 = arith.constant 0 : index
    %swap3A_631 = tpu.vector_load %arg13[%swap3A_629, %swap3A_630] {strides = array<i32>} : memref<128x16xf32, #tpu.memory_space<vmem>>, vector<1x16xf32>,
    %swap3A_632 = vector.shape_cast %swap3A_631 : vector<1x16xf32> to vector<16xf32>
    %swap3A_633 = vector.shape_cast %broadcast_in_dim3A_2 : vector<16xf32> to vector<1x16xf32>
    tpu.vector_store %arg13[%swap3A_629, %swap3A_630], %swap3A_633 {strides = array<i32>} : memref<128x16xf32, #tpu.memory_space<vmem>>, vector<1x16xf32>,
    %swap3A_634 = arith.constant 39 : i32
    %swap3A_635 = arith.index_cast %swap3A_634 : i32 to index
    %swap3A_636 = arith.constant 0 : index
    %swap3A_637 = tpu.vector_load %arg13[%swap3A_635, %swap3A_636] {strides = array<i32>} : memref<128x16xf32, #tpu.memory_space<vmem>>, vector<1x16xf32>,
    %swap3A_638 = vector.shape_cast %swap3A_637 : vector<1x16xf32> to vector<16xf32>
    %swap3A_639 = vector.shape_cast %broadcast_in_dim3A_2 : vector<16xf32> to vector<1x16xf32>
    tpu.vector_store %arg13[%swap3A_635, %swap3A_636], %swap3A_639 {strides = array<i32>} : memref<128x16xf32, #tpu.memory_space<vmem>>, vector<1x16xf32>,
    %swap3A_640 = arith.constant 40 : i32
    %swap3A_641 = arith.index_cast %swap3A_640 : i32 to index
    %swap3A_642 = arith.constant 0 : index
    %swap3A_643 = tpu.vector_load %arg13[%swap3A_641, %swap3A_642] {strides = array<i32>} : memref<128x16xf32, #tpu.memory_space<vmem>>, vector<1x16xf32>,
    %swap3A_644 = vector.shape_cast %swap3A_643 : vector<1x16xf32> to vector<16xf32>
    %swap3A_645 = vector.shape_cast %broadcast_in_dim3A_2 : vector<16xf32> to vector<1x16xf32>
    tpu.vector_store %arg13[%swap3A_641, %swap3A_642], %swap3A_645 {strides = array<i32>} : memref<128x16xf32, #tpu.memory_space<vmem>>, vector<1x16xf32>,
    %swap3A_646 = arith.constant 41 : i32
    %swap3A_647 = arith.index_cast %swap3A_646 : i32 to index
    %swap3A_648 = arith.constant 0 : index
    %swap3A_649 = tpu.vector_load %arg13[%swap3A_647, %swap3A_648] {strides = array<i32>} : memref<128x16xf32, #tpu.memory_space<vmem>>, vector<1x16xf32>,
    %swap3A_650 = vector.shape_cast %swap3A_649 : vector<1x16xf32> to vector<16xf32>
    %swap3A_651 = vector.shape_cast %broadcast_in_dim3A_2 : vector<16xf32> to vector<1x16xf32>
    tpu.vector_store %arg13[%swap3A_647, %swap3A_648], %swap3A_651 {strides = array<i32>} : memref<128x16xf32, #tpu.memory_space<vmem>>, vector<1x16xf32>,
    %swap3A_652 = arith.constant 42 : i32
    %swap3A_653 = arith.index_cast %swap3A_652 : i32 to index
    %swap3A_654 = arith.constant 0 : index
    %swap3A_655 = tpu.vector_load %arg13[%swap3A_653, %swap3A_654] {strides = array<i32>} : memref<128x16xf32, #tpu.memory_space<vmem>>, vector<1x16xf32>,
    %swap3A_656 = vector.shape_cast %swap3A_655 : vector<1x16xf32> to vector<16xf32>
    %swap3A_657 = vector.shape_cast %broadcast_in_dim3A_2 : vector<16xf32> to vector<1x16xf32>
    tpu.vector_store %arg13[%swap3A_653, %swap3A_654], %swap3A_657 {strides = array<i32>} : memref<128x16xf32, #tpu.memory_space<vmem>>, vector<1x16xf32>,
    %swap3A_658 = arith.constant 43 : i32
    %swap3A_659 = arith.index_cast %swap3A_658 : i32 to index
    %swap3A_660 = arith.constant 0 : index
    %swap3A_661 = tpu.vector_load %arg13[%swap3A_659, %swap3A_660] {strides = array<i32>} : memref<128x16xf32, #tpu.memory_space<vmem>>, vector<1x16xf32>,
    %swap3A_662 = vector.shape_cast %swap3A_661 : vector<1x16xf32> to vector<16xf32>
    %swap3A_663 = vector.shape_cast %broadcast_in_dim3A_2 : vector<16xf32> to vector<1x16xf32>
    tpu.vector_store %arg13[%swap3A_659, %swap3A_660], %swap3A_663 {strides = array<i32>} : memref<128x16xf32, #tpu.memory_space<vmem>>, vector<1x16xf32>,
    %swap3A_664 = arith.constant 44 : i32
    %swap3A_665 = arith.index_cast %swap3A_664 : i32 to index
    %swap3A_666 = arith.constant 0 : index
    %swap3A_667 = tpu.vector_load %arg13[%swap3A_665, %swap3A_666] {strides = array<i32>} : memref<128x16xf32, #tpu.memory_space<vmem>>, vector<1x16xf32>,
    %swap3A_668 = vector.shape_cast %swap3A_667 : vector<1x16xf32> to vector<16xf32>
    %swap3A_669 = vector.shape_cast %broadcast_in_dim3A_2 : vector<16xf32> to vector<1x16xf32>
    tpu.vector_store %arg13[%swap3A_665, %swap3A_666], %swap3A_669 {strides = array<i32>} : memref<128x16xf32, #tpu.memory_space<vmem>>, vector<1x16xf32>,
    %swap3A_670 = arith.constant 45 : i32
    %swap3A_671 = arith.index_cast %swap3A_670 : i32 to index
    %swap3A_672 = arith.constant 0 : index
    %swap3A_673 = tpu.vector_load %arg13[%swap3A_671, %swap3A_672] {strides = array<i32>} : memref<128x16xf32, #tpu.memory_space<vmem>>, vector<1x16xf32>,
    %swap3A_674 = vector.shape_cast %swap3A_673 : vector<1x16xf32> to vector<16xf32>
    %swap3A_675 = vector.shape_cast %broadcast_in_dim3A_2 : vector<16xf32> to vector<1x16xf32>
    tpu.vector_store %arg13[%swap3A_671, %swap3A_672], %swap3A_675 {strides = array<i32>} : memref<128x16xf32, #tpu.memory_space<vmem>>, vector<1x16xf32>,
    %swap3A_676 = arith.constant 46 : i32
    %swap3A_677 = arith.index_cast %swap3A_676 : i32 to index
    %swap3A_678 = arith.constant 0 : index
    %swap3A_679 = tpu.vector_load %arg13[%swap3A_677, %swap3A_678] {strides = array<i32>} : memref<128x16xf32, #tpu.memory_space<vmem>>, vector<1x16xf32>,
    %swap3A_680 = vector.shape_cast %swap3A_679 : vector<1x16xf32> to vector<16xf32>
    %swap3A_681 = vector.shape_cast %broadcast_in_dim3A_2 : vector<16xf32> to vector<1x16xf32>
    tpu.vector_store %arg13[%swap3A_677, %swap3A_678], %swap3A_681 {strides = array<i32>} : memref<128x16xf32, #tpu.memory_space<vmem>>, vector<1x16xf32>,
    %swap3A_682 = arith.constant 47 : i32
    %swap3A_683 = arith.index_cast %swap3A_682 : i32 to index
    %swap3A_684 = arith.constant 0 : index
    %swap3A_685 = tpu.vector_load %arg13[%swap3A_683, %swap3A_684] {strides = array<i32>} : memref<128x16xf32, #tpu.memory_space<vmem>>, vector<1x16xf32>,
    %swap3A_686 = vector.shape_cast %swap3A_685 : vector<1x16xf32> to vector<16xf32>
    %swap3A_687 = vector.shape_cast %broadcast_in_dim3A_2 : vector<16xf32> to vector<1x16xf32>
    tpu.vector_store %arg13[%swap3A_683, %swap3A_684], %swap3A_687 {strides = array<i32>} : memref<128x16xf32, #tpu.memory_space<vmem>>, vector<1x16xf32>,
    %swap3A_688 = arith.constant 48 : i32
    %swap3A_689 = arith.index_cast %swap3A_688 : i32 to index
    %swap3A_690 = arith.constant 0 : index
    %swap3A_691 = tpu.vector_load %arg13[%swap3A_689, %swap3A_690] {strides = array<i32>} : memref<128x16xf32, #tpu.memory_space<vmem>>, vector<1x16xf32>,
    %swap3A_692 = vector.shape_cast %swap3A_691 : vector<1x16xf32> to vector<16xf32>
    %swap3A_693 = vector.shape_cast %broadcast_in_dim3A_2 : vector<16xf32> to vector<1x16xf32>
    tpu.vector_store %arg13[%swap3A_689, %swap3A_690], %swap3A_693 {strides = array<i32>} : memref<128x16xf32, #tpu.memory_space<vmem>>, vector<1x16xf32>,
    %swap3A_694 = arith.constant 49 : i32
    %swap3A_695 = arith.index_cast %swap3A_694 : i32 to index
    %swap3A_696 = arith.constant 0 : index
    %swap3A_697 = tpu.vector_load %arg13[%swap3A_695, %swap3A_696] {strides = array<i32>} : memref<128x16xf32, #tpu.memory_space<vmem>>, vector<1x16xf32>,
    %swap3A_698 = vector.shape_cast %swap3A_697 : vector<1x16xf32> to vector<16xf32>
    %swap3A_699 = vector.shape_cast %broadcast_in_dim3A_2 : vector<16xf32> to vector<1x16xf32>
    tpu.vector_store %arg13[%swap3A_695, %swap3A_696], %swap3A_699 {strides = array<i32>} : memref<128x16xf32, #tpu.memory_space<vmem>>, vector<1x16xf32>,
    %swap3A_700 = arith.constant 50 : i32
    %swap3A_701 = arith.index_cast %swap3A_700 : i32 to index
    %swap3A_702 = arith.constant 0 : index
    %swap3A_703 = tpu.vector_load %arg13[%swap3A_701, %swap3A_702] {strides = array<i32>} : memref<128x16xf32, #tpu.memory_space<vmem>>, vector<1x16xf32>,
    %swap3A_704 = vector.shape_cast %swap3A_703 : vector<1x16xf32> to vector<16xf32>
    %swap3A_705 = vector.shape_cast %broadcast_in_dim3A_2 : vector<16xf32> to vector<1x16xf32>
    tpu.vector_store %arg13[%swap3A_701, %swap3A_702], %swap3A_705 {strides = array<i32>} : memref<128x16xf32, #tpu.memory_space<vmem>>, vector<1x16xf32>,
    %swap3A_706 = arith.constant 51 : i32
    %swap3A_707 = arith.index_cast %swap3A_706 : i32 to index
    %swap3A_708 = arith.constant 0 : index
    %swap3A_709 = tpu.vector_load %arg13[%swap3A_707, %swap3A_708] {strides = array<i32>} : memref<128x16xf32, #tpu.memory_space<vmem>>, vector<1x16xf32>,
    %swap3A_710 = vector.shape_cast %swap3A_709 : vector<1x16xf32> to vector<16xf32>
    %swap3A_711 = vector.shape_cast %broadcast_in_dim3A_2 : vector<16xf32> to vector<1x16xf32>
    tpu.vector_store %arg13[%swap3A_707, %swap3A_708], %swap3A_711 {strides = array<i32>} : memref<128x16xf32, #tpu.memory_space<vmem>>, vector<1x16xf32>,
    %swap3A_712 = arith.constant 52 : i32
    %swap3A_713 = arith.index_cast %swap3A_712 : i32 to index
    %swap3A_714 = arith.constant 0 : index
    %swap3A_715 = tpu.vector_load %arg13[%swap3A_713, %swap3A_714] {strides = array<i32>} : memref<128x16xf32, #tpu.memory_space<vmem>>, vector<1x16xf32>,
    %swap3A_716 = vector.shape_cast %swap3A_715 : vector<1x16xf32> to vector<16xf32>
    %swap3A_717 = vector.shape_cast %broadcast_in_dim3A_2 : vector<16xf32> to vector<1x16xf32>
    tpu.vector_store %arg13[%swap3A_713, %swap3A_714], %swap3A_717 {strides = array<i32>} : memref<128x16xf32, #tpu.memory_space<vmem>>, vector<1x16xf32>,
    %swap3A_718 = arith.constant 53 : i32
    %swap3A_719 = arith.index_cast %swap3A_718 : i32 to index
    %swap3A_720 = arith.constant 0 : index
    %swap3A_721 = tpu.vector_load %arg13[%swap3A_719, %swap3A_720] {strides = array<i32>} : memref<128x16xf32, #tpu.memory_space<vmem>>, vector<1x16xf32>,
    %swap3A_722 = vector.shape_cast %swap3A_721 : vector<1x16xf32> to vector<16xf32>
    %swap3A_723 = vector.shape_cast %broadcast_in_dim3A_2 : vector<16xf32> to vector<1x16xf32>
    tpu.vector_store %arg13[%swap3A_719, %swap3A_720], %swap3A_723 {strides = array<i32>} : memref<128x16xf32, #tpu.memory_space<vmem>>, vector<1x16xf32>,
    %swap3A_724 = arith.constant 54 : i32
    %swap3A_725 = arith.index_cast %swap3A_724 : i32 to index
    %swap3A_726 = arith.constant 0 : index
    %swap3A_727 = tpu.vector_load %arg13[%swap3A_725, %swap3A_726] {strides = array<i32>} : memref<128x16xf32, #tpu.memory_space<vmem>>, vector<1x16xf32>,
    %swap3A_728 = vector.shape_cast %swap3A_727 : vector<1x16xf32> to vector<16xf32>
    %swap3A_729 = vector.shape_cast %broadcast_in_dim3A_2 : vector<16xf32> to vector<1x16xf32>
    tpu.vector_store %arg13[%swap3A_725, %swap3A_726], %swap3A_729 {strides = array<i32>} : memref<128x16xf32, #tpu.memory_space<vmem>>, vector<1x16xf32>,
    %swap3A_730 = arith.constant 55 : i32
    %swap3A_731 = arith.index_cast %swap3A_730 : i32 to index
    %swap3A_732 = arith.constant 0 : index
    %swap3A_733 = tpu.vector_load %arg13[%swap3A_731, %swap3A_732] {strides = array<i32>} : memref<128x16xf32, #tpu.memory_space<vmem>>, vector<1x16xf32>,
    %swap3A_734 = vector.shape_cast %swap3A_733 : vector<1x16xf32> to vector<16xf32>
    %swap3A_735 = vector.shape_cast %broadcast_in_dim3A_2 : vector<16xf32> to vector<1x16xf32>
    tpu.vector_store %arg13[%swap3A_731, %swap3A_732], %swap3A_735 {strides = array<i32>} : memref<128x16xf32, #tpu.memory_space<vmem>>, vector<1x16xf32>,
    %swap3A_736 = arith.constant 56 : i32
    %swap3A_737 = arith.index_cast %swap3A_736 : i32 to index
    %swap3A_738 = arith.constant 0 : index
    %swap3A_739 = tpu.vector_load %arg13[%swap3A_737, %swap3A_738] {strides = array<i32>} : memref<128x16xf32, #tpu.memory_space<vmem>>, vector<1x16xf32>,
    %swap3A_740 = vector.shape_cast %swap3A_739 : vector<1x16xf32> to vector<16xf32>
    %swap3A_741 = vector.shape_cast %broadcast_in_dim3A_2 : vector<16xf32> to vector<1x16xf32>
    tpu.vector_store %arg13[%swap3A_737, %swap3A_738], %swap3A_741 {strides = array<i32>} : memref<128x16xf32, #tpu.memory_space<vmem>>, vector<1x16xf32>,
    %swap3A_742 = arith.constant 57 : i32
    %swap3A_743 = arith.index_cast %swap3A_742 : i32 to index
    %swap3A_744 = arith.constant 0 : index
    %swap3A_745 = tpu.vector_load %arg13[%swap3A_743, %swap3A_744] {strides = array<i32>} : memref<128x16xf32, #tpu.memory_space<vmem>>, vector<1x16xf32>,
    %swap3A_746 = vector.shape_cast %swap3A_745 : vector<1x16xf32> to vector<16xf32>
    %swap3A_747 = vector.shape_cast %broadcast_in_dim3A_2 : vector<16xf32> to vector<1x16xf32>
    tpu.vector_store %arg13[%swap3A_743, %swap3A_744], %swap3A_747 {strides = array<i32>} : memref<128x16xf32, #tpu.memory_space<vmem>>, vector<1x16xf32>,
    %swap3A_748 = arith.constant 58 : i32
    %swap3A_749 = arith.index_cast %swap3A_748 : i32 to index
    %swap3A_750 = arith.constant 0 : index
    %swap3A_751 = tpu.vector_load %arg13[%swap3A_749, %swap3A_750] {strides = array<i32>} : memref<128x16xf32, #tpu.memory_space<vmem>>, vector<1x16xf32>,
    %swap3A_752 = vector.shape_cast %swap3A_751 : vector<1x16xf32> to vector<16xf32>
    %swap3A_753 = vector.shape_cast %broadcast_in_dim3A_2 : vector<16xf32> to vector<1x16xf32>
    tpu.vector_store %arg13[%swap3A_749, %swap3A_750], %swap3A_753 {strides = array<i32>} : memref<128x16xf32, #tpu.memory_space<vmem>>, vector<1x16xf32>,
    %swap3A_754 = arith.constant 59 : i32
    %swap3A_755 = arith.index_cast %swap3A_754 : i32 to index
    %swap3A_756 = arith.constant 0 : index
    %swap3A_757 = tpu.vector_load %arg13[%swap3A_755, %swap3A_756] {strides = array<i32>} : memref<128x16xf32, #tpu.memory_space<vmem>>, vector<1x16xf32>,
    %swap3A_758 = vector.shape_cast %swap3A_757 : vector<1x16xf32> to vector<16xf32>
    %swap3A_759 = vector.shape_cast %broadcast_in_dim3A_2 : vector<16xf32> to vector<1x16xf32>
    tpu.vector_store %arg13[%swap3A_755, %swap3A_756], %swap3A_759 {strides = array<i32>} : memref<128x16xf32, #tpu.memory_space<vmem>>, vector<1x16xf32>,
    %swap3A_760 = arith.constant 60 : i32
    %swap3A_761 = arith.index_cast %swap3A_760 : i32 to index
    %swap3A_762 = arith.constant 0 : index
    %swap3A_763 = tpu.vector_load %arg13[%swap3A_761, %swap3A_762] {strides = array<i32>} : memref<128x16xf32, #tpu.memory_space<vmem>>, vector<1x16xf32>,
    %swap3A_764 = vector.shape_cast %swap3A_763 : vector<1x16xf32> to vector<16xf32>
    %swap3A_765 = vector.shape_cast %broadcast_in_dim3A_2 : vector<16xf32> to vector<1x16xf32>
    tpu.vector_store %arg13[%swap3A_761, %swap3A_762], %swap3A_765 {strides = array<i32>} : memref<128x16xf32, #tpu.memory_space<vmem>>, vector<1x16xf32>,
    %swap3A_766 = arith.constant 61 : i32
    %swap3A_767 = arith.index_cast %swap3A_766 : i32 to index
    %swap3A_768 = arith.constant 0 : index
    %swap3A_769 = tpu.vector_load %arg13[%swap3A_767, %swap3A_768] {strides = array<i32>} : memref<128x16xf32, #tpu.memory_space<vmem>>, vector<1x16xf32>,
    %swap3A_770 = vector.shape_cast %swap3A_769 : vector<1x16xf32> to vector<16xf32>
    %swap3A_771 = vector.shape_cast %broadcast_in_dim3A_2 : vector<16xf32> to vector<1x16xf32>
    tpu.vector_store %arg13[%swap3A_767, %swap3A_768], %swap3A_771 {strides = array<i32>} : memref<128x16xf32, #tpu.memory_space<vmem>>, vector<1x16xf32>,
    %swap3A_772 = arith.constant 62 : i32
    %swap3A_773 = arith.index_cast %swap3A_772 : i32 to index
    %swap3A_774 = arith.constant 0 : index
    %swap3A_775 = tpu.vector_load %arg13[%swap3A_773, %swap3A_774] {strides = array<i32>} : memref<128x16xf32, #tpu.memory_space<vmem>>, vector<1x16xf32>,
    %swap3A_776 = vector.shape_cast %swap3A_775 : vector<1x16xf32> to vector<16xf32>
    %swap3A_777 = vector.shape_cast %broadcast_in_dim3A_2 : vector<16xf32> to vector<1x16xf32>
    tpu.vector_store %arg13[%swap3A_773, %swap3A_774], %swap3A_777 {strides = array<i32>} : memref<128x16xf32, #tpu.memory_space<vmem>>, vector<1x16xf32>,
    %swap3A_778 = arith.constant 63 : i32
    %swap3A_779 = arith.index_cast %swap3A_778 : i32 to index
    %swap3A_780 = arith.constant 0 : index
    %swap3A_781 = tpu.vector_load %arg13[%swap3A_779, %swap3A_780] {strides = array<i32>} : memref<128x16xf32, #tpu.memory_space<vmem>>, vector<1x16xf32>,
    %swap3A_782 = vector.shape_cast %swap3A_781 : vector<1x16xf32> to vector<16xf32>
    %swap3A_783 = vector.shape_cast %broadcast_in_dim3A_2 : vector<16xf32> to vector<1x16xf32>
    tpu.vector_store %arg13[%swap3A_779, %swap3A_780], %swap3A_783 {strides = array<i32>} : memref<128x16xf32, #tpu.memory_space<vmem>>, vector<1x16xf32>,
    %swap3A_784 = arith.constant 64 : i32
    %swap3A_785 = arith.index_cast %swap3A_784 : i32 to index
    %swap3A_786 = arith.constant 0 : index
    %swap3A_787 = tpu.vector_load %arg13[%swap3A_785, %swap3A_786] {strides = array<i32>} : memref<128x16xf32, #tpu.memory_space<vmem>>, vector<1x16xf32>,
    %swap3A_788 = vector.shape_cast %swap3A_787 : vector<1x16xf32> to vector<16xf32>
    %swap3A_789 = vector.shape_cast %broadcast_in_dim3A_2 : vector<16xf32> to vector<1x16xf32>
    tpu.vector_store %arg13[%swap3A_785, %swap3A_786], %swap3A_789 {strides = array<i32>} : memref<128x16xf32, #tpu.memory_space<vmem>>, vector<1x16xf32>,
    %swap3A_790 = arith.constant 65 : i32
    %swap3A_791 = arith.index_cast %swap3A_790 : i32 to index
    %swap3A_792 = arith.constant 0 : index
    %swap3A_793 = tpu.vector_load %arg13[%swap3A_791, %swap3A_792] {strides = array<i32>} : memref<128x16xf32, #tpu.memory_space<vmem>>, vector<1x16xf32>,
    %swap3A_794 = vector.shape_cast %swap3A_793 : vector<1x16xf32> to vector<16xf32>
    %swap3A_795 = vector.shape_cast %broadcast_in_dim3A_2 : vector<16xf32> to vector<1x16xf32>
    tpu.vector_store %arg13[%swap3A_791, %swap3A_792], %swap3A_795 {strides = array<i32>} : memref<128x16xf32, #tpu.memory_space<vmem>>, vector<1x16xf32>,
    %swap3A_796 = arith.constant 66 : i32
    %swap3A_797 = arith.index_cast %swap3A_796 : i32 to index
    %swap3A_798 = arith.constant 0 : index
    %swap3A_799 = tpu.vector_load %arg13[%swap3A_797, %swap3A_798] {strides = array<i32>} : memref<128x16xf32, #tpu.memory_space<vmem>>, vector<1x16xf32>,
    %swap3A_800 = vector.shape_cast %swap3A_799 : vector<1x16xf32> to vector<16xf32>
    %swap3A_801 = vector.shape_cast %broadcast_in_dim3A_2 : vector<16xf32> to vector<1x16xf32>
    tpu.vector_store %arg13[%swap3A_797, %swap3A_798], %swap3A_801 {strides = array<i32>} : memref<128x16xf32, #tpu.memory_space<vmem>>, vector<1x16xf32>,
    %swap3A_802 = arith.constant 67 : i32
    %swap3A_803 = arith.index_cast %swap3A_802 : i32 to index
    %swap3A_804 = arith.constant 0 : index
    %swap3A_805 = tpu.vector_load %arg13[%swap3A_803, %swap3A_804] {strides = array<i32>} : memref<128x16xf32, #tpu.memory_space<vmem>>, vector<1x16xf32>,
    %swap3A_806 = vector.shape_cast %swap3A_805 : vector<1x16xf32> to vector<16xf32>
    %swap3A_807 = vector.shape_cast %broadcast_in_dim3A_2 : vector<16xf32> to vector<1x16xf32>
    tpu.vector_store %arg13[%swap3A_803, %swap3A_804], %swap3A_807 {strides = array<i32>} : memref<128x16xf32, #tpu.memory_space<vmem>>, vector<1x16xf32>,
    %swap3A_808 = arith.constant 68 : i32
    %swap3A_809 = arith.index_cast %swap3A_808 : i32 to index
    %swap3A_810 = arith.constant 0 : index
    %swap3A_811 = tpu.vector_load %arg13[%swap3A_809, %swap3A_810] {strides = array<i32>} : memref<128x16xf32, #tpu.memory_space<vmem>>, vector<1x16xf32>,
    %swap3A_812 = vector.shape_cast %swap3A_811 : vector<1x16xf32> to vector<16xf32>
    %swap3A_813 = vector.shape_cast %broadcast_in_dim3A_2 : vector<16xf32> to vector<1x16xf32>
    tpu.vector_store %arg13[%swap3A_809, %swap3A_810], %swap3A_813 {strides = array<i32>} : memref<128x16xf32, #tpu.memory_space<vmem>>, vector<1x16xf32>,
    %swap3A_814 = arith.constant 69 : i32
    %swap3A_815 = arith.index_cast %swap3A_814 : i32 to index
    %swap3A_816 = arith.constant 0 : index
    %swap3A_817 = tpu.vector_load %arg13[%swap3A_815, %swap3A_816] {strides = array<i32>} : memref<128x16xf32, #tpu.memory_space<vmem>>, vector<1x16xf32>,
    %swap3A_818 = vector.shape_cast %swap3A_817 : vector<1x16xf32> to vector<16xf32>
    %swap3A_819 = vector.shape_cast %broadcast_in_dim3A_2 : vector<16xf32> to vector<1x16xf32>
    tpu.vector_store %arg13[%swap3A_815, %swap3A_816], %swap3A_819 {strides = array<i32>} : memref<128x16xf32, #tpu.memory_space<vmem>>, vector<1x16xf32>,
    %swap3A_820 = arith.constant 70 : i32
    %swap3A_821 = arith.index_cast %swap3A_820 : i32 to index
    %swap3A_822 = arith.constant 0 : index
    %swap3A_823 = tpu.vector_load %arg13[%swap3A_821, %swap3A_822] {strides = array<i32>} : memref<128x16xf32, #tpu.memory_space<vmem>>, vector<1x16xf32>,
    %swap3A_824 = vector.shape_cast %swap3A_823 : vector<1x16xf32> to vector<16xf32>
    %swap3A_825 = vector.shape_cast %broadcast_in_dim3A_2 : vector<16xf32> to vector<1x16xf32>
    tpu.vector_store %arg13[%swap3A_821, %swap3A_822], %swap3A_825 {strides = array<i32>} : memref<128x16xf32, #tpu.memory_space<vmem>>, vector<1x16xf32>,
    %swap3A_826 = arith.constant 71 : i32
    %swap3A_827 = arith.index_cast %swap3A_826 : i32 to index
    %swap3A_828 = arith.constant 0 : index
    %swap3A_829 = tpu.vector_load %arg13[%swap3A_827, %swap3A_828] {strides = array<i32>} : memref<128x16xf32, #tpu.memory_space<vmem>>, vector<1x16xf32>,
    %swap3A_830 = vector.shape_cast %swap3A_829 : vector<1x16xf32> to vector<16xf32>
    %swap3A_831 = vector.shape_cast %broadcast_in_dim3A_2 : vector<16xf32> to vector<1x16xf32>
    tpu.vector_store %arg13[%swap3A_827, %swap3A_828], %swap3A_831 {strides = array<i32>} : memref<128x16xf32, #tpu.memory_space<vmem>>, vector<1x16xf32>,
    %swap3A_832 = arith.constant 72 : i32
    %swap3A_833 = arith.index_cast %swap3A_832 : i32 to index
    %swap3A_834 = arith.constant 0 : index
    %swap3A_835 = tpu.vector_load %arg13[%swap3A_833, %swap3A_834] {strides = array<i32>} : memref<128x16xf32, #tpu.memory_space<vmem>>, vector<1x16xf32>,
    %swap3A_836 = vector.shape_cast %swap3A_835 : vector<1x16xf32> to vector<16xf32>
    %swap3A_837 = vector.shape_cast %broadcast_in_dim3A_2 : vector<16xf32> to vector<1x16xf32>
    tpu.vector_store %arg13[%swap3A_833, %swap3A_834], %swap3A_837 {strides = array<i32>} : memref<128x16xf32, #tpu.memory_space<vmem>>, vector<1x16xf32>,
    %swap3A_838 = arith.constant 73 : i32
    %swap3A_839 = arith.index_cast %swap3A_838 : i32 to index
    %swap3A_840 = arith.constant 0 : index
    %swap3A_841 = tpu.vector_load %arg13[%swap3A_839, %swap3A_840] {strides = array<i32>} : memref<128x16xf32, #tpu.memory_space<vmem>>, vector<1x16xf32>,
    %swap3A_842 = vector.shape_cast %swap3A_841 : vector<1x16xf32> to vector<16xf32>
    %swap3A_843 = vector.shape_cast %broadcast_in_dim3A_2 : vector<16xf32> to vector<1x16xf32>
    tpu.vector_store %arg13[%swap3A_839, %swap3A_840], %swap3A_843 {strides = array<i32>} : memref<128x16xf32, #tpu.memory_space<vmem>>, vector<1x16xf32>,
    %swap3A_844 = arith.constant 74 : i32
    %swap3A_845 = arith.index_cast %swap3A_844 : i32 to index
    %swap3A_846 = arith.constant 0 : index
    %swap3A_847 = tpu.vector_load %arg13[%swap3A_845, %swap3A_846] {strides = array<i32>} : memref<128x16xf32, #tpu.memory_space<vmem>>, vector<1x16xf32>,
    %swap3A_848 = vector.shape_cast %swap3A_847 : vector<1x16xf32> to vector<16xf32>
    %swap3A_849 = vector.shape_cast %broadcast_in_dim3A_2 : vector<16xf32> to vector<1x16xf32>
    tpu.vector_store %arg13[%swap3A_845, %swap3A_846], %swap3A_849 {strides = array<i32>} : memref<128x16xf32, #tpu.memory_space<vmem>>, vector<1x16xf32>,
    %swap3A_850 = arith.constant 75 : i32
    %swap3A_851 = arith.index_cast %swap3A_850 : i32 to index
    %swap3A_852 = arith.constant 0 : index
    %swap3A_853 = tpu.vector_load %arg13[%swap3A_851, %swap3A_852] {strides = array<i32>} : memref<128x16xf32, #tpu.memory_space<vmem>>, vector<1x16xf32>,
    %swap3A_854 = vector.shape_cast %swap3A_853 : vector<1x16xf32> to vector<16xf32>
    %swap3A_855 = vector.shape_cast %broadcast_in_dim3A_2 : vector<16xf32> to vector<1x16xf32>
    tpu.vector_store %arg13[%swap3A_851, %swap3A_852], %swap3A_855 {strides = array<i32>} : memref<128x16xf32, #tpu.memory_space<vmem>>, vector<1x16xf32>,
    %swap3A_856 = arith.constant 76 : i32
    %swap3A_857 = arith.index_cast %swap3A_856 : i32 to index
    %swap3A_858 = arith.constant 0 : index
    %swap3A_859 = tpu.vector_load %arg13[%swap3A_857, %swap3A_858] {strides = array<i32>} : memref<128x16xf32, #tpu.memory_space<vmem>>, vector<1x16xf32>,
    %swap3A_860 = vector.shape_cast %swap3A_859 : vector<1x16xf32> to vector<16xf32>
    %swap3A_861 = vector.shape_cast %broadcast_in_dim3A_2 : vector<16xf32> to vector<1x16xf32>
    tpu.vector_store %arg13[%swap3A_857, %swap3A_858], %swap3A_861 {strides = array<i32>} : memref<128x16xf32, #tpu.memory_space<vmem>>, vector<1x16xf32>,
    %swap3A_862 = arith.constant 77 : i32
    %swap3A_863 = arith.index_cast %swap3A_862 : i32 to index
    %swap3A_864 = arith.constant 0 : index
    %swap3A_865 = tpu.vector_load %arg13[%swap3A_863, %swap3A_864] {strides = array<i32>} : memref<128x16xf32, #tpu.memory_space<vmem>>, vector<1x16xf32>,
    %swap3A_866 = vector.shape_cast %swap3A_865 : vector<1x16xf32> to vector<16xf32>
    %swap3A_867 = vector.shape_cast %broadcast_in_dim3A_2 : vector<16xf32> to vector<1x16xf32>
    tpu.vector_store %arg13[%swap3A_863, %swap3A_864], %swap3A_867 {strides = array<i32>} : memref<128x16xf32, #tpu.memory_space<vmem>>, vector<1x16xf32>,
    %swap3A_868 = arith.constant 78 : i32
    %swap3A_869 = arith.index_cast %swap3A_868 : i32 to index
    %swap3A_870 = arith.constant 0 : index
    %swap3A_871 = tpu.vector_load %arg13[%swap3A_869, %swap3A_870] {strides = array<i32>} : memref<128x16xf32, #tpu.memory_space<vmem>>, vector<1x16xf32>,
    %swap3A_872 = vector.shape_cast %swap3A_871 : vector<1x16xf32> to vector<16xf32>
    %swap3A_873 = vector.shape_cast %broadcast_in_dim3A_2 : vector<16xf32> to vector<1x16xf32>
    tpu.vector_store %arg13[%swap3A_869, %swap3A_870], %swap3A_873 {strides = array<i32>} : memref<128x16xf32, #tpu.memory_space<vmem>>, vector<1x16xf32>,
    %swap3A_874 = arith.constant 79 : i32
    %swap3A_875 = arith.index_cast %swap3A_874 : i32 to index
    %swap3A_876 = arith.constant 0 : index
    %swap3A_877 = tpu.vector_load %arg13[%swap3A_875, %swap3A_876] {strides = array<i32>} : memref<128x16xf32, #tpu.memory_space<vmem>>, vector<1x16xf32>,
    %swap3A_878 = vector.shape_cast %swap3A_877 : vector<1x16xf32> to vector<16xf32>
    %swap3A_879 = vector.shape_cast %broadcast_in_dim3A_2 : vector<16xf32> to vector<1x16xf32>
    tpu.vector_store %arg13[%swap3A_875, %swap3A_876], %swap3A_879 {strides = array<i32>} : memref<128x16xf32, #tpu.memory_space<vmem>>, vector<1x16xf32>,
    %swap3A_880 = arith.constant 80 : i32
    %swap3A_881 = arith.index_cast %swap3A_880 : i32 to index
    %swap3A_882 = arith.constant 0 : index
    %swap3A_883 = tpu.vector_load %arg13[%swap3A_881, %swap3A_882] {strides = array<i32>} : memref<128x16xf32, #tpu.memory_space<vmem>>, vector<1x16xf32>,
    %swap3A_884 = vector.shape_cast %swap3A_883 : vector<1x16xf32> to vector<16xf32>
    %swap3A_885 = vector.shape_cast %broadcast_in_dim3A_2 : vector<16xf32> to vector<1x16xf32>
    tpu.vector_store %arg13[%swap3A_881, %swap3A_882], %swap3A_885 {strides = array<i32>} : memref<128x16xf32, #tpu.memory_space<vmem>>, vector<1x16xf32>,
    %swap3A_886 = arith.constant 81 : i32
    %swap3A_887 = arith.index_cast %swap3A_886 : i32 to index
    %swap3A_888 = arith.constant 0 : index
    %swap3A_889 = tpu.vector_load %arg13[%swap3A_887, %swap3A_888] {strides = array<i32>} : memref<128x16xf32, #tpu.memory_space<vmem>>, vector<1x16xf32>,
    %swap3A_890 = vector.shape_cast %swap3A_889 : vector<1x16xf32> to vector<16xf32>
    %swap3A_891 = vector.shape_cast %broadcast_in_dim3A_2 : vector<16xf32> to vector<1x16xf32>
    tpu.vector_store %arg13[%swap3A_887, %swap3A_888], %swap3A_891 {strides = array<i32>} : memref<128x16xf32, #tpu.memory_space<vmem>>, vector<1x16xf32>,
    %swap3A_892 = arith.constant 82 : i32
    %swap3A_893 = arith.index_cast %swap3A_892 : i32 to index
    %swap3A_894 = arith.constant 0 : index
    %swap3A_895 = tpu.vector_load %arg13[%swap3A_893, %swap3A_894] {strides = array<i32>} : memref<128x16xf32, #tpu.memory_space<vmem>>, vector<1x16xf32>,
    %swap3A_896 = vector.shape_cast %swap3A_895 : vector<1x16xf32> to vector<16xf32>
    %swap3A_897 = vector.shape_cast %broadcast_in_dim3A_2 : vector<16xf32> to vector<1x16xf32>
    tpu.vector_store %arg13[%swap3A_893, %swap3A_894], %swap3A_897 {strides = array<i32>} : memref<128x16xf32, #tpu.memory_space<vmem>>, vector<1x16xf32>,
    %swap3A_898 = arith.constant 83 : i32
    %swap3A_899 = arith.index_cast %swap3A_898 : i32 to index
    %swap3A_900 = arith.constant 0 : index
    %swap3A_901 = tpu.vector_load %arg13[%swap3A_899, %swap3A_900] {strides = array<i32>} : memref<128x16xf32, #tpu.memory_space<vmem>>, vector<1x16xf32>,
    %swap3A_902 = vector.shape_cast %swap3A_901 : vector<1x16xf32> to vector<16xf32>
    %swap3A_903 = vector.shape_cast %broadcast_in_dim3A_2 : vector<16xf32> to vector<1x16xf32>
    tpu.vector_store %arg13[%swap3A_899, %swap3A_900], %swap3A_903 {strides = array<i32>} : memref<128x16xf32, #tpu.memory_space<vmem>>, vector<1x16xf32>,
    %swap3A_904 = arith.constant 84 : i32
    %swap3A_905 = arith.index_cast %swap3A_904 : i32 to index
    %swap3A_906 = arith.constant 0 : index
    %swap3A_907 = tpu.vector_load %arg13[%swap3A_905, %swap3A_906] {strides = array<i32>} : memref<128x16xf32, #tpu.memory_space<vmem>>, vector<1x16xf32>,
    %swap3A_908 = vector.shape_cast %swap3A_907 : vector<1x16xf32> to vector<16xf32>
    %swap3A_909 = vector.shape_cast %broadcast_in_dim3A_2 : vector<16xf32> to vector<1x16xf32>
    tpu.vector_store %arg13[%swap3A_905, %swap3A_906], %swap3A_909 {strides = array<i32>} : memref<128x16xf32, #tpu.memory_space<vmem>>, vector<1x16xf32>,
    %swap3A_910 = arith.constant 85 : i32
    %swap3A_911 = arith.index_cast %swap3A_910 : i32 to index
    %swap3A_912 = arith.constant 0 : index
    %swap3A_913 = tpu.vector_load %arg13[%swap3A_911, %swap3A_912] {strides = array<i32>} : memref<128x16xf32, #tpu.memory_space<vmem>>, vector<1x16xf32>,
    %swap3A_914 = vector.shape_cast %swap3A_913 : vector<1x16xf32> to vector<16xf32>
    %swap3A_915 = vector.shape_cast %broadcast_in_dim3A_2 : vector<16xf32> to vector<1x16xf32>
    tpu.vector_store %arg13[%swap3A_911, %swap3A_912], %swap3A_915 {strides = array<i32>} : memref<128x16xf32, #tpu.memory_space<vmem>>, vector<1x16xf32>,
    %swap3A_916 = arith.constant 86 : i32
    %swap3A_917 = arith.index_cast %swap3A_916 : i32 to index
    %swap3A_918 = arith.constant 0 : index
    %swap3A_919 = tpu.vector_load %arg13[%swap3A_917, %swap3A_918] {strides = array<i32>} : memref<128x16xf32, #tpu.memory_space<vmem>>, vector<1x16xf32>,
    %swap3A_920 = vector.shape_cast %swap3A_919 : vector<1x16xf32> to vector<16xf32>
    %swap3A_921 = vector.shape_cast %broadcast_in_dim3A_2 : vector<16xf32> to vector<1x16xf32>
    tpu.vector_store %arg13[%swap3A_917, %swap3A_918], %swap3A_921 {strides = array<i32>} : memref<128x16xf32, #tpu.memory_space<vmem>>, vector<1x16xf32>,
    %swap3A_922 = arith.constant 87 : i32
    %swap3A_923 = arith.index_cast %swap3A_922 : i32 to index
    %swap3A_924 = arith.constant 0 : index
    %swap3A_925 = tpu.vector_load %arg13[%swap3A_923, %swap3A_924] {strides = array<i32>} : memref<128x16xf32, #tpu.memory_space<vmem>>, vector<1x16xf32>,
    %swap3A_926 = vector.shape_cast %swap3A_925 : vector<1x16xf32> to vector<16xf32>
    %swap3A_927 = vector.shape_cast %broadcast_in_dim3A_2 : vector<16xf32> to vector<1x16xf32>
    tpu.vector_store %arg13[%swap3A_923, %swap3A_924], %swap3A_927 {strides = array<i32>} : memref<128x16xf32, #tpu.memory_space<vmem>>, vector<1x16xf32>,
    %swap3A_928 = arith.constant 88 : i32
    %swap3A_929 = arith.index_cast %swap3A_928 : i32 to index
    %swap3A_930 = arith.constant 0 : index
    %swap3A_931 = tpu.vector_load %arg13[%swap3A_929, %swap3A_930] {strides = array<i32>} : memref<128x16xf32, #tpu.memory_space<vmem>>, vector<1x16xf32>,
    %swap3A_932 = vector.shape_cast %swap3A_931 : vector<1x16xf32> to vector<16xf32>
    %swap3A_933 = vector.shape_cast %broadcast_in_dim3A_2 : vector<16xf32> to vector<1x16xf32>
    tpu.vector_store %arg13[%swap3A_929, %swap3A_930], %swap3A_933 {strides = array<i32>} : memref<128x16xf32, #tpu.memory_space<vmem>>, vector<1x16xf32>,
    %swap3A_934 = arith.constant 89 : i32
    %swap3A_935 = arith.index_cast %swap3A_934 : i32 to index
    %swap3A_936 = arith.constant 0 : index
    %swap3A_937 = tpu.vector_load %arg13[%swap3A_935, %swap3A_936] {strides = array<i32>} : memref<128x16xf32, #tpu.memory_space<vmem>>, vector<1x16xf32>,
    %swap3A_938 = vector.shape_cast %swap3A_937 : vector<1x16xf32> to vector<16xf32>
    %swap3A_939 = vector.shape_cast %broadcast_in_dim3A_2 : vector<16xf32> to vector<1x16xf32>
    tpu.vector_store %arg13[%swap3A_935, %swap3A_936], %swap3A_939 {strides = array<i32>} : memref<128x16xf32, #tpu.memory_space<vmem>>, vector<1x16xf32>,
    %swap3A_940 = arith.constant 90 : i32
    %swap3A_941 = arith.index_cast %swap3A_940 : i32 to index
    %swap3A_942 = arith.constant 0 : index
    %swap3A_943 = tpu.vector_load %arg13[%swap3A_941, %swap3A_942] {strides = array<i32>} : memref<128x16xf32, #tpu.memory_space<vmem>>, vector<1x16xf32>,
    %swap3A_944 = vector.shape_cast %swap3A_943 : vector<1x16xf32> to vector<16xf32>
    %swap3A_945 = vector.shape_cast %broadcast_in_dim3A_2 : vector<16xf32> to vector<1x16xf32>
    tpu.vector_store %arg13[%swap3A_941, %swap3A_942], %swap3A_945 {strides = array<i32>} : memref<128x16xf32, #tpu.memory_space<vmem>>, vector<1x16xf32>,
    %swap3A_946 = arith.constant 91 : i32
    %swap3A_947 = arith.index_cast %swap3A_946 : i32 to index
    %swap3A_948 = arith.constant 0 : index
    %swap3A_949 = tpu.vector_load %arg13[%swap3A_947, %swap3A_948] {strides = array<i32>} : memref<128x16xf32, #tpu.memory_space<vmem>>, vector<1x16xf32>,
    %swap3A_950 = vector.shape_cast %swap3A_949 : vector<1x16xf32> to vector<16xf32>
    %swap3A_951 = vector.shape_cast %broadcast_in_dim3A_2 : vector<16xf32> to vector<1x16xf32>
    tpu.vector_store %arg13[%swap3A_947, %swap3A_948], %swap3A_951 {strides = array<i32>} : memref<128x16xf32, #tpu.memory_space<vmem>>, vector<1x16xf32>,
    %swap3A_952 = arith.constant 92 : i32
    %swap3A_953 = arith.index_cast %swap3A_952 : i32 to index
    %swap3A_954 = arith.constant 0 : index
    %swap3A_955 = tpu.vector_load %arg13[%swap3A_953, %swap3A_954] {strides = array<i32>} : memref<128x16xf32, #tpu.memory_space<vmem>>, vector<1x16xf32>,
    %swap3A_956 = vector.shape_cast %swap3A_955 : vector<1x16xf32> to vector<16xf32>
    %swap3A_957 = vector.shape_cast %broadcast_in_dim3A_2 : vector<16xf32> to vector<1x16xf32>
    tpu.vector_store %arg13[%swap3A_953, %swap3A_954], %swap3A_957 {strides = array<i32>} : memref<128x16xf32, #tpu.memory_space<vmem>>, vector<1x16xf32>,
    %swap3A_958 = arith.constant 93 : i32
    %swap3A_959 = arith.index_cast %swap3A_958 : i32 to index
    %swap3A_960 = arith.constant 0 : index
    %swap3A_961 = tpu.vector_load %arg13[%swap3A_959, %swap3A_960] {strides = array<i32>} : memref<128x16xf32, #tpu.memory_space<vmem>>, vector<1x16xf32>,
    %swap3A_962 = vector.shape_cast %swap3A_961 : vector<1x16xf32> to vector<16xf32>
    %swap3A_963 = vector.shape_cast %broadcast_in_dim3A_2 : vector<16xf32> to vector<1x16xf32>
    tpu.vector_store %arg13[%swap3A_959, %swap3A_960], %swap3A_963 {strides = array<i32>} : memref<128x16xf32, #tpu.memory_space<vmem>>, vector<1x16xf32>,
    %swap3A_964 = arith.constant 94 : i32
    %swap3A_965 = arith.index_cast %swap3A_964 : i32 to index
    %swap3A_966 = arith.constant 0 : index
    %swap3A_967 = tpu.vector_load %arg13[%swap3A_965, %swap3A_966] {strides = array<i32>} : memref<128x16xf32, #tpu.memory_space<vmem>>, vector<1x16xf32>,
    %swap3A_968 = vector.shape_cast %swap3A_967 : vector<1x16xf32> to vector<16xf32>
    %swap3A_969 = vector.shape_cast %broadcast_in_dim3A_2 : vector<16xf32> to vector<1x16xf32>
    tpu.vector_store %arg13[%swap3A_965, %swap3A_966], %swap3A_969 {strides = array<i32>} : memref<128x16xf32, #tpu.memory_space<vmem>>, vector<1x16xf32>,
    %swap3A_970 = arith.constant 95 : i32
    %swap3A_971 = arith.index_cast %swap3A_970 : i32 to index
    %swap3A_972 = arith.constant 0 : index
    %swap3A_973 = tpu.vector_load %arg13[%swap3A_971, %swap3A_972] {strides = array<i32>} : memref<128x16xf32, #tpu.memory_space<vmem>>, vector<1x16xf32>,
    %swap3A_974 = vector.shape_cast %swap3A_973 : vector<1x16xf32> to vector<16xf32>
    %swap3A_975 = vector.shape_cast %broadcast_in_dim3A_2 : vector<16xf32> to vector<1x16xf32>
    tpu.vector_store %arg13[%swap3A_971, %swap3A_972], %swap3A_975 {strides = array<i32>} : memref<128x16xf32, #tpu.memory_space<vmem>>, vector<1x16xf32>,
    %swap3A_976 = arith.constant 96 : i32
    %swap3A_977 = arith.index_cast %swap3A_976 : i32 to index
    %swap3A_978 = arith.constant 0 : index
    %swap3A_979 = tpu.vector_load %arg13[%swap3A_977, %swap3A_978] {strides = array<i32>} : memref<128x16xf32, #tpu.memory_space<vmem>>, vector<1x16xf32>,
    %swap3A_980 = vector.shape_cast %swap3A_979 : vector<1x16xf32> to vector<16xf32>
    %swap3A_981 = vector.shape_cast %broadcast_in_dim3A_2 : vector<16xf32> to vector<1x16xf32>
    tpu.vector_store %arg13[%swap3A_977, %swap3A_978], %swap3A_981 {strides = array<i32>} : memref<128x16xf32, #tpu.memory_space<vmem>>, vector<1x16xf32>,
    %swap3A_982 = arith.constant 97 : i32
    %swap3A_983 = arith.index_cast %swap3A_982 : i32 to index
    %swap3A_984 = arith.constant 0 : index
    %swap3A_985 = tpu.vector_load %arg13[%swap3A_983, %swap3A_984] {strides = array<i32>} : memref<128x16xf32, #tpu.memory_space<vmem>>, vector<1x16xf32>,
    %swap3A_986 = vector.shape_cast %swap3A_985 : vector<1x16xf32> to vector<16xf32>
    %swap3A_987 = vector.shape_cast %broadcast_in_dim3A_2 : vector<16xf32> to vector<1x16xf32>
    tpu.vector_store %arg13[%swap3A_983, %swap3A_984], %swap3A_987 {strides = array<i32>} : memref<128x16xf32, #tpu.memory_space<vmem>>, vector<1x16xf32>,
    %swap3A_988 = arith.constant 98 : i32
    %swap3A_989 = arith.index_cast %swap3A_988 : i32 to index
    %swap3A_990 = arith.constant 0 : index
    %swap3A_991 = tpu.vector_load %arg13[%swap3A_989, %swap3A_990] {strides = array<i32>} : memref<128x16xf32, #tpu.memory_space<vmem>>, vector<1x16xf32>,
    %swap3A_992 = vector.shape_cast %swap3A_991 : vector<1x16xf32> to vector<16xf32>
    %swap3A_993 = vector.shape_cast %broadcast_in_dim3A_2 : vector<16xf32> to vector<1x16xf32>
    tpu.vector_store %arg13[%swap3A_989, %swap3A_990], %swap3A_993 {strides = array<i32>} : memref<128x16xf32, #tpu.memory_space<vmem>>, vector<1x16xf32>,
    %swap3A_994 = arith.constant 99 : i32
    %swap3A_995 = arith.index_cast %swap3A_994 : i32 to index
    %swap3A_996 = arith.constant 0 : index
    %swap3A_997 = tpu.vector_load %arg13[%swap3A_995, %swap3A_996] {strides = array<i32>} : memref<128x16xf32, #tpu.memory_space<vmem>>, vector<1x16xf32>,
    %swap3A_998 = vector.shape_cast %swap3A_997 : vector<1x16xf32> to vector<16xf32>
    %swap3A_999 = vector.shape_cast %broadcast_in_dim3A_2 : vector<16xf32> to vector<1x16xf32>
    tpu.vector_store %arg13[%swap3A_995, %swap3A_996], %swap3A_999 {strides = array<i32>} : memref<128x16xf32, #tpu.memory_space<vmem>>, vector<1x16xf32>,
    %swap3A_1000 = arith.constant 100 : i32
    %swap3A_1001 = arith.index_cast %swap3A_1000 : i32 to index
    %swap3A_1002 = arith.constant 0 : index
    %swap3A_1003 = tpu.vector_load %arg13[%swap3A_1001, %swap3A_1002] {strides = array<i32>} : memref<128x16xf32, #tpu.memory_space<vmem>>, vector<1x16xf32>,
    %swap3A_1004 = vector.shape_cast %swap3A_1003 : vector<1x16xf32> to vector<16xf32>
    %swap3A_1005 = vector.shape_cast %broadcast_in_dim3A_2 : vector<16xf32> to vector<1x16xf32>
    tpu.vector_store %arg13[%swap3A_1001, %swap3A_1002], %swap3A_1005 {strides = array<i32>} : memref<128x16xf32, #tpu.memory_space<vmem>>, vector<1x16xf32>,
    %swap3A_1006 = arith.constant 101 : i32
    %swap3A_1007 = arith.index_cast %swap3A_1006 : i32 to index
    %swap3A_1008 = arith.constant 0 : index
    %swap3A_1009 = tpu.vector_load %arg13[%swap3A_1007, %swap3A_1008] {strides = array<i32>} : memref<128x16xf32, #tpu.memory_space<vmem>>, vector<1x16xf32>,
    %swap3A_1010 = vector.shape_cast %swap3A_1009 : vector<1x16xf32> to vector<16xf32>
    %swap3A_1011 = vector.shape_cast %broadcast_in_dim3A_2 : vector<16xf32> to vector<1x16xf32>
    tpu.vector_store %arg13[%swap3A_1007, %swap3A_1008], %swap3A_1011 {strides = array<i32>} : memref<128x16xf32, #tpu.memory_space<vmem>>, vector<1x16xf32>,
    %swap3A_1012 = arith.constant 102 : i32
    %swap3A_1013 = arith.index_cast %swap3A_1012 : i32 to index
    %swap3A_1014 = arith.constant 0 : index
    %swap3A_1015 = tpu.vector_load %arg13[%swap3A_1013, %swap3A_1014] {strides = array<i32>} : memref<128x16xf32, #tpu.memory_space<vmem>>, vector<1x16xf32>,
    %swap3A_1016 = vector.shape_cast %swap3A_1015 : vector<1x16xf32> to vector<16xf32>
    %swap3A_1017 = vector.shape_cast %broadcast_in_dim3A_2 : vector<16xf32> to vector<1x16xf32>
    tpu.vector_store %arg13[%swap3A_1013, %swap3A_1014], %swap3A_1017 {strides = array<i32>} : memref<128x16xf32, #tpu.memory_space<vmem>>, vector<1x16xf32>,
    %swap3A_1018 = arith.constant 103 : i32
    %swap3A_1019 = arith.index_cast %swap3A_1018 : i32 to index
    %swap3A_1020 = arith.constant 0 : index
    %swap3A_1021 = tpu.vector_load %arg13[%swap3A_1019, %swap3A_1020] {strides = array<i32>} : memref<128x16xf32, #tpu.memory_space<vmem>>, vector<1x16xf32>,
    %swap3A_1022 = vector.shape_cast %swap3A_1021 : vector<1x16xf32> to vector<16xf32>
    %swap3A_1023 = vector.shape_cast %broadcast_in_dim3A_2 : vector<16xf32> to vector<1x16xf32>
    tpu.vector_store %arg13[%swap3A_1019, %swap3A_1020], %swap3A_1023 {strides = array<i32>} : memref<128x16xf32, #tpu.memory_space<vmem>>, vector<1x16xf32>,
    %swap3A_1024 = arith.constant 104 : i32
    %swap3A_1025 = arith.index_cast %swap3A_1024 : i32 to index
    %swap3A_1026 = arith.constant 0 : index
    %swap3A_1027 = tpu.vector_load %arg13[%swap3A_1025, %swap3A_1026] {strides = array<i32>} : memref<128x16xf32, #tpu.memory_space<vmem>>, vector<1x16xf32>,
    %swap3A_1028 = vector.shape_cast %swap3A_1027 : vector<1x16xf32> to vector<16xf32>
    %swap3A_1029 = vector.shape_cast %broadcast_in_dim3A_2 : vector<16xf32> to vector<1x16xf32>
    tpu.vector_store %arg13[%swap3A_1025, %swap3A_1026], %swap3A_1029 {strides = array<i32>} : memref<128x16xf32, #tpu.memory_space<vmem>>, vector<1x16xf32>,
    %swap3A_1030 = arith.constant 105 : i32
    %swap3A_1031 = arith.index_cast %swap3A_1030 : i32 to index
    %swap3A_1032 = arith.constant 0 : index
    %swap3A_1033 = tpu.vector_load %arg13[%swap3A_1031, %swap3A_1032] {strides = array<i32>} : memref<128x16xf32, #tpu.memory_space<vmem>>, vector<1x16xf32>,
    %swap3A_1034 = vector.shape_cast %swap3A_1033 : vector<1x16xf32> to vector<16xf32>
    %swap3A_1035 = vector.shape_cast %broadcast_in_dim3A_2 : vector<16xf32> to vector<1x16xf32>
    tpu.vector_store %arg13[%swap3A_1031, %swap3A_1032], %swap3A_1035 {strides = array<i32>} : memref<128x16xf32, #tpu.memory_space<vmem>>, vector<1x16xf32>,
    %swap3A_1036 = arith.constant 106 : i32
    %swap3A_1037 = arith.index_cast %swap3A_1036 : i32 to index
    %swap3A_1038 = arith.constant 0 : index
    %swap3A_1039 = tpu.vector_load %arg13[%swap3A_1037, %swap3A_1038] {strides = array<i32>} : memref<128x16xf32, #tpu.memory_space<vmem>>, vector<1x16xf32>,
    %swap3A_1040 = vector.shape_cast %swap3A_1039 : vector<1x16xf32> to vector<16xf32>
    %swap3A_1041 = vector.shape_cast %broadcast_in_dim3A_2 : vector<16xf32> to vector<1x16xf32>
    tpu.vector_store %arg13[%swap3A_1037, %swap3A_1038], %swap3A_1041 {strides = array<i32>} : memref<128x16xf32, #tpu.memory_space<vmem>>, vector<1x16xf32>,
    %swap3A_1042 = arith.constant 107 : i32
    %swap3A_1043 = arith.index_cast %swap3A_1042 : i32 to index
    %swap3A_1044 = arith.constant 0 : index
    %swap3A_1045 = tpu.vector_load %arg13[%swap3A_1043, %swap3A_1044] {strides = array<i32>} : memref<128x16xf32, #tpu.memory_space<vmem>>, vector<1x16xf32>,
    %swap3A_1046 = vector.shape_cast %swap3A_1045 : vector<1x16xf32> to vector<16xf32>
    %swap3A_1047 = vector.shape_cast %broadcast_in_dim3A_2 : vector<16xf32> to vector<1x16xf32>
    tpu.vector_store %arg13[%swap3A_1043, %swap3A_1044], %swap3A_1047 {strides = array<i32>} : memref<128x16xf32, #tpu.memory_space<vmem>>, vector<1x16xf32>,
    %swap3A_1048 = arith.constant 108 : i32
    %swap3A_1049 = arith.index_cast %swap3A_1048 : i32 to index
    %swap3A_1050 = arith.constant 0 : index
    %swap3A_1051 = tpu.vector_load %arg13[%swap3A_1049, %swap3A_1050] {strides = array<i32>} : memref<128x16xf32, #tpu.memory_space<vmem>>, vector<1x16xf32>,
    %swap3A_1052 = vector.shape_cast %swap3A_1051 : vector<1x16xf32> to vector<16xf32>
    %swap3A_1053 = vector.shape_cast %broadcast_in_dim3A_2 : vector<16xf32> to vector<1x16xf32>
    tpu.vector_store %arg13[%swap3A_1049, %swap3A_1050], %swap3A_1053 {strides = array<i32>} : memref<128x16xf32, #tpu.memory_space<vmem>>, vector<1x16xf32>,
    %swap3A_1054 = arith.constant 109 : i32
    %swap3A_1055 = arith.index_cast %swap3A_1054 : i32 to index
    %swap3A_1056 = arith.constant 0 : index
    %swap3A_1057 = tpu.vector_load %arg13[%swap3A_1055, %swap3A_1056] {strides = array<i32>} : memref<128x16xf32, #tpu.memory_space<vmem>>, vector<1x16xf32>,
    %swap3A_1058 = vector.shape_cast %swap3A_1057 : vector<1x16xf32> to vector<16xf32>
    %swap3A_1059 = vector.shape_cast %broadcast_in_dim3A_2 : vector<16xf32> to vector<1x16xf32>
    tpu.vector_store %arg13[%swap3A_1055, %swap3A_1056], %swap3A_1059 {strides = array<i32>} : memref<128x16xf32, #tpu.memory_space<vmem>>, vector<1x16xf32>,
    %swap3A_1060 = arith.constant 110 : i32
    %swap3A_1061 = arith.index_cast %swap3A_1060 : i32 to index
    %swap3A_1062 = arith.constant 0 : index
    %swap3A_1063 = tpu.vector_load %arg13[%swap3A_1061, %swap3A_1062] {strides = array<i32>} : memref<128x16xf32, #tpu.memory_space<vmem>>, vector<1x16xf32>,
    %swap3A_1064 = vector.shape_cast %swap3A_1063 : vector<1x16xf32> to vector<16xf32>
    %swap3A_1065 = vector.shape_cast %broadcast_in_dim3A_2 : vector<16xf32> to vector<1x16xf32>
    tpu.vector_store %arg13[%swap3A_1061, %swap3A_1062], %swap3A_1065 {strides = array<i32>} : memref<128x16xf32, #tpu.memory_space<vmem>>, vector<1x16xf32>,
    %swap3A_1066 = arith.constant 111 : i32
    %swap3A_1067 = arith.index_cast %swap3A_1066 : i32 to index
    %swap3A_1068 = arith.constant 0 : index
    %swap3A_1069 = tpu.vector_load %arg13[%swap3A_1067, %swap3A_1068] {strides = array<i32>} : memref<128x16xf32, #tpu.memory_space<vmem>>, vector<1x16xf32>,
    %swap3A_1070 = vector.shape_cast %swap3A_1069 : vector<1x16xf32> to vector<16xf32>
    %swap3A_1071 = vector.shape_cast %broadcast_in_dim3A_2 : vector<16xf32> to vector<1x16xf32>
    tpu.vector_store %arg13[%swap3A_1067, %swap3A_1068], %swap3A_1071 {strides = array<i32>} : memref<128x16xf32, #tpu.memory_space<vmem>>, vector<1x16xf32>,
    %swap3A_1072 = arith.constant 112 : i32
    %swap3A_1073 = arith.index_cast %swap3A_1072 : i32 to index
    %swap3A_1074 = arith.constant 0 : index
    %swap3A_1075 = tpu.vector_load %arg13[%swap3A_1073, %swap3A_1074] {strides = array<i32>} : memref<128x16xf32, #tpu.memory_space<vmem>>, vector<1x16xf32>,
    %swap3A_1076 = vector.shape_cast %swap3A_1075 : vector<1x16xf32> to vector<16xf32>
    %swap3A_1077 = vector.shape_cast %broadcast_in_dim3A_2 : vector<16xf32> to vector<1x16xf32>
    tpu.vector_store %arg13[%swap3A_1073, %swap3A_1074], %swap3A_1077 {strides = array<i32>} : memref<128x16xf32, #tpu.memory_space<vmem>>, vector<1x16xf32>,
    %swap3A_1078 = arith.constant 113 : i32
    %swap3A_1079 = arith.index_cast %swap3A_1078 : i32 to index
    %swap3A_1080 = arith.constant 0 : index
    %swap3A_1081 = tpu.vector_load %arg13[%swap3A_1079, %swap3A_1080] {strides = array<i32>} : memref<128x16xf32, #tpu.memory_space<vmem>>, vector<1x16xf32>,
    %swap3A_1082 = vector.shape_cast %swap3A_1081 : vector<1x16xf32> to vector<16xf32>
    %swap3A_1083 = vector.shape_cast %broadcast_in_dim3A_2 : vector<16xf32> to vector<1x16xf32>
    tpu.vector_store %arg13[%swap3A_1079, %swap3A_1080], %swap3A_1083 {strides = array<i32>} : memref<128x16xf32, #tpu.memory_space<vmem>>, vector<1x16xf32>,
    %swap3A_1084 = arith.constant 114 : i32
    %swap3A_1085 = arith.index_cast %swap3A_1084 : i32 to index
    %swap3A_1086 = arith.constant 0 : index
    %swap3A_1087 = tpu.vector_load %arg13[%swap3A_1085, %swap3A_1086] {strides = array<i32>} : memref<128x16xf32, #tpu.memory_space<vmem>>, vector<1x16xf32>,
    %swap3A_1088 = vector.shape_cast %swap3A_1087 : vector<1x16xf32> to vector<16xf32>
    %swap3A_1089 = vector.shape_cast %broadcast_in_dim3A_2 : vector<16xf32> to vector<1x16xf32>
    tpu.vector_store %arg13[%swap3A_1085, %swap3A_1086], %swap3A_1089 {strides = array<i32>} : memref<128x16xf32, #tpu.memory_space<vmem>>, vector<1x16xf32>,
    %swap3A_1090 = arith.constant 115 : i32
    %swap3A_1091 = arith.index_cast %swap3A_1090 : i32 to index
    %swap3A_1092 = arith.constant 0 : index
    %swap3A_1093 = tpu.vector_load %arg13[%swap3A_1091, %swap3A_1092] {strides = array<i32>} : memref<128x16xf32, #tpu.memory_space<vmem>>, vector<1x16xf32>,
    %swap3A_1094 = vector.shape_cast %swap3A_1093 : vector<1x16xf32> to vector<16xf32>
    %swap3A_1095 = vector.shape_cast %broadcast_in_dim3A_2 : vector<16xf32> to vector<1x16xf32>
    tpu.vector_store %arg13[%swap3A_1091, %swap3A_1092], %swap3A_1095 {strides = array<i32>} : memref<128x16xf32, #tpu.memory_space<vmem>>, vector<1x16xf32>,
    %swap3A_1096 = arith.constant 116 : i32
    %swap3A_1097 = arith.index_cast %swap3A_1096 : i32 to index
    %swap3A_1098 = arith.constant 0 : index
    %swap3A_1099 = tpu.vector_load %arg13[%swap3A_1097, %swap3A_1098] {strides = array<i32>} : memref<128x16xf32, #tpu.memory_space<vmem>>, vector<1x16xf32>,
    %swap3A_1100 = vector.shape_cast %swap3A_1099 : vector<1x16xf32> to vector<16xf32>
    %swap3A_1101 = vector.shape_cast %broadcast_in_dim3A_2 : vector<16xf32> to vector<1x16xf32>
    tpu.vector_store %arg13[%swap3A_1097, %swap3A_1098], %swap3A_1101 {strides = array<i32>} : memref<128x16xf32, #tpu.memory_space<vmem>>, vector<1x16xf32>,
    %swap3A_1102 = arith.constant 117 : i32
    %swap3A_1103 = arith.index_cast %swap3A_1102 : i32 to index
    %swap3A_1104 = arith.constant 0 : index
    %swap3A_1105 = tpu.vector_load %arg13[%swap3A_1103, %swap3A_1104] {strides = array<i32>} : memref<128x16xf32, #tpu.memory_space<vmem>>, vector<1x16xf32>,
    %swap3A_1106 = vector.shape_cast %swap3A_1105 : vector<1x16xf32> to vector<16xf32>
    %swap3A_1107 = vector.shape_cast %broadcast_in_dim3A_2 : vector<16xf32> to vector<1x16xf32>
    tpu.vector_store %arg13[%swap3A_1103, %swap3A_1104], %swap3A_1107 {strides = array<i32>} : memref<128x16xf32, #tpu.memory_space<vmem>>, vector<1x16xf32>,
    %swap3A_1108 = arith.constant 118 : i32
    %swap3A_1109 = arith.index_cast %swap3A_1108 : i32 to index
    %swap3A_1110 = arith.constant 0 : index
    %swap3A_1111 = tpu.vector_load %arg13[%swap3A_1109, %swap3A_1110] {strides = array<i32>} : memref<128x16xf32, #tpu.memory_space<vmem>>, vector<1x16xf32>,
    %swap3A_1112 = vector.shape_cast %swap3A_1111 : vector<1x16xf32> to vector<16xf32>
    %swap3A_1113 = vector.shape_cast %broadcast_in_dim3A_2 : vector<16xf32> to vector<1x16xf32>
    tpu.vector_store %arg13[%swap3A_1109, %swap3A_1110], %swap3A_1113 {strides = array<i32>} : memref<128x16xf32, #tpu.memory_space<vmem>>, vector<1x16xf32>,
    %swap3A_1114 = arith.constant 119 : i32
    %swap3A_1115 = arith.index_cast %swap3A_1114 : i32 to index
    %swap3A_1116 = arith.constant 0 : index
    %swap3A_1117 = tpu.vector_load %arg13[%swap3A_1115, %swap3A_1116] {strides = array<i32>} : memref<128x16xf32, #tpu.memory_space<vmem>>, vector<1x16xf32>,
    %swap3A_1118 = vector.shape_cast %swap3A_1117 : vector<1x16xf32> to vector<16xf32>
    %swap3A_1119 = vector.shape_cast %broadcast_in_dim3A_2 : vector<16xf32> to vector<1x16xf32>
    tpu.vector_store %arg13[%swap3A_1115, %swap3A_1116], %swap3A_1119 {strides = array<i32>} : memref<128x16xf32, #tpu.memory_space<vmem>>, vector<1x16xf32>,
    %swap3A_1120 = arith.constant 120 : i32
    %swap3A_1121 = arith.index_cast %swap3A_1120 : i32 to index
    %swap3A_1122 = arith.constant 0 : index
    %swap3A_1123 = tpu.vector_load %arg13[%swap3A_1121, %swap3A_1122] {strides = array<i32>} : memref<128x16xf32, #tpu.memory_space<vmem>>, vector<1x16xf32>,
    %swap3A_1124 = vector.shape_cast %swap3A_1123 : vector<1x16xf32> to vector<16xf32>
    %swap3A_1125 = vector.shape_cast %broadcast_in_dim3A_2 : vector<16xf32> to vector<1x16xf32>
    tpu.vector_store %arg13[%swap3A_1121, %swap3A_1122], %swap3A_1125 {strides = array<i32>} : memref<128x16xf32, #tpu.memory_space<vmem>>, vector<1x16xf32>,
    %swap3A_1126 = arith.constant 121 : i32
    %swap3A_1127 = arith.index_cast %swap3A_1126 : i32 to index
    %swap3A_1128 = arith.constant 0 : index
    %swap3A_1129 = tpu.vector_load %arg13[%swap3A_1127, %swap3A_1128] {strides = array<i32>} : memref<128x16xf32, #tpu.memory_space<vmem>>, vector<1x16xf32>,
    %swap3A_1130 = vector.shape_cast %swap3A_1129 : vector<1x16xf32> to vector<16xf32>
    %swap3A_1131 = vector.shape_cast %broadcast_in_dim3A_2 : vector<16xf32> to vector<1x16xf32>
    tpu.vector_store %arg13[%swap3A_1127, %swap3A_1128], %swap3A_1131 {strides = array<i32>} : memref<128x16xf32, #tpu.memory_space<vmem>>, vector<1x16xf32>,
    %swap3A_1132 = arith.constant 122 : i32
    %swap3A_1133 = arith.index_cast %swap3A_1132 : i32 to index
    %swap3A_1134 = arith.constant 0 : index
    %swap3A_1135 = tpu.vector_load %arg13[%swap3A_1133, %swap3A_1134] {strides = array<i32>} : memref<128x16xf32, #tpu.memory_space<vmem>>, vector<1x16xf32>,
    %swap3A_1136 = vector.shape_cast %swap3A_1135 : vector<1x16xf32> to vector<16xf32>
    %swap3A_1137 = vector.shape_cast %broadcast_in_dim3A_2 : vector<16xf32> to vector<1x16xf32>
    tpu.vector_store %arg13[%swap3A_1133, %swap3A_1134], %swap3A_1137 {strides = array<i32>} : memref<128x16xf32, #tpu.memory_space<vmem>>, vector<1x16xf32>,
    %swap3A_1138 = arith.constant 123 : i32
    %swap3A_1139 = arith.index_cast %swap3A_1138 : i32 to index
    %swap3A_1140 = arith.constant 0 : index
    %swap3A_1141 = tpu.vector_load %arg13[%swap3A_1139, %swap3A_1140] {strides = array<i32>} : memref<128x16xf32, #tpu.memory_space<vmem>>, vector<1x16xf32>,
    %swap3A_1142 = vector.shape_cast %swap3A_1141 : vector<1x16xf32> to vector<16xf32>
    %swap3A_1143 = vector.shape_cast %broadcast_in_dim3A_2 : vector<16xf32> to vector<1x16xf32>
    tpu.vector_store %arg13[%swap3A_1139, %swap3A_1140], %swap3A_1143 {strides = array<i32>} : memref<128x16xf32, #tpu.memory_space<vmem>>, vector<1x16xf32>,
    %swap3A_1144 = arith.constant 124 : i32
    %swap3A_1145 = arith.index_cast %swap3A_1144 : i32 to index
    %swap3A_1146 = arith.constant 0 : index
    %swap3A_1147 = tpu.vector_load %arg13[%swap3A_1145, %swap3A_1146] {strides = array<i32>} : memref<128x16xf32, #tpu.memory_space<vmem>>, vector<1x16xf32>,
    %swap3A_1148 = vector.shape_cast %swap3A_1147 : vector<1x16xf32> to vector<16xf32>
    %swap3A_1149 = vector.shape_cast %broadcast_in_dim3A_2 : vector<16xf32> to vector<1x16xf32>
    tpu.vector_store %arg13[%swap3A_1145, %swap3A_1146], %swap3A_1149 {strides = array<i32>} : memref<128x16xf32, #tpu.memory_space<vmem>>, vector<1x16xf32>,
    %swap3A_1150 = arith.constant 125 : i32
    %swap3A_1151 = arith.index_cast %swap3A_1150 : i32 to index
    %swap3A_1152 = arith.constant 0 : index
    %swap3A_1153 = tpu.vector_load %arg13[%swap3A_1151, %swap3A_1152] {strides = array<i32>} : memref<128x16xf32, #tpu.memory_space<vmem>>, vector<1x16xf32>,
    %swap3A_1154 = vector.shape_cast %swap3A_1153 : vector<1x16xf32> to vector<16xf32>
    %swap3A_1155 = vector.shape_cast %broadcast_in_dim3A_2 : vector<16xf32> to vector<1x16xf32>
    tpu.vector_store %arg13[%swap3A_1151, %swap3A_1152], %swap3A_1155 {strides = array<i32>} : memref<128x16xf32, #tpu.memory_space<vmem>>, vector<1x16xf32>,
    %swap3A_1156 = arith.constant 126 : i32
    %swap3A_1157 = arith.index_cast %swap3A_1156 : i32 to index
    %swap3A_1158 = arith.constant 0 : index
    %swap3A_1159 = tpu.vector_load %arg13[%swap3A_1157, %swap3A_1158] {strides = array<i32>} : memref<128x16xf32, #tpu.memory_space<vmem>>, vector<1x16xf32>,
    %swap3A_1160 = vector.shape_cast %swap3A_1159 : vector<1x16xf32> to vector<16xf32>
    %swap3A_1161 = vector.shape_cast %broadcast_in_dim3A_2 : vector<16xf32> to vector<1x16xf32>
    tpu.vector_store %arg13[%swap3A_1157, %swap3A_1158], %swap3A_1161 {strides = array<i32>} : memref<128x16xf32, #tpu.memory_space<vmem>>, vector<1x16xf32>,
    %swap3A_1162 = arith.constant 127 : i32
    %swap3A_1163 = arith.index_cast %swap3A_1162 : i32 to index
    %swap3A_1164 = arith.constant 0 : index
    %swap3A_1165 = tpu.vector_load %arg13[%swap3A_1163, %swap3A_1164] {strides = array<i32>} : memref<128x16xf32, #tpu.memory_space<vmem>>, vector<1x16xf32>,
    %swap3A_1166 = vector.shape_cast %swap3A_1165 : vector<1x16xf32> to vector<16xf32>
    %swap3A_1167 = vector.shape_cast %broadcast_in_dim3A_2 : vector<16xf32> to vector<1x16xf32>
    tpu.vector_store %arg13[%swap3A_1163, %swap3A_1164], %swap3A_1167 {strides = array<i32>} : memref<128x16xf32, #tpu.memory_space<vmem>>, vector<1x16xf32>,
    %swap3A_1168 = arith.constant 0 : i32
    %swap3A_1169 = arith.index_cast %swap3A_1168 : i32 to index
    %swap3A_1170 = arith.constant 0 : index
    %swap3A_1171 = tpu.vector_load %arg22[%swap3A_1169, %swap3A_1170] {strides = array<i32>} : memref<80x16xf32, #tpu.memory_space<vmem>>, vector<1x16xf32>,
    %swap3A_1172 = vector.shape_cast %swap3A_1171 : vector<1x16xf32> to vector<16xf32>
    %swap3A_1173 = vector.shape_cast %broadcast_in_dim3A_2 : vector<16xf32> to vector<1x16xf32>
    tpu.vector_store %arg22[%swap3A_1169, %swap3A_1170], %swap3A_1173 {strides = array<i32>} : memref<80x16xf32, #tpu.memory_space<vmem>>, vector<1x16xf32>,
    %swap3A_1174 = arith.constant 1 : i32
    %swap3A_1175 = arith.index_cast %swap3A_1174 : i32 to index
    %swap3A_1176 = arith.constant 0 : index
    %swap3A_1177 = tpu.vector_load %arg22[%swap3A_1175, %swap3A_1176] {strides = array<i32>} : memref<80x16xf32, #tpu.memory_space<vmem>>, vector<1x16xf32>,
    %swap3A_1178 = vector.shape_cast %swap3A_1177 : vector<1x16xf32> to vector<16xf32>
    %swap3A_1179 = vector.shape_cast %broadcast_in_dim3A_2 : vector<16xf32> to vector<1x16xf32>
    tpu.vector_store %arg22[%swap3A_1175, %swap3A_1176], %swap3A_1179 {strides = array<i32>} : memref<80x16xf32, #tpu.memory_space<vmem>>, vector<1x16xf32>,
    %swap3A_1180 = arith.constant 2 : i32
    %swap3A_1181 = arith.index_cast %swap3A_1180 : i32 to index
    %swap3A_1182 = arith.constant 0 : index
    %swap3A_1183 = tpu.vector_load %arg22[%swap3A_1181, %swap3A_1182] {strides = array<i32>} : memref<80x16xf32, #tpu.memory_space<vmem>>, vector<1x16xf32>,
    %swap3A_1184 = vector.shape_cast %swap3A_1183 : vector<1x16xf32> to vector<16xf32>
    %swap3A_1185 = vector.shape_cast %broadcast_in_dim3A_2 : vector<16xf32> to vector<1x16xf32>
    tpu.vector_store %arg22[%swap3A_1181, %swap3A_1182], %swap3A_1185 {strides = array<i32>} : memref<80x16xf32, #tpu.memory_space<vmem>>, vector<1x16xf32>,
    %swap3A_1186 = arith.constant 3 : i32
    %swap3A_1187 = arith.index_cast %swap3A_1186 : i32 to index
    %swap3A_1188 = arith.constant 0 : index
    %swap3A_1189 = tpu.vector_load %arg22[%swap3A_1187, %swap3A_1188] {strides = array<i32>} : memref<80x16xf32, #tpu.memory_space<vmem>>, vector<1x16xf32>,
    %swap3A_1190 = vector.shape_cast %swap3A_1189 : vector<1x16xf32> to vector<16xf32>
    %swap3A_1191 = vector.shape_cast %broadcast_in_dim3A_2 : vector<16xf32> to vector<1x16xf32>
    tpu.vector_store %arg22[%swap3A_1187, %swap3A_1188], %swap3A_1191 {strides = array<i32>} : memref<80x16xf32, #tpu.memory_space<vmem>>, vector<1x16xf32>,
    %swap3A_1192 = arith.constant 4 : i32
    %swap3A_1193 = arith.index_cast %swap3A_1192 : i32 to index
    %swap3A_1194 = arith.constant 0 : index
    %swap3A_1195 = tpu.vector_load %arg22[%swap3A_1193, %swap3A_1194] {strides = array<i32>} : memref<80x16xf32, #tpu.memory_space<vmem>>, vector<1x16xf32>,
    %swap3A_1196 = vector.shape_cast %swap3A_1195 : vector<1x16xf32> to vector<16xf32>
    %swap3A_1197 = vector.shape_cast %broadcast_in_dim3A_2 : vector<16xf32> to vector<1x16xf32>
    tpu.vector_store %arg22[%swap3A_1193, %swap3A_1194], %swap3A_1197 {strides = array<i32>} : memref<80x16xf32, #tpu.memory_space<vmem>>, vector<1x16xf32>,
    %swap3A_1198 = arith.constant 5 : i32
    %swap3A_1199 = arith.index_cast %swap3A_1198 : i32 to index
    %swap3A_1200 = arith.constant 0 : index
    %swap3A_1201 = tpu.vector_load %arg22[%swap3A_1199, %swap3A_1200] {strides = array<i32>} : memref<80x16xf32, #tpu.memory_space<vmem>>, vector<1x16xf32>,
    %swap3A_1202 = vector.shape_cast %swap3A_1201 : vector<1x16xf32> to vector<16xf32>
    %swap3A_1203 = vector.shape_cast %broadcast_in_dim3A_2 : vector<16xf32> to vector<1x16xf32>
    tpu.vector_store %arg22[%swap3A_1199, %swap3A_1200], %swap3A_1203 {strides = array<i32>} : memref<80x16xf32, #tpu.memory_space<vmem>>, vector<1x16xf32>,
    %swap3A_1204 = arith.constant 6 : i32
    %swap3A_1205 = arith.index_cast %swap3A_1204 : i32 to index
    %swap3A_1206 = arith.constant 0 : index
    %swap3A_1207 = tpu.vector_load %arg22[%swap3A_1205, %swap3A_1206] {strides = array<i32>} : memref<80x16xf32, #tpu.memory_space<vmem>>, vector<1x16xf32>,
    %swap3A_1208 = vector.shape_cast %swap3A_1207 : vector<1x16xf32> to vector<16xf32>
    %swap3A_1209 = vector.shape_cast %broadcast_in_dim3A_2 : vector<16xf32> to vector<1x16xf32>
    tpu.vector_store %arg22[%swap3A_1205, %swap3A_1206], %swap3A_1209 {strides = array<i32>} : memref<80x16xf32, #tpu.memory_space<vmem>>, vector<1x16xf32>,
    %swap3A_1210 = arith.constant 7 : i32
    %swap3A_1211 = arith.index_cast %swap3A_1210 : i32 to index
    %swap3A_1212 = arith.constant 0 : index
    %swap3A_1213 = tpu.vector_load %arg22[%swap3A_1211, %swap3A_1212] {strides = array<i32>} : memref<80x16xf32, #tpu.memory_space<vmem>>, vector<1x16xf32>,
    %swap3A_1214 = vector.shape_cast %swap3A_1213 : vector<1x16xf32> to vector<16xf32>
    %swap3A_1215 = vector.shape_cast %broadcast_in_dim3A_2 : vector<16xf32> to vector<1x16xf32>
    tpu.vector_store %arg22[%swap3A_1211, %swap3A_1212], %swap3A_1215 {strides = array<i32>} : memref<80x16xf32, #tpu.memory_space<vmem>>, vector<1x16xf32>,
    %swap3A_1216 = arith.constant 8 : i32
    %swap3A_1217 = arith.index_cast %swap3A_1216 : i32 to index
    %swap3A_1218 = arith.constant 0 : index
    %swap3A_1219 = tpu.vector_load %arg22[%swap3A_1217, %swap3A_1218] {strides = array<i32>} : memref<80x16xf32, #tpu.memory_space<vmem>>, vector<1x16xf32>,
    %swap3A_1220 = vector.shape_cast %swap3A_1219 : vector<1x16xf32> to vector<16xf32>
    %swap3A_1221 = vector.shape_cast %broadcast_in_dim3A_2 : vector<16xf32> to vector<1x16xf32>
    tpu.vector_store %arg22[%swap3A_1217, %swap3A_1218], %swap3A_1221 {strides = array<i32>} : memref<80x16xf32, #tpu.memory_space<vmem>>, vector<1x16xf32>,
    %swap3A_1222 = arith.constant 9 : i32
    %swap3A_1223 = arith.index_cast %swap3A_1222 : i32 to index
    %swap3A_1224 = arith.constant 0 : index
    %swap3A_1225 = tpu.vector_load %arg22[%swap3A_1223, %swap3A_1224] {strides = array<i32>} : memref<80x16xf32, #tpu.memory_space<vmem>>, vector<1x16xf32>,
    %swap3A_1226 = vector.shape_cast %swap3A_1225 : vector<1x16xf32> to vector<16xf32>
    %swap3A_1227 = vector.shape_cast %broadcast_in_dim3A_2 : vector<16xf32> to vector<1x16xf32>
    tpu.vector_store %arg22[%swap3A_1223, %swap3A_1224], %swap3A_1227 {strides = array<i32>} : memref<80x16xf32, #tpu.memory_space<vmem>>, vector<1x16xf32>,
    %swap3A_1228 = arith.constant 10 : i32
    %swap3A_1229 = arith.index_cast %swap3A_1228 : i32 to index
    %swap3A_1230 = arith.constant 0 : index
    %swap3A_1231 = tpu.vector_load %arg22[%swap3A_1229, %swap3A_1230] {strides = array<i32>} : memref<80x16xf32, #tpu.memory_space<vmem>>, vector<1x16xf32>,
    %swap3A_1232 = vector.shape_cast %swap3A_1231 : vector<1x16xf32> to vector<16xf32>
    %swap3A_1233 = vector.shape_cast %broadcast_in_dim3A_2 : vector<16xf32> to vector<1x16xf32>
    tpu.vector_store %arg22[%swap3A_1229, %swap3A_1230], %swap3A_1233 {strides = array<i32>} : memref<80x16xf32, #tpu.memory_space<vmem>>, vector<1x16xf32>,
    %swap3A_1234 = arith.constant 11 : i32
    %swap3A_1235 = arith.index_cast %swap3A_1234 : i32 to index
    %swap3A_1236 = arith.constant 0 : index
    %swap3A_1237 = tpu.vector_load %arg22[%swap3A_1235, %swap3A_1236] {strides = array<i32>} : memref<80x16xf32, #tpu.memory_space<vmem>>, vector<1x16xf32>,
    %swap3A_1238 = vector.shape_cast %swap3A_1237 : vector<1x16xf32> to vector<16xf32>
    %swap3A_1239 = vector.shape_cast %broadcast_in_dim3A_2 : vector<16xf32> to vector<1x16xf32>
    tpu.vector_store %arg22[%swap3A_1235, %swap3A_1236], %swap3A_1239 {strides = array<i32>} : memref<80x16xf32, #tpu.memory_space<vmem>>, vector<1x16xf32>,
    %swap3A_1240 = arith.constant 12 : i32
    %swap3A_1241 = arith.index_cast %swap3A_1240 : i32 to index
    %swap3A_1242 = arith.constant 0 : index
    %swap3A_1243 = tpu.vector_load %arg22[%swap3A_1241, %swap3A_1242] {strides = array<i32>} : memref<80x16xf32, #tpu.memory_space<vmem>>, vector<1x16xf32>,
    %swap3A_1244 = vector.shape_cast %swap3A_1243 : vector<1x16xf32> to vector<16xf32>
    %swap3A_1245 = vector.shape_cast %broadcast_in_dim3A_2 : vector<16xf32> to vector<1x16xf32>
    tpu.vector_store %arg22[%swap3A_1241, %swap3A_1242], %swap3A_1245 {strides = array<i32>} : memref<80x16xf32, #tpu.memory_space<vmem>>, vector<1x16xf32>,
    %swap3A_1246 = arith.constant 13 : i32
    %swap3A_1247 = arith.index_cast %swap3A_1246 : i32 to index
    %swap3A_1248 = arith.constant 0 : index
    %swap3A_1249 = tpu.vector_load %arg22[%swap3A_1247, %swap3A_1248] {strides = array<i32>} : memref<80x16xf32, #tpu.memory_space<vmem>>, vector<1x16xf32>,
    %swap3A_1250 = vector.shape_cast %swap3A_1249 : vector<1x16xf32> to vector<16xf32>
    %swap3A_1251 = vector.shape_cast %broadcast_in_dim3A_2 : vector<16xf32> to vector<1x16xf32>
    tpu.vector_store %arg22[%swap3A_1247, %swap3A_1248], %swap3A_1251 {strides = array<i32>} : memref<80x16xf32, #tpu.memory_space<vmem>>, vector<1x16xf32>,
    %swap3A_1252 = arith.constant 14 : i32
    %swap3A_1253 = arith.index_cast %swap3A_1252 : i32 to index
    %swap3A_1254 = arith.constant 0 : index
    %swap3A_1255 = tpu.vector_load %arg22[%swap3A_1253, %swap3A_1254] {strides = array<i32>} : memref<80x16xf32, #tpu.memory_space<vmem>>, vector<1x16xf32>,
    %swap3A_1256 = vector.shape_cast %swap3A_1255 : vector<1x16xf32> to vector<16xf32>
    %swap3A_1257 = vector.shape_cast %broadcast_in_dim3A_2 : vector<16xf32> to vector<1x16xf32>
    tpu.vector_store %arg22[%swap3A_1253, %swap3A_1254], %swap3A_1257 {strides = array<i32>} : memref<80x16xf32, #tpu.memory_space<vmem>>, vector<1x16xf32>,
    %swap3A_1258 = arith.constant 15 : i32
    %swap3A_1259 = arith.index_cast %swap3A_1258 : i32 to index
    %swap3A_1260 = arith.constant 0 : index
    %swap3A_1261 = tpu.vector_load %arg22[%swap3A_1259, %swap3A_1260] {strides = array<i32>} : memref<80x16xf32, #tpu.memory_space<vmem>>, vector<1x16xf32>,
    %swap3A_1262 = vector.shape_cast %swap3A_1261 : vector<1x16xf32> to vector<16xf32>
    %swap3A_1263 = vector.shape_cast %broadcast_in_dim3A_2 : vector<16xf32> to vector<1x16xf32>
    tpu.vector_store %arg22[%swap3A_1259, %swap3A_1260], %swap3A_1263 {strides = array<i32>} : memref<80x16xf32, #tpu.memory_space<vmem>>, vector<1x16xf32>,
    %swap3A_1264 = arith.constant 16 : i32
    %swap3A_1265 = arith.index_cast %swap3A_1264 : i32 to index
    %swap3A_1266 = arith.constant 0 : index
    %swap3A_1267 = tpu.vector_load %arg22[%swap3A_1265, %swap3A_1266] {strides = array<i32>} : memref<80x16xf32, #tpu.memory_space<vmem>>, vector<1x16xf32>,
    %swap3A_1268 = vector.shape_cast %swap3A_1267 : vector<1x16xf32> to vector<16xf32>
    %swap3A_1269 = vector.shape_cast %broadcast_in_dim3A_2 : vector<16xf32> to vector<1x16xf32>
    tpu.vector_store %arg22[%swap3A_1265, %swap3A_1266], %swap3A_1269 {strides = array<i32>} : memref<80x16xf32, #tpu.memory_space<vmem>>, vector<1x16xf32>,
    %swap3A_1270 = arith.constant 17 : i32
    %swap3A_1271 = arith.index_cast %swap3A_1270 : i32 to index
    %swap3A_1272 = arith.constant 0 : index
    %swap3A_1273 = tpu.vector_load %arg22[%swap3A_1271, %swap3A_1272] {strides = array<i32>} : memref<80x16xf32, #tpu.memory_space<vmem>>, vector<1x16xf32>,
    %swap3A_1274 = vector.shape_cast %swap3A_1273 : vector<1x16xf32> to vector<16xf32>
    %swap3A_1275 = vector.shape_cast %broadcast_in_dim3A_2 : vector<16xf32> to vector<1x16xf32>
    tpu.vector_store %arg22[%swap3A_1271, %swap3A_1272], %swap3A_1275 {strides = array<i32>} : memref<80x16xf32, #tpu.memory_space<vmem>>, vector<1x16xf32>,
    %swap3A_1276 = arith.constant 18 : i32
    %swap3A_1277 = arith.index_cast %swap3A_1276 : i32 to index
    %swap3A_1278 = arith.constant 0 : index
    %swap3A_1279 = tpu.vector_load %arg22[%swap3A_1277, %swap3A_1278] {strides = array<i32>} : memref<80x16xf32, #tpu.memory_space<vmem>>, vector<1x16xf32>,
    %swap3A_1280 = vector.shape_cast %swap3A_1279 : vector<1x16xf32> to vector<16xf32>
    %swap3A_1281 = vector.shape_cast %broadcast_in_dim3A_2 : vector<16xf32> to vector<1x16xf32>
    tpu.vector_store %arg22[%swap3A_1277, %swap3A_1278], %swap3A_1281 {strides = array<i32>} : memref<80x16xf32, #tpu.memory_space<vmem>>, vector<1x16xf32>,
    %swap3A_1282 = arith.constant 19 : i32
    %swap3A_1283 = arith.index_cast %swap3A_1282 : i32 to index
    %swap3A_1284 = arith.constant 0 : index
    %swap3A_1285 = tpu.vector_load %arg22[%swap3A_1283, %swap3A_1284] {strides = array<i32>} : memref<80x16xf32, #tpu.memory_space<vmem>>, vector<1x16xf32>,
    %swap3A_1286 = vector.shape_cast %swap3A_1285 : vector<1x16xf32> to vector<16xf32>
    %swap3A_1287 = vector.shape_cast %broadcast_in_dim3A_2 : vector<16xf32> to vector<1x16xf32>
    tpu.vector_store %arg22[%swap3A_1283, %swap3A_1284], %swap3A_1287 {strides = array<i32>} : memref<80x16xf32, #tpu.memory_space<vmem>>, vector<1x16xf32>,
    %swap3A_1288 = arith.constant 20 : i32
    %swap3A_1289 = arith.index_cast %swap3A_1288 : i32 to index
    %swap3A_1290 = arith.constant 0 : index
    %swap3A_1291 = tpu.vector_load %arg22[%swap3A_1289, %swap3A_1290] {strides = array<i32>} : memref<80x16xf32, #tpu.memory_space<vmem>>, vector<1x16xf32>,
    %swap3A_1292 = vector.shape_cast %swap3A_1291 : vector<1x16xf32> to vector<16xf32>
    %swap3A_1293 = vector.shape_cast %broadcast_in_dim3A_2 : vector<16xf32> to vector<1x16xf32>
    tpu.vector_store %arg22[%swap3A_1289, %swap3A_1290], %swap3A_1293 {strides = array<i32>} : memref<80x16xf32, #tpu.memory_space<vmem>>, vector<1x16xf32>,
    %swap3A_1294 = arith.constant 21 : i32
    %swap3A_1295 = arith.index_cast %swap3A_1294 : i32 to index
    %swap3A_1296 = arith.constant 0 : index
    %swap3A_1297 = tpu.vector_load %arg22[%swap3A_1295, %swap3A_1296] {strides = array<i32>} : memref<80x16xf32, #tpu.memory_space<vmem>>, vector<1x16xf32>,
    %swap3A_1298 = vector.shape_cast %swap3A_1297 : vector<1x16xf32> to vector<16xf32>
    %swap3A_1299 = vector.shape_cast %broadcast_in_dim3A_2 : vector<16xf32> to vector<1x16xf32>
    tpu.vector_store %arg22[%swap3A_1295, %swap3A_1296], %swap3A_1299 {strides = array<i32>} : memref<80x16xf32, #tpu.memory_space<vmem>>, vector<1x16xf32>,
    %swap3A_1300 = arith.constant 22 : i32
    %swap3A_1301 = arith.index_cast %swap3A_1300 : i32 to index
    %swap3A_1302 = arith.constant 0 : index
    %swap3A_1303 = tpu.vector_load %arg22[%swap3A_1301, %swap3A_1302] {strides = array<i32>} : memref<80x16xf32, #tpu.memory_space<vmem>>, vector<1x16xf32>,
    %swap3A_1304 = vector.shape_cast %swap3A_1303 : vector<1x16xf32> to vector<16xf32>
    %swap3A_1305 = vector.shape_cast %broadcast_in_dim3A_2 : vector<16xf32> to vector<1x16xf32>
    tpu.vector_store %arg22[%swap3A_1301, %swap3A_1302], %swap3A_1305 {strides = array<i32>} : memref<80x16xf32, #tpu.memory_space<vmem>>, vector<1x16xf32>,
    %swap3A_1306 = arith.constant 23 : i32
    %swap3A_1307 = arith.index_cast %swap3A_1306 : i32 to index
    %swap3A_1308 = arith.constant 0 : index
    %swap3A_1309 = tpu.vector_load %arg22[%swap3A_1307, %swap3A_1308] {strides = array<i32>} : memref<80x16xf32, #tpu.memory_space<vmem>>, vector<1x16xf32>,
    %swap3A_1310 = vector.shape_cast %swap3A_1309 : vector<1x16xf32> to vector<16xf32>
    %swap3A_1311 = vector.shape_cast %broadcast_in_dim3A_2 : vector<16xf32> to vector<1x16xf32>
    tpu.vector_store %arg22[%swap3A_1307, %swap3A_1308], %swap3A_1311 {strides = array<i32>} : memref<80x16xf32, #tpu.memory_space<vmem>>, vector<1x16xf32>,
    %swap3A_1312 = arith.constant 24 : i32
    %swap3A_1313 = arith.index_cast %swap3A_1312 : i32 to index
    %swap3A_1314 = arith.constant 0 : index
    %swap3A_1315 = tpu.vector_load %arg22[%swap3A_1313, %swap3A_1314] {strides = array<i32>} : memref<80x16xf32, #tpu.memory_space<vmem>>, vector<1x16xf32>,
    %swap3A_1316 = vector.shape_cast %swap3A_1315 : vector<1x16xf32> to vector<16xf32>
    %swap3A_1317 = vector.shape_cast %broadcast_in_dim3A_2 : vector<16xf32> to vector<1x16xf32>
    tpu.vector_store %arg22[%swap3A_1313, %swap3A_1314], %swap3A_1317 {strides = array<i32>} : memref<80x16xf32, #tpu.memory_space<vmem>>, vector<1x16xf32>,
    %swap3A_1318 = arith.constant 25 : i32
    %swap3A_1319 = arith.index_cast %swap3A_1318 : i32 to index
    %swap3A_1320 = arith.constant 0 : index
    %swap3A_1321 = tpu.vector_load %arg22[%swap3A_1319, %swap3A_1320] {strides = array<i32>} : memref<80x16xf32, #tpu.memory_space<vmem>>, vector<1x16xf32>,
    %swap3A_1322 = vector.shape_cast %swap3A_1321 : vector<1x16xf32> to vector<16xf32>
    %swap3A_1323 = vector.shape_cast %broadcast_in_dim3A_2 : vector<16xf32> to vector<1x16xf32>
    tpu.vector_store %arg22[%swap3A_1319, %swap3A_1320], %swap3A_1323 {strides = array<i32>} : memref<80x16xf32, #tpu.memory_space<vmem>>, vector<1x16xf32>,
    %swap3A_1324 = arith.constant 26 : i32
    %swap3A_1325 = arith.index_cast %swap3A_1324 : i32 to index
    %swap3A_1326 = arith.constant 0 : index
    %swap3A_1327 = tpu.vector_load %arg22[%swap3A_1325, %swap3A_1326] {strides = array<i32>} : memref<80x16xf32, #tpu.memory_space<vmem>>, vector<1x16xf32>,
    %swap3A_1328 = vector.shape_cast %swap3A_1327 : vector<1x16xf32> to vector<16xf32>
    %swap3A_1329 = vector.shape_cast %broadcast_in_dim3A_2 : vector<16xf32> to vector<1x16xf32>
    tpu.vector_store %arg22[%swap3A_1325, %swap3A_1326], %swap3A_1329 {strides = array<i32>} : memref<80x16xf32, #tpu.memory_space<vmem>>, vector<1x16xf32>,
    %swap3A_1330 = arith.constant 27 : i32
    %swap3A_1331 = arith.index_cast %swap3A_1330 : i32 to index
    %swap3A_1332 = arith.constant 0 : index
    %swap3A_1333 = tpu.vector_load %arg22[%swap3A_1331, %swap3A_1332] {strides = array<i32>} : memref<80x16xf32, #tpu.memory_space<vmem>>, vector<1x16xf32>,
    %swap3A_1334 = vector.shape_cast %swap3A_1333 : vector<1x16xf32> to vector<16xf32>
    %swap3A_1335 = vector.shape_cast %broadcast_in_dim3A_2 : vector<16xf32> to vector<1x16xf32>
    tpu.vector_store %arg22[%swap3A_1331, %swap3A_1332], %swap3A_1335 {strides = array<i32>} : memref<80x16xf32, #tpu.memory_space<vmem>>, vector<1x16xf32>,
    %swap3A_1336 = arith.constant 28 : i32
    %swap3A_1337 = arith.index_cast %swap3A_1336 : i32 to index
    %swap3A_1338 = arith.constant 0 : index
    %swap3A_1339 = tpu.vector_load %arg22[%swap3A_1337, %swap3A_1338] {strides = array<i32>} : memref<80x16xf32, #tpu.memory_space<vmem>>, vector<1x16xf32>,
    %swap3A_1340 = vector.shape_cast %swap3A_1339 : vector<1x16xf32> to vector<16xf32>
    %swap3A_1341 = vector.shape_cast %broadcast_in_dim3A_2 : vector<16xf32> to vector<1x16xf32>
    tpu.vector_store %arg22[%swap3A_1337, %swap3A_1338], %swap3A_1341 {strides = array<i32>} : memref<80x16xf32, #tpu.memory_space<vmem>>, vector<1x16xf32>,
    %swap3A_1342 = arith.constant 29 : i32
    %swap3A_1343 = arith.index_cast %swap3A_1342 : i32 to index
    %swap3A_1344 = arith.constant 0 : index
    %swap3A_1345 = tpu.vector_load %arg22[%swap3A_1343, %swap3A_1344] {strides = array<i32>} : memref<80x16xf32, #tpu.memory_space<vmem>>, vector<1x16xf32>,
    %swap3A_1346 = vector.shape_cast %swap3A_1345 : vector<1x16xf32> to vector<16xf32>
    %swap3A_1347 = vector.shape_cast %broadcast_in_dim3A_2 : vector<16xf32> to vector<1x16xf32>
    tpu.vector_store %arg22[%swap3A_1343, %swap3A_1344], %swap3A_1347 {strides = array<i32>} : memref<80x16xf32, #tpu.memory_space<vmem>>, vector<1x16xf32>,
    %swap3A_1348 = arith.constant 30 : i32
    %swap3A_1349 = arith.index_cast %swap3A_1348 : i32 to index
    %swap3A_1350 = arith.constant 0 : index
    %swap3A_1351 = tpu.vector_load %arg22[%swap3A_1349, %swap3A_1350] {strides = array<i32>} : memref<80x16xf32, #tpu.memory_space<vmem>>, vector<1x16xf32>,
    %swap3A_1352 = vector.shape_cast %swap3A_1351 : vector<1x16xf32> to vector<16xf32>
    %swap3A_1353 = vector.shape_cast %broadcast_in_dim3A_2 : vector<16xf32> to vector<1x16xf32>
    tpu.vector_store %arg22[%swap3A_1349, %swap3A_1350], %swap3A_1353 {strides = array<i32>} : memref<80x16xf32, #tpu.memory_space<vmem>>, vector<1x16xf32>,
    %swap3A_1354 = arith.constant 31 : i32
    %swap3A_1355 = arith.index_cast %swap3A_1354 : i32 to index
    %swap3A_1356 = arith.constant 0 : index
    %swap3A_1357 = tpu.vector_load %arg22[%swap3A_1355, %swap3A_1356] {strides = array<i32>} : memref<80x16xf32, #tpu.memory_space<vmem>>, vector<1x16xf32>,
    %swap3A_1358 = vector.shape_cast %swap3A_1357 : vector<1x16xf32> to vector<16xf32>
    %swap3A_1359 = vector.shape_cast %broadcast_in_dim3A_2 : vector<16xf32> to vector<1x16xf32>
    tpu.vector_store %arg22[%swap3A_1355, %swap3A_1356], %swap3A_1359 {strides = array<i32>} : memref<80x16xf32, #tpu.memory_space<vmem>>, vector<1x16xf32>,
    %swap3A_1360 = arith.constant 32 : i32
    %swap3A_1361 = arith.index_cast %swap3A_1360 : i32 to index
    %swap3A_1362 = arith.constant 0 : index
    %swap3A_1363 = tpu.vector_load %arg22[%swap3A_1361, %swap3A_1362] {strides = array<i32>} : memref<80x16xf32, #tpu.memory_space<vmem>>, vector<1x16xf32>,
    %swap3A_1364 = vector.shape_cast %swap3A_1363 : vector<1x16xf32> to vector<16xf32>
    %swap3A_1365 = vector.shape_cast %broadcast_in_dim3A_2 : vector<16xf32> to vector<1x16xf32>
    tpu.vector_store %arg22[%swap3A_1361, %swap3A_1362], %swap3A_1365 {strides = array<i32>} : memref<80x16xf32, #tpu.memory_space<vmem>>, vector<1x16xf32>,
    %swap3A_1366 = arith.constant 33 : i32
    %swap3A_1367 = arith.index_cast %swap3A_1366 : i32 to index
    %swap3A_1368 = arith.constant 0 : index
    %swap3A_1369 = tpu.vector_load %arg22[%swap3A_1367, %swap3A_1368] {strides = array<i32>} : memref<80x16xf32, #tpu.memory_space<vmem>>, vector<1x16xf32>,
    %swap3A_1370 = vector.shape_cast %swap3A_1369 : vector<1x16xf32> to vector<16xf32>
    %swap3A_1371 = vector.shape_cast %broadcast_in_dim3A_2 : vector<16xf32> to vector<1x16xf32>
    tpu.vector_store %arg22[%swap3A_1367, %swap3A_1368], %swap3A_1371 {strides = array<i32>} : memref<80x16xf32, #tpu.memory_space<vmem>>, vector<1x16xf32>,
    %swap3A_1372 = arith.constant 34 : i32
    %swap3A_1373 = arith.index_cast %swap3A_1372 : i32 to index
    %swap3A_1374 = arith.constant 0 : index
    %swap3A_1375 = tpu.vector_load %arg22[%swap3A_1373, %swap3A_1374] {strides = array<i32>} : memref<80x16xf32, #tpu.memory_space<vmem>>, vector<1x16xf32>,
    %swap3A_1376 = vector.shape_cast %swap3A_1375 : vector<1x16xf32> to vector<16xf32>
    %swap3A_1377 = vector.shape_cast %broadcast_in_dim3A_2 : vector<16xf32> to vector<1x16xf32>
    tpu.vector_store %arg22[%swap3A_1373, %swap3A_1374], %swap3A_1377 {strides = array<i32>} : memref<80x16xf32, #tpu.memory_space<vmem>>, vector<1x16xf32>,
    %swap3A_1378 = arith.constant 35 : i32
    %swap3A_1379 = arith.index_cast %swap3A_1378 : i32 to index
    %swap3A_1380 = arith.constant 0 : index
    %swap3A_1381 = tpu.vector_load %arg22[%swap3A_1379, %swap3A_1380] {strides = array<i32>} : memref<80x16xf32, #tpu.memory_space<vmem>>, vector<1x16xf32>,
    %swap3A_1382 = vector.shape_cast %swap3A_1381 : vector<1x16xf32> to vector<16xf32>
    %swap3A_1383 = vector.shape_cast %broadcast_in_dim3A_2 : vector<16xf32> to vector<1x16xf32>
    tpu.vector_store %arg22[%swap3A_1379, %swap3A_1380], %swap3A_1383 {strides = array<i32>} : memref<80x16xf32, #tpu.memory_space<vmem>>, vector<1x16xf32>,
    %swap3A_1384 = arith.constant 36 : i32
    %swap3A_1385 = arith.index_cast %swap3A_1384 : i32 to index
    %swap3A_1386 = arith.constant 0 : index
    %swap3A_1387 = tpu.vector_load %arg22[%swap3A_1385, %swap3A_1386] {strides = array<i32>} : memref<80x16xf32, #tpu.memory_space<vmem>>, vector<1x16xf32>,
    %swap3A_1388 = vector.shape_cast %swap3A_1387 : vector<1x16xf32> to vector<16xf32>
    %swap3A_1389 = vector.shape_cast %broadcast_in_dim3A_2 : vector<16xf32> to vector<1x16xf32>
    tpu.vector_store %arg22[%swap3A_1385, %swap3A_1386], %swap3A_1389 {strides = array<i32>} : memref<80x16xf32, #tpu.memory_space<vmem>>, vector<1x16xf32>,
    %swap3A_1390 = arith.constant 37 : i32
    %swap3A_1391 = arith.index_cast %swap3A_1390 : i32 to index
    %swap3A_1392 = arith.constant 0 : index
    %swap3A_1393 = tpu.vector_load %arg22[%swap3A_1391, %swap3A_1392] {strides = array<i32>} : memref<80x16xf32, #tpu.memory_space<vmem>>, vector<1x16xf32>,
    %swap3A_1394 = vector.shape_cast %swap3A_1393 : vector<1x16xf32> to vector<16xf32>
    %swap3A_1395 = vector.shape_cast %broadcast_in_dim3A_2 : vector<16xf32> to vector<1x16xf32>
    tpu.vector_store %arg22[%swap3A_1391, %swap3A_1392], %swap3A_1395 {strides = array<i32>} : memref<80x16xf32, #tpu.memory_space<vmem>>, vector<1x16xf32>,
    %swap3A_1396 = arith.constant 38 : i32
    %swap3A_1397 = arith.index_cast %swap3A_1396 : i32 to index
    %swap3A_1398 = arith.constant 0 : index
    %swap3A_1399 = tpu.vector_load %arg22[%swap3A_1397, %swap3A_1398] {strides = array<i32>} : memref<80x16xf32, #tpu.memory_space<vmem>>, vector<1x16xf32>,
    %swap3A_1400 = vector.shape_cast %swap3A_1399 : vector<1x16xf32> to vector<16xf32>
    %swap3A_1401 = vector.shape_cast %broadcast_in_dim3A_2 : vector<16xf32> to vector<1x16xf32>
    tpu.vector_store %arg22[%swap3A_1397, %swap3A_1398], %swap3A_1401 {strides = array<i32>} : memref<80x16xf32, #tpu.memory_space<vmem>>, vector<1x16xf32>,
    %swap3A_1402 = arith.constant 39 : i32
    %swap3A_1403 = arith.index_cast %swap3A_1402 : i32 to index
    %swap3A_1404 = arith.constant 0 : index
    %swap3A_1405 = tpu.vector_load %arg22[%swap3A_1403, %swap3A_1404] {strides = array<i32>} : memref<80x16xf32, #tpu.memory_space<vmem>>, vector<1x16xf32>,
    %swap3A_1406 = vector.shape_cast %swap3A_1405 : vector<1x16xf32> to vector<16xf32>
    %swap3A_1407 = vector.shape_cast %broadcast_in_dim3A_2 : vector<16xf32> to vector<1x16xf32>
    tpu.vector_store %arg22[%swap3A_1403, %swap3A_1404], %swap3A_1407 {strides = array<i32>} : memref<80x16xf32, #tpu.memory_space<vmem>>, vector<1x16xf32>,
    %swap3A_1408 = arith.constant 40 : i32
    %swap3A_1409 = arith.index_cast %swap3A_1408 : i32 to index
    %swap3A_1410 = arith.constant 0 : index
    %swap3A_1411 = tpu.vector_load %arg22[%swap3A_1409, %swap3A_1410] {strides = array<i32>} : memref<80x16xf32, #tpu.memory_space<vmem>>, vector<1x16xf32>,
    %swap3A_1412 = vector.shape_cast %swap3A_1411 : vector<1x16xf32> to vector<16xf32>
    %swap3A_1413 = vector.shape_cast %broadcast_in_dim3A_2 : vector<16xf32> to vector<1x16xf32>
    tpu.vector_store %arg22[%swap3A_1409, %swap3A_1410], %swap3A_1413 {strides = array<i32>} : memref<80x16xf32, #tpu.memory_space<vmem>>, vector<1x16xf32>,
    %swap3A_1414 = arith.constant 41 : i32
    %swap3A_1415 = arith.index_cast %swap3A_1414 : i32 to index
    %swap3A_1416 = arith.constant 0 : index
    %swap3A_1417 = tpu.vector_load %arg22[%swap3A_1415, %swap3A_1416] {strides = array<i32>} : memref<80x16xf32, #tpu.memory_space<vmem>>, vector<1x16xf32>,
    %swap3A_1418 = vector.shape_cast %swap3A_1417 : vector<1x16xf32> to vector<16xf32>
    %swap3A_1419 = vector.shape_cast %broadcast_in_dim3A_2 : vector<16xf32> to vector<1x16xf32>
    tpu.vector_store %arg22[%swap3A_1415, %swap3A_1416], %swap3A_1419 {strides = array<i32>} : memref<80x16xf32, #tpu.memory_space<vmem>>, vector<1x16xf32>,
    %swap3A_1420 = arith.constant 42 : i32
    %swap3A_1421 = arith.index_cast %swap3A_1420 : i32 to index
    %swap3A_1422 = arith.constant 0 : index
    %swap3A_1423 = tpu.vector_load %arg22[%swap3A_1421, %swap3A_1422] {strides = array<i32>} : memref<80x16xf32, #tpu.memory_space<vmem>>, vector<1x16xf32>,
    %swap3A_1424 = vector.shape_cast %swap3A_1423 : vector<1x16xf32> to vector<16xf32>
    %swap3A_1425 = vector.shape_cast %broadcast_in_dim3A_2 : vector<16xf32> to vector<1x16xf32>
    tpu.vector_store %arg22[%swap3A_1421, %swap3A_1422], %swap3A_1425 {strides = array<i32>} : memref<80x16xf32, #tpu.memory_space<vmem>>, vector<1x16xf32>,
    %swap3A_1426 = arith.constant 43 : i32
    %swap3A_1427 = arith.index_cast %swap3A_1426 : i32 to index
    %swap3A_1428 = arith.constant 0 : index
    %swap3A_1429 = tpu.vector_load %arg22[%swap3A_1427, %swap3A_1428] {strides = array<i32>} : memref<80x16xf32, #tpu.memory_space<vmem>>, vector<1x16xf32>,
    %swap3A_1430 = vector.shape_cast %swap3A_1429 : vector<1x16xf32> to vector<16xf32>
    %swap3A_1431 = vector.shape_cast %broadcast_in_dim3A_2 : vector<16xf32> to vector<1x16xf32>
    tpu.vector_store %arg22[%swap3A_1427, %swap3A_1428], %swap3A_1431 {strides = array<i32>} : memref<80x16xf32, #tpu.memory_space<vmem>>, vector<1x16xf32>,
    %swap3A_1432 = arith.constant 44 : i32
    %swap3A_1433 = arith.index_cast %swap3A_1432 : i32 to index
    %swap3A_1434 = arith.constant 0 : index
    %swap3A_1435 = tpu.vector_load %arg22[%swap3A_1433, %swap3A_1434] {strides = array<i32>} : memref<80x16xf32, #tpu.memory_space<vmem>>, vector<1x16xf32>,
    %swap3A_1436 = vector.shape_cast %swap3A_1435 : vector<1x16xf32> to vector<16xf32>
    %swap3A_1437 = vector.shape_cast %broadcast_in_dim3A_2 : vector<16xf32> to vector<1x16xf32>
    tpu.vector_store %arg22[%swap3A_1433, %swap3A_1434], %swap3A_1437 {strides = array<i32>} : memref<80x16xf32, #tpu.memory_space<vmem>>, vector<1x16xf32>,
    %swap3A_1438 = arith.constant 45 : i32
    %swap3A_1439 = arith.index_cast %swap3A_1438 : i32 to index
    %swap3A_1440 = arith.constant 0 : index
    %swap3A_1441 = tpu.vector_load %arg22[%swap3A_1439, %swap3A_1440] {strides = array<i32>} : memref<80x16xf32, #tpu.memory_space<vmem>>, vector<1x16xf32>,
    %swap3A_1442 = vector.shape_cast %swap3A_1441 : vector<1x16xf32> to vector<16xf32>
    %swap3A_1443 = vector.shape_cast %broadcast_in_dim3A_2 : vector<16xf32> to vector<1x16xf32>
    tpu.vector_store %arg22[%swap3A_1439, %swap3A_1440], %swap3A_1443 {strides = array<i32>} : memref<80x16xf32, #tpu.memory_space<vmem>>, vector<1x16xf32>,
    %swap3A_1444 = arith.constant 46 : i32
    %swap3A_1445 = arith.index_cast %swap3A_1444 : i32 to index
    %swap3A_1446 = arith.constant 0 : index
    %swap3A_1447 = tpu.vector_load %arg22[%swap3A_1445, %swap3A_1446] {strides = array<i32>} : memref<80x16xf32, #tpu.memory_space<vmem>>, vector<1x16xf32>,
    %swap3A_1448 = vector.shape_cast %swap3A_1447 : vector<1x16xf32> to vector<16xf32>
    %swap3A_1449 = vector.shape_cast %broadcast_in_dim3A_2 : vector<16xf32> to vector<1x16xf32>
    tpu.vector_store %arg22[%swap3A_1445, %swap3A_1446], %swap3A_1449 {strides = array<i32>} : memref<80x16xf32, #tpu.memory_space<vmem>>, vector<1x16xf32>,
    %swap3A_1450 = arith.constant 47 : i32
    %swap3A_1451 = arith.index_cast %swap3A_1450 : i32 to index
    %swap3A_1452 = arith.constant 0 : index
    %swap3A_1453 = tpu.vector_load %arg22[%swap3A_1451, %swap3A_1452] {strides = array<i32>} : memref<80x16xf32, #tpu.memory_space<vmem>>, vector<1x16xf32>,
    %swap3A_1454 = vector.shape_cast %swap3A_1453 : vector<1x16xf32> to vector<16xf32>
    %swap3A_1455 = vector.shape_cast %broadcast_in_dim3A_2 : vector<16xf32> to vector<1x16xf32>
    tpu.vector_store %arg22[%swap3A_1451, %swap3A_1452], %swap3A_1455 {strides = array<i32>} : memref<80x16xf32, #tpu.memory_space<vmem>>, vector<1x16xf32>,
    %swap3A_1456 = arith.constant 48 : i32
    %swap3A_1457 = arith.index_cast %swap3A_1456 : i32 to index
    %swap3A_1458 = arith.constant 0 : index
    %swap3A_1459 = tpu.vector_load %arg22[%swap3A_1457, %swap3A_1458] {strides = array<i32>} : memref<80x16xf32, #tpu.memory_space<vmem>>, vector<1x16xf32>,
    %swap3A_1460 = vector.shape_cast %swap3A_1459 : vector<1x16xf32> to vector<16xf32>
    %swap3A_1461 = vector.shape_cast %broadcast_in_dim3A_2 : vector<16xf32> to vector<1x16xf32>
    tpu.vector_store %arg22[%swap3A_1457, %swap3A_1458], %swap3A_1461 {strides = array<i32>} : memref<80x16xf32, #tpu.memory_space<vmem>>, vector<1x16xf32>,
    %swap3A_1462 = arith.constant 49 : i32
    %swap3A_1463 = arith.index_cast %swap3A_1462 : i32 to index
    %swap3A_1464 = arith.constant 0 : index
    %swap3A_1465 = tpu.vector_load %arg22[%swap3A_1463, %swap3A_1464] {strides = array<i32>} : memref<80x16xf32, #tpu.memory_space<vmem>>, vector<1x16xf32>,
    %swap3A_1466 = vector.shape_cast %swap3A_1465 : vector<1x16xf32> to vector<16xf32>
    %swap3A_1467 = vector.shape_cast %broadcast_in_dim3A_2 : vector<16xf32> to vector<1x16xf32>
    tpu.vector_store %arg22[%swap3A_1463, %swap3A_1464], %swap3A_1467 {strides = array<i32>} : memref<80x16xf32, #tpu.memory_space<vmem>>, vector<1x16xf32>,
    %swap3A_1468 = arith.constant 50 : i32
    %swap3A_1469 = arith.index_cast %swap3A_1468 : i32 to index
    %swap3A_1470 = arith.constant 0 : index
    %swap3A_1471 = tpu.vector_load %arg22[%swap3A_1469, %swap3A_1470] {strides = array<i32>} : memref<80x16xf32, #tpu.memory_space<vmem>>, vector<1x16xf32>,
    %swap3A_1472 = vector.shape_cast %swap3A_1471 : vector<1x16xf32> to vector<16xf32>
    %swap3A_1473 = vector.shape_cast %broadcast_in_dim3A_2 : vector<16xf32> to vector<1x16xf32>
    tpu.vector_store %arg22[%swap3A_1469, %swap3A_1470], %swap3A_1473 {strides = array<i32>} : memref<80x16xf32, #tpu.memory_space<vmem>>, vector<1x16xf32>,
    %swap3A_1474 = arith.constant 51 : i32
    %swap3A_1475 = arith.index_cast %swap3A_1474 : i32 to index
    %swap3A_1476 = arith.constant 0 : index
    %swap3A_1477 = tpu.vector_load %arg22[%swap3A_1475, %swap3A_1476] {strides = array<i32>} : memref<80x16xf32, #tpu.memory_space<vmem>>, vector<1x16xf32>,
    %swap3A_1478 = vector.shape_cast %swap3A_1477 : vector<1x16xf32> to vector<16xf32>
    %swap3A_1479 = vector.shape_cast %broadcast_in_dim3A_2 : vector<16xf32> to vector<1x16xf32>
    tpu.vector_store %arg22[%swap3A_1475, %swap3A_1476], %swap3A_1479 {strides = array<i32>} : memref<80x16xf32, #tpu.memory_space<vmem>>, vector<1x16xf32>,
    %swap3A_1480 = arith.constant 52 : i32
    %swap3A_1481 = arith.index_cast %swap3A_1480 : i32 to index
    %swap3A_1482 = arith.constant 0 : index
    %swap3A_1483 = tpu.vector_load %arg22[%swap3A_1481, %swap3A_1482] {strides = array<i32>} : memref<80x16xf32, #tpu.memory_space<vmem>>, vector<1x16xf32>,
    %swap3A_1484 = vector.shape_cast %swap3A_1483 : vector<1x16xf32> to vector<16xf32>
    %swap3A_1485 = vector.shape_cast %broadcast_in_dim3A_2 : vector<16xf32> to vector<1x16xf32>
    tpu.vector_store %arg22[%swap3A_1481, %swap3A_1482], %swap3A_1485 {strides = array<i32>} : memref<80x16xf32, #tpu.memory_space<vmem>>, vector<1x16xf32>,
    %swap3A_1486 = arith.constant 53 : i32
    %swap3A_1487 = arith.index_cast %swap3A_1486 : i32 to index
    %swap3A_1488 = arith.constant 0 : index
    %swap3A_1489 = tpu.vector_load %arg22[%swap3A_1487, %swap3A_1488] {strides = array<i32>} : memref<80x16xf32, #tpu.memory_space<vmem>>, vector<1x16xf32>,
    %swap3A_1490 = vector.shape_cast %swap3A_1489 : vector<1x16xf32> to vector<16xf32>
    %swap3A_1491 = vector.shape_cast %broadcast_in_dim3A_2 : vector<16xf32> to vector<1x16xf32>
    tpu.vector_store %arg22[%swap3A_1487, %swap3A_1488], %swap3A_1491 {strides = array<i32>} : memref<80x16xf32, #tpu.memory_space<vmem>>, vector<1x16xf32>,
    %swap3A_1492 = arith.constant 54 : i32
    %swap3A_1493 = arith.index_cast %swap3A_1492 : i32 to index
    %swap3A_1494 = arith.constant 0 : index
    %swap3A_1495 = tpu.vector_load %arg22[%swap3A_1493, %swap3A_1494] {strides = array<i32>} : memref<80x16xf32, #tpu.memory_space<vmem>>, vector<1x16xf32>,
    %swap3A_1496 = vector.shape_cast %swap3A_1495 : vector<1x16xf32> to vector<16xf32>
    %swap3A_1497 = vector.shape_cast %broadcast_in_dim3A_2 : vector<16xf32> to vector<1x16xf32>
    tpu.vector_store %arg22[%swap3A_1493, %swap3A_1494], %swap3A_1497 {strides = array<i32>} : memref<80x16xf32, #tpu.memory_space<vmem>>, vector<1x16xf32>,
    %swap3A_1498 = arith.constant 55 : i32
    %swap3A_1499 = arith.index_cast %swap3A_1498 : i32 to index
    %swap3A_1500 = arith.constant 0 : index
    %swap3A_1501 = tpu.vector_load %arg22[%swap3A_1499, %swap3A_1500] {strides = array<i32>} : memref<80x16xf32, #tpu.memory_space<vmem>>, vector<1x16xf32>,
    %swap3A_1502 = vector.shape_cast %swap3A_1501 : vector<1x16xf32> to vector<16xf32>
    %swap3A_1503 = vector.shape_cast %broadcast_in_dim3A_2 : vector<16xf32> to vector<1x16xf32>
    tpu.vector_store %arg22[%swap3A_1499, %swap3A_1500], %swap3A_1503 {strides = array<i32>} : memref<80x16xf32, #tpu.memory_space<vmem>>, vector<1x16xf32>,
    %swap3A_1504 = arith.constant 56 : i32
    %swap3A_1505 = arith.index_cast %swap3A_1504 : i32 to index
    %swap3A_1506 = arith.constant 0 : index
    %swap3A_1507 = tpu.vector_load %arg22[%swap3A_1505, %swap3A_1506] {strides = array<i32>} : memref<80x16xf32, #tpu.memory_space<vmem>>, vector<1x16xf32>,
    %swap3A_1508 = vector.shape_cast %swap3A_1507 : vector<1x16xf32> to vector<16xf32>
    %swap3A_1509 = vector.shape_cast %broadcast_in_dim3A_2 : vector<16xf32> to vector<1x16xf32>
    tpu.vector_store %arg22[%swap3A_1505, %swap3A_1506], %swap3A_1509 {strides = array<i32>} : memref<80x16xf32, #tpu.memory_space<vmem>>, vector<1x16xf32>,
    %swap3A_1510 = arith.constant 57 : i32
    %swap3A_1511 = arith.index_cast %swap3A_1510 : i32 to index
    %swap3A_1512 = arith.constant 0 : index
    %swap3A_1513 = tpu.vector_load %arg22[%swap3A_1511, %swap3A_1512] {strides = array<i32>} : memref<80x16xf32, #tpu.memory_space<vmem>>, vector<1x16xf32>,
    %swap3A_1514 = vector.shape_cast %swap3A_1513 : vector<1x16xf32> to vector<16xf32>
    %swap3A_1515 = vector.shape_cast %broadcast_in_dim3A_2 : vector<16xf32> to vector<1x16xf32>
    tpu.vector_store %arg22[%swap3A_1511, %swap3A_1512], %swap3A_1515 {strides = array<i32>} : memref<80x16xf32, #tpu.memory_space<vmem>>, vector<1x16xf32>,
    %swap3A_1516 = arith.constant 58 : i32
    %swap3A_1517 = arith.index_cast %swap3A_1516 : i32 to index
    %swap3A_1518 = arith.constant 0 : index
    %swap3A_1519 = tpu.vector_load %arg22[%swap3A_1517, %swap3A_1518] {strides = array<i32>} : memref<80x16xf32, #tpu.memory_space<vmem>>, vector<1x16xf32>,
    %swap3A_1520 = vector.shape_cast %swap3A_1519 : vector<1x16xf32> to vector<16xf32>
    %swap3A_1521 = vector.shape_cast %broadcast_in_dim3A_2 : vector<16xf32> to vector<1x16xf32>
    tpu.vector_store %arg22[%swap3A_1517, %swap3A_1518], %swap3A_1521 {strides = array<i32>} : memref<80x16xf32, #tpu.memory_space<vmem>>, vector<1x16xf32>,
    %swap3A_1522 = arith.constant 59 : i32
    %swap3A_1523 = arith.index_cast %swap3A_1522 : i32 to index
    %swap3A_1524 = arith.constant 0 : index
    %swap3A_1525 = tpu.vector_load %arg22[%swap3A_1523, %swap3A_1524] {strides = array<i32>} : memref<80x16xf32, #tpu.memory_space<vmem>>, vector<1x16xf32>,
    %swap3A_1526 = vector.shape_cast %swap3A_1525 : vector<1x16xf32> to vector<16xf32>
    %swap3A_1527 = vector.shape_cast %broadcast_in_dim3A_2 : vector<16xf32> to vector<1x16xf32>
    tpu.vector_store %arg22[%swap3A_1523, %swap3A_1524], %swap3A_1527 {strides = array<i32>} : memref<80x16xf32, #tpu.memory_space<vmem>>, vector<1x16xf32>,
    %swap3A_1528 = arith.constant 60 : i32
    %swap3A_1529 = arith.index_cast %swap3A_1528 : i32 to index
    %swap3A_1530 = arith.constant 0 : index
    %swap3A_1531 = tpu.vector_load %arg22[%swap3A_1529, %swap3A_1530] {strides = array<i32>} : memref<80x16xf32, #tpu.memory_space<vmem>>, vector<1x16xf32>,
    %swap3A_1532 = vector.shape_cast %swap3A_1531 : vector<1x16xf32> to vector<16xf32>
    %swap3A_1533 = vector.shape_cast %broadcast_in_dim3A_2 : vector<16xf32> to vector<1x16xf32>
    tpu.vector_store %arg22[%swap3A_1529, %swap3A_1530], %swap3A_1533 {strides = array<i32>} : memref<80x16xf32, #tpu.memory_space<vmem>>, vector<1x16xf32>,
    %swap3A_1534 = arith.constant 61 : i32
    %swap3A_1535 = arith.index_cast %swap3A_1534 : i32 to index
    %swap3A_1536 = arith.constant 0 : index
    %swap3A_1537 = tpu.vector_load %arg22[%swap3A_1535, %swap3A_1536] {strides = array<i32>} : memref<80x16xf32, #tpu.memory_space<vmem>>, vector<1x16xf32>,
    %swap3A_1538 = vector.shape_cast %swap3A_1537 : vector<1x16xf32> to vector<16xf32>
    %swap3A_1539 = vector.shape_cast %broadcast_in_dim3A_2 : vector<16xf32> to vector<1x16xf32>
    tpu.vector_store %arg22[%swap3A_1535, %swap3A_1536], %swap3A_1539 {strides = array<i32>} : memref<80x16xf32, #tpu.memory_space<vmem>>, vector<1x16xf32>,
    %swap3A_1540 = arith.constant 62 : i32
    %swap3A_1541 = arith.index_cast %swap3A_1540 : i32 to index
    %swap3A_1542 = arith.constant 0 : index
    %swap3A_1543 = tpu.vector_load %arg22[%swap3A_1541, %swap3A_1542] {strides = array<i32>} : memref<80x16xf32, #tpu.memory_space<vmem>>, vector<1x16xf32>,
    %swap3A_1544 = vector.shape_cast %swap3A_1543 : vector<1x16xf32> to vector<16xf32>
    %swap3A_1545 = vector.shape_cast %broadcast_in_dim3A_2 : vector<16xf32> to vector<1x16xf32>
    tpu.vector_store %arg22[%swap3A_1541, %swap3A_1542], %swap3A_1545 {strides = array<i32>} : memref<80x16xf32, #tpu.memory_space<vmem>>, vector<1x16xf32>,
    %swap3A_1546 = arith.constant 63 : i32
    %swap3A_1547 = arith.index_cast %swap3A_1546 : i32 to index
    %swap3A_1548 = arith.constant 0 : index
    %swap3A_1549 = tpu.vector_load %arg22[%swap3A_1547, %swap3A_1548] {strides = array<i32>} : memref<80x16xf32, #tpu.memory_space<vmem>>, vector<1x16xf32>,
    %swap3A_1550 = vector.shape_cast %swap3A_1549 : vector<1x16xf32> to vector<16xf32>
    %swap3A_1551 = vector.shape_cast %broadcast_in_dim3A_2 : vector<16xf32> to vector<1x16xf32>
    tpu.vector_store %arg22[%swap3A_1547, %swap3A_1548], %swap3A_1551 {strides = array<i32>} : memref<80x16xf32, #tpu.memory_space<vmem>>, vector<1x16xf32>,
    %swap3A_1552 = arith.constant 64 : i32
    %swap3A_1553 = arith.index_cast %swap3A_1552 : i32 to index
    %swap3A_1554 = arith.constant 0 : index
    %swap3A_1555 = tpu.vector_load %arg22[%swap3A_1553, %swap3A_1554] {strides = array<i32>} : memref<80x16xf32, #tpu.memory_space<vmem>>, vector<1x16xf32>,
    %swap3A_1556 = vector.shape_cast %swap3A_1555 : vector<1x16xf32> to vector<16xf32>
    %swap3A_1557 = vector.shape_cast %broadcast_in_dim3A_2 : vector<16xf32> to vector<1x16xf32>
    tpu.vector_store %arg22[%swap3A_1553, %swap3A_1554], %swap3A_1557 {strides = array<i32>} : memref<80x16xf32, #tpu.memory_space<vmem>>, vector<1x16xf32>,
    %swap3A_1558 = arith.constant 65 : i32
    %swap3A_1559 = arith.index_cast %swap3A_1558 : i32 to index
    %swap3A_1560 = arith.constant 0 : index
    %swap3A_1561 = tpu.vector_load %arg22[%swap3A_1559, %swap3A_1560] {strides = array<i32>} : memref<80x16xf32, #tpu.memory_space<vmem>>, vector<1x16xf32>,
    %swap3A_1562 = vector.shape_cast %swap3A_1561 : vector<1x16xf32> to vector<16xf32>
    %swap3A_1563 = vector.shape_cast %broadcast_in_dim3A_2 : vector<16xf32> to vector<1x16xf32>
    tpu.vector_store %arg22[%swap3A_1559, %swap3A_1560], %swap3A_1563 {strides = array<i32>} : memref<80x16xf32, #tpu.memory_space<vmem>>, vector<1x16xf32>,
    %swap3A_1564 = arith.constant 66 : i32
    %swap3A_1565 = arith.index_cast %swap3A_1564 : i32 to index
    %swap3A_1566 = arith.constant 0 : index
    %swap3A_1567 = tpu.vector_load %arg22[%swap3A_1565, %swap3A_1566] {strides = array<i32>} : memref<80x16xf32, #tpu.memory_space<vmem>>, vector<1x16xf32>,
    %swap3A_1568 = vector.shape_cast %swap3A_1567 : vector<1x16xf32> to vector<16xf32>
    %swap3A_1569 = vector.shape_cast %broadcast_in_dim3A_2 : vector<16xf32> to vector<1x16xf32>
    tpu.vector_store %arg22[%swap3A_1565, %swap3A_1566], %swap3A_1569 {strides = array<i32>} : memref<80x16xf32, #tpu.memory_space<vmem>>, vector<1x16xf32>,
    %swap3A_1570 = arith.constant 67 : i32
    %swap3A_1571 = arith.index_cast %swap3A_1570 : i32 to index
    %swap3A_1572 = arith.constant 0 : index
    %swap3A_1573 = tpu.vector_load %arg22[%swap3A_1571, %swap3A_1572] {strides = array<i32>} : memref<80x16xf32, #tpu.memory_space<vmem>>, vector<1x16xf32>,
    %swap3A_1574 = vector.shape_cast %swap3A_1573 : vector<1x16xf32> to vector<16xf32>
    %swap3A_1575 = vector.shape_cast %broadcast_in_dim3A_2 : vector<16xf32> to vector<1x16xf32>
    tpu.vector_store %arg22[%swap3A_1571, %swap3A_1572], %swap3A_1575 {strides = array<i32>} : memref<80x16xf32, #tpu.memory_space<vmem>>, vector<1x16xf32>,
    %swap3A_1576 = arith.constant 68 : i32
    %swap3A_1577 = arith.index_cast %swap3A_1576 : i32 to index
    %swap3A_1578 = arith.constant 0 : index
    %swap3A_1579 = tpu.vector_load %arg22[%swap3A_1577, %swap3A_1578] {strides = array<i32>} : memref<80x16xf32, #tpu.memory_space<vmem>>, vector<1x16xf32>,
    %swap3A_1580 = vector.shape_cast %swap3A_1579 : vector<1x16xf32> to vector<16xf32>
    %swap3A_1581 = vector.shape_cast %broadcast_in_dim3A_2 : vector<16xf32> to vector<1x16xf32>
    tpu.vector_store %arg22[%swap3A_1577, %swap3A_1578], %swap3A_1581 {strides = array<i32>} : memref<80x16xf32, #tpu.memory_space<vmem>>, vector<1x16xf32>,
    %swap3A_1582 = arith.constant 69 : i32
    %swap3A_1583 = arith.index_cast %swap3A_1582 : i32 to index
    %swap3A_1584 = arith.constant 0 : index
    %swap3A_1585 = tpu.vector_load %arg22[%swap3A_1583, %swap3A_1584] {strides = array<i32>} : memref<80x16xf32, #tpu.memory_space<vmem>>, vector<1x16xf32>,
    %swap3A_1586 = vector.shape_cast %swap3A_1585 : vector<1x16xf32> to vector<16xf32>
    %swap3A_1587 = vector.shape_cast %broadcast_in_dim3A_2 : vector<16xf32> to vector<1x16xf32>
    tpu.vector_store %arg22[%swap3A_1583, %swap3A_1584], %swap3A_1587 {strides = array<i32>} : memref<80x16xf32, #tpu.memory_space<vmem>>, vector<1x16xf32>,
    %swap3A_1588 = arith.constant 70 : i32
    %swap3A_1589 = arith.index_cast %swap3A_1588 : i32 to index
    %swap3A_1590 = arith.constant 0 : index
    %swap3A_1591 = tpu.vector_load %arg22[%swap3A_1589, %swap3A_1590] {strides = array<i32>} : memref<80x16xf32, #tpu.memory_space<vmem>>, vector<1x16xf32>,
    %swap3A_1592 = vector.shape_cast %swap3A_1591 : vector<1x16xf32> to vector<16xf32>
    %swap3A_1593 = vector.shape_cast %broadcast_in_dim3A_2 : vector<16xf32> to vector<1x16xf32>
    tpu.vector_store %arg22[%swap3A_1589, %swap3A_1590], %swap3A_1593 {strides = array<i32>} : memref<80x16xf32, #tpu.memory_space<vmem>>, vector<1x16xf32>,
    %swap3A_1594 = arith.constant 71 : i32
    %swap3A_1595 = arith.index_cast %swap3A_1594 : i32 to index
    %swap3A_1596 = arith.constant 0 : index
    %swap3A_1597 = tpu.vector_load %arg22[%swap3A_1595, %swap3A_1596] {strides = array<i32>} : memref<80x16xf32, #tpu.memory_space<vmem>>, vector<1x16xf32>,
    %swap3A_1598 = vector.shape_cast %swap3A_1597 : vector<1x16xf32> to vector<16xf32>
    %swap3A_1599 = vector.shape_cast %broadcast_in_dim3A_2 : vector<16xf32> to vector<1x16xf32>
    tpu.vector_store %arg22[%swap3A_1595, %swap3A_1596], %swap3A_1599 {strides = array<i32>} : memref<80x16xf32, #tpu.memory_space<vmem>>, vector<1x16xf32>,
    %swap3A_1600 = arith.constant 72 : i32
    %swap3A_1601 = arith.index_cast %swap3A_1600 : i32 to index
    %swap3A_1602 = arith.constant 0 : index
    %swap3A_1603 = tpu.vector_load %arg22[%swap3A_1601, %swap3A_1602] {strides = array<i32>} : memref<80x16xf32, #tpu.memory_space<vmem>>, vector<1x16xf32>,
    %swap3A_1604 = vector.shape_cast %swap3A_1603 : vector<1x16xf32> to vector<16xf32>
    %swap3A_1605 = vector.shape_cast %broadcast_in_dim3A_2 : vector<16xf32> to vector<1x16xf32>
    tpu.vector_store %arg22[%swap3A_1601, %swap3A_1602], %swap3A_1605 {strides = array<i32>} : memref<80x16xf32, #tpu.memory_space<vmem>>, vector<1x16xf32>,
    %swap3A_1606 = arith.constant 73 : i32
    %swap3A_1607 = arith.index_cast %swap3A_1606 : i32 to index
    %swap3A_1608 = arith.constant 0 : index
    %swap3A_1609 = tpu.vector_load %arg22[%swap3A_1607, %swap3A_1608] {strides = array<i32>} : memref<80x16xf32, #tpu.memory_space<vmem>>, vector<1x16xf32>,
    %swap3A_1610 = vector.shape_cast %swap3A_1609 : vector<1x16xf32> to vector<16xf32>
    %swap3A_1611 = vector.shape_cast %broadcast_in_dim3A_2 : vector<16xf32> to vector<1x16xf32>
    tpu.vector_store %arg22[%swap3A_1607, %swap3A_1608], %swap3A_1611 {strides = array<i32>} : memref<80x16xf32, #tpu.memory_space<vmem>>, vector<1x16xf32>,
    %swap3A_1612 = arith.constant 74 : i32
    %swap3A_1613 = arith.index_cast %swap3A_1612 : i32 to index
    %swap3A_1614 = arith.constant 0 : index
    %swap3A_1615 = tpu.vector_load %arg22[%swap3A_1613, %swap3A_1614] {strides = array<i32>} : memref<80x16xf32, #tpu.memory_space<vmem>>, vector<1x16xf32>,
    %swap3A_1616 = vector.shape_cast %swap3A_1615 : vector<1x16xf32> to vector<16xf32>
    %swap3A_1617 = vector.shape_cast %broadcast_in_dim3A_2 : vector<16xf32> to vector<1x16xf32>
    tpu.vector_store %arg22[%swap3A_1613, %swap3A_1614], %swap3A_1617 {strides = array<i32>} : memref<80x16xf32, #tpu.memory_space<vmem>>, vector<1x16xf32>,
    %swap3A_1618 = arith.constant 75 : i32
    %swap3A_1619 = arith.index_cast %swap3A_1618 : i32 to index
    %swap3A_1620 = arith.constant 0 : index
    %swap3A_1621 = tpu.vector_load %arg22[%swap3A_1619, %swap3A_1620] {strides = array<i32>} : memref<80x16xf32, #tpu.memory_space<vmem>>, vector<1x16xf32>,
    %swap3A_1622 = vector.shape_cast %swap3A_1621 : vector<1x16xf32> to vector<16xf32>
    %swap3A_1623 = vector.shape_cast %broadcast_in_dim3A_2 : vector<16xf32> to vector<1x16xf32>
    tpu.vector_store %arg22[%swap3A_1619, %swap3A_1620], %swap3A_1623 {strides = array<i32>} : memref<80x16xf32, #tpu.memory_space<vmem>>, vector<1x16xf32>,
    %swap3A_1624 = arith.constant 76 : i32
    %swap3A_1625 = arith.index_cast %swap3A_1624 : i32 to index
    %swap3A_1626 = arith.constant 0 : index
    %swap3A_1627 = tpu.vector_load %arg22[%swap3A_1625, %swap3A_1626] {strides = array<i32>} : memref<80x16xf32, #tpu.memory_space<vmem>>, vector<1x16xf32>,
    %swap3A_1628 = vector.shape_cast %swap3A_1627 : vector<1x16xf32> to vector<16xf32>
    %swap3A_1629 = vector.shape_cast %broadcast_in_dim3A_2 : vector<16xf32> to vector<1x16xf32>
    tpu.vector_store %arg22[%swap3A_1625, %swap3A_1626], %swap3A_1629 {strides = array<i32>} : memref<80x16xf32, #tpu.memory_space<vmem>>, vector<1x16xf32>,
    %swap3A_1630 = arith.constant 77 : i32
    %swap3A_1631 = arith.index_cast %swap3A_1630 : i32 to index
    %swap3A_1632 = arith.constant 0 : index
    %swap3A_1633 = tpu.vector_load %arg22[%swap3A_1631, %swap3A_1632] {strides = array<i32>} : memref<80x16xf32, #tpu.memory_space<vmem>>, vector<1x16xf32>,
    %swap3A_1634 = vector.shape_cast %swap3A_1633 : vector<1x16xf32> to vector<16xf32>
    %swap3A_1635 = vector.shape_cast %broadcast_in_dim3A_2 : vector<16xf32> to vector<1x16xf32>
    tpu.vector_store %arg22[%swap3A_1631, %swap3A_1632], %swap3A_1635 {strides = array<i32>} : memref<80x16xf32, #tpu.memory_space<vmem>>, vector<1x16xf32>,
    %swap3A_1636 = arith.constant 78 : i32
    %swap3A_1637 = arith.index_cast %swap3A_1636 : i32 to index
    %swap3A_1638 = arith.constant 0 : index
    %swap3A_1639 = tpu.vector_load %arg22[%swap3A_1637, %swap3A_1638] {strides = array<i32>} : memref<80x16xf32, #tpu.memory_space<vmem>>, vector<1x16xf32>,
    %swap3A_1640 = vector.shape_cast %swap3A_1639 : vector<1x16xf32> to vector<16xf32>
    %swap3A_1641 = vector.shape_cast %broadcast_in_dim3A_2 : vector<16xf32> to vector<1x16xf32>
    tpu.vector_store %arg22[%swap3A_1637, %swap3A_1638], %swap3A_1641 {strides = array<i32>} : memref<80x16xf32, #tpu.memory_space<vmem>>, vector<1x16xf32>,
    %swap3A_1642 = arith.constant 79 : i32
    %swap3A_1643 = arith.index_cast %swap3A_1642 : i32 to index
    %swap3A_1644 = arith.constant 0 : index
    %swap3A_1645 = tpu.vector_load %arg22[%swap3A_1643, %swap3A_1644] {strides = array<i32>} : memref<80x16xf32, #tpu.memory_space<vmem>>, vector<1x16xf32>,
    %swap3A_1646 = vector.shape_cast %swap3A_1645 : vector<1x16xf32> to vector<16xf32>
    %swap3A_1647 = vector.shape_cast %broadcast_in_dim3A_2 : vector<16xf32> to vector<1x16xf32>
    tpu.vector_store %arg22[%swap3A_1643, %swap3A_1644], %swap3A_1647 {strides = array<i32>} : memref<80x16xf32, #tpu.memory_space<vmem>>, vector<1x16xf32>,
    %mul3A_1648 = arith.constant 128 : i32
    %mul3A_1649 = arith.muli %mul3A_1648, %arg0 : i32
    %add3A = arith.constant 0 : i32
    %add3A_1650 = arith.addi %mul3A_1649, %add3A : i32
    %mul3A_1651 = arith.constant 512 : i32
    %mul3A_1652 = arith.muli %mul3A_1651, %arg1 : i32
    %add3A_1653 = arith.constant 0 : i32
    %add3A_1654 = arith.addi %mul3A_1652, %add3A_1653 : i32
    "tpu.region"() ({
      %run_scoped3A = tpu.sem_alloc : memref<!tpu.dma_semaphore, #tpu.memory_space<semaphore_mem>>
      %dma_start3A = arith.constant 0 : i32
      %dma_start3A_1995 = tpu.memref_slice %arg6[%add3A_1654, %dma_start3A] : memref<8192x64xf32, #tpu.memory_space<vmem_shared>> -> memref<128x64xf32, #tpu.memory_space<vmem_shared>>
      %dma_start3A_1996 = arith.constant 0 : i32
      %dma_start3A_1997 = tpu.memref_slice %arg6[%add3A_1654, %dma_start3A_1996] : memref<8192x64xf32, #tpu.memory_space<vmem_shared>> -> memref<128x64xf32, #tpu.memory_space<vmem_shared>>
      tpu.enqueue_dma source(%arg12 : memref<128x64xf32, #tpu.memory_space<vmem>>) target(%dma_start3A_1997 : memref<128x64xf32, #tpu.memory_space<vmem_shared>>) target_semaphore(%run_scoped3A : memref<!tpu.dma_semaphore, #tpu.memory_space<semaphore_mem>>)
      %dma_wait3A = arith.constant 0 : i32
      %dma_wait3A_1998 = tpu.memref_slice %arg6[%add3A_1654, %dma_wait3A] : memref<8192x64xf32, #tpu.memory_space<vmem_shared>> -> memref<128x64xf32, #tpu.memory_space<vmem_shared>>
      %dma_wait3A_1999 = arith.constant 0 : i32
      %dma_wait3A_2000 = tpu.memref_slice %arg6[%add3A_1654, %dma_wait3A_1999] : memref<8192x64xf32, #tpu.memory_space<vmem_shared>> -> memref<128x64xf32, #tpu.memory_space<vmem_shared>>
      tpu.wait_dma2 semaphore(%run_scoped3A : memref<!tpu.dma_semaphore, #tpu.memory_space<semaphore_mem>>) src(%arg12 : memref<128x64xf32, #tpu.memory_space<vmem>>) dst(%dma_wait3A_2000 : memref<128x64xf32, #tpu.memory_space<vmem_shared>>)
      tpu.yield
    }) : () -> ()
    %mul3A_1655 = arith.constant 512 : i32
    %mul3A_1656 = arith.muli %mul3A_1655, %arg1 : i32
    %add3A_1657 = arith.constant 128 : i32
    %add3A_1658 = arith.addi %mul3A_1656, %add3A_1657 : i32
    "tpu.region"() ({
      %run_scoped3A = tpu.sem_alloc : memref<!tpu.dma_semaphore, #tpu.memory_space<semaphore_mem>>
      %dma_start3A = arith.constant 0 : i32
      %dma_start3A_1995 = tpu.memref_slice %arg6[%add3A_1658, %dma_start3A] : memref<8192x64xf32, #tpu.memory_space<vmem_shared>> -> memref<128x64xf32, #tpu.memory_space<vmem_shared>>
      %dma_start3A_1996 = arith.constant 0 : i32
      %dma_start3A_1997 = tpu.memref_slice %arg6[%add3A_1658, %dma_start3A_1996] : memref<8192x64xf32, #tpu.memory_space<vmem_shared>> -> memref<128x64xf32, #tpu.memory_space<vmem_shared>>
      tpu.enqueue_dma source(%arg12 : memref<128x64xf32, #tpu.memory_space<vmem>>) target(%dma_start3A_1997 : memref<128x64xf32, #tpu.memory_space<vmem_shared>>) target_semaphore(%run_scoped3A : memref<!tpu.dma_semaphore, #tpu.memory_space<semaphore_mem>>)
      %dma_wait3A = arith.constant 0 : i32
      %dma_wait3A_1998 = tpu.memref_slice %arg6[%add3A_1658, %dma_wait3A] : memref<8192x64xf32, #tpu.memory_space<vmem_shared>> -> memref<128x64xf32, #tpu.memory_space<vmem_shared>>
      %dma_wait3A_1999 = arith.constant 0 : i32
      %dma_wait3A_2000 = tpu.memref_slice %arg6[%add3A_1658, %dma_wait3A_1999] : memref<8192x64xf32, #tpu.memory_space<vmem_shared>> -> memref<128x64xf32, #tpu.memory_space<vmem_shared>>
      tpu.wait_dma2 semaphore(%run_scoped3A : memref<!tpu.dma_semaphore, #tpu.memory_space<semaphore_mem>>) src(%arg12 : memref<128x64xf32, #tpu.memory_space<vmem>>) dst(%dma_wait3A_2000 : memref<128x64xf32, #tpu.memory_space<vmem_shared>>)
      tpu.yield
    }) : () -> ()
    %mul3A_1659 = arith.constant 512 : i32
    %mul3A_1660 = arith.muli %mul3A_1659, %arg1 : i32
    %add3A_1661 = arith.constant 256 : i32
    %add3A_1662 = arith.addi %mul3A_1660, %add3A_1661 : i32
    "tpu.region"() ({
      %run_scoped3A = tpu.sem_alloc : memref<!tpu.dma_semaphore, #tpu.memory_space<semaphore_mem>>
      %dma_start3A = arith.constant 0 : i32
      %dma_start3A_1995 = tpu.memref_slice %arg6[%add3A_1662, %dma_start3A] : memref<8192x64xf32, #tpu.memory_space<vmem_shared>> -> memref<128x64xf32, #tpu.memory_space<vmem_shared>>
      %dma_start3A_1996 = arith.constant 0 : i32
      %dma_start3A_1997 = tpu.memref_slice %arg6[%add3A_1662, %dma_start3A_1996] : memref<8192x64xf32, #tpu.memory_space<vmem_shared>> -> memref<128x64xf32, #tpu.memory_space<vmem_shared>>
      tpu.enqueue_dma source(%arg12 : memref<128x64xf32, #tpu.memory_space<vmem>>) target(%dma_start3A_1997 : memref<128x64xf32, #tpu.memory_space<vmem_shared>>) target_semaphore(%run_scoped3A : memref<!tpu.dma_semaphore, #tpu.memory_space<semaphore_mem>>)
      %dma_wait3A = arith.constant 0 : i32
      %dma_wait3A_1998 = tpu.memref_slice %arg6[%add3A_1662, %dma_wait3A] : memref<8192x64xf32, #tpu.memory_space<vmem_shared>> -> memref<128x64xf32, #tpu.memory_space<vmem_shared>>
      %dma_wait3A_1999 = arith.constant 0 : i32
      %dma_wait3A_2000 = tpu.memref_slice %arg6[%add3A_1662, %dma_wait3A_1999] : memref<8192x64xf32, #tpu.memory_space<vmem_shared>> -> memref<128x64xf32, #tpu.memory_space<vmem_shared>>
      tpu.wait_dma2 semaphore(%run_scoped3A : memref<!tpu.dma_semaphore, #tpu.memory_space<semaphore_mem>>) src(%arg12 : memref<128x64xf32, #tpu.memory_space<vmem>>) dst(%dma_wait3A_2000 : memref<128x64xf32, #tpu.memory_space<vmem_shared>>)
      tpu.yield
    }) : () -> ()
    %mul3A_1663 = arith.constant 512 : i32
    %mul3A_1664 = arith.muli %mul3A_1663, %arg1 : i32
    %add3A_1665 = arith.constant 384 : i32
    %add3A_1666 = arith.addi %mul3A_1664, %add3A_1665 : i32
    "tpu.region"() ({
      %run_scoped3A = tpu.sem_alloc : memref<!tpu.dma_semaphore, #tpu.memory_space<semaphore_mem>>
      %dma_start3A = arith.constant 0 : i32
      %dma_start3A_1995 = tpu.memref_slice %arg6[%add3A_1666, %dma_start3A] : memref<8192x64xf32, #tpu.memory_space<vmem_shared>> -> memref<128x64xf32, #tpu.memory_space<vmem_shared>>
      %dma_start3A_1996 = arith.constant 0 : i32
      %dma_start3A_1997 = tpu.memref_slice %arg6[%add3A_1666, %dma_start3A_1996] : memref<8192x64xf32, #tpu.memory_space<vmem_shared>> -> memref<128x64xf32, #tpu.memory_space<vmem_shared>>
      tpu.enqueue_dma source(%arg12 : memref<128x64xf32, #tpu.memory_space<vmem>>) target(%dma_start3A_1997 : memref<128x64xf32, #tpu.memory_space<vmem_shared>>) target_semaphore(%run_scoped3A : memref<!tpu.dma_semaphore, #tpu.memory_space<semaphore_mem>>)
      %dma_wait3A = arith.constant 0 : i32
      %dma_wait3A_1998 = tpu.memref_slice %arg6[%add3A_1666, %dma_wait3A] : memref<8192x64xf32, #tpu.memory_space<vmem_shared>> -> memref<128x64xf32, #tpu.memory_space<vmem_shared>>
      %dma_wait3A_1999 = arith.constant 0 : i32
      %dma_wait3A_2000 = tpu.memref_slice %arg6[%add3A_1666, %dma_wait3A_1999] : memref<8192x64xf32, #tpu.memory_space<vmem_shared>> -> memref<128x64xf32, #tpu.memory_space<vmem_shared>>
      tpu.wait_dma2 semaphore(%run_scoped3A : memref<!tpu.dma_semaphore, #tpu.memory_space<semaphore_mem>>) src(%arg12 : memref<128x64xf32, #tpu.memory_space<vmem>>) dst(%dma_wait3A_2000 : memref<128x64xf32, #tpu.memory_space<vmem_shared>>)
      tpu.yield
    }) : () -> ()
    %mul3A_1667 = arith.constant 512 : i32
    %mul3A_1668 = arith.muli %mul3A_1667, %arg1 : i32
    %add3A_1669 = arith.constant 0 : i32
    %add3A_1670 = arith.addi %mul3A_1668, %add3A_1669 : i32
    "tpu.region"() ({
      %run_scoped3A = tpu.sem_alloc : memref<!tpu.dma_semaphore, #tpu.memory_space<semaphore_mem>>
      %dma_start3A = arith.constant 0 : i32
      %dma_start3A_1995 = tpu.memref_slice %arg7[%add3A_1670, %dma_start3A] : memref<8192x16xf32, #tpu.memory_space<vmem_shared>> -> memref<64x16xf32, #tpu.memory_space<vmem_shared>>
      %dma_start3A_1996 = arith.constant 0 : i32
      %dma_start3A_1997 = tpu.memref_slice %arg7[%add3A_1670, %dma_start3A_1996] : memref<8192x16xf32, #tpu.memory_space<vmem_shared>> -> memref<64x16xf32, #tpu.memory_space<vmem_shared>>
      tpu.enqueue_dma source(%arg14 : memref<64x16xf32, #tpu.memory_space<vmem>>) target(%dma_start3A_1997 : memref<64x16xf32, #tpu.memory_space<vmem_shared>>) target_semaphore(%run_scoped3A : memref<!tpu.dma_semaphore, #tpu.memory_space<semaphore_mem>>)
      %dma_wait3A = arith.constant 0 : i32
      %dma_wait3A_1998 = tpu.memref_slice %arg7[%add3A_1670, %dma_wait3A] : memref<8192x16xf32, #tpu.memory_space<vmem_shared>> -> memref<64x16xf32, #tpu.memory_space<vmem_shared>>
      %dma_wait3A_1999 = arith.constant 0 : i32
      %dma_wait3A_2000 = tpu.memref_slice %arg7[%add3A_1670, %dma_wait3A_1999] : memref<8192x16xf32, #tpu.memory_space<vmem_shared>> -> memref<64x16xf32, #tpu.memory_space<vmem_shared>>
      tpu.wait_dma2 semaphore(%run_scoped3A : memref<!tpu.dma_semaphore, #tpu.memory_space<semaphore_mem>>) src(%arg14 : memref<64x16xf32, #tpu.memory_space<vmem>>) dst(%dma_wait3A_2000 : memref<64x16xf32, #tpu.memory_space<vmem_shared>>)
      tpu.yield
    }) : () -> ()
    %mul3A_1671 = arith.constant 512 : i32
    %mul3A_1672 = arith.muli %mul3A_1671, %arg1 : i32
    %add3A_1673 = arith.constant 64 : i32
    %add3A_1674 = arith.addi %mul3A_1672, %add3A_1673 : i32
    "tpu.region"() ({
      %run_scoped3A = tpu.sem_alloc : memref<!tpu.dma_semaphore, #tpu.memory_space<semaphore_mem>>
      %dma_start3A = arith.constant 0 : i32
      %dma_start3A_1995 = tpu.memref_slice %arg7[%add3A_1674, %dma_start3A] : memref<8192x16xf32, #tpu.memory_space<vmem_shared>> -> memref<64x16xf32, #tpu.memory_space<vmem_shared>>
      %dma_start3A_1996 = arith.constant 0 : i32
      %dma_start3A_1997 = tpu.memref_slice %arg7[%add3A_1674, %dma_start3A_1996] : memref<8192x16xf32, #tpu.memory_space<vmem_shared>> -> memref<64x16xf32, #tpu.memory_space<vmem_shared>>
      tpu.enqueue_dma source(%arg14 : memref<64x16xf32, #tpu.memory_space<vmem>>) target(%dma_start3A_1997 : memref<64x16xf32, #tpu.memory_space<vmem_shared>>) target_semaphore(%run_scoped3A : memref<!tpu.dma_semaphore, #tpu.memory_space<semaphore_mem>>)
      %dma_wait3A = arith.constant 0 : i32
      %dma_wait3A_1998 = tpu.memref_slice %arg7[%add3A_1674, %dma_wait3A] : memref<8192x16xf32, #tpu.memory_space<vmem_shared>> -> memref<64x16xf32, #tpu.memory_space<vmem_shared>>
      %dma_wait3A_1999 = arith.constant 0 : i32
      %dma_wait3A_2000 = tpu.memref_slice %arg7[%add3A_1674, %dma_wait3A_1999] : memref<8192x16xf32, #tpu.memory_space<vmem_shared>> -> memref<64x16xf32, #tpu.memory_space<vmem_shared>>
      tpu.wait_dma2 semaphore(%run_scoped3A : memref<!tpu.dma_semaphore, #tpu.memory_space<semaphore_mem>>) src(%arg14 : memref<64x16xf32, #tpu.memory_space<vmem>>) dst(%dma_wait3A_2000 : memref<64x16xf32, #tpu.memory_space<vmem_shared>>)
      tpu.yield
    }) : () -> ()
    %mul3A_1675 = arith.constant 512 : i32
    %mul3A_1676 = arith.muli %mul3A_1675, %arg1 : i32
    %add3A_1677 = arith.constant 128 : i32
    %add3A_1678 = arith.addi %mul3A_1676, %add3A_1677 : i32
    "tpu.region"() ({
      %run_scoped3A = tpu.sem_alloc : memref<!tpu.dma_semaphore, #tpu.memory_space<semaphore_mem>>
      %dma_start3A = arith.constant 0 : i32
      %dma_start3A_1995 = tpu.memref_slice %arg7[%add3A_1678, %dma_start3A] : memref<8192x16xf32, #tpu.memory_space<vmem_shared>> -> memref<64x16xf32, #tpu.memory_space<vmem_shared>>
      %dma_start3A_1996 = arith.constant 0 : i32
      %dma_start3A_1997 = tpu.memref_slice %arg7[%add3A_1678, %dma_start3A_1996] : memref<8192x16xf32, #tpu.memory_space<vmem_shared>> -> memref<64x16xf32, #tpu.memory_space<vmem_shared>>
      tpu.enqueue_dma source(%arg14 : memref<64x16xf32, #tpu.memory_space<vmem>>) target(%dma_start3A_1997 : memref<64x16xf32, #tpu.memory_space<vmem_shared>>) target_semaphore(%run_scoped3A : memref<!tpu.dma_semaphore, #tpu.memory_space<semaphore_mem>>)
      %dma_wait3A = arith.constant 0 : i32
      %dma_wait3A_1998 = tpu.memref_slice %arg7[%add3A_1678, %dma_wait3A] : memref<8192x16xf32, #tpu.memory_space<vmem_shared>> -> memref<64x16xf32, #tpu.memory_space<vmem_shared>>
      %dma_wait3A_1999 = arith.constant 0 : i32
      %dma_wait3A_2000 = tpu.memref_slice %arg7[%add3A_1678, %dma_wait3A_1999] : memref<8192x16xf32, #tpu.memory_space<vmem_shared>> -> memref<64x16xf32, #tpu.memory_space<vmem_shared>>
      tpu.wait_dma2 semaphore(%run_scoped3A : memref<!tpu.dma_semaphore, #tpu.memory_space<semaphore_mem>>) src(%arg14 : memref<64x16xf32, #tpu.memory_space<vmem>>) dst(%dma_wait3A_2000 : memref<64x16xf32, #tpu.memory_space<vmem_shared>>)
      tpu.yield
    }) : () -> ()
    %mul3A_1679 = arith.constant 512 : i32
    %mul3A_1680 = arith.muli %mul3A_1679, %arg1 : i32
    %add3A_1681 = arith.constant 192 : i32
    %add3A_1682 = arith.addi %mul3A_1680, %add3A_1681 : i32
    "tpu.region"() ({
      %run_scoped3A = tpu.sem_alloc : memref<!tpu.dma_semaphore, #tpu.memory_space<semaphore_mem>>
      %dma_start3A = arith.constant 0 : i32
      %dma_start3A_1995 = tpu.memref_slice %arg7[%add3A_1682, %dma_start3A] : memref<8192x16xf32, #tpu.memory_space<vmem_shared>> -> memref<64x16xf32, #tpu.memory_space<vmem_shared>>
      %dma_start3A_1996 = arith.constant 0 : i32
      %dma_start3A_1997 = tpu.memref_slice %arg7[%add3A_1682, %dma_start3A_1996] : memref<8192x16xf32, #tpu.memory_space<vmem_shared>> -> memref<64x16xf32, #tpu.memory_space<vmem_shared>>
      tpu.enqueue_dma source(%arg14 : memref<64x16xf32, #tpu.memory_space<vmem>>) target(%dma_start3A_1997 : memref<64x16xf32, #tpu.memory_space<vmem_shared>>) target_semaphore(%run_scoped3A : memref<!tpu.dma_semaphore, #tpu.memory_space<semaphore_mem>>)
      %dma_wait3A = arith.constant 0 : i32
      %dma_wait3A_1998 = tpu.memref_slice %arg7[%add3A_1682, %dma_wait3A] : memref<8192x16xf32, #tpu.memory_space<vmem_shared>> -> memref<64x16xf32, #tpu.memory_space<vmem_shared>>
      %dma_wait3A_1999 = arith.constant 0 : i32
      %dma_wait3A_2000 = tpu.memref_slice %arg7[%add3A_1682, %dma_wait3A_1999] : memref<8192x16xf32, #tpu.memory_space<vmem_shared>> -> memref<64x16xf32, #tpu.memory_space<vmem_shared>>
      tpu.wait_dma2 semaphore(%run_scoped3A : memref<!tpu.dma_semaphore, #tpu.memory_space<semaphore_mem>>) src(%arg14 : memref<64x16xf32, #tpu.memory_space<vmem>>) dst(%dma_wait3A_2000 : memref<64x16xf32, #tpu.memory_space<vmem_shared>>)
      tpu.yield
    }) : () -> ()
    %mul3A_1683 = arith.constant 512 : i32
    %mul3A_1684 = arith.muli %mul3A_1683, %arg1 : i32
    %add3A_1685 = arith.constant 256 : i32
    %add3A_1686 = arith.addi %mul3A_1684, %add3A_1685 : i32
    "tpu.region"() ({
      %run_scoped3A = tpu.sem_alloc : memref<!tpu.dma_semaphore, #tpu.memory_space<semaphore_mem>>
      %dma_start3A = arith.constant 0 : i32
      %dma_start3A_1995 = tpu.memref_slice %arg7[%add3A_1686, %dma_start3A] : memref<8192x16xf32, #tpu.memory_space<vmem_shared>> -> memref<64x16xf32, #tpu.memory_space<vmem_shared>>
      %dma_start3A_1996 = arith.constant 0 : i32
      %dma_start3A_1997 = tpu.memref_slice %arg7[%add3A_1686, %dma_start3A_1996] : memref<8192x16xf32, #tpu.memory_space<vmem_shared>> -> memref<64x16xf32, #tpu.memory_space<vmem_shared>>
      tpu.enqueue_dma source(%arg14 : memref<64x16xf32, #tpu.memory_space<vmem>>) target(%dma_start3A_1997 : memref<64x16xf32, #tpu.memory_space<vmem_shared>>) target_semaphore(%run_scoped3A : memref<!tpu.dma_semaphore, #tpu.memory_space<semaphore_mem>>)
      %dma_wait3A = arith.constant 0 : i32
      %dma_wait3A_1998 = tpu.memref_slice %arg7[%add3A_1686, %dma_wait3A] : memref<8192x16xf32, #tpu.memory_space<vmem_shared>> -> memref<64x16xf32, #tpu.memory_space<vmem_shared>>
      %dma_wait3A_1999 = arith.constant 0 : i32
      %dma_wait3A_2000 = tpu.memref_slice %arg7[%add3A_1686, %dma_wait3A_1999] : memref<8192x16xf32, #tpu.memory_space<vmem_shared>> -> memref<64x16xf32, #tpu.memory_space<vmem_shared>>
      tpu.wait_dma2 semaphore(%run_scoped3A : memref<!tpu.dma_semaphore, #tpu.memory_space<semaphore_mem>>) src(%arg14 : memref<64x16xf32, #tpu.memory_space<vmem>>) dst(%dma_wait3A_2000 : memref<64x16xf32, #tpu.memory_space<vmem_shared>>)
      tpu.yield
    }) : () -> ()
    %mul3A_1687 = arith.constant 512 : i32
    %mul3A_1688 = arith.muli %mul3A_1687, %arg1 : i32
    %add3A_1689 = arith.constant 320 : i32
    %add3A_1690 = arith.addi %mul3A_1688, %add3A_1689 : i32
    "tpu.region"() ({
      %run_scoped3A = tpu.sem_alloc : memref<!tpu.dma_semaphore, #tpu.memory_space<semaphore_mem>>
      %dma_start3A = arith.constant 0 : i32
      %dma_start3A_1995 = tpu.memref_slice %arg7[%add3A_1690, %dma_start3A] : memref<8192x16xf32, #tpu.memory_space<vmem_shared>> -> memref<64x16xf32, #tpu.memory_space<vmem_shared>>
      %dma_start3A_1996 = arith.constant 0 : i32
      %dma_start3A_1997 = tpu.memref_slice %arg7[%add3A_1690, %dma_start3A_1996] : memref<8192x16xf32, #tpu.memory_space<vmem_shared>> -> memref<64x16xf32, #tpu.memory_space<vmem_shared>>
      tpu.enqueue_dma source(%arg14 : memref<64x16xf32, #tpu.memory_space<vmem>>) target(%dma_start3A_1997 : memref<64x16xf32, #tpu.memory_space<vmem_shared>>) target_semaphore(%run_scoped3A : memref<!tpu.dma_semaphore, #tpu.memory_space<semaphore_mem>>)
      %dma_wait3A = arith.constant 0 : i32
      %dma_wait3A_1998 = tpu.memref_slice %arg7[%add3A_1690, %dma_wait3A] : memref<8192x16xf32, #tpu.memory_space<vmem_shared>> -> memref<64x16xf32, #tpu.memory_space<vmem_shared>>
      %dma_wait3A_1999 = arith.constant 0 : i32
      %dma_wait3A_2000 = tpu.memref_slice %arg7[%add3A_1690, %dma_wait3A_1999] : memref<8192x16xf32, #tpu.memory_space<vmem_shared>> -> memref<64x16xf32, #tpu.memory_space<vmem_shared>>
      tpu.wait_dma2 semaphore(%run_scoped3A : memref<!tpu.dma_semaphore, #tpu.memory_space<semaphore_mem>>) src(%arg14 : memref<64x16xf32, #tpu.memory_space<vmem>>) dst(%dma_wait3A_2000 : memref<64x16xf32, #tpu.memory_space<vmem_shared>>)
      tpu.yield
    }) : () -> ()
    %mul3A_1691 = arith.constant 512 : i32
    %mul3A_1692 = arith.muli %mul3A_1691, %arg1 : i32
    %add3A_1693 = arith.constant 384 : i32
    %add3A_1694 = arith.addi %mul3A_1692, %add3A_1693 : i32
    "tpu.region"() ({
      %run_scoped3A = tpu.sem_alloc : memref<!tpu.dma_semaphore, #tpu.memory_space<semaphore_mem>>
      %dma_start3A = arith.constant 0 : i32
      %dma_start3A_1995 = tpu.memref_slice %arg7[%add3A_1694, %dma_start3A] : memref<8192x16xf32, #tpu.memory_space<vmem_shared>> -> memref<64x16xf32, #tpu.memory_space<vmem_shared>>
      %dma_start3A_1996 = arith.constant 0 : i32
      %dma_start3A_1997 = tpu.memref_slice %arg7[%add3A_1694, %dma_start3A_1996] : memref<8192x16xf32, #tpu.memory_space<vmem_shared>> -> memref<64x16xf32, #tpu.memory_space<vmem_shared>>
      tpu.enqueue_dma source(%arg14 : memref<64x16xf32, #tpu.memory_space<vmem>>) target(%dma_start3A_1997 : memref<64x16xf32, #tpu.memory_space<vmem_shared>>) target_semaphore(%run_scoped3A : memref<!tpu.dma_semaphore, #tpu.memory_space<semaphore_mem>>)
      %dma_wait3A = arith.constant 0 : i32
      %dma_wait3A_1998 = tpu.memref_slice %arg7[%add3A_1694, %dma_wait3A] : memref<8192x16xf32, #tpu.memory_space<vmem_shared>> -> memref<64x16xf32, #tpu.memory_space<vmem_shared>>
      %dma_wait3A_1999 = arith.constant 0 : i32
      %dma_wait3A_2000 = tpu.memref_slice %arg7[%add3A_1694, %dma_wait3A_1999] : memref<8192x16xf32, #tpu.memory_space<vmem_shared>> -> memref<64x16xf32, #tpu.memory_space<vmem_shared>>
      tpu.wait_dma2 semaphore(%run_scoped3A : memref<!tpu.dma_semaphore, #tpu.memory_space<semaphore_mem>>) src(%arg14 : memref<64x16xf32, #tpu.memory_space<vmem>>) dst(%dma_wait3A_2000 : memref<64x16xf32, #tpu.memory_space<vmem_shared>>)
      tpu.yield
    }) : () -> ()
    %mul3A_1695 = arith.constant 512 : i32
    %mul3A_1696 = arith.muli %mul3A_1695, %arg1 : i32
    %add3A_1697 = arith.constant 448 : i32
    %add3A_1698 = arith.addi %mul3A_1696, %add3A_1697 : i32
    "tpu.region"() ({
      %run_scoped3A = tpu.sem_alloc : memref<!tpu.dma_semaphore, #tpu.memory_space<semaphore_mem>>
      %dma_start3A = arith.constant 0 : i32
      %dma_start3A_1995 = tpu.memref_slice %arg7[%add3A_1698, %dma_start3A] : memref<8192x16xf32, #tpu.memory_space<vmem_shared>> -> memref<64x16xf32, #tpu.memory_space<vmem_shared>>
      %dma_start3A_1996 = arith.constant 0 : i32
      %dma_start3A_1997 = tpu.memref_slice %arg7[%add3A_1698, %dma_start3A_1996] : memref<8192x16xf32, #tpu.memory_space<vmem_shared>> -> memref<64x16xf32, #tpu.memory_space<vmem_shared>>
      tpu.enqueue_dma source(%arg14 : memref<64x16xf32, #tpu.memory_space<vmem>>) target(%dma_start3A_1997 : memref<64x16xf32, #tpu.memory_space<vmem_shared>>) target_semaphore(%run_scoped3A : memref<!tpu.dma_semaphore, #tpu.memory_space<semaphore_mem>>)
      %dma_wait3A = arith.constant 0 : i32
      %dma_wait3A_1998 = tpu.memref_slice %arg7[%add3A_1698, %dma_wait3A] : memref<8192x16xf32, #tpu.memory_space<vmem_shared>> -> memref<64x16xf32, #tpu.memory_space<vmem_shared>>
      %dma_wait3A_1999 = arith.constant 0 : i32
      %dma_wait3A_2000 = tpu.memref_slice %arg7[%add3A_1698, %dma_wait3A_1999] : memref<8192x16xf32, #tpu.memory_space<vmem_shared>> -> memref<64x16xf32, #tpu.memory_space<vmem_shared>>
      tpu.wait_dma2 semaphore(%run_scoped3A : memref<!tpu.dma_semaphore, #tpu.memory_space<semaphore_mem>>) src(%arg14 : memref<64x16xf32, #tpu.memory_space<vmem>>) dst(%dma_wait3A_2000 : memref<64x16xf32, #tpu.memory_space<vmem_shared>>)
      tpu.yield
    }) : () -> ()
    %barrier3A = arith.constant 0 : index
    tpu.barrier barrier_id(%barrier3A)
    %add3A_1699 = arith.constant 0 : i32
    %add3A_1700 = arith.addi %arg1, %add3A_1699 : i32
    %lt3A = arith.constant 390 : i32
    %lt3A_1701 = arith.cmpi slt, %add3A_1700, %lt3A : i32
    %convert_element_type3A = arith.extui %lt3A_1701 : i1 to i32
    %cond3A = arith.constant 0 : i32
    %cond3A_1702 = arith.cmpi ne, %convert_element_type3A, %cond3A : i32
    scf.if %cond3A_1702 {
      %add3A_1995 = arith.constant 0 : i32
      %add3A_1996 = arith.addi %arg1, %add3A_1995 : i32
      %mul3A_1997 = arith.constant 128 : i32
      %mul3A_1998 = arith.muli %add3A_1996, %mul3A_1997 : i32
      %dma_start3A = tpu.memref_slice %arg2[%mul3A_1998, %add3A_1650] : memref<50000x256xf32, #tpu.memory_space<hbm>> -> memref<128x64xf32, #tpu.memory_space<hbm>>
      %dma_start3A_1999 = tpu.memref_slice %arg2[%mul3A_1998, %add3A_1650] : memref<50000x256xf32, #tpu.memory_space<hbm>> -> memref<128x64xf32, #tpu.memory_space<hbm>>
      tpu.enqueue_dma source(%dma_start3A_1999 : memref<128x64xf32, #tpu.memory_space<hbm>>) target(%arg10 : memref<128x64xf32, #tpu.memory_space<vmem>>) target_semaphore(%arg23 : memref<!tpu.dma_semaphore, #tpu.memory_space<semaphore_mem>>)
    } else {
    }
    %add3A_1703 = arith.constant 16 : i32
    %add3A_1704 = arith.addi %arg1, %add3A_1703 : i32
    %lt3A_1705 = arith.constant 390 : i32
    %lt3A_1706 = arith.cmpi slt, %add3A_1704, %lt3A_1705 : i32
    %convert_element_type3A_1707 = arith.extui %lt3A_1706 : i1 to i32
    %cond3A_1708 = arith.constant 0 : i32
    %cond3A_1709 = arith.cmpi ne, %convert_element_type3A_1707, %cond3A_1708 : i32
    scf.if %cond3A_1709 {
      %add3A_1995 = arith.constant 16 : i32
      %add3A_1996 = arith.addi %arg1, %add3A_1995 : i32
      %mul3A_1997 = arith.constant 128 : i32
      %mul3A_1998 = arith.muli %add3A_1996, %mul3A_1997 : i32
      %dma_start3A = tpu.memref_slice %arg2[%mul3A_1998, %add3A_1650] : memref<50000x256xf32, #tpu.memory_space<hbm>> -> memref<128x64xf32, #tpu.memory_space<hbm>>
      %dma_start3A_1999 = tpu.memref_slice %arg2[%mul3A_1998, %add3A_1650] : memref<50000x256xf32, #tpu.memory_space<hbm>> -> memref<128x64xf32, #tpu.memory_space<hbm>>
      tpu.enqueue_dma source(%dma_start3A_1999 : memref<128x64xf32, #tpu.memory_space<hbm>>) target(%arg11 : memref<128x64xf32, #tpu.memory_space<vmem>>) target_semaphore(%arg24 : memref<!tpu.dma_semaphore, #tpu.memory_space<semaphore_mem>>)
    } else {
    }
    %scan3A_1710 = arith.constant 0 : i32
    %scan3A_1711 = arith.constant 0 : i32
    %scan3A_1712 = arith.constant 13 : i32
    %scan3A_1713 = arith.addi %scan3A_1711, %scan3A_1712 : i32
    %scan3A_1714 = arith.constant 1 : i32
    scf.for %scan3A_1995 = %scan3A_1711 to %scan3A_1713 step %scan3A_1714  : i32 {
      %mul3A_1996 = arith.constant 2 : i32
      %mul3A_1997 = arith.muli %mul3A_1996, %scan3A_1995 : i32
      %add3A_1998 = arith.constant 0 : i32
      %add3A_1999 = arith.addi %mul3A_1997, %add3A_1998 : i32
      %mul3A_2000 = arith.constant 16 : i32
      %mul3A_2001 = arith.muli %mul3A_2000, %add3A_1999 : i32
      %add3A_2002 = arith.addi %arg1, %mul3A_2001 : i32
      %lt3A_2003 = arith.constant 390 : i32
      %lt3A_2004 = arith.cmpi slt, %add3A_2002, %lt3A_2003 : i32
      %convert_element_type3A_2005 = arith.extui %lt3A_2004 : i1 to i32
      %cond3A_2006 = arith.constant 0 : i32
      %cond3A_2007 = arith.cmpi ne, %convert_element_type3A_2005, %cond3A_2006 : i32
      scf.if %cond3A_2007 {
        %dma_wait3A = arith.constant 0 : i32
        %dma_wait3A_2040 = tpu.memref_slice %arg2[%dma_wait3A, %add3A_1650] : memref<50000x256xf32, #tpu.memory_space<hbm>> -> memref<128x64xf32, #tpu.memory_space<hbm>>
        %dma_wait3A_2041 = arith.constant 0 : i32
        %dma_wait3A_2042 = tpu.memref_slice %arg2[%dma_wait3A_2041, %add3A_1650] : memref<50000x256xf32, #tpu.memory_space<hbm>> -> memref<128x64xf32, #tpu.memory_space<hbm>>
        tpu.wait_dma2 semaphore(%arg23 : memref<!tpu.dma_semaphore, #tpu.memory_space<semaphore_mem>>) src(%dma_wait3A_2042 : memref<128x64xf32, #tpu.memory_space<hbm>>) dst(%arg10 : memref<128x64xf32, #tpu.memory_space<vmem>>)
        %dma_start3A = arith.constant 0 : i32
        %dma_start3A_2043 = tpu.memref_slice %arg9[%add3A_1999, %dma_start3A] : memref<25x128xi32, #tpu.memory_space<vmem>> -> memref<1x128xi32, #tpu.memory_space<vmem>>
        %dma_start3A_2044 = tpu.memref_squeeze %dma_start3A_2043 : memref<1x128xi32, #tpu.memory_space<vmem>> -> memref<128xi32, #tpu.memory_space<vmem>>
        %dma_start3A_2045 = arith.constant 0 : i32
        %dma_start3A_2046 = arith.constant 0 : i32
        %dma_start3A_2047 = tpu.memref_slice %arg6[%dma_start3A_2045, %dma_start3A_2046] : memref<8192x64xf32, #tpu.memory_space<vmem_shared>> -> memref<8192x64xf32, #tpu.memory_space<vmem_shared>>
        tpu.enqueue_indirect_dma source(%arg10 : memref<128x64xf32, #tpu.memory_space<vmem>>) target(%dma_start3A_2047 : memref<8192x64xf32, #tpu.memory_space<vmem_shared>>) offsets(%dma_start3A_2044 : memref<128xi32, #tpu.memory_space<vmem>>) semaphore(%arg25 : memref<!tpu.dma_semaphore, #tpu.memory_space<semaphore_mem>>) {add = true}
        %dma_start3A_2048 = arith.constant 0 : i32
        %dma_start3A_2049 = tpu.memref_slice %arg9[%add3A_1999, %dma_start3A_2048] : memref<25x128xi32, #tpu.memory_space<vmem>> -> memref<1x128xi32, #tpu.memory_space<vmem>>
        %dma_start3A_2050 = tpu.memref_squeeze %dma_start3A_2049 : memref<1x128xi32, #tpu.memory_space<vmem>> -> memref<128xi32, #tpu.memory_space<vmem>>
        %dma_start3A_2051 = arith.constant 0 : i32
        %dma_start3A_2052 = arith.constant 0 : i32
        %dma_start3A_2053 = tpu.memref_slice %arg7[%dma_start3A_2051, %dma_start3A_2052] : memref<8192x16xf32, #tpu.memory_space<vmem_shared>> -> memref<8192x16xf32, #tpu.memory_space<vmem_shared>>
        tpu.enqueue_indirect_dma source(%arg13 : memref<128x16xf32, #tpu.memory_space<vmem>>) target(%dma_start3A_2053 : memref<8192x16xf32, #tpu.memory_space<vmem_shared>>) offsets(%dma_start3A_2050 : memref<128xi32, #tpu.memory_space<vmem>>) semaphore(%arg27 : memref<!tpu.dma_semaphore, #tpu.memory_space<semaphore_mem>>) {add = true}
      } else {
      }
      %add3A_2008 = arith.constant 2 : i32
      %add3A_2009 = arith.addi %add3A_1999, %add3A_2008 : i32
      %mul3A_2010 = arith.constant 16 : i32
      %mul3A_2011 = arith.muli %mul3A_2010, %add3A_2009 : i32
      %add3A_2012 = arith.addi %arg1, %mul3A_2011 : i32
      %lt3A_2013 = arith.constant 390 : i32
      %lt3A_2014 = arith.cmpi slt, %add3A_2012, %lt3A_2013 : i32
      %convert_element_type3A_2015 = arith.extui %lt3A_2014 : i1 to i32
      %cond3A_2016 = arith.constant 0 : i32
      %cond3A_2017 = arith.cmpi ne, %convert_element_type3A_2015, %cond3A_2016 : i32
      scf.if %cond3A_2017 {
        %dma_wait3A = arith.constant 0 : i32
        %dma_wait3A_2040 = tpu.memref_slice %arg9[%add3A_1999, %dma_wait3A] : memref<25x128xi32, #tpu.memory_space<vmem>> -> memref<1x128xi32, #tpu.memory_space<vmem>>
        %dma_wait3A_2041 = tpu.memref_squeeze %dma_wait3A_2040 : memref<1x128xi32, #tpu.memory_space<vmem>> -> memref<128xi32, #tpu.memory_space<vmem>>
        %dma_wait3A_2042 = arith.constant 0 : i32
        %dma_wait3A_2043 = arith.constant 0 : i32
        %dma_wait3A_2044 = tpu.memref_slice %arg6[%dma_wait3A_2042, %dma_wait3A_2043] : memref<8192x64xf32, #tpu.memory_space<vmem_shared>> -> memref<8192x64xf32, #tpu.memory_space<vmem_shared>>
        tpu.wait_indirect_dma semaphore(%arg25 : memref<!tpu.dma_semaphore, #tpu.memory_space<semaphore_mem>>) src(%arg10 : memref<128x64xf32, #tpu.memory_space<vmem>>) dst(%dma_wait3A_2044 : memref<8192x64xf32, #tpu.memory_space<vmem_shared>>)
        %add3A_2045 = arith.constant 2 : i32
        %add3A_2046 = arith.addi %add3A_1999, %add3A_2045 : i32
        %mul3A_2047 = arith.constant 16 : i32
        %mul3A_2048 = arith.muli %mul3A_2047, %add3A_2046 : i32
        %add3A_2049 = arith.addi %arg1, %mul3A_2048 : i32
        %lt3A_2050 = arith.constant 390 : i32
        %lt3A_2051 = arith.cmpi slt, %add3A_2049, %lt3A_2050 : i32
        %convert_element_type3A_2052 = arith.extui %lt3A_2051 : i1 to i32
        %cond3A_2053 = arith.constant 0 : i32
        %cond3A_2054 = arith.cmpi ne, %convert_element_type3A_2052, %cond3A_2053 : i32
        scf.if %cond3A_2054 {
          %mul3A_2055 = arith.constant 16 : i32
          %mul3A_2056 = arith.muli %mul3A_2055, %add3A_2046 : i32
          %add3A_2057 = arith.addi %arg1, %mul3A_2056 : i32
          %mul3A_2058 = arith.constant 128 : i32
          %mul3A_2059 = arith.muli %add3A_2057, %mul3A_2058 : i32
          %dma_start3A = tpu.memref_slice %arg2[%mul3A_2059, %add3A_1650] : memref<50000x256xf32, #tpu.memory_space<hbm>> -> memref<128x64xf32, #tpu.memory_space<hbm>>
          %dma_start3A_2060 = tpu.memref_slice %arg2[%mul3A_2059, %add3A_1650] : memref<50000x256xf32, #tpu.memory_space<hbm>> -> memref<128x64xf32, #tpu.memory_space<hbm>>
          tpu.enqueue_dma source(%dma_start3A_2060 : memref<128x64xf32, #tpu.memory_space<hbm>>) target(%arg10 : memref<128x64xf32, #tpu.memory_space<vmem>>) target_semaphore(%arg23 : memref<!tpu.dma_semaphore, #tpu.memory_space<semaphore_mem>>)
        } else {
        }
      } else {
      }
      %mul3A_2018 = arith.constant 2 : i32
      %mul3A_2019 = arith.muli %mul3A_2018, %scan3A_1995 : i32
      %add3A_2020 = arith.constant 1 : i32
      %add3A_2021 = arith.addi %mul3A_2019, %add3A_2020 : i32
      %mul3A_2022 = arith.constant 16 : i32
      %mul3A_2023 = arith.muli %mul3A_2022, %add3A_2021 : i32
      %add3A_2024 = arith.addi %arg1, %mul3A_2023 : i32
      %lt3A_2025 = arith.constant 390 : i32
      %lt3A_2026 = arith.cmpi slt, %add3A_2024, %lt3A_2025 : i32
      %convert_element_type3A_2027 = arith.extui %lt3A_2026 : i1 to i32
      %cond3A_2028 = arith.constant 0 : i32
      %cond3A_2029 = arith.cmpi ne, %convert_element_type3A_2027, %cond3A_2028 : i32
      scf.if %cond3A_2029 {
        %dma_wait3A = arith.constant 0 : i32
        %dma_wait3A_2040 = tpu.memref_slice %arg2[%dma_wait3A, %add3A_1650] : memref<50000x256xf32, #tpu.memory_space<hbm>> -> memref<128x64xf32, #tpu.memory_space<hbm>>
        %dma_wait3A_2041 = arith.constant 0 : i32
        %dma_wait3A_2042 = tpu.memref_slice %arg2[%dma_wait3A_2041, %add3A_1650] : memref<50000x256xf32, #tpu.memory_space<hbm>> -> memref<128x64xf32, #tpu.memory_space<hbm>>
        tpu.wait_dma2 semaphore(%arg24 : memref<!tpu.dma_semaphore, #tpu.memory_space<semaphore_mem>>) src(%dma_wait3A_2042 : memref<128x64xf32, #tpu.memory_space<hbm>>) dst(%arg11 : memref<128x64xf32, #tpu.memory_space<vmem>>)
        %dma_start3A = arith.constant 0 : i32
        %dma_start3A_2043 = tpu.memref_slice %arg9[%add3A_2021, %dma_start3A] : memref<25x128xi32, #tpu.memory_space<vmem>> -> memref<1x128xi32, #tpu.memory_space<vmem>>
        %dma_start3A_2044 = tpu.memref_squeeze %dma_start3A_2043 : memref<1x128xi32, #tpu.memory_space<vmem>> -> memref<128xi32, #tpu.memory_space<vmem>>
        %dma_start3A_2045 = arith.constant 0 : i32
        %dma_start3A_2046 = arith.constant 0 : i32
        %dma_start3A_2047 = tpu.memref_slice %arg6[%dma_start3A_2045, %dma_start3A_2046] : memref<8192x64xf32, #tpu.memory_space<vmem_shared>> -> memref<8192x64xf32, #tpu.memory_space<vmem_shared>>
        tpu.enqueue_indirect_dma source(%arg11 : memref<128x64xf32, #tpu.memory_space<vmem>>) target(%dma_start3A_2047 : memref<8192x64xf32, #tpu.memory_space<vmem_shared>>) offsets(%dma_start3A_2044 : memref<128xi32, #tpu.memory_space<vmem>>) semaphore(%arg26 : memref<!tpu.dma_semaphore, #tpu.memory_space<semaphore_mem>>) {add = true}
        %dma_start3A_2048 = arith.constant 0 : i32
        %dma_start3A_2049 = tpu.memref_slice %arg9[%add3A_2021, %dma_start3A_2048] : memref<25x128xi32, #tpu.memory_space<vmem>> -> memref<1x128xi32, #tpu.memory_space<vmem>>
        %dma_start3A_2050 = tpu.memref_squeeze %dma_start3A_2049 : memref<1x128xi32, #tpu.memory_space<vmem>> -> memref<128xi32, #tpu.memory_space<vmem>>
        %dma_start3A_2051 = arith.constant 0 : i32
        %dma_start3A_2052 = arith.constant 0 : i32
        %dma_start3A_2053 = tpu.memref_slice %arg7[%dma_start3A_2051, %dma_start3A_2052] : memref<8192x16xf32, #tpu.memory_space<vmem_shared>> -> memref<8192x16xf32, #tpu.memory_space<vmem_shared>>
        tpu.enqueue_indirect_dma source(%arg13 : memref<128x16xf32, #tpu.memory_space<vmem>>) target(%dma_start3A_2053 : memref<8192x16xf32, #tpu.memory_space<vmem_shared>>) offsets(%dma_start3A_2050 : memref<128xi32, #tpu.memory_space<vmem>>) semaphore(%arg27 : memref<!tpu.dma_semaphore, #tpu.memory_space<semaphore_mem>>) {add = true}
      } else {
      }
      %add3A_2030 = arith.constant 2 : i32
      %add3A_2031 = arith.addi %add3A_2021, %add3A_2030 : i32
      %mul3A_2032 = arith.constant 16 : i32
      %mul3A_2033 = arith.muli %mul3A_2032, %add3A_2031 : i32
      %add3A_2034 = arith.addi %arg1, %mul3A_2033 : i32
      %lt3A_2035 = arith.constant 390 : i32
      %lt3A_2036 = arith.cmpi slt, %add3A_2034, %lt3A_2035 : i32
      %convert_element_type3A_2037 = arith.extui %lt3A_2036 : i1 to i32
      %cond3A_2038 = arith.constant 0 : i32
      %cond3A_2039 = arith.cmpi ne, %convert_element_type3A_2037, %cond3A_2038 : i32
      scf.if %cond3A_2039 {
        %dma_wait3A = arith.constant 0 : i32
        %dma_wait3A_2040 = tpu.memref_slice %arg9[%add3A_2021, %dma_wait3A] : memref<25x128xi32, #tpu.memory_space<vmem>> -> memref<1x128xi32, #tpu.memory_space<vmem>>
        %dma_wait3A_2041 = tpu.memref_squeeze %dma_wait3A_2040 : memref<1x128xi32, #tpu.memory_space<vmem>> -> memref<128xi32, #tpu.memory_space<vmem>>
        %dma_wait3A_2042 = arith.constant 0 : i32
        %dma_wait3A_2043 = arith.constant 0 : i32
        %dma_wait3A_2044 = tpu.memref_slice %arg6[%dma_wait3A_2042, %dma_wait3A_2043] : memref<8192x64xf32, #tpu.memory_space<vmem_shared>> -> memref<8192x64xf32, #tpu.memory_space<vmem_shared>>
        tpu.wait_indirect_dma semaphore(%arg26 : memref<!tpu.dma_semaphore, #tpu.memory_space<semaphore_mem>>) src(%arg11 : memref<128x64xf32, #tpu.memory_space<vmem>>) dst(%dma_wait3A_2044 : memref<8192x64xf32, #tpu.memory_space<vmem_shared>>)
        %add3A_2045 = arith.constant 2 : i32
        %add3A_2046 = arith.addi %add3A_2021, %add3A_2045 : i32
        %mul3A_2047 = arith.constant 16 : i32
        %mul3A_2048 = arith.muli %mul3A_2047, %add3A_2046 : i32
        %add3A_2049 = arith.addi %arg1, %mul3A_2048 : i32
        %lt3A_2050 = arith.constant 390 : i32
        %lt3A_2051 = arith.cmpi slt, %add3A_2049, %lt3A_2050 : i32
        %convert_element_type3A_2052 = arith.extui %lt3A_2051 : i1 to i32
        %cond3A_2053 = arith.constant 0 : i32
        %cond3A_2054 = arith.cmpi ne, %convert_element_type3A_2052, %cond3A_2053 : i32
        scf.if %cond3A_2054 {
          %mul3A_2055 = arith.constant 16 : i32
          %mul3A_2056 = arith.muli %mul3A_2055, %add3A_2046 : i32
          %add3A_2057 = arith.addi %arg1, %mul3A_2056 : i32
          %mul3A_2058 = arith.constant 128 : i32
          %mul3A_2059 = arith.muli %add3A_2057, %mul3A_2058 : i32
          %dma_start3A = tpu.memref_slice %arg2[%mul3A_2059, %add3A_1650] : memref<50000x256xf32, #tpu.memory_space<hbm>> -> memref<128x64xf32, #tpu.memory_space<hbm>>
          %dma_start3A_2060 = tpu.memref_slice %arg2[%mul3A_2059, %add3A_1650] : memref<50000x256xf32, #tpu.memory_space<hbm>> -> memref<128x64xf32, #tpu.memory_space<hbm>>
          tpu.enqueue_dma source(%dma_start3A_2060 : memref<128x64xf32, #tpu.memory_space<hbm>>) target(%arg11 : memref<128x64xf32, #tpu.memory_space<vmem>>) target_semaphore(%arg24 : memref<!tpu.dma_semaphore, #tpu.memory_space<semaphore_mem>>)
        } else {
        }
      } else {
      }
    }
    %scan3A_1715 = arith.constant 13 : i32
    %sub3A = arith.constant 389 : i32
    %sub3A_1716 = arith.subi %sub3A, %arg1 : i32
    %jit3A = arith.constant 16 : i32
    %div3A = arith.divsi %sub3A_1716, %jit3A : i32
    %sign3A = arith.constant 0 : i32
    %sign3A_1717 = arith.cmpi sgt, %sub3A_1716, %sign3A : i32
    %sign3A_1718 = arith.extui %sign3A_1717 : i1 to i32
    %sign3A_1719 = arith.constant 0 : i32
    %sign3A_1720 = arith.cmpi slt, %sub3A_1716, %sign3A_1719 : i32
    %sign3A_1721 = arith.extui %sign3A_1720 : i1 to i32
    %sign3A_1722 = arith.subi %sign3A_1718, %sign3A_1721 : i32
    %sign3A_1723 = arith.constant 0 : i32
    %sign3A_1724 = arith.cmpi sgt, %jit3A, %sign3A_1723 : i32
    %sign3A_1725 = arith.extui %sign3A_1724 : i1 to i32
    %sign3A_1726 = arith.constant 0 : i32
    %sign3A_1727 = arith.cmpi slt, %jit3A, %sign3A_1726 : i32
    %sign3A_1728 = arith.extui %sign3A_1727 : i1 to i32
    %sign3A_1729 = arith.subi %sign3A_1725, %sign3A_1728 : i32
    %ne3A = arith.cmpi ne, %sign3A_1722, %sign3A_1729 : i32
    %rem3A = arith.remsi %sub3A_1716, %jit3A : i32
    %ne3A_1730 = arith.constant 0 : i32
    %ne3A_1731 = arith.cmpi ne, %rem3A, %ne3A_1730 : i32
    %and3A = arith.andi %ne3A, %ne3A_1731 : i1
    %sub3A_1732 = arith.constant 1 : i32
    %sub3A_1733 = arith.subi %div3A, %sub3A_1732 : i32
    %select_n3A = arith.select %and3A, %sub3A_1733, %div3A : i32
    %add3A_1734 = arith.constant 1 : i32
    %add3A_1735 = arith.addi %select_n3A, %add3A_1734 : i32
    %sub3A_1736 = arith.constant 1 : i32
    %sub3A_1737 = arith.subi %add3A_1735, %sub3A_1736 : i32
    %sub3A_1738 = arith.constant 0 : i32
    %sub3A_1739 = arith.subi %sub3A_1737, %sub3A_1738 : i32
    %jit3A_1740 = arith.constant 2 : i32
    %div3A_1741 = arith.divsi %sub3A_1739, %jit3A_1740 : i32
    %sign3A_1742 = arith.constant 0 : i32
    %sign3A_1743 = arith.cmpi sgt, %sub3A_1739, %sign3A_1742 : i32
    %sign3A_1744 = arith.extui %sign3A_1743 : i1 to i32
    %sign3A_1745 = arith.constant 0 : i32
    %sign3A_1746 = arith.cmpi slt, %sub3A_1739, %sign3A_1745 : i32
    %sign3A_1747 = arith.extui %sign3A_1746 : i1 to i32
    %sign3A_1748 = arith.subi %sign3A_1744, %sign3A_1747 : i32
    %sign3A_1749 = arith.constant 0 : i32
    %sign3A_1750 = arith.cmpi sgt, %jit3A_1740, %sign3A_1749 : i32
    %sign3A_1751 = arith.extui %sign3A_1750 : i1 to i32
    %sign3A_1752 = arith.constant 0 : i32
    %sign3A_1753 = arith.cmpi slt, %jit3A_1740, %sign3A_1752 : i32
    %sign3A_1754 = arith.extui %sign3A_1753 : i1 to i32
    %sign3A_1755 = arith.subi %sign3A_1751, %sign3A_1754 : i32
    %ne3A_1756 = arith.cmpi ne, %sign3A_1748, %sign3A_1755 : i32
    %rem3A_1757 = arith.remsi %sub3A_1739, %jit3A_1740 : i32
    %ne3A_1758 = arith.constant 0 : i32
    %ne3A_1759 = arith.cmpi ne, %rem3A_1757, %ne3A_1758 : i32
    %and3A_1760 = arith.andi %ne3A_1756, %ne3A_1759 : i1
    %sub3A_1761 = arith.constant 1 : i32
    %sub3A_1762 = arith.subi %div3A_1741, %sub3A_1761 : i32
    %select_n3A_1763 = arith.select %and3A_1760, %sub3A_1762, %div3A_1741 : i32
    %mul3A_1764 = arith.constant 2 : i32
    %mul3A_1765 = arith.muli %mul3A_1764, %select_n3A_1763 : i32
    %add3A_1766 = arith.constant 0 : i32
    %add3A_1767 = arith.addi %add3A_1766, %mul3A_1765 : i32
    %gt3A = arith.constant 0 : i32
    %gt3A_1768 = arith.cmpi sgt, %add3A_1735, %gt3A : i32
    %convert_element_type3A_1769 = arith.extui %gt3A_1768 : i1 to i32
    %cond3A_1770 = arith.constant 0 : i32
    %cond3A_1771 = arith.cmpi ne, %convert_element_type3A_1769, %cond3A_1770 : i32
    scf.if %cond3A_1771 {
      %dma_wait3A = arith.constant 0 : i32
      %dma_wait3A_1995 = tpu.memref_slice %arg9[%add3A_1767, %dma_wait3A] : memref<25x128xi32, #tpu.memory_space<vmem>> -> memref<1x128xi32, #tpu.memory_space<vmem>>
      %dma_wait3A_1996 = tpu.memref_squeeze %dma_wait3A_1995 : memref<1x128xi32, #tpu.memory_space<vmem>> -> memref<128xi32, #tpu.memory_space<vmem>>
      %dma_wait3A_1997 = arith.constant 0 : i32
      %dma_wait3A_1998 = arith.constant 0 : i32
      %dma_wait3A_1999 = tpu.memref_slice %arg6[%dma_wait3A_1997, %dma_wait3A_1998] : memref<8192x64xf32, #tpu.memory_space<vmem_shared>> -> memref<8192x64xf32, #tpu.memory_space<vmem_shared>>
      tpu.wait_indirect_dma semaphore(%arg25 : memref<!tpu.dma_semaphore, #tpu.memory_space<semaphore_mem>>) src(%arg10 : memref<128x64xf32, #tpu.memory_space<vmem>>) dst(%dma_wait3A_1999 : memref<8192x64xf32, #tpu.memory_space<vmem_shared>>)
    } else {
    }
    %sub3A_1772 = arith.constant 1 : i32
    %sub3A_1773 = arith.subi %add3A_1735, %sub3A_1772 : i32
    %sub3A_1774 = arith.constant 1 : i32
    %sub3A_1775 = arith.subi %sub3A_1773, %sub3A_1774 : i32
    %jit3A_1776 = arith.constant 2 : i32
    %div3A_1777 = arith.divsi %sub3A_1775, %jit3A_1776 : i32
    %sign3A_1778 = arith.constant 0 : i32
    %sign3A_1779 = arith.cmpi sgt, %sub3A_1775, %sign3A_1778 : i32
    %sign3A_1780 = arith.extui %sign3A_1779 : i1 to i32
    %sign3A_1781 = arith.constant 0 : i32
    %sign3A_1782 = arith.cmpi slt, %sub3A_1775, %sign3A_1781 : i32
    %sign3A_1783 = arith.extui %sign3A_1782 : i1 to i32
    %sign3A_1784 = arith.subi %sign3A_1780, %sign3A_1783 : i32
    %sign3A_1785 = arith.constant 0 : i32
    %sign3A_1786 = arith.cmpi sgt, %jit3A_1776, %sign3A_1785 : i32
    %sign3A_1787 = arith.extui %sign3A_1786 : i1 to i32
    %sign3A_1788 = arith.constant 0 : i32
    %sign3A_1789 = arith.cmpi slt, %jit3A_1776, %sign3A_1788 : i32
    %sign3A_1790 = arith.extui %sign3A_1789 : i1 to i32
    %sign3A_1791 = arith.subi %sign3A_1787, %sign3A_1790 : i32
    %ne3A_1792 = arith.cmpi ne, %sign3A_1784, %sign3A_1791 : i32
    %rem3A_1793 = arith.remsi %sub3A_1775, %jit3A_1776 : i32
    %ne3A_1794 = arith.constant 0 : i32
    %ne3A_1795 = arith.cmpi ne, %rem3A_1793, %ne3A_1794 : i32
    %and3A_1796 = arith.andi %ne3A_1792, %ne3A_1795 : i1
    %sub3A_1797 = arith.constant 1 : i32
    %sub3A_1798 = arith.subi %div3A_1777, %sub3A_1797 : i32
    %select_n3A_1799 = arith.select %and3A_1796, %sub3A_1798, %div3A_1777 : i32
    %mul3A_1800 = arith.constant 2 : i32
    %mul3A_1801 = arith.muli %mul3A_1800, %select_n3A_1799 : i32
    %add3A_1802 = arith.constant 1 : i32
    %add3A_1803 = arith.addi %add3A_1802, %mul3A_1801 : i32
    %gt3A_1804 = arith.constant 1 : i32
    %gt3A_1805 = arith.cmpi sgt, %add3A_1735, %gt3A_1804 : i32
    %convert_element_type3A_1806 = arith.extui %gt3A_1805 : i1 to i32
    %cond3A_1807 = arith.constant 0 : i32
    %cond3A_1808 = arith.cmpi ne, %convert_element_type3A_1806, %cond3A_1807 : i32
    scf.if %cond3A_1808 {
      %dma_wait3A = arith.constant 0 : i32
      %dma_wait3A_1995 = tpu.memref_slice %arg9[%add3A_1803, %dma_wait3A] : memref<25x128xi32, #tpu.memory_space<vmem>> -> memref<1x128xi32, #tpu.memory_space<vmem>>
      %dma_wait3A_1996 = tpu.memref_squeeze %dma_wait3A_1995 : memref<1x128xi32, #tpu.memory_space<vmem>> -> memref<128xi32, #tpu.memory_space<vmem>>
      %dma_wait3A_1997 = arith.constant 0 : i32
      %dma_wait3A_1998 = arith.constant 0 : i32
      %dma_wait3A_1999 = tpu.memref_slice %arg6[%dma_wait3A_1997, %dma_wait3A_1998] : memref<8192x64xf32, #tpu.memory_space<vmem_shared>> -> memref<8192x64xf32, #tpu.memory_space<vmem_shared>>
      tpu.wait_indirect_dma semaphore(%arg26 : memref<!tpu.dma_semaphore, #tpu.memory_space<semaphore_mem>>) src(%arg11 : memref<128x64xf32, #tpu.memory_space<vmem>>) dst(%dma_wait3A_1999 : memref<8192x64xf32, #tpu.memory_space<vmem_shared>>)
    } else {
    }
    %scan3A_1809 = arith.constant 0 : i32
    %scan3A_1810 = arith.constant 0 : i32
    %scan3A_1811 = arith.constant 25 : i32
    %scan3A_1812 = arith.addi %scan3A_1810, %scan3A_1811 : i32
    %scan3A_1813 = arith.constant 1 : i32
    scf.for %scan3A_1995 = %scan3A_1810 to %scan3A_1812 step %scan3A_1813  : i32 {
      %mul3A_1996 = arith.constant 16 : i32
      %mul3A_1997 = arith.muli %mul3A_1996, %scan3A_1995 : i32
      %add3A_1998 = arith.addi %arg1, %mul3A_1997 : i32
      %lt3A_1999 = arith.constant 390 : i32
      %lt3A_2000 = arith.cmpi slt, %add3A_1998, %lt3A_1999 : i32
      %convert_element_type3A_2001 = arith.extui %lt3A_2000 : i1 to i32
      %cond3A_2002 = arith.constant 0 : i32
      %cond3A_2003 = arith.cmpi ne, %convert_element_type3A_2001, %cond3A_2002 : i32
      scf.if %cond3A_2003 {
        %dma_wait3A = arith.constant 0 : i32
        %dma_wait3A_2004 = tpu.memref_slice %arg9[%scan3A_1995, %dma_wait3A] : memref<25x128xi32, #tpu.memory_space<vmem>> -> memref<1x128xi32, #tpu.memory_space<vmem>>
        %dma_wait3A_2005 = tpu.memref_squeeze %dma_wait3A_2004 : memref<1x128xi32, #tpu.memory_space<vmem>> -> memref<128xi32, #tpu.memory_space<vmem>>
        %dma_wait3A_2006 = arith.constant 0 : i32
        %dma_wait3A_2007 = arith.constant 0 : i32
        %dma_wait3A_2008 = tpu.memref_slice %arg7[%dma_wait3A_2006, %dma_wait3A_2007] : memref<8192x16xf32, #tpu.memory_space<vmem_shared>> -> memref<8192x16xf32, #tpu.memory_space<vmem_shared>>
        tpu.wait_indirect_dma semaphore(%arg27 : memref<!tpu.dma_semaphore, #tpu.memory_space<semaphore_mem>>) src(%arg13 : memref<128x16xf32, #tpu.memory_space<vmem>>) dst(%dma_wait3A_2008 : memref<8192x16xf32, #tpu.memory_space<vmem_shared>>)
      } else {
      }
    }
    %scan3A_1814 = arith.constant 25 : i32
    %eq3A = arith.constant 15 : i32
    %eq3A_1815 = arith.cmpi eq, %arg1, %eq3A : i32
    %convert_element_type3A_1816 = arith.extui %eq3A_1815 : i1 to i32
    %cond3A_1817 = arith.constant 0 : i32
    %cond3A_1818 = arith.cmpi ne, %convert_element_type3A_1816, %cond3A_1817 : i32
    scf.if %cond3A_1818 {
      "tpu.region"() ({
        %run_scoped3A = tpu.sem_alloc : memref<!tpu.dma_semaphore, #tpu.memory_space<semaphore_mem>>
        %dma_start3A = arith.constant 49920 : i32
        %dma_start3A_2049 = tpu.memref_slice %arg3[%dma_start3A] : memref<50000xi32, #tpu.memory_space<hbm>> -> memref<80xi32, #tpu.memory_space<hbm>>
        %dma_start3A_2050 = arith.constant 49920 : i32
        %dma_start3A_2051 = tpu.memref_slice %arg3[%dma_start3A_2050] : memref<50000xi32, #tpu.memory_space<hbm>> -> memref<80xi32, #tpu.memory_space<hbm>>
        tpu.enqueue_dma source(%dma_start3A_2051 : memref<80xi32, #tpu.memory_space<hbm>>) target(%arg19 : memref<80xi32, #tpu.memory_space<vmem>>) target_semaphore(%run_scoped3A : memref<!tpu.dma_semaphore, #tpu.memory_space<semaphore_mem>>)
        %dma_wait3A = arith.constant 49920 : i32
        %dma_wait3A_2052 = tpu.memref_slice %arg3[%dma_wait3A] : memref<50000xi32, #tpu.memory_space<hbm>> -> memref<80xi32, #tpu.memory_space<hbm>>
        %dma_wait3A_2053 = arith.constant 49920 : i32
        %dma_wait3A_2054 = tpu.memref_slice %arg3[%dma_wait3A_2053] : memref<50000xi32, #tpu.memory_space<hbm>> -> memref<80xi32, #tpu.memory_space<hbm>>
        tpu.wait_dma2 semaphore(%run_scoped3A : memref<!tpu.dma_semaphore, #tpu.memory_space<semaphore_mem>>) src(%dma_wait3A_2054 : memref<80xi32, #tpu.memory_space<hbm>>) dst(%arg19 : memref<80xi32, #tpu.memory_space<vmem>>)
        tpu.yield
      }) : () -> ()
      "tpu.region"() ({
        %run_scoped3A = tpu.sem_alloc : memref<!tpu.dma_semaphore, #tpu.memory_space<semaphore_mem>>
        %dma_start3A = arith.constant 49920 : i32
        %dma_start3A_2049 = tpu.memref_slice %arg2[%dma_start3A, %add3A_1650] : memref<50000x256xf32, #tpu.memory_space<hbm>> -> memref<80x64xf32, #tpu.memory_space<hbm>>
        %dma_start3A_2050 = arith.constant 49920 : i32
        %dma_start3A_2051 = tpu.memref_slice %arg2[%dma_start3A_2050, %add3A_1650] : memref<50000x256xf32, #tpu.memory_space<hbm>> -> memref<80x64xf32, #tpu.memory_space<hbm>>
        tpu.enqueue_dma source(%dma_start3A_2051 : memref<80x64xf32, #tpu.memory_space<hbm>>) target(%arg21 : memref<80x64xf32, #tpu.memory_space<vmem>>) target_semaphore(%run_scoped3A : memref<!tpu.dma_semaphore, #tpu.memory_space<semaphore_mem>>)
        %dma_wait3A = arith.constant 49920 : i32
        %dma_wait3A_2052 = tpu.memref_slice %arg2[%dma_wait3A, %add3A_1650] : memref<50000x256xf32, #tpu.memory_space<hbm>> -> memref<80x64xf32, #tpu.memory_space<hbm>>
        %dma_wait3A_2053 = arith.constant 49920 : i32
        %dma_wait3A_2054 = tpu.memref_slice %arg2[%dma_wait3A_2053, %add3A_1650] : memref<50000x256xf32, #tpu.memory_space<hbm>> -> memref<80x64xf32, #tpu.memory_space<hbm>>
        tpu.wait_dma2 semaphore(%run_scoped3A : memref<!tpu.dma_semaphore, #tpu.memory_space<semaphore_mem>>) src(%dma_wait3A_2054 : memref<80x64xf32, #tpu.memory_space<hbm>>) dst(%arg21 : memref<80x64xf32, #tpu.memory_space<vmem>>)
        tpu.yield
      }) : () -> ()
      %get3A = arith.constant 0 : index
      %get3A_1995 = tpu.vector_load %arg19[%get3A] {strides = array<i32>} : memref<80xi32, #tpu.memory_space<vmem>>, vector<16xi32>,
      %get3A_1996 = vector.shape_cast %get3A_1995 : vector<16xi32> to vector<16xi32>
      %mul3A_1997 = arith.constant 16 : i32
      %mul3A_1998 = vector.broadcast %mul3A_1997 : i32 to vector<16xi32>
      %mul3A_1999 = arith.muli %get3A_1996, %mul3A_1998 : vector<16xi32>
      %add3A_2000 = arith.addi %mul3A_1999, %iota3A : vector<16xi32>
      %swap3A_2001 = arith.constant 0 : index
      %swap3A_2002 = tpu.vector_load %arg20[%swap3A_2001] {strides = array<i32>} : memref<80xi32, #tpu.memory_space<vmem>>, vector<16xi32>,
      %swap3A_2003 = vector.shape_cast %swap3A_2002 : vector<16xi32> to vector<16xi32>
      %swap3A_2004 = vector.shape_cast %add3A_2000 : vector<16xi32> to vector<16xi32>
      tpu.vector_store %arg20[%swap3A_2001], %swap3A_2004 {strides = array<i32>} : memref<80xi32, #tpu.memory_space<vmem>>, vector<16xi32>,
      %get3A_2005 = arith.constant 16 : index
      %get3A_2006 = tpu.vector_load %arg19[%get3A_2005] {strides = array<i32>} : memref<80xi32, #tpu.memory_space<vmem>>, vector<16xi32>,
      %get3A_2007 = vector.shape_cast %get3A_2006 : vector<16xi32> to vector<16xi32>
      %mul3A_2008 = arith.constant 16 : i32
      %mul3A_2009 = vector.broadcast %mul3A_2008 : i32 to vector<16xi32>
      %mul3A_2010 = arith.muli %get3A_2007, %mul3A_2009 : vector<16xi32>
      %add3A_2011 = arith.addi %mul3A_2010, %iota3A : vector<16xi32>
      %swap3A_2012 = arith.constant 16 : index
      %swap3A_2013 = tpu.vector_load %arg20[%swap3A_2012] {strides = array<i32>} : memref<80xi32, #tpu.memory_space<vmem>>, vector<16xi32>,
      %swap3A_2014 = vector.shape_cast %swap3A_2013 : vector<16xi32> to vector<16xi32>
      %swap3A_2015 = vector.shape_cast %add3A_2011 : vector<16xi32> to vector<16xi32>
      tpu.vector_store %arg20[%swap3A_2012], %swap3A_2015 {strides = array<i32>} : memref<80xi32, #tpu.memory_space<vmem>>, vector<16xi32>,
      %get3A_2016 = arith.constant 32 : index
      %get3A_2017 = tpu.vector_load %arg19[%get3A_2016] {strides = array<i32>} : memref<80xi32, #tpu.memory_space<vmem>>, vector<16xi32>,
      %get3A_2018 = vector.shape_cast %get3A_2017 : vector<16xi32> to vector<16xi32>
      %mul3A_2019 = arith.constant 16 : i32
      %mul3A_2020 = vector.broadcast %mul3A_2019 : i32 to vector<16xi32>
      %mul3A_2021 = arith.muli %get3A_2018, %mul3A_2020 : vector<16xi32>
      %add3A_2022 = arith.addi %mul3A_2021, %iota3A : vector<16xi32>
      %swap3A_2023 = arith.constant 32 : index
      %swap3A_2024 = tpu.vector_load %arg20[%swap3A_2023] {strides = array<i32>} : memref<80xi32, #tpu.memory_space<vmem>>, vector<16xi32>,
      %swap3A_2025 = vector.shape_cast %swap3A_2024 : vector<16xi32> to vector<16xi32>
      %swap3A_2026 = vector.shape_cast %add3A_2022 : vector<16xi32> to vector<16xi32>
      tpu.vector_store %arg20[%swap3A_2023], %swap3A_2026 {strides = array<i32>} : memref<80xi32, #tpu.memory_space<vmem>>, vector<16xi32>,
      %get3A_2027 = arith.constant 48 : index
      %get3A_2028 = tpu.vector_load %arg19[%get3A_2027] {strides = array<i32>} : memref<80xi32, #tpu.memory_space<vmem>>, vector<16xi32>,
      %get3A_2029 = vector.shape_cast %get3A_2028 : vector<16xi32> to vector<16xi32>
      %mul3A_2030 = arith.constant 16 : i32
      %mul3A_2031 = vector.broadcast %mul3A_2030 : i32 to vector<16xi32>
      %mul3A_2032 = arith.muli %get3A_2029, %mul3A_2031 : vector<16xi32>
      %add3A_2033 = arith.addi %mul3A_2032, %iota3A : vector<16xi32>
      %swap3A_2034 = arith.constant 48 : index
      %swap3A_2035 = tpu.vector_load %arg20[%swap3A_2034] {strides = array<i32>} : memref<80xi32, #tpu.memory_space<vmem>>, vector<16xi32>,
      %swap3A_2036 = vector.shape_cast %swap3A_2035 : vector<16xi32> to vector<16xi32>
      %swap3A_2037 = vector.shape_cast %add3A_2033 : vector<16xi32> to vector<16xi32>
      tpu.vector_store %arg20[%swap3A_2034], %swap3A_2037 {strides = array<i32>} : memref<80xi32, #tpu.memory_space<vmem>>, vector<16xi32>,
      %get3A_2038 = arith.constant 64 : index
      %get3A_2039 = tpu.vector_load %arg19[%get3A_2038] {strides = array<i32>} : memref<80xi32, #tpu.memory_space<vmem>>, vector<16xi32>,
      %get3A_2040 = vector.shape_cast %get3A_2039 : vector<16xi32> to vector<16xi32>
      %mul3A_2041 = arith.constant 16 : i32
      %mul3A_2042 = vector.broadcast %mul3A_2041 : i32 to vector<16xi32>
      %mul3A_2043 = arith.muli %get3A_2040, %mul3A_2042 : vector<16xi32>
      %add3A_2044 = arith.addi %mul3A_2043, %iota3A : vector<16xi32>
      %swap3A_2045 = arith.constant 64 : index
      %swap3A_2046 = tpu.vector_load %arg20[%swap3A_2045] {strides = array<i32>} : memref<80xi32, #tpu.memory_space<vmem>>, vector<16xi32>,
      %swap3A_2047 = vector.shape_cast %swap3A_2046 : vector<16xi32> to vector<16xi32>
      %swap3A_2048 = vector.shape_cast %add3A_2044 : vector<16xi32> to vector<16xi32>
      tpu.vector_store %arg20[%swap3A_2045], %swap3A_2048 {strides = array<i32>} : memref<80xi32, #tpu.memory_space<vmem>>, vector<16xi32>,
      "tpu.region"() ({
        %run_scoped3A = tpu.sem_alloc : memref<!tpu.dma_semaphore, #tpu.memory_space<semaphore_mem>>
        %dma_start3A = arith.constant 0 : i32
        %dma_start3A_2049 = arith.constant 0 : i32
        %dma_start3A_2050 = tpu.memref_slice %arg6[%dma_start3A, %dma_start3A_2049] : memref<8192x64xf32, #tpu.memory_space<vmem_shared>> -> memref<8192x64xf32, #tpu.memory_space<vmem_shared>>
        tpu.enqueue_indirect_dma source(%arg21 : memref<80x64xf32, #tpu.memory_space<vmem>>) target(%dma_start3A_2050 : memref<8192x64xf32, #tpu.memory_space<vmem_shared>>) offsets(%arg20 : memref<80xi32, #tpu.memory_space<vmem>>) semaphore(%run_scoped3A : memref<!tpu.dma_semaphore, #tpu.memory_space<semaphore_mem>>) {add = true}
        %dma_wait3A = arith.constant 0 : i32
        %dma_wait3A_2051 = arith.constant 0 : i32
        %dma_wait3A_2052 = tpu.memref_slice %arg6[%dma_wait3A, %dma_wait3A_2051] : memref<8192x64xf32, #tpu.memory_space<vmem_shared>> -> memref<8192x64xf32, #tpu.memory_space<vmem_shared>>
        tpu.wait_indirect_dma semaphore(%run_scoped3A : memref<!tpu.dma_semaphore, #tpu.memory_space<semaphore_mem>>) src(%arg21 : memref<80x64xf32, #tpu.memory_space<vmem>>) dst(%dma_wait3A_2052 : memref<8192x64xf32, #tpu.memory_space<vmem_shared>>)
        tpu.yield
      }) : () -> ()
      "tpu.region"() ({
        %run_scoped3A = tpu.sem_alloc : memref<!tpu.dma_semaphore, #tpu.memory_space<semaphore_mem>>
        %dma_start3A = arith.constant 0 : i32
        %dma_start3A_2049 = arith.constant 0 : i32
        %dma_start3A_2050 = tpu.memref_slice %arg7[%dma_start3A, %dma_start3A_2049] : memref<8192x16xf32, #tpu.memory_space<vmem_shared>> -> memref<8192x16xf32, #tpu.memory_space<vmem_shared>>
        tpu.enqueue_indirect_dma source(%arg22 : memref<80x16xf32, #tpu.memory_space<vmem>>) target(%dma_start3A_2050 : memref<8192x16xf32, #tpu.memory_space<vmem_shared>>) offsets(%arg20 : memref<80xi32, #tpu.memory_space<vmem>>) semaphore(%run_scoped3A : memref<!tpu.dma_semaphore, #tpu.memory_space<semaphore_mem>>) {add = true}
        %dma_wait3A = arith.constant 0 : i32
        %dma_wait3A_2051 = arith.constant 0 : i32
        %dma_wait3A_2052 = tpu.memref_slice %arg7[%dma_wait3A, %dma_wait3A_2051] : memref<8192x16xf32, #tpu.memory_space<vmem_shared>> -> memref<8192x16xf32, #tpu.memory_space<vmem_shared>>
        tpu.wait_indirect_dma semaphore(%run_scoped3A : memref<!tpu.dma_semaphore, #tpu.memory_space<semaphore_mem>>) src(%arg22 : memref<80x16xf32, #tpu.memory_space<vmem>>) dst(%dma_wait3A_2052 : memref<8192x16xf32, #tpu.memory_space<vmem_shared>>)
        tpu.yield
      }) : () -> ()
    } else {
    }
    %barrier3A_1819 = arith.constant 0 : index
    tpu.barrier barrier_id(%barrier3A_1819)
    %mul3A_1820 = arith.constant 16 : i32
    %mul3A_1821 = arith.muli %mul3A_1820, %mul3A_3 : i32
    "tpu.region"() ({
      %run_scoped3A = tpu.sem_alloc : memref<!tpu.dma_semaphore, #tpu.memory_space<semaphore_mem>>
      %dma_start3A = arith.constant 0 : i32
      %dma_start3A_1995 = tpu.memref_slice %arg6[%mul3A_1821, %dma_start3A] : memref<8192x64xf32, #tpu.memory_space<vmem_shared>> -> memref<512x64xf32, #tpu.memory_space<vmem_shared>>
      %dma_start3A_1996 = arith.constant 0 : i32
      %dma_start3A_1997 = tpu.memref_slice %arg6[%mul3A_1821, %dma_start3A_1996] : memref<8192x64xf32, #tpu.memory_space<vmem_shared>> -> memref<512x64xf32, #tpu.memory_space<vmem_shared>>
      tpu.enqueue_dma source(%dma_start3A_1997 : memref<512x64xf32, #tpu.memory_space<vmem_shared>>) target(%arg15 : memref<512x64xf32, #tpu.memory_space<vmem>>) target_semaphore(%run_scoped3A : memref<!tpu.dma_semaphore, #tpu.memory_space<semaphore_mem>>)
      %dma_wait3A = arith.constant 0 : i32
      %dma_wait3A_1998 = tpu.memref_slice %arg6[%mul3A_1821, %dma_wait3A] : memref<8192x64xf32, #tpu.memory_space<vmem_shared>> -> memref<512x64xf32, #tpu.memory_space<vmem_shared>>
      %dma_wait3A_1999 = arith.constant 0 : i32
      %dma_wait3A_2000 = tpu.memref_slice %arg6[%mul3A_1821, %dma_wait3A_1999] : memref<8192x64xf32, #tpu.memory_space<vmem_shared>> -> memref<512x64xf32, #tpu.memory_space<vmem_shared>>
      tpu.wait_dma2 semaphore(%run_scoped3A : memref<!tpu.dma_semaphore, #tpu.memory_space<semaphore_mem>>) src(%dma_wait3A_2000 : memref<512x64xf32, #tpu.memory_space<vmem_shared>>) dst(%arg15 : memref<512x64xf32, #tpu.memory_space<vmem>>)
      tpu.yield
    }) : () -> ()
    %mul3A_1822 = arith.constant 16 : i32
    %mul3A_1823 = arith.muli %mul3A_1822, %mul3A_3 : i32
    "tpu.region"() ({
      %run_scoped3A = tpu.sem_alloc : memref<!tpu.dma_semaphore, #tpu.memory_space<semaphore_mem>>
      %dma_start3A = arith.constant 0 : i32
      %dma_start3A_1995 = tpu.memref_slice %arg7[%mul3A_1823, %dma_start3A] : memref<8192x16xf32, #tpu.memory_space<vmem_shared>> -> memref<512x16xf32, #tpu.memory_space<vmem_shared>>
      %dma_start3A_1996 = arith.constant 0 : i32
      %dma_start3A_1997 = tpu.memref_slice %arg7[%mul3A_1823, %dma_start3A_1996] : memref<8192x16xf32, #tpu.memory_space<vmem_shared>> -> memref<512x16xf32, #tpu.memory_space<vmem_shared>>
      tpu.enqueue_dma source(%dma_start3A_1997 : memref<512x16xf32, #tpu.memory_space<vmem_shared>>) target(%arg16 : memref<512x16xf32, #tpu.memory_space<vmem>>) target_semaphore(%run_scoped3A : memref<!tpu.dma_semaphore, #tpu.memory_space<semaphore_mem>>)
      %dma_wait3A = arith.constant 0 : i32
      %dma_wait3A_1998 = tpu.memref_slice %arg7[%mul3A_1823, %dma_wait3A] : memref<8192x16xf32, #tpu.memory_space<vmem_shared>> -> memref<512x16xf32, #tpu.memory_space<vmem_shared>>
      %dma_wait3A_1999 = arith.constant 0 : i32
      %dma_wait3A_2000 = tpu.memref_slice %arg7[%mul3A_1823, %dma_wait3A_1999] : memref<8192x16xf32, #tpu.memory_space<vmem_shared>> -> memref<512x16xf32, #tpu.memory_space<vmem_shared>>
      tpu.wait_dma2 semaphore(%run_scoped3A : memref<!tpu.dma_semaphore, #tpu.memory_space<semaphore_mem>>) src(%dma_wait3A_2000 : memref<512x16xf32, #tpu.memory_space<vmem_shared>>) dst(%arg16 : memref<512x16xf32, #tpu.memory_space<vmem>>)
      tpu.yield
    }) : () -> ()
    %barrier3A_1824 = arith.constant 0 : index
    tpu.barrier barrier_id(%barrier3A_1824)
    %scan3A_1825 = arith.constant 0 : i32
    %scan3A_1826 = arith.constant 0 : i32
    %scan3A_1827 = arith.constant 32 : i32
    %scan3A_1828 = arith.addi %scan3A_1826, %scan3A_1827 : i32
    %scan3A_1829 = arith.constant 1 : i32
    scf.for %scan3A_1995 = %scan3A_1826 to %scan3A_1828 step %scan3A_1829  : i32 {
      %mul3A_1996 = arith.constant 16 : i32
      %mul3A_1997 = arith.muli %mul3A_1996, %scan3A_1995 : i32
      %get3A = arith.index_cast %mul3A_1997 : i32 to index
      %get3A_1998 = arith.constant 0 : index
      %get3A_1999 = tpu.vector_load %arg16[%get3A, %get3A_1998] {strides = array<i32>} : memref<512x16xf32, #tpu.memory_space<vmem>>, vector<1x16xf32>,
      %get3A_2000 = vector.shape_cast %get3A_1999 : vector<1x16xf32> to vector<16xf32>
      %mul3A_2001 = arith.constant 16 : i32
      %mul3A_2002 = arith.muli %mul3A_2001, %scan3A_1995 : i32
      %add3A_2003 = arith.constant 1 : i32
      %add3A_2004 = arith.addi %mul3A_2002, %add3A_2003 : i32
      %get3A_2005 = arith.index_cast %add3A_2004 : i32 to index
      %get3A_2006 = arith.constant 0 : index
      %get3A_2007 = tpu.vector_load %arg16[%get3A_2005, %get3A_2006] {strides = array<i32>} : memref<512x16xf32, #tpu.memory_space<vmem>>, vector<1x16xf32>,
      %get3A_2008 = vector.shape_cast %get3A_2007 : vector<1x16xf32> to vector<16xf32>
      %add3A_2009 = arith.addf %get3A_2000, %get3A_2008 : vector<16xf32>
      %mul3A_2010 = arith.constant 16 : i32
      %mul3A_2011 = arith.muli %mul3A_2010, %scan3A_1995 : i32
      %add3A_2012 = arith.constant 2 : i32
      %add3A_2013 = arith.addi %mul3A_2011, %add3A_2012 : i32
      %get3A_2014 = arith.index_cast %add3A_2013 : i32 to index
      %get3A_2015 = arith.constant 0 : index
      %get3A_2016 = tpu.vector_load %arg16[%get3A_2014, %get3A_2015] {strides = array<i32>} : memref<512x16xf32, #tpu.memory_space<vmem>>, vector<1x16xf32>,
      %get3A_2017 = vector.shape_cast %get3A_2016 : vector<1x16xf32> to vector<16xf32>
      %add3A_2018 = arith.addf %add3A_2009, %get3A_2017 : vector<16xf32>
      %mul3A_2019 = arith.constant 16 : i32
      %mul3A_2020 = arith.muli %mul3A_2019, %scan3A_1995 : i32
      %add3A_2021 = arith.constant 3 : i32
      %add3A_2022 = arith.addi %mul3A_2020, %add3A_2021 : i32
      %get3A_2023 = arith.index_cast %add3A_2022 : i32 to index
      %get3A_2024 = arith.constant 0 : index
      %get3A_2025 = tpu.vector_load %arg16[%get3A_2023, %get3A_2024] {strides = array<i32>} : memref<512x16xf32, #tpu.memory_space<vmem>>, vector<1x16xf32>,
      %get3A_2026 = vector.shape_cast %get3A_2025 : vector<1x16xf32> to vector<16xf32>
      %add3A_2027 = arith.addf %add3A_2018, %get3A_2026 : vector<16xf32>
      %mul3A_2028 = arith.constant 16 : i32
      %mul3A_2029 = arith.muli %mul3A_2028, %scan3A_1995 : i32
      %add3A_2030 = arith.constant 4 : i32
      %add3A_2031 = arith.addi %mul3A_2029, %add3A_2030 : i32
      %get3A_2032 = arith.index_cast %add3A_2031 : i32 to index
      %get3A_2033 = arith.constant 0 : index
      %get3A_2034 = tpu.vector_load %arg16[%get3A_2032, %get3A_2033] {strides = array<i32>} : memref<512x16xf32, #tpu.memory_space<vmem>>, vector<1x16xf32>,
      %get3A_2035 = vector.shape_cast %get3A_2034 : vector<1x16xf32> to vector<16xf32>
      %add3A_2036 = arith.addf %add3A_2027, %get3A_2035 : vector<16xf32>
      %mul3A_2037 = arith.constant 16 : i32
      %mul3A_2038 = arith.muli %mul3A_2037, %scan3A_1995 : i32
      %add3A_2039 = arith.constant 5 : i32
      %add3A_2040 = arith.addi %mul3A_2038, %add3A_2039 : i32
      %get3A_2041 = arith.index_cast %add3A_2040 : i32 to index
      %get3A_2042 = arith.constant 0 : index
      %get3A_2043 = tpu.vector_load %arg16[%get3A_2041, %get3A_2042] {strides = array<i32>} : memref<512x16xf32, #tpu.memory_space<vmem>>, vector<1x16xf32>,
      %get3A_2044 = vector.shape_cast %get3A_2043 : vector<1x16xf32> to vector<16xf32>
      %add3A_2045 = arith.addf %add3A_2036, %get3A_2044 : vector<16xf32>
      %mul3A_2046 = arith.constant 16 : i32
      %mul3A_2047 = arith.muli %mul3A_2046, %scan3A_1995 : i32
      %add3A_2048 = arith.constant 6 : i32
      %add3A_2049 = arith.addi %mul3A_2047, %add3A_2048 : i32
      %get3A_2050 = arith.index_cast %add3A_2049 : i32 to index
      %get3A_2051 = arith.constant 0 : index
      %get3A_2052 = tpu.vector_load %arg16[%get3A_2050, %get3A_2051] {strides = array<i32>} : memref<512x16xf32, #tpu.memory_space<vmem>>, vector<1x16xf32>,
      %get3A_2053 = vector.shape_cast %get3A_2052 : vector<1x16xf32> to vector<16xf32>
      %add3A_2054 = arith.addf %add3A_2045, %get3A_2053 : vector<16xf32>
      %mul3A_2055 = arith.constant 16 : i32
      %mul3A_2056 = arith.muli %mul3A_2055, %scan3A_1995 : i32
      %add3A_2057 = arith.constant 7 : i32
      %add3A_2058 = arith.addi %mul3A_2056, %add3A_2057 : i32
      %get3A_2059 = arith.index_cast %add3A_2058 : i32 to index
      %get3A_2060 = arith.constant 0 : index
      %get3A_2061 = tpu.vector_load %arg16[%get3A_2059, %get3A_2060] {strides = array<i32>} : memref<512x16xf32, #tpu.memory_space<vmem>>, vector<1x16xf32>,
      %get3A_2062 = vector.shape_cast %get3A_2061 : vector<1x16xf32> to vector<16xf32>
      %add3A_2063 = arith.addf %add3A_2054, %get3A_2062 : vector<16xf32>
      %mul3A_2064 = arith.constant 16 : i32
      %mul3A_2065 = arith.muli %mul3A_2064, %scan3A_1995 : i32
      %add3A_2066 = arith.constant 8 : i32
      %add3A_2067 = arith.addi %mul3A_2065, %add3A_2066 : i32
      %get3A_2068 = arith.index_cast %add3A_2067 : i32 to index
      %get3A_2069 = arith.constant 0 : index
      %get3A_2070 = tpu.vector_load %arg16[%get3A_2068, %get3A_2069] {strides = array<i32>} : memref<512x16xf32, #tpu.memory_space<vmem>>, vector<1x16xf32>,
      %get3A_2071 = vector.shape_cast %get3A_2070 : vector<1x16xf32> to vector<16xf32>
      %add3A_2072 = arith.addf %add3A_2063, %get3A_2071 : vector<16xf32>
      %mul3A_2073 = arith.constant 16 : i32
      %mul3A_2074 = arith.muli %mul3A_2073, %scan3A_1995 : i32
      %add3A_2075 = arith.constant 9 : i32
      %add3A_2076 = arith.addi %mul3A_2074, %add3A_2075 : i32
      %get3A_2077 = arith.index_cast %add3A_2076 : i32 to index
      %get3A_2078 = arith.constant 0 : index
      %get3A_2079 = tpu.vector_load %arg16[%get3A_2077, %get3A_2078] {strides = array<i32>} : memref<512x16xf32, #tpu.memory_space<vmem>>, vector<1x16xf32>,
      %get3A_2080 = vector.shape_cast %get3A_2079 : vector<1x16xf32> to vector<16xf32>
      %add3A_2081 = arith.addf %add3A_2072, %get3A_2080 : vector<16xf32>
      %mul3A_2082 = arith.constant 16 : i32
      %mul3A_2083 = arith.muli %mul3A_2082, %scan3A_1995 : i32
      %add3A_2084 = arith.constant 10 : i32
      %add3A_2085 = arith.addi %mul3A_2083, %add3A_2084 : i32
      %get3A_2086 = arith.index_cast %add3A_2085 : i32 to index
      %get3A_2087 = arith.constant 0 : index
      %get3A_2088 = tpu.vector_load %arg16[%get3A_2086, %get3A_2087] {strides = array<i32>} : memref<512x16xf32, #tpu.memory_space<vmem>>, vector<1x16xf32>,
      %get3A_2089 = vector.shape_cast %get3A_2088 : vector<1x16xf32> to vector<16xf32>
      %add3A_2090 = arith.addf %add3A_2081, %get3A_2089 : vector<16xf32>
      %mul3A_2091 = arith.constant 16 : i32
      %mul3A_2092 = arith.muli %mul3A_2091, %scan3A_1995 : i32
      %add3A_2093 = arith.constant 11 : i32
      %add3A_2094 = arith.addi %mul3A_2092, %add3A_2093 : i32
      %get3A_2095 = arith.index_cast %add3A_2094 : i32 to index
      %get3A_2096 = arith.constant 0 : index
      %get3A_2097 = tpu.vector_load %arg16[%get3A_2095, %get3A_2096] {strides = array<i32>} : memref<512x16xf32, #tpu.memory_space<vmem>>, vector<1x16xf32>,
      %get3A_2098 = vector.shape_cast %get3A_2097 : vector<1x16xf32> to vector<16xf32>
      %add3A_2099 = arith.addf %add3A_2090, %get3A_2098 : vector<16xf32>
      %mul3A_2100 = arith.constant 16 : i32
      %mul3A_2101 = arith.muli %mul3A_2100, %scan3A_1995 : i32
      %add3A_2102 = arith.constant 12 : i32
      %add3A_2103 = arith.addi %mul3A_2101, %add3A_2102 : i32
      %get3A_2104 = arith.index_cast %add3A_2103 : i32 to index
      %get3A_2105 = arith.constant 0 : index
      %get3A_2106 = tpu.vector_load %arg16[%get3A_2104, %get3A_2105] {strides = array<i32>} : memref<512x16xf32, #tpu.memory_space<vmem>>, vector<1x16xf32>,
      %get3A_2107 = vector.shape_cast %get3A_2106 : vector<1x16xf32> to vector<16xf32>
      %add3A_2108 = arith.addf %add3A_2099, %get3A_2107 : vector<16xf32>
      %mul3A_2109 = arith.constant 16 : i32
      %mul3A_2110 = arith.muli %mul3A_2109, %scan3A_1995 : i32
      %add3A_2111 = arith.constant 13 : i32
      %add3A_2112 = arith.addi %mul3A_2110, %add3A_2111 : i32
      %get3A_2113 = arith.index_cast %add3A_2112 : i32 to index
      %get3A_2114 = arith.constant 0 : index
      %get3A_2115 = tpu.vector_load %arg16[%get3A_2113, %get3A_2114] {strides = array<i32>} : memref<512x16xf32, #tpu.memory_space<vmem>>, vector<1x16xf32>,
      %get3A_2116 = vector.shape_cast %get3A_2115 : vector<1x16xf32> to vector<16xf32>
      %add3A_2117 = arith.addf %add3A_2108, %get3A_2116 : vector<16xf32>
      %mul3A_2118 = arith.constant 16 : i32
      %mul3A_2119 = arith.muli %mul3A_2118, %scan3A_1995 : i32
      %add3A_2120 = arith.constant 14 : i32
      %add3A_2121 = arith.addi %mul3A_2119, %add3A_2120 : i32
      %get3A_2122 = arith.index_cast %add3A_2121 : i32 to index
      %get3A_2123 = arith.constant 0 : index
      %get3A_2124 = tpu.vector_load %arg16[%get3A_2122, %get3A_2123] {strides = array<i32>} : memref<512x16xf32, #tpu.memory_space<vmem>>, vector<1x16xf32>,
      %get3A_2125 = vector.shape_cast %get3A_2124 : vector<1x16xf32> to vector<16xf32>
      %add3A_2126 = arith.addf %add3A_2117, %get3A_2125 : vector<16xf32>
      %mul3A_2127 = arith.constant 16 : i32
      %mul3A_2128 = arith.muli %mul3A_2127, %scan3A_1995 : i32
      %add3A_2129 = arith.constant 15 : i32
      %add3A_2130 = arith.addi %mul3A_2128, %add3A_2129 : i32
      %get3A_2131 = arith.index_cast %add3A_2130 : i32 to index
      %get3A_2132 = arith.constant 0 : index
      %get3A_2133 = tpu.vector_load %arg16[%get3A_2131, %get3A_2132] {strides = array<i32>} : memref<512x16xf32, #tpu.memory_space<vmem>>, vector<1x16xf32>,
      %get3A_2134 = vector.shape_cast %get3A_2133 : vector<1x16xf32> to vector<16xf32>
      %add3A_2135 = arith.addf %add3A_2126, %get3A_2134 : vector<16xf32>
      %max3A = arith.constant 1.000000e+00 : f32
      %max3A_2136 = vector.broadcast %max3A : f32 to vector<16xf32>
      %max3A_2137 = arith.maximumf %add3A_2135, %max3A_2136 : vector<16xf32>
      %div3A_2138 = arith.constant 1.000000e+00 : f32
      %div3A_2139 = vector.broadcast %div3A_2138 : f32 to vector<16xf32>
      %div3A_2140 = arith.divf %div3A_2139, %max3A_2137 : vector<16xf32>
      %swap3A_2141 = arith.index_cast %scan3A_1995 : i32 to index
      %swap3A_2142 = arith.constant 0 : index
      %swap3A_2143 = tpu.vector_load %arg17[%swap3A_2141, %swap3A_2142] {strides = array<i32>} : memref<32x16xf32, #tpu.memory_space<vmem>>, vector<1x16xf32>,
      %swap3A_2144 = vector.shape_cast %swap3A_2143 : vector<1x16xf32> to vector<16xf32>
      %swap3A_2145 = vector.shape_cast %div3A_2140 : vector<16xf32> to vector<1x16xf32>
      tpu.vector_store %arg17[%swap3A_2141, %swap3A_2142], %swap3A_2145 {strides = array<i32>} : memref<32x16xf32, #tpu.memory_space<vmem>>, vector<1x16xf32>,
    }
    %scan3A_1830 = arith.constant 32 : i32
    %scan3A_1831 = arith.constant 0 : i32
    %scan3A_1832 = arith.constant 0 : i32
    %scan3A_1833 = arith.constant 32 : i32
    %scan3A_1834 = arith.addi %scan3A_1832, %scan3A_1833 : i32
    %scan3A_1835 = arith.constant 1 : i32
    scf.for %scan3A_1995 = %scan3A_1832 to %scan3A_1834 step %scan3A_1835  : i32 {
      %get3A = arith.index_cast %scan3A_1995 : i32 to index
      %get3A_1996 = arith.constant 0 : index
      %get3A_1997 = tpu.vector_load %arg17[%get3A, %get3A_1996] {strides = array<i32>} : memref<32x16xf32, #tpu.memory_space<vmem>>, vector<1x16xf32>,
      %get3A_1998 = vector.shape_cast %get3A_1997 : vector<1x16xf32> to vector<16xf32>
      %mul3A_1999 = arith.constant 16 : i32
      %mul3A_2000 = arith.muli %mul3A_1999, %scan3A_1995 : i32
      %get3A_2001 = arith.index_cast %mul3A_2000 : i32 to index
      %get3A_2002 = arith.constant 0 : index
      %get3A_2003 = tpu.vector_load %arg15[%get3A_2001, %get3A_2002] {strides = array<i32>} : memref<512x64xf32, #tpu.memory_space<vmem>>, vector<1x16xf32>,
      %get3A_2004 = vector.shape_cast %get3A_2003 : vector<1x16xf32> to vector<16xf32>
      %mul3A_2005 = arith.constant 16 : i32
      %mul3A_2006 = arith.muli %mul3A_2005, %scan3A_1995 : i32
      %add3A_2007 = arith.constant 1 : i32
      %add3A_2008 = arith.addi %mul3A_2006, %add3A_2007 : i32
      %get3A_2009 = arith.index_cast %add3A_2008 : i32 to index
      %get3A_2010 = arith.constant 0 : index
      %get3A_2011 = tpu.vector_load %arg15[%get3A_2009, %get3A_2010] {strides = array<i32>} : memref<512x64xf32, #tpu.memory_space<vmem>>, vector<1x16xf32>,
      %get3A_2012 = vector.shape_cast %get3A_2011 : vector<1x16xf32> to vector<16xf32>
      %add3A_2013 = arith.addf %get3A_2004, %get3A_2012 : vector<16xf32>
      %mul3A_2014 = arith.constant 16 : i32
      %mul3A_2015 = arith.muli %mul3A_2014, %scan3A_1995 : i32
      %add3A_2016 = arith.constant 2 : i32
      %add3A_2017 = arith.addi %mul3A_2015, %add3A_2016 : i32
      %get3A_2018 = arith.index_cast %add3A_2017 : i32 to index
      %get3A_2019 = arith.constant 0 : index
      %get3A_2020 = tpu.vector_load %arg15[%get3A_2018, %get3A_2019] {strides = array<i32>} : memref<512x64xf32, #tpu.memory_space<vmem>>, vector<1x16xf32>,
      %get3A_2021 = vector.shape_cast %get3A_2020 : vector<1x16xf32> to vector<16xf32>
      %add3A_2022 = arith.addf %add3A_2013, %get3A_2021 : vector<16xf32>
      %mul3A_2023 = arith.constant 16 : i32
      %mul3A_2024 = arith.muli %mul3A_2023, %scan3A_1995 : i32
      %add3A_2025 = arith.constant 3 : i32
      %add3A_2026 = arith.addi %mul3A_2024, %add3A_2025 : i32
      %get3A_2027 = arith.index_cast %add3A_2026 : i32 to index
      %get3A_2028 = arith.constant 0 : index
      %get3A_2029 = tpu.vector_load %arg15[%get3A_2027, %get3A_2028] {strides = array<i32>} : memref<512x64xf32, #tpu.memory_space<vmem>>, vector<1x16xf32>,
      %get3A_2030 = vector.shape_cast %get3A_2029 : vector<1x16xf32> to vector<16xf32>
      %add3A_2031 = arith.addf %add3A_2022, %get3A_2030 : vector<16xf32>
      %mul3A_2032 = arith.constant 16 : i32
      %mul3A_2033 = arith.muli %mul3A_2032, %scan3A_1995 : i32
      %add3A_2034 = arith.constant 4 : i32
      %add3A_2035 = arith.addi %mul3A_2033, %add3A_2034 : i32
      %get3A_2036 = arith.index_cast %add3A_2035 : i32 to index
      %get3A_2037 = arith.constant 0 : index
      %get3A_2038 = tpu.vector_load %arg15[%get3A_2036, %get3A_2037] {strides = array<i32>} : memref<512x64xf32, #tpu.memory_space<vmem>>, vector<1x16xf32>,
      %get3A_2039 = vector.shape_cast %get3A_2038 : vector<1x16xf32> to vector<16xf32>
      %add3A_2040 = arith.addf %add3A_2031, %get3A_2039 : vector<16xf32>
      %mul3A_2041 = arith.constant 16 : i32
      %mul3A_2042 = arith.muli %mul3A_2041, %scan3A_1995 : i32
      %add3A_2043 = arith.constant 5 : i32
      %add3A_2044 = arith.addi %mul3A_2042, %add3A_2043 : i32
      %get3A_2045 = arith.index_cast %add3A_2044 : i32 to index
      %get3A_2046 = arith.constant 0 : index
      %get3A_2047 = tpu.vector_load %arg15[%get3A_2045, %get3A_2046] {strides = array<i32>} : memref<512x64xf32, #tpu.memory_space<vmem>>, vector<1x16xf32>,
      %get3A_2048 = vector.shape_cast %get3A_2047 : vector<1x16xf32> to vector<16xf32>
      %add3A_2049 = arith.addf %add3A_2040, %get3A_2048 : vector<16xf32>
      %mul3A_2050 = arith.constant 16 : i32
      %mul3A_2051 = arith.muli %mul3A_2050, %scan3A_1995 : i32
      %add3A_2052 = arith.constant 6 : i32
      %add3A_2053 = arith.addi %mul3A_2051, %add3A_2052 : i32
      %get3A_2054 = arith.index_cast %add3A_2053 : i32 to index
      %get3A_2055 = arith.constant 0 : index
      %get3A_2056 = tpu.vector_load %arg15[%get3A_2054, %get3A_2055] {strides = array<i32>} : memref<512x64xf32, #tpu.memory_space<vmem>>, vector<1x16xf32>,
      %get3A_2057 = vector.shape_cast %get3A_2056 : vector<1x16xf32> to vector<16xf32>
      %add3A_2058 = arith.addf %add3A_2049, %get3A_2057 : vector<16xf32>
      %mul3A_2059 = arith.constant 16 : i32
      %mul3A_2060 = arith.muli %mul3A_2059, %scan3A_1995 : i32
      %add3A_2061 = arith.constant 7 : i32
      %add3A_2062 = arith.addi %mul3A_2060, %add3A_2061 : i32
      %get3A_2063 = arith.index_cast %add3A_2062 : i32 to index
      %get3A_2064 = arith.constant 0 : index
      %get3A_2065 = tpu.vector_load %arg15[%get3A_2063, %get3A_2064] {strides = array<i32>} : memref<512x64xf32, #tpu.memory_space<vmem>>, vector<1x16xf32>,
      %get3A_2066 = vector.shape_cast %get3A_2065 : vector<1x16xf32> to vector<16xf32>
      %add3A_2067 = arith.addf %add3A_2058, %get3A_2066 : vector<16xf32>
      %mul3A_2068 = arith.constant 16 : i32
      %mul3A_2069 = arith.muli %mul3A_2068, %scan3A_1995 : i32
      %add3A_2070 = arith.constant 8 : i32
      %add3A_2071 = arith.addi %mul3A_2069, %add3A_2070 : i32
      %get3A_2072 = arith.index_cast %add3A_2071 : i32 to index
      %get3A_2073 = arith.constant 0 : index
      %get3A_2074 = tpu.vector_load %arg15[%get3A_2072, %get3A_2073] {strides = array<i32>} : memref<512x64xf32, #tpu.memory_space<vmem>>, vector<1x16xf32>,
      %get3A_2075 = vector.shape_cast %get3A_2074 : vector<1x16xf32> to vector<16xf32>
      %add3A_2076 = arith.addf %add3A_2067, %get3A_2075 : vector<16xf32>
      %mul3A_2077 = arith.constant 16 : i32
      %mul3A_2078 = arith.muli %mul3A_2077, %scan3A_1995 : i32
      %add3A_2079 = arith.constant 9 : i32
      %add3A_2080 = arith.addi %mul3A_2078, %add3A_2079 : i32
      %get3A_2081 = arith.index_cast %add3A_2080 : i32 to index
      %get3A_2082 = arith.constant 0 : index
      %get3A_2083 = tpu.vector_load %arg15[%get3A_2081, %get3A_2082] {strides = array<i32>} : memref<512x64xf32, #tpu.memory_space<vmem>>, vector<1x16xf32>,
      %get3A_2084 = vector.shape_cast %get3A_2083 : vector<1x16xf32> to vector<16xf32>
      %add3A_2085 = arith.addf %add3A_2076, %get3A_2084 : vector<16xf32>
      %mul3A_2086 = arith.constant 16 : i32
      %mul3A_2087 = arith.muli %mul3A_2086, %scan3A_1995 : i32
      %add3A_2088 = arith.constant 10 : i32
      %add3A_2089 = arith.addi %mul3A_2087, %add3A_2088 : i32
      %get3A_2090 = arith.index_cast %add3A_2089 : i32 to index
      %get3A_2091 = arith.constant 0 : index
      %get3A_2092 = tpu.vector_load %arg15[%get3A_2090, %get3A_2091] {strides = array<i32>} : memref<512x64xf32, #tpu.memory_space<vmem>>, vector<1x16xf32>,
      %get3A_2093 = vector.shape_cast %get3A_2092 : vector<1x16xf32> to vector<16xf32>
      %add3A_2094 = arith.addf %add3A_2085, %get3A_2093 : vector<16xf32>
      %mul3A_2095 = arith.constant 16 : i32
      %mul3A_2096 = arith.muli %mul3A_2095, %scan3A_1995 : i32
      %add3A_2097 = arith.constant 11 : i32
      %add3A_2098 = arith.addi %mul3A_2096, %add3A_2097 : i32
      %get3A_2099 = arith.index_cast %add3A_2098 : i32 to index
      %get3A_2100 = arith.constant 0 : index
      %get3A_2101 = tpu.vector_load %arg15[%get3A_2099, %get3A_2100] {strides = array<i32>} : memref<512x64xf32, #tpu.memory_space<vmem>>, vector<1x16xf32>,
      %get3A_2102 = vector.shape_cast %get3A_2101 : vector<1x16xf32> to vector<16xf32>
      %add3A_2103 = arith.addf %add3A_2094, %get3A_2102 : vector<16xf32>
      %mul3A_2104 = arith.constant 16 : i32
      %mul3A_2105 = arith.muli %mul3A_2104, %scan3A_1995 : i32
      %add3A_2106 = arith.constant 12 : i32
      %add3A_2107 = arith.addi %mul3A_2105, %add3A_2106 : i32
      %get3A_2108 = arith.index_cast %add3A_2107 : i32 to index
      %get3A_2109 = arith.constant 0 : index
      %get3A_2110 = tpu.vector_load %arg15[%get3A_2108, %get3A_2109] {strides = array<i32>} : memref<512x64xf32, #tpu.memory_space<vmem>>, vector<1x16xf32>,
      %get3A_2111 = vector.shape_cast %get3A_2110 : vector<1x16xf32> to vector<16xf32>
      %add3A_2112 = arith.addf %add3A_2103, %get3A_2111 : vector<16xf32>
      %mul3A_2113 = arith.constant 16 : i32
      %mul3A_2114 = arith.muli %mul3A_2113, %scan3A_1995 : i32
      %add3A_2115 = arith.constant 13 : i32
      %add3A_2116 = arith.addi %mul3A_2114, %add3A_2115 : i32
      %get3A_2117 = arith.index_cast %add3A_2116 : i32 to index
      %get3A_2118 = arith.constant 0 : index
      %get3A_2119 = tpu.vector_load %arg15[%get3A_2117, %get3A_2118] {strides = array<i32>} : memref<512x64xf32, #tpu.memory_space<vmem>>, vector<1x16xf32>,
      %get3A_2120 = vector.shape_cast %get3A_2119 : vector<1x16xf32> to vector<16xf32>
      %add3A_2121 = arith.addf %add3A_2112, %get3A_2120 : vector<16xf32>
      %mul3A_2122 = arith.constant 16 : i32
      %mul3A_2123 = arith.muli %mul3A_2122, %scan3A_1995 : i32
      %add3A_2124 = arith.constant 14 : i32
      %add3A_2125 = arith.addi %mul3A_2123, %add3A_2124 : i32
      %get3A_2126 = arith.index_cast %add3A_2125 : i32 to index
      %get3A_2127 = arith.constant 0 : index
      %get3A_2128 = tpu.vector_load %arg15[%get3A_2126, %get3A_2127] {strides = array<i32>} : memref<512x64xf32, #tpu.memory_space<vmem>>, vector<1x16xf32>,
      %get3A_2129 = vector.shape_cast %get3A_2128 : vector<1x16xf32> to vector<16xf32>
      %add3A_2130 = arith.addf %add3A_2121, %get3A_2129 : vector<16xf32>
      %mul3A_2131 = arith.constant 16 : i32
      %mul3A_2132 = arith.muli %mul3A_2131, %scan3A_1995 : i32
      %add3A_2133 = arith.constant 15 : i32
      %add3A_2134 = arith.addi %mul3A_2132, %add3A_2133 : i32
      %get3A_2135 = arith.index_cast %add3A_2134 : i32 to index
      %get3A_2136 = arith.constant 0 : index
      %get3A_2137 = tpu.vector_load %arg15[%get3A_2135, %get3A_2136] {strides = array<i32>} : memref<512x64xf32, #tpu.memory_space<vmem>>, vector<1x16xf32>,
      %get3A_2138 = vector.shape_cast %get3A_2137 : vector<1x16xf32> to vector<16xf32>
      %add3A_2139 = arith.addf %add3A_2130, %get3A_2138 : vector<16xf32>
      %mul3A_2140 = arith.mulf %add3A_2139, %get3A_1998 : vector<16xf32>
      %swap3A_2141 = arith.index_cast %scan3A_1995 : i32 to index
      %swap3A_2142 = arith.constant 0 : index
      %swap3A_2143 = tpu.vector_load %arg18[%swap3A_2141, %swap3A_2142] {strides = array<i32>} : memref<32x64xf32, #tpu.memory_space<vmem>>, vector<1x16xf32>,
      %swap3A_2144 = vector.shape_cast %swap3A_2143 : vector<1x16xf32> to vector<16xf32>
      %swap3A_2145 = vector.shape_cast %mul3A_2140 : vector<16xf32> to vector<1x16xf32>
      tpu.vector_store %arg18[%swap3A_2141, %swap3A_2142], %swap3A_2145 {strides = array<i32>} : memref<32x64xf32, #tpu.memory_space<vmem>>, vector<1x16xf32>,
      %mul3A_2146 = arith.constant 16 : i32
      %mul3A_2147 = arith.muli %mul3A_2146, %scan3A_1995 : i32
      %get3A_2148 = arith.index_cast %mul3A_2147 : i32 to index
      %get3A_2149 = arith.constant 16 : index
      %get3A_2150 = tpu.vector_load %arg15[%get3A_2148, %get3A_2149] {strides = array<i32>} : memref<512x64xf32, #tpu.memory_space<vmem>>, vector<1x16xf32>,
      %get3A_2151 = vector.shape_cast %get3A_2150 : vector<1x16xf32> to vector<16xf32>
      %mul3A_2152 = arith.constant 16 : i32
      %mul3A_2153 = arith.muli %mul3A_2152, %scan3A_1995 : i32
      %add3A_2154 = arith.constant 1 : i32
      %add3A_2155 = arith.addi %mul3A_2153, %add3A_2154 : i32
      %get3A_2156 = arith.index_cast %add3A_2155 : i32 to index
      %get3A_2157 = arith.constant 16 : index
      %get3A_2158 = tpu.vector_load %arg15[%get3A_2156, %get3A_2157] {strides = array<i32>} : memref<512x64xf32, #tpu.memory_space<vmem>>, vector<1x16xf32>,
      %get3A_2159 = vector.shape_cast %get3A_2158 : vector<1x16xf32> to vector<16xf32>
      %add3A_2160 = arith.addf %get3A_2151, %get3A_2159 : vector<16xf32>
      %mul3A_2161 = arith.constant 16 : i32
      %mul3A_2162 = arith.muli %mul3A_2161, %scan3A_1995 : i32
      %add3A_2163 = arith.constant 2 : i32
      %add3A_2164 = arith.addi %mul3A_2162, %add3A_2163 : i32
      %get3A_2165 = arith.index_cast %add3A_2164 : i32 to index
      %get3A_2166 = arith.constant 16 : index
      %get3A_2167 = tpu.vector_load %arg15[%get3A_2165, %get3A_2166] {strides = array<i32>} : memref<512x64xf32, #tpu.memory_space<vmem>>, vector<1x16xf32>,
      %get3A_2168 = vector.shape_cast %get3A_2167 : vector<1x16xf32> to vector<16xf32>
      %add3A_2169 = arith.addf %add3A_2160, %get3A_2168 : vector<16xf32>
      %mul3A_2170 = arith.constant 16 : i32
      %mul3A_2171 = arith.muli %mul3A_2170, %scan3A_1995 : i32
      %add3A_2172 = arith.constant 3 : i32
      %add3A_2173 = arith.addi %mul3A_2171, %add3A_2172 : i32
      %get3A_2174 = arith.index_cast %add3A_2173 : i32 to index
      %get3A_2175 = arith.constant 16 : index
      %get3A_2176 = tpu.vector_load %arg15[%get3A_2174, %get3A_2175] {strides = array<i32>} : memref<512x64xf32, #tpu.memory_space<vmem>>, vector<1x16xf32>,
      %get3A_2177 = vector.shape_cast %get3A_2176 : vector<1x16xf32> to vector<16xf32>
      %add3A_2178 = arith.addf %add3A_2169, %get3A_2177 : vector<16xf32>
      %mul3A_2179 = arith.constant 16 : i32
      %mul3A_2180 = arith.muli %mul3A_2179, %scan3A_1995 : i32
      %add3A_2181 = arith.constant 4 : i32
      %add3A_2182 = arith.addi %mul3A_2180, %add3A_2181 : i32
      %get3A_2183 = arith.index_cast %add3A_2182 : i32 to index
      %get3A_2184 = arith.constant 16 : index
      %get3A_2185 = tpu.vector_load %arg15[%get3A_2183, %get3A_2184] {strides = array<i32>} : memref<512x64xf32, #tpu.memory_space<vmem>>, vector<1x16xf32>,
      %get3A_2186 = vector.shape_cast %get3A_2185 : vector<1x16xf32> to vector<16xf32>
      %add3A_2187 = arith.addf %add3A_2178, %get3A_2186 : vector<16xf32>
      %mul3A_2188 = arith.constant 16 : i32
      %mul3A_2189 = arith.muli %mul3A_2188, %scan3A_1995 : i32
      %add3A_2190 = arith.constant 5 : i32
      %add3A_2191 = arith.addi %mul3A_2189, %add3A_2190 : i32
      %get3A_2192 = arith.index_cast %add3A_2191 : i32 to index
      %get3A_2193 = arith.constant 16 : index
      %get3A_2194 = tpu.vector_load %arg15[%get3A_2192, %get3A_2193] {strides = array<i32>} : memref<512x64xf32, #tpu.memory_space<vmem>>, vector<1x16xf32>,
      %get3A_2195 = vector.shape_cast %get3A_2194 : vector<1x16xf32> to vector<16xf32>
      %add3A_2196 = arith.addf %add3A_2187, %get3A_2195 : vector<16xf32>
      %mul3A_2197 = arith.constant 16 : i32
      %mul3A_2198 = arith.muli %mul3A_2197, %scan3A_1995 : i32
      %add3A_2199 = arith.constant 6 : i32
      %add3A_2200 = arith.addi %mul3A_2198, %add3A_2199 : i32
      %get3A_2201 = arith.index_cast %add3A_2200 : i32 to index
      %get3A_2202 = arith.constant 16 : index
      %get3A_2203 = tpu.vector_load %arg15[%get3A_2201, %get3A_2202] {strides = array<i32>} : memref<512x64xf32, #tpu.memory_space<vmem>>, vector<1x16xf32>,
      %get3A_2204 = vector.shape_cast %get3A_2203 : vector<1x16xf32> to vector<16xf32>
      %add3A_2205 = arith.addf %add3A_2196, %get3A_2204 : vector<16xf32>
      %mul3A_2206 = arith.constant 16 : i32
      %mul3A_2207 = arith.muli %mul3A_2206, %scan3A_1995 : i32
      %add3A_2208 = arith.constant 7 : i32
      %add3A_2209 = arith.addi %mul3A_2207, %add3A_2208 : i32
      %get3A_2210 = arith.index_cast %add3A_2209 : i32 to index
      %get3A_2211 = arith.constant 16 : index
      %get3A_2212 = tpu.vector_load %arg15[%get3A_2210, %get3A_2211] {strides = array<i32>} : memref<512x64xf32, #tpu.memory_space<vmem>>, vector<1x16xf32>,
      %get3A_2213 = vector.shape_cast %get3A_2212 : vector<1x16xf32> to vector<16xf32>
      %add3A_2214 = arith.addf %add3A_2205, %get3A_2213 : vector<16xf32>
      %mul3A_2215 = arith.constant 16 : i32
      %mul3A_2216 = arith.muli %mul3A_2215, %scan3A_1995 : i32
      %add3A_2217 = arith.constant 8 : i32
      %add3A_2218 = arith.addi %mul3A_2216, %add3A_2217 : i32
      %get3A_2219 = arith.index_cast %add3A_2218 : i32 to index
      %get3A_2220 = arith.constant 16 : index
      %get3A_2221 = tpu.vector_load %arg15[%get3A_2219, %get3A_2220] {strides = array<i32>} : memref<512x64xf32, #tpu.memory_space<vmem>>, vector<1x16xf32>,
      %get3A_2222 = vector.shape_cast %get3A_2221 : vector<1x16xf32> to vector<16xf32>
      %add3A_2223 = arith.addf %add3A_2214, %get3A_2222 : vector<16xf32>
      %mul3A_2224 = arith.constant 16 : i32
      %mul3A_2225 = arith.muli %mul3A_2224, %scan3A_1995 : i32
      %add3A_2226 = arith.constant 9 : i32
      %add3A_2227 = arith.addi %mul3A_2225, %add3A_2226 : i32
      %get3A_2228 = arith.index_cast %add3A_2227 : i32 to index
      %get3A_2229 = arith.constant 16 : index
      %get3A_2230 = tpu.vector_load %arg15[%get3A_2228, %get3A_2229] {strides = array<i32>} : memref<512x64xf32, #tpu.memory_space<vmem>>, vector<1x16xf32>,
      %get3A_2231 = vector.shape_cast %get3A_2230 : vector<1x16xf32> to vector<16xf32>
      %add3A_2232 = arith.addf %add3A_2223, %get3A_2231 : vector<16xf32>
      %mul3A_2233 = arith.constant 16 : i32
      %mul3A_2234 = arith.muli %mul3A_2233, %scan3A_1995 : i32
      %add3A_2235 = arith.constant 10 : i32
      %add3A_2236 = arith.addi %mul3A_2234, %add3A_2235 : i32
      %get3A_2237 = arith.index_cast %add3A_2236 : i32 to index
      %get3A_2238 = arith.constant 16 : index
      %get3A_2239 = tpu.vector_load %arg15[%get3A_2237, %get3A_2238] {strides = array<i32>} : memref<512x64xf32, #tpu.memory_space<vmem>>, vector<1x16xf32>,
      %get3A_2240 = vector.shape_cast %get3A_2239 : vector<1x16xf32> to vector<16xf32>
      %add3A_2241 = arith.addf %add3A_2232, %get3A_2240 : vector<16xf32>
      %mul3A_2242 = arith.constant 16 : i32
      %mul3A_2243 = arith.muli %mul3A_2242, %scan3A_1995 : i32
      %add3A_2244 = arith.constant 11 : i32
      %add3A_2245 = arith.addi %mul3A_2243, %add3A_2244 : i32
      %get3A_2246 = arith.index_cast %add3A_2245 : i32 to index
      %get3A_2247 = arith.constant 16 : index
      %get3A_2248 = tpu.vector_load %arg15[%get3A_2246, %get3A_2247] {strides = array<i32>} : memref<512x64xf32, #tpu.memory_space<vmem>>, vector<1x16xf32>,
      %get3A_2249 = vector.shape_cast %get3A_2248 : vector<1x16xf32> to vector<16xf32>
      %add3A_2250 = arith.addf %add3A_2241, %get3A_2249 : vector<16xf32>
      %mul3A_2251 = arith.constant 16 : i32
      %mul3A_2252 = arith.muli %mul3A_2251, %scan3A_1995 : i32
      %add3A_2253 = arith.constant 12 : i32
      %add3A_2254 = arith.addi %mul3A_2252, %add3A_2253 : i32
      %get3A_2255 = arith.index_cast %add3A_2254 : i32 to index
      %get3A_2256 = arith.constant 16 : index
      %get3A_2257 = tpu.vector_load %arg15[%get3A_2255, %get3A_2256] {strides = array<i32>} : memref<512x64xf32, #tpu.memory_space<vmem>>, vector<1x16xf32>,
      %get3A_2258 = vector.shape_cast %get3A_2257 : vector<1x16xf32> to vector<16xf32>
      %add3A_2259 = arith.addf %add3A_2250, %get3A_2258 : vector<16xf32>
      %mul3A_2260 = arith.constant 16 : i32
      %mul3A_2261 = arith.muli %mul3A_2260, %scan3A_1995 : i32
      %add3A_2262 = arith.constant 13 : i32
      %add3A_2263 = arith.addi %mul3A_2261, %add3A_2262 : i32
      %get3A_2264 = arith.index_cast %add3A_2263 : i32 to index
      %get3A_2265 = arith.constant 16 : index
      %get3A_2266 = tpu.vector_load %arg15[%get3A_2264, %get3A_2265] {strides = array<i32>} : memref<512x64xf32, #tpu.memory_space<vmem>>, vector<1x16xf32>,
      %get3A_2267 = vector.shape_cast %get3A_2266 : vector<1x16xf32> to vector<16xf32>
      %add3A_2268 = arith.addf %add3A_2259, %get3A_2267 : vector<16xf32>
      %mul3A_2269 = arith.constant 16 : i32
      %mul3A_2270 = arith.muli %mul3A_2269, %scan3A_1995 : i32
      %add3A_2271 = arith.constant 14 : i32
      %add3A_2272 = arith.addi %mul3A_2270, %add3A_2271 : i32
      %get3A_2273 = arith.index_cast %add3A_2272 : i32 to index
      %get3A_2274 = arith.constant 16 : index
      %get3A_2275 = tpu.vector_load %arg15[%get3A_2273, %get3A_2274] {strides = array<i32>} : memref<512x64xf32, #tpu.memory_space<vmem>>, vector<1x16xf32>,
      %get3A_2276 = vector.shape_cast %get3A_2275 : vector<1x16xf32> to vector<16xf32>
      %add3A_2277 = arith.addf %add3A_2268, %get3A_2276 : vector<16xf32>
      %mul3A_2278 = arith.constant 16 : i32
      %mul3A_2279 = arith.muli %mul3A_2278, %scan3A_1995 : i32
      %add3A_2280 = arith.constant 15 : i32
      %add3A_2281 = arith.addi %mul3A_2279, %add3A_2280 : i32
      %get3A_2282 = arith.index_cast %add3A_2281 : i32 to index
      %get3A_2283 = arith.constant 16 : index
      %get3A_2284 = tpu.vector_load %arg15[%get3A_2282, %get3A_2283] {strides = array<i32>} : memref<512x64xf32, #tpu.memory_space<vmem>>, vector<1x16xf32>,
      %get3A_2285 = vector.shape_cast %get3A_2284 : vector<1x16xf32> to vector<16xf32>
      %add3A_2286 = arith.addf %add3A_2277, %get3A_2285 : vector<16xf32>
      %mul3A_2287 = arith.mulf %add3A_2286, %get3A_1998 : vector<16xf32>
      %swap3A_2288 = arith.index_cast %scan3A_1995 : i32 to index
      %swap3A_2289 = arith.constant 16 : index
      %swap3A_2290 = tpu.vector_load %arg18[%swap3A_2288, %swap3A_2289] {strides = array<i32>} : memref<32x64xf32, #tpu.memory_space<vmem>>, vector<1x16xf32>,
      %swap3A_2291 = vector.shape_cast %swap3A_2290 : vector<1x16xf32> to vector<16xf32>
      %swap3A_2292 = vector.shape_cast %mul3A_2287 : vector<16xf32> to vector<1x16xf32>
      tpu.vector_store %arg18[%swap3A_2288, %swap3A_2289], %swap3A_2292 {strides = array<i32>} : memref<32x64xf32, #tpu.memory_space<vmem>>, vector<1x16xf32>,
      %mul3A_2293 = arith.constant 16 : i32
      %mul3A_2294 = arith.muli %mul3A_2293, %scan3A_1995 : i32
      %get3A_2295 = arith.index_cast %mul3A_2294 : i32 to index
      %get3A_2296 = arith.constant 32 : index
      %get3A_2297 = tpu.vector_load %arg15[%get3A_2295, %get3A_2296] {strides = array<i32>} : memref<512x64xf32, #tpu.memory_space<vmem>>, vector<1x16xf32>,
      %get3A_2298 = vector.shape_cast %get3A_2297 : vector<1x16xf32> to vector<16xf32>
      %mul3A_2299 = arith.constant 16 : i32
      %mul3A_2300 = arith.muli %mul3A_2299, %scan3A_1995 : i32
      %add3A_2301 = arith.constant 1 : i32
      %add3A_2302 = arith.addi %mul3A_2300, %add3A_2301 : i32
      %get3A_2303 = arith.index_cast %add3A_2302 : i32 to index
      %get3A_2304 = arith.constant 32 : index
      %get3A_2305 = tpu.vector_load %arg15[%get3A_2303, %get3A_2304] {strides = array<i32>} : memref<512x64xf32, #tpu.memory_space<vmem>>, vector<1x16xf32>,
      %get3A_2306 = vector.shape_cast %get3A_2305 : vector<1x16xf32> to vector<16xf32>
      %add3A_2307 = arith.addf %get3A_2298, %get3A_2306 : vector<16xf32>
      %mul3A_2308 = arith.constant 16 : i32
      %mul3A_2309 = arith.muli %mul3A_2308, %scan3A_1995 : i32
      %add3A_2310 = arith.constant 2 : i32
      %add3A_2311 = arith.addi %mul3A_2309, %add3A_2310 : i32
      %get3A_2312 = arith.index_cast %add3A_2311 : i32 to index
      %get3A_2313 = arith.constant 32 : index
      %get3A_2314 = tpu.vector_load %arg15[%get3A_2312, %get3A_2313] {strides = array<i32>} : memref<512x64xf32, #tpu.memory_space<vmem>>, vector<1x16xf32>,
      %get3A_2315 = vector.shape_cast %get3A_2314 : vector<1x16xf32> to vector<16xf32>
      %add3A_2316 = arith.addf %add3A_2307, %get3A_2315 : vector<16xf32>
      %mul3A_2317 = arith.constant 16 : i32
      %mul3A_2318 = arith.muli %mul3A_2317, %scan3A_1995 : i32
      %add3A_2319 = arith.constant 3 : i32
      %add3A_2320 = arith.addi %mul3A_2318, %add3A_2319 : i32
      %get3A_2321 = arith.index_cast %add3A_2320 : i32 to index
      %get3A_2322 = arith.constant 32 : index
      %get3A_2323 = tpu.vector_load %arg15[%get3A_2321, %get3A_2322] {strides = array<i32>} : memref<512x64xf32, #tpu.memory_space<vmem>>, vector<1x16xf32>,
      %get3A_2324 = vector.shape_cast %get3A_2323 : vector<1x16xf32> to vector<16xf32>
      %add3A_2325 = arith.addf %add3A_2316, %get3A_2324 : vector<16xf32>
      %mul3A_2326 = arith.constant 16 : i32
      %mul3A_2327 = arith.muli %mul3A_2326, %scan3A_1995 : i32
      %add3A_2328 = arith.constant 4 : i32
      %add3A_2329 = arith.addi %mul3A_2327, %add3A_2328 : i32
      %get3A_2330 = arith.index_cast %add3A_2329 : i32 to index
      %get3A_2331 = arith.constant 32 : index
      %get3A_2332 = tpu.vector_load %arg15[%get3A_2330, %get3A_2331] {strides = array<i32>} : memref<512x64xf32, #tpu.memory_space<vmem>>, vector<1x16xf32>,
      %get3A_2333 = vector.shape_cast %get3A_2332 : vector<1x16xf32> to vector<16xf32>
      %add3A_2334 = arith.addf %add3A_2325, %get3A_2333 : vector<16xf32>
      %mul3A_2335 = arith.constant 16 : i32
      %mul3A_2336 = arith.muli %mul3A_2335, %scan3A_1995 : i32
      %add3A_2337 = arith.constant 5 : i32
      %add3A_2338 = arith.addi %mul3A_2336, %add3A_2337 : i32
      %get3A_2339 = arith.index_cast %add3A_2338 : i32 to index
      %get3A_2340 = arith.constant 32 : index
      %get3A_2341 = tpu.vector_load %arg15[%get3A_2339, %get3A_2340] {strides = array<i32>} : memref<512x64xf32, #tpu.memory_space<vmem>>, vector<1x16xf32>,
      %get3A_2342 = vector.shape_cast %get3A_2341 : vector<1x16xf32> to vector<16xf32>
      %add3A_2343 = arith.addf %add3A_2334, %get3A_2342 : vector<16xf32>
      %mul3A_2344 = arith.constant 16 : i32
      %mul3A_2345 = arith.muli %mul3A_2344, %scan3A_1995 : i32
      %add3A_2346 = arith.constant 6 : i32
      %add3A_2347 = arith.addi %mul3A_2345, %add3A_2346 : i32
      %get3A_2348 = arith.index_cast %add3A_2347 : i32 to index
      %get3A_2349 = arith.constant 32 : index
      %get3A_2350 = tpu.vector_load %arg15[%get3A_2348, %get3A_2349] {strides = array<i32>} : memref<512x64xf32, #tpu.memory_space<vmem>>, vector<1x16xf32>,
      %get3A_2351 = vector.shape_cast %get3A_2350 : vector<1x16xf32> to vector<16xf32>
      %add3A_2352 = arith.addf %add3A_2343, %get3A_2351 : vector<16xf32>
      %mul3A_2353 = arith.constant 16 : i32
      %mul3A_2354 = arith.muli %mul3A_2353, %scan3A_1995 : i32
      %add3A_2355 = arith.constant 7 : i32
      %add3A_2356 = arith.addi %mul3A_2354, %add3A_2355 : i32
      %get3A_2357 = arith.index_cast %add3A_2356 : i32 to index
      %get3A_2358 = arith.constant 32 : index
      %get3A_2359 = tpu.vector_load %arg15[%get3A_2357, %get3A_2358] {strides = array<i32>} : memref<512x64xf32, #tpu.memory_space<vmem>>, vector<1x16xf32>,
      %get3A_2360 = vector.shape_cast %get3A_2359 : vector<1x16xf32> to vector<16xf32>
      %add3A_2361 = arith.addf %add3A_2352, %get3A_2360 : vector<16xf32>
      %mul3A_2362 = arith.constant 16 : i32
      %mul3A_2363 = arith.muli %mul3A_2362, %scan3A_1995 : i32
      %add3A_2364 = arith.constant 8 : i32
      %add3A_2365 = arith.addi %mul3A_2363, %add3A_2364 : i32
      %get3A_2366 = arith.index_cast %add3A_2365 : i32 to index
      %get3A_2367 = arith.constant 32 : index
      %get3A_2368 = tpu.vector_load %arg15[%get3A_2366, %get3A_2367] {strides = array<i32>} : memref<512x64xf32, #tpu.memory_space<vmem>>, vector<1x16xf32>,
      %get3A_2369 = vector.shape_cast %get3A_2368 : vector<1x16xf32> to vector<16xf32>
      %add3A_2370 = arith.addf %add3A_2361, %get3A_2369 : vector<16xf32>
      %mul3A_2371 = arith.constant 16 : i32
      %mul3A_2372 = arith.muli %mul3A_2371, %scan3A_1995 : i32
      %add3A_2373 = arith.constant 9 : i32
      %add3A_2374 = arith.addi %mul3A_2372, %add3A_2373 : i32
      %get3A_2375 = arith.index_cast %add3A_2374 : i32 to index
      %get3A_2376 = arith.constant 32 : index
      %get3A_2377 = tpu.vector_load %arg15[%get3A_2375, %get3A_2376] {strides = array<i32>} : memref<512x64xf32, #tpu.memory_space<vmem>>, vector<1x16xf32>,
      %get3A_2378 = vector.shape_cast %get3A_2377 : vector<1x16xf32> to vector<16xf32>
      %add3A_2379 = arith.addf %add3A_2370, %get3A_2378 : vector<16xf32>
      %mul3A_2380 = arith.constant 16 : i32
      %mul3A_2381 = arith.muli %mul3A_2380, %scan3A_1995 : i32
      %add3A_2382 = arith.constant 10 : i32
      %add3A_2383 = arith.addi %mul3A_2381, %add3A_2382 : i32
      %get3A_2384 = arith.index_cast %add3A_2383 : i32 to index
      %get3A_2385 = arith.constant 32 : index
      %get3A_2386 = tpu.vector_load %arg15[%get3A_2384, %get3A_2385] {strides = array<i32>} : memref<512x64xf32, #tpu.memory_space<vmem>>, vector<1x16xf32>,
      %get3A_2387 = vector.shape_cast %get3A_2386 : vector<1x16xf32> to vector<16xf32>
      %add3A_2388 = arith.addf %add3A_2379, %get3A_2387 : vector<16xf32>
      %mul3A_2389 = arith.constant 16 : i32
      %mul3A_2390 = arith.muli %mul3A_2389, %scan3A_1995 : i32
      %add3A_2391 = arith.constant 11 : i32
      %add3A_2392 = arith.addi %mul3A_2390, %add3A_2391 : i32
      %get3A_2393 = arith.index_cast %add3A_2392 : i32 to index
      %get3A_2394 = arith.constant 32 : index
      %get3A_2395 = tpu.vector_load %arg15[%get3A_2393, %get3A_2394] {strides = array<i32>} : memref<512x64xf32, #tpu.memory_space<vmem>>, vector<1x16xf32>,
      %get3A_2396 = vector.shape_cast %get3A_2395 : vector<1x16xf32> to vector<16xf32>
      %add3A_2397 = arith.addf %add3A_2388, %get3A_2396 : vector<16xf32>
      %mul3A_2398 = arith.constant 16 : i32
      %mul3A_2399 = arith.muli %mul3A_2398, %scan3A_1995 : i32
      %add3A_2400 = arith.constant 12 : i32
      %add3A_2401 = arith.addi %mul3A_2399, %add3A_2400 : i32
      %get3A_2402 = arith.index_cast %add3A_2401 : i32 to index
      %get3A_2403 = arith.constant 32 : index
      %get3A_2404 = tpu.vector_load %arg15[%get3A_2402, %get3A_2403] {strides = array<i32>} : memref<512x64xf32, #tpu.memory_space<vmem>>, vector<1x16xf32>,
      %get3A_2405 = vector.shape_cast %get3A_2404 : vector<1x16xf32> to vector<16xf32>
      %add3A_2406 = arith.addf %add3A_2397, %get3A_2405 : vector<16xf32>
      %mul3A_2407 = arith.constant 16 : i32
      %mul3A_2408 = arith.muli %mul3A_2407, %scan3A_1995 : i32
      %add3A_2409 = arith.constant 13 : i32
      %add3A_2410 = arith.addi %mul3A_2408, %add3A_2409 : i32
      %get3A_2411 = arith.index_cast %add3A_2410 : i32 to index
      %get3A_2412 = arith.constant 32 : index
      %get3A_2413 = tpu.vector_load %arg15[%get3A_2411, %get3A_2412] {strides = array<i32>} : memref<512x64xf32, #tpu.memory_space<vmem>>, vector<1x16xf32>,
      %get3A_2414 = vector.shape_cast %get3A_2413 : vector<1x16xf32> to vector<16xf32>
      %add3A_2415 = arith.addf %add3A_2406, %get3A_2414 : vector<16xf32>
      %mul3A_2416 = arith.constant 16 : i32
      %mul3A_2417 = arith.muli %mul3A_2416, %scan3A_1995 : i32
      %add3A_2418 = arith.constant 14 : i32
      %add3A_2419 = arith.addi %mul3A_2417, %add3A_2418 : i32
      %get3A_2420 = arith.index_cast %add3A_2419 : i32 to index
      %get3A_2421 = arith.constant 32 : index
      %get3A_2422 = tpu.vector_load %arg15[%get3A_2420, %get3A_2421] {strides = array<i32>} : memref<512x64xf32, #tpu.memory_space<vmem>>, vector<1x16xf32>,
      %get3A_2423 = vector.shape_cast %get3A_2422 : vector<1x16xf32> to vector<16xf32>
      %add3A_2424 = arith.addf %add3A_2415, %get3A_2423 : vector<16xf32>
      %mul3A_2425 = arith.constant 16 : i32
      %mul3A_2426 = arith.muli %mul3A_2425, %scan3A_1995 : i32
      %add3A_2427 = arith.constant 15 : i32
      %add3A_2428 = arith.addi %mul3A_2426, %add3A_2427 : i32
      %get3A_2429 = arith.index_cast %add3A_2428 : i32 to index
      %get3A_2430 = arith.constant 32 : index
      %get3A_2431 = tpu.vector_load %arg15[%get3A_2429, %get3A_2430] {strides = array<i32>} : memref<512x64xf32, #tpu.memory_space<vmem>>, vector<1x16xf32>,
      %get3A_2432 = vector.shape_cast %get3A_2431 : vector<1x16xf32> to vector<16xf32>
      %add3A_2433 = arith.addf %add3A_2424, %get3A_2432 : vector<16xf32>
      %mul3A_2434 = arith.mulf %add3A_2433, %get3A_1998 : vector<16xf32>
      %swap3A_2435 = arith.index_cast %scan3A_1995 : i32 to index
      %swap3A_2436 = arith.constant 32 : index
      %swap3A_2437 = tpu.vector_load %arg18[%swap3A_2435, %swap3A_2436] {strides = array<i32>} : memref<32x64xf32, #tpu.memory_space<vmem>>, vector<1x16xf32>,
      %swap3A_2438 = vector.shape_cast %swap3A_2437 : vector<1x16xf32> to vector<16xf32>
      %swap3A_2439 = vector.shape_cast %mul3A_2434 : vector<16xf32> to vector<1x16xf32>
      tpu.vector_store %arg18[%swap3A_2435, %swap3A_2436], %swap3A_2439 {strides = array<i32>} : memref<32x64xf32, #tpu.memory_space<vmem>>, vector<1x16xf32>,
      %mul3A_2440 = arith.constant 16 : i32
      %mul3A_2441 = arith.muli %mul3A_2440, %scan3A_1995 : i32
      %get3A_2442 = arith.index_cast %mul3A_2441 : i32 to index
      %get3A_2443 = arith.constant 48 : index
      %get3A_2444 = tpu.vector_load %arg15[%get3A_2442, %get3A_2443] {strides = array<i32>} : memref<512x64xf32, #tpu.memory_space<vmem>>, vector<1x16xf32>,
      %get3A_2445 = vector.shape_cast %get3A_2444 : vector<1x16xf32> to vector<16xf32>
      %mul3A_2446 = arith.constant 16 : i32
      %mul3A_2447 = arith.muli %mul3A_2446, %scan3A_1995 : i32
      %add3A_2448 = arith.constant 1 : i32
      %add3A_2449 = arith.addi %mul3A_2447, %add3A_2448 : i32
      %get3A_2450 = arith.index_cast %add3A_2449 : i32 to index
      %get3A_2451 = arith.constant 48 : index
      %get3A_2452 = tpu.vector_load %arg15[%get3A_2450, %get3A_2451] {strides = array<i32>} : memref<512x64xf32, #tpu.memory_space<vmem>>, vector<1x16xf32>,
      %get3A_2453 = vector.shape_cast %get3A_2452 : vector<1x16xf32> to vector<16xf32>
      %add3A_2454 = arith.addf %get3A_2445, %get3A_2453 : vector<16xf32>
      %mul3A_2455 = arith.constant 16 : i32
      %mul3A_2456 = arith.muli %mul3A_2455, %scan3A_1995 : i32
      %add3A_2457 = arith.constant 2 : i32
      %add3A_2458 = arith.addi %mul3A_2456, %add3A_2457 : i32
      %get3A_2459 = arith.index_cast %add3A_2458 : i32 to index
      %get3A_2460 = arith.constant 48 : index
      %get3A_2461 = tpu.vector_load %arg15[%get3A_2459, %get3A_2460] {strides = array<i32>} : memref<512x64xf32, #tpu.memory_space<vmem>>, vector<1x16xf32>,
      %get3A_2462 = vector.shape_cast %get3A_2461 : vector<1x16xf32> to vector<16xf32>
      %add3A_2463 = arith.addf %add3A_2454, %get3A_2462 : vector<16xf32>
      %mul3A_2464 = arith.constant 16 : i32
      %mul3A_2465 = arith.muli %mul3A_2464, %scan3A_1995 : i32
      %add3A_2466 = arith.constant 3 : i32
      %add3A_2467 = arith.addi %mul3A_2465, %add3A_2466 : i32
      %get3A_2468 = arith.index_cast %add3A_2467 : i32 to index
      %get3A_2469 = arith.constant 48 : index
      %get3A_2470 = tpu.vector_load %arg15[%get3A_2468, %get3A_2469] {strides = array<i32>} : memref<512x64xf32, #tpu.memory_space<vmem>>, vector<1x16xf32>,
      %get3A_2471 = vector.shape_cast %get3A_2470 : vector<1x16xf32> to vector<16xf32>
      %add3A_2472 = arith.addf %add3A_2463, %get3A_2471 : vector<16xf32>
      %mul3A_2473 = arith.constant 16 : i32
      %mul3A_2474 = arith.muli %mul3A_2473, %scan3A_1995 : i32
      %add3A_2475 = arith.constant 4 : i32
      %add3A_2476 = arith.addi %mul3A_2474, %add3A_2475 : i32
      %get3A_2477 = arith.index_cast %add3A_2476 : i32 to index
      %get3A_2478 = arith.constant 48 : index
      %get3A_2479 = tpu.vector_load %arg15[%get3A_2477, %get3A_2478] {strides = array<i32>} : memref<512x64xf32, #tpu.memory_space<vmem>>, vector<1x16xf32>,
      %get3A_2480 = vector.shape_cast %get3A_2479 : vector<1x16xf32> to vector<16xf32>
      %add3A_2481 = arith.addf %add3A_2472, %get3A_2480 : vector<16xf32>
      %mul3A_2482 = arith.constant 16 : i32
      %mul3A_2483 = arith.muli %mul3A_2482, %scan3A_1995 : i32
      %add3A_2484 = arith.constant 5 : i32
      %add3A_2485 = arith.addi %mul3A_2483, %add3A_2484 : i32
      %get3A_2486 = arith.index_cast %add3A_2485 : i32 to index
      %get3A_2487 = arith.constant 48 : index
      %get3A_2488 = tpu.vector_load %arg15[%get3A_2486, %get3A_2487] {strides = array<i32>} : memref<512x64xf32, #tpu.memory_space<vmem>>, vector<1x16xf32>,
      %get3A_2489 = vector.shape_cast %get3A_2488 : vector<1x16xf32> to vector<16xf32>
      %add3A_2490 = arith.addf %add3A_2481, %get3A_2489 : vector<16xf32>
      %mul3A_2491 = arith.constant 16 : i32
      %mul3A_2492 = arith.muli %mul3A_2491, %scan3A_1995 : i32
      %add3A_2493 = arith.constant 6 : i32
      %add3A_2494 = arith.addi %mul3A_2492, %add3A_2493 : i32
      %get3A_2495 = arith.index_cast %add3A_2494 : i32 to index
      %get3A_2496 = arith.constant 48 : index
      %get3A_2497 = tpu.vector_load %arg15[%get3A_2495, %get3A_2496] {strides = array<i32>} : memref<512x64xf32, #tpu.memory_space<vmem>>, vector<1x16xf32>,
      %get3A_2498 = vector.shape_cast %get3A_2497 : vector<1x16xf32> to vector<16xf32>
      %add3A_2499 = arith.addf %add3A_2490, %get3A_2498 : vector<16xf32>
      %mul3A_2500 = arith.constant 16 : i32
      %mul3A_2501 = arith.muli %mul3A_2500, %scan3A_1995 : i32
      %add3A_2502 = arith.constant 7 : i32
      %add3A_2503 = arith.addi %mul3A_2501, %add3A_2502 : i32
      %get3A_2504 = arith.index_cast %add3A_2503 : i32 to index
      %get3A_2505 = arith.constant 48 : index
      %get3A_2506 = tpu.vector_load %arg15[%get3A_2504, %get3A_2505] {strides = array<i32>} : memref<512x64xf32, #tpu.memory_space<vmem>>, vector<1x16xf32>,
      %get3A_2507 = vector.shape_cast %get3A_2506 : vector<1x16xf32> to vector<16xf32>
      %add3A_2508 = arith.addf %add3A_2499, %get3A_2507 : vector<16xf32>
      %mul3A_2509 = arith.constant 16 : i32
      %mul3A_2510 = arith.muli %mul3A_2509, %scan3A_1995 : i32
      %add3A_2511 = arith.constant 8 : i32
      %add3A_2512 = arith.addi %mul3A_2510, %add3A_2511 : i32
      %get3A_2513 = arith.index_cast %add3A_2512 : i32 to index
      %get3A_2514 = arith.constant 48 : index
      %get3A_2515 = tpu.vector_load %arg15[%get3A_2513, %get3A_2514] {strides = array<i32>} : memref<512x64xf32, #tpu.memory_space<vmem>>, vector<1x16xf32>,
      %get3A_2516 = vector.shape_cast %get3A_2515 : vector<1x16xf32> to vector<16xf32>
      %add3A_2517 = arith.addf %add3A_2508, %get3A_2516 : vector<16xf32>
      %mul3A_2518 = arith.constant 16 : i32
      %mul3A_2519 = arith.muli %mul3A_2518, %scan3A_1995 : i32
      %add3A_2520 = arith.constant 9 : i32
      %add3A_2521 = arith.addi %mul3A_2519, %add3A_2520 : i32
      %get3A_2522 = arith.index_cast %add3A_2521 : i32 to index
      %get3A_2523 = arith.constant 48 : index
      %get3A_2524 = tpu.vector_load %arg15[%get3A_2522, %get3A_2523] {strides = array<i32>} : memref<512x64xf32, #tpu.memory_space<vmem>>, vector<1x16xf32>,
      %get3A_2525 = vector.shape_cast %get3A_2524 : vector<1x16xf32> to vector<16xf32>
      %add3A_2526 = arith.addf %add3A_2517, %get3A_2525 : vector<16xf32>
      %mul3A_2527 = arith.constant 16 : i32
      %mul3A_2528 = arith.muli %mul3A_2527, %scan3A_1995 : i32
      %add3A_2529 = arith.constant 10 : i32
      %add3A_2530 = arith.addi %mul3A_2528, %add3A_2529 : i32
      %get3A_2531 = arith.index_cast %add3A_2530 : i32 to index
      %get3A_2532 = arith.constant 48 : index
      %get3A_2533 = tpu.vector_load %arg15[%get3A_2531, %get3A_2532] {strides = array<i32>} : memref<512x64xf32, #tpu.memory_space<vmem>>, vector<1x16xf32>,
      %get3A_2534 = vector.shape_cast %get3A_2533 : vector<1x16xf32> to vector<16xf32>
      %add3A_2535 = arith.addf %add3A_2526, %get3A_2534 : vector<16xf32>
      %mul3A_2536 = arith.constant 16 : i32
      %mul3A_2537 = arith.muli %mul3A_2536, %scan3A_1995 : i32
      %add3A_2538 = arith.constant 11 : i32
      %add3A_2539 = arith.addi %mul3A_2537, %add3A_2538 : i32
      %get3A_2540 = arith.index_cast %add3A_2539 : i32 to index
      %get3A_2541 = arith.constant 48 : index
      %get3A_2542 = tpu.vector_load %arg15[%get3A_2540, %get3A_2541] {strides = array<i32>} : memref<512x64xf32, #tpu.memory_space<vmem>>, vector<1x16xf32>,
      %get3A_2543 = vector.shape_cast %get3A_2542 : vector<1x16xf32> to vector<16xf32>
      %add3A_2544 = arith.addf %add3A_2535, %get3A_2543 : vector<16xf32>
      %mul3A_2545 = arith.constant 16 : i32
      %mul3A_2546 = arith.muli %mul3A_2545, %scan3A_1995 : i32
      %add3A_2547 = arith.constant 12 : i32
      %add3A_2548 = arith.addi %mul3A_2546, %add3A_2547 : i32
      %get3A_2549 = arith.index_cast %add3A_2548 : i32 to index
      %get3A_2550 = arith.constant 48 : index
      %get3A_2551 = tpu.vector_load %arg15[%get3A_2549, %get3A_2550] {strides = array<i32>} : memref<512x64xf32, #tpu.memory_space<vmem>>, vector<1x16xf32>,
      %get3A_2552 = vector.shape_cast %get3A_2551 : vector<1x16xf32> to vector<16xf32>
      %add3A_2553 = arith.addf %add3A_2544, %get3A_2552 : vector<16xf32>
      %mul3A_2554 = arith.constant 16 : i32
      %mul3A_2555 = arith.muli %mul3A_2554, %scan3A_1995 : i32
      %add3A_2556 = arith.constant 13 : i32
      %add3A_2557 = arith.addi %mul3A_2555, %add3A_2556 : i32
      %get3A_2558 = arith.index_cast %add3A_2557 : i32 to index
      %get3A_2559 = arith.constant 48 : index
      %get3A_2560 = tpu.vector_load %arg15[%get3A_2558, %get3A_2559] {strides = array<i32>} : memref<512x64xf32, #tpu.memory_space<vmem>>, vector<1x16xf32>,
      %get3A_2561 = vector.shape_cast %get3A_2560 : vector<1x16xf32> to vector<16xf32>
      %add3A_2562 = arith.addf %add3A_2553, %get3A_2561 : vector<16xf32>
      %mul3A_2563 = arith.constant 16 : i32
      %mul3A_2564 = arith.muli %mul3A_2563, %scan3A_1995 : i32
      %add3A_2565 = arith.constant 14 : i32
      %add3A_2566 = arith.addi %mul3A_2564, %add3A_2565 : i32
      %get3A_2567 = arith.index_cast %add3A_2566 : i32 to index
      %get3A_2568 = arith.constant 48 : index
      %get3A_2569 = tpu.vector_load %arg15[%get3A_2567, %get3A_2568] {strides = array<i32>} : memref<512x64xf32, #tpu.memory_space<vmem>>, vector<1x16xf32>,
      %get3A_2570 = vector.shape_cast %get3A_2569 : vector<1x16xf32> to vector<16xf32>
      %add3A_2571 = arith.addf %add3A_2562, %get3A_2570 : vector<16xf32>
      %mul3A_2572 = arith.constant 16 : i32
      %mul3A_2573 = arith.muli %mul3A_2572, %scan3A_1995 : i32
      %add3A_2574 = arith.constant 15 : i32
      %add3A_2575 = arith.addi %mul3A_2573, %add3A_2574 : i32
      %get3A_2576 = arith.index_cast %add3A_2575 : i32 to index
      %get3A_2577 = arith.constant 48 : index
      %get3A_2578 = tpu.vector_load %arg15[%get3A_2576, %get3A_2577] {strides = array<i32>} : memref<512x64xf32, #tpu.memory_space<vmem>>, vector<1x16xf32>,
      %get3A_2579 = vector.shape_cast %get3A_2578 : vector<1x16xf32> to vector<16xf32>
      %add3A_2580 = arith.addf %add3A_2571, %get3A_2579 : vector<16xf32>
      %mul3A_2581 = arith.mulf %add3A_2580, %get3A_1998 : vector<16xf32>
      %swap3A_2582 = arith.index_cast %scan3A_1995 : i32 to index
      %swap3A_2583 = arith.constant 48 : index
      %swap3A_2584 = tpu.vector_load %arg18[%swap3A_2582, %swap3A_2583] {strides = array<i32>} : memref<32x64xf32, #tpu.memory_space<vmem>>, vector<1x16xf32>,
      %swap3A_2585 = vector.shape_cast %swap3A_2584 : vector<1x16xf32> to vector<16xf32>
      %swap3A_2586 = vector.shape_cast %mul3A_2581 : vector<16xf32> to vector<1x16xf32>
      tpu.vector_store %arg18[%swap3A_2582, %swap3A_2583], %swap3A_2586 {strides = array<i32>} : memref<32x64xf32, #tpu.memory_space<vmem>>, vector<1x16xf32>,
    }
    %scan3A_1836 = arith.constant 32 : i32
    "tpu.region"() ({
      %run_scoped3A = tpu.sem_alloc : memref<!tpu.dma_semaphore, #tpu.memory_space<semaphore_mem>>
      %dma_start3A = tpu.memref_slice %arg5[%mul3A_3, %add3A_1650] : memref<512x256xf32, #tpu.memory_space<hbm>> -> memref<32x64xf32, #tpu.memory_space<hbm>>
      %dma_start3A_1995 = tpu.memref_slice %arg5[%mul3A_3, %add3A_1650] : memref<512x256xf32, #tpu.memory_space<hbm>> -> memref<32x64xf32, #tpu.memory_space<hbm>>
      tpu.enqueue_dma source(%arg18 : memref<32x64xf32, #tpu.memory_space<vmem>>) target(%dma_start3A_1995 : memref<32x64xf32, #tpu.memory_space<hbm>>) target_semaphore(%run_scoped3A : memref<!tpu.dma_semaphore, #tpu.memory_space<semaphore_mem>>)
      %dma_wait3A = tpu.memref_slice %arg5[%mul3A_3, %add3A_1650] : memref<512x256xf32, #tpu.memory_space<hbm>> -> memref<32x64xf32, #tpu.memory_space<hbm>>
      %dma_wait3A_1996 = tpu.memref_slice %arg5[%mul3A_3, %add3A_1650] : memref<512x256xf32, #tpu.memory_space<hbm>> -> memref<32x64xf32, #tpu.memory_space<hbm>>
      tpu.wait_dma2 semaphore(%run_scoped3A : memref<!tpu.dma_semaphore, #tpu.memory_space<semaphore_mem>>) src(%arg18 : memref<32x64xf32, #tpu.memory_space<vmem>>) dst(%dma_wait3A_1996 : memref<32x64xf32, #tpu.memory_space<hbm>>)
      tpu.yield
    }) : () -> ()
    %mul3A_1837 = arith.constant 128 : i32
    %mul3A_1838 = arith.muli %mul3A_1837, %arg0 : i32
    %add3A_1839 = arith.constant 64 : i32
    %add3A_1840 = arith.addi %mul3A_1838, %add3A_1839 : i32
    %mul3A_1841 = arith.constant 512 : i32
    %mul3A_1842 = arith.muli %mul3A_1841, %arg1 : i32
    %add3A_1843 = arith.constant 0 : i32
    %add3A_1844 = arith.addi %mul3A_1842, %add3A_1843 : i32
    "tpu.region"() ({
      %run_scoped3A = tpu.sem_alloc : memref<!tpu.dma_semaphore, #tpu.memory_space<semaphore_mem>>
      %dma_start3A = arith.constant 0 : i32
      %dma_start3A_1995 = tpu.memref_slice %arg6[%add3A_1844, %dma_start3A] : memref<8192x64xf32, #tpu.memory_space<vmem_shared>> -> memref<128x64xf32, #tpu.memory_space<vmem_shared>>
      %dma_start3A_1996 = arith.constant 0 : i32
      %dma_start3A_1997 = tpu.memref_slice %arg6[%add3A_1844, %dma_start3A_1996] : memref<8192x64xf32, #tpu.memory_space<vmem_shared>> -> memref<128x64xf32, #tpu.memory_space<vmem_shared>>
      tpu.enqueue_dma source(%arg12 : memref<128x64xf32, #tpu.memory_space<vmem>>) target(%dma_start3A_1997 : memref<128x64xf32, #tpu.memory_space<vmem_shared>>) target_semaphore(%run_scoped3A : memref<!tpu.dma_semaphore, #tpu.memory_space<semaphore_mem>>)
      %dma_wait3A = arith.constant 0 : i32
      %dma_wait3A_1998 = tpu.memref_slice %arg6[%add3A_1844, %dma_wait3A] : memref<8192x64xf32, #tpu.memory_space<vmem_shared>> -> memref<128x64xf32, #tpu.memory_space<vmem_shared>>
      %dma_wait3A_1999 = arith.constant 0 : i32
      %dma_wait3A_2000 = tpu.memref_slice %arg6[%add3A_1844, %dma_wait3A_1999] : memref<8192x64xf32, #tpu.memory_space<vmem_shared>> -> memref<128x64xf32, #tpu.memory_space<vmem_shared>>
      tpu.wait_dma2 semaphore(%run_scoped3A : memref<!tpu.dma_semaphore, #tpu.memory_space<semaphore_mem>>) src(%arg12 : memref<128x64xf32, #tpu.memory_space<vmem>>) dst(%dma_wait3A_2000 : memref<128x64xf32, #tpu.memory_space<vmem_shared>>)
      tpu.yield
    }) : () -> ()
    %mul3A_1845 = arith.constant 512 : i32
    %mul3A_1846 = arith.muli %mul3A_1845, %arg1 : i32
    %add3A_1847 = arith.constant 128 : i32
    %add3A_1848 = arith.addi %mul3A_1846, %add3A_1847 : i32
    "tpu.region"() ({
      %run_scoped3A = tpu.sem_alloc : memref<!tpu.dma_semaphore, #tpu.memory_space<semaphore_mem>>
      %dma_start3A = arith.constant 0 : i32
      %dma_start3A_1995 = tpu.memref_slice %arg6[%add3A_1848, %dma_start3A] : memref<8192x64xf32, #tpu.memory_space<vmem_shared>> -> memref<128x64xf32, #tpu.memory_space<vmem_shared>>
      %dma_start3A_1996 = arith.constant 0 : i32
      %dma_start3A_1997 = tpu.memref_slice %arg6[%add3A_1848, %dma_start3A_1996] : memref<8192x64xf32, #tpu.memory_space<vmem_shared>> -> memref<128x64xf32, #tpu.memory_space<vmem_shared>>
      tpu.enqueue_dma source(%arg12 : memref<128x64xf32, #tpu.memory_space<vmem>>) target(%dma_start3A_1997 : memref<128x64xf32, #tpu.memory_space<vmem_shared>>) target_semaphore(%run_scoped3A : memref<!tpu.dma_semaphore, #tpu.memory_space<semaphore_mem>>)
      %dma_wait3A = arith.constant 0 : i32
      %dma_wait3A_1998 = tpu.memref_slice %arg6[%add3A_1848, %dma_wait3A] : memref<8192x64xf32, #tpu.memory_space<vmem_shared>> -> memref<128x64xf32, #tpu.memory_space<vmem_shared>>
      %dma_wait3A_1999 = arith.constant 0 : i32
      %dma_wait3A_2000 = tpu.memref_slice %arg6[%add3A_1848, %dma_wait3A_1999] : memref<8192x64xf32, #tpu.memory_space<vmem_shared>> -> memref<128x64xf32, #tpu.memory_space<vmem_shared>>
      tpu.wait_dma2 semaphore(%run_scoped3A : memref<!tpu.dma_semaphore, #tpu.memory_space<semaphore_mem>>) src(%arg12 : memref<128x64xf32, #tpu.memory_space<vmem>>) dst(%dma_wait3A_2000 : memref<128x64xf32, #tpu.memory_space<vmem_shared>>)
      tpu.yield
    }) : () -> ()
    %mul3A_1849 = arith.constant 512 : i32
    %mul3A_1850 = arith.muli %mul3A_1849, %arg1 : i32
    %add3A_1851 = arith.constant 256 : i32
    %add3A_1852 = arith.addi %mul3A_1850, %add3A_1851 : i32
    "tpu.region"() ({
      %run_scoped3A = tpu.sem_alloc : memref<!tpu.dma_semaphore, #tpu.memory_space<semaphore_mem>>
      %dma_start3A = arith.constant 0 : i32
      %dma_start3A_1995 = tpu.memref_slice %arg6[%add3A_1852, %dma_start3A] : memref<8192x64xf32, #tpu.memory_space<vmem_shared>> -> memref<128x64xf32, #tpu.memory_space<vmem_shared>>
      %dma_start3A_1996 = arith.constant 0 : i32
      %dma_start3A_1997 = tpu.memref_slice %arg6[%add3A_1852, %dma_start3A_1996] : memref<8192x64xf32, #tpu.memory_space<vmem_shared>> -> memref<128x64xf32, #tpu.memory_space<vmem_shared>>
      tpu.enqueue_dma source(%arg12 : memref<128x64xf32, #tpu.memory_space<vmem>>) target(%dma_start3A_1997 : memref<128x64xf32, #tpu.memory_space<vmem_shared>>) target_semaphore(%run_scoped3A : memref<!tpu.dma_semaphore, #tpu.memory_space<semaphore_mem>>)
      %dma_wait3A = arith.constant 0 : i32
      %dma_wait3A_1998 = tpu.memref_slice %arg6[%add3A_1852, %dma_wait3A] : memref<8192x64xf32, #tpu.memory_space<vmem_shared>> -> memref<128x64xf32, #tpu.memory_space<vmem_shared>>
      %dma_wait3A_1999 = arith.constant 0 : i32
      %dma_wait3A_2000 = tpu.memref_slice %arg6[%add3A_1852, %dma_wait3A_1999] : memref<8192x64xf32, #tpu.memory_space<vmem_shared>> -> memref<128x64xf32, #tpu.memory_space<vmem_shared>>
      tpu.wait_dma2 semaphore(%run_scoped3A : memref<!tpu.dma_semaphore, #tpu.memory_space<semaphore_mem>>) src(%arg12 : memref<128x64xf32, #tpu.memory_space<vmem>>) dst(%dma_wait3A_2000 : memref<128x64xf32, #tpu.memory_space<vmem_shared>>)
      tpu.yield
    }) : () -> ()
    %mul3A_1853 = arith.constant 512 : i32
    %mul3A_1854 = arith.muli %mul3A_1853, %arg1 : i32
    %add3A_1855 = arith.constant 384 : i32
    %add3A_1856 = arith.addi %mul3A_1854, %add3A_1855 : i32
    "tpu.region"() ({
      %run_scoped3A = tpu.sem_alloc : memref<!tpu.dma_semaphore, #tpu.memory_space<semaphore_mem>>
      %dma_start3A = arith.constant 0 : i32
      %dma_start3A_1995 = tpu.memref_slice %arg6[%add3A_1856, %dma_start3A] : memref<8192x64xf32, #tpu.memory_space<vmem_shared>> -> memref<128x64xf32, #tpu.memory_space<vmem_shared>>
      %dma_start3A_1996 = arith.constant 0 : i32
      %dma_start3A_1997 = tpu.memref_slice %arg6[%add3A_1856, %dma_start3A_1996] : memref<8192x64xf32, #tpu.memory_space<vmem_shared>> -> memref<128x64xf32, #tpu.memory_space<vmem_shared>>
      tpu.enqueue_dma source(%arg12 : memref<128x64xf32, #tpu.memory_space<vmem>>) target(%dma_start3A_1997 : memref<128x64xf32, #tpu.memory_space<vmem_shared>>) target_semaphore(%run_scoped3A : memref<!tpu.dma_semaphore, #tpu.memory_space<semaphore_mem>>)
      %dma_wait3A = arith.constant 0 : i32
      %dma_wait3A_1998 = tpu.memref_slice %arg6[%add3A_1856, %dma_wait3A] : memref<8192x64xf32, #tpu.memory_space<vmem_shared>> -> memref<128x64xf32, #tpu.memory_space<vmem_shared>>
      %dma_wait3A_1999 = arith.constant 0 : i32
      %dma_wait3A_2000 = tpu.memref_slice %arg6[%add3A_1856, %dma_wait3A_1999] : memref<8192x64xf32, #tpu.memory_space<vmem_shared>> -> memref<128x64xf32, #tpu.memory_space<vmem_shared>>
      tpu.wait_dma2 semaphore(%run_scoped3A : memref<!tpu.dma_semaphore, #tpu.memory_space<semaphore_mem>>) src(%arg12 : memref<128x64xf32, #tpu.memory_space<vmem>>) dst(%dma_wait3A_2000 : memref<128x64xf32, #tpu.memory_space<vmem_shared>>)
      tpu.yield
    }) : () -> ()
    %barrier3A_1857 = arith.constant 0 : index
    tpu.barrier barrier_id(%barrier3A_1857)
    %add3A_1858 = arith.constant 0 : i32
    %add3A_1859 = arith.addi %arg1, %add3A_1858 : i32
    %lt3A_1860 = arith.constant 390 : i32
    %lt3A_1861 = arith.cmpi slt, %add3A_1859, %lt3A_1860 : i32
    %convert_element_type3A_1862 = arith.extui %lt3A_1861 : i1 to i32
    %cond3A_1863 = arith.constant 0 : i32
    %cond3A_1864 = arith.cmpi ne, %convert_element_type3A_1862, %cond3A_1863 : i32
    scf.if %cond3A_1864 {
      %add3A_1995 = arith.constant 0 : i32
      %add3A_1996 = arith.addi %arg1, %add3A_1995 : i32
      %mul3A_1997 = arith.constant 128 : i32
      %mul3A_1998 = arith.muli %add3A_1996, %mul3A_1997 : i32
      %dma_start3A = tpu.memref_slice %arg2[%mul3A_1998, %add3A_1840] : memref<50000x256xf32, #tpu.memory_space<hbm>> -> memref<128x64xf32, #tpu.memory_space<hbm>>
      %dma_start3A_1999 = tpu.memref_slice %arg2[%mul3A_1998, %add3A_1840] : memref<50000x256xf32, #tpu.memory_space<hbm>> -> memref<128x64xf32, #tpu.memory_space<hbm>>
      tpu.enqueue_dma source(%dma_start3A_1999 : memref<128x64xf32, #tpu.memory_space<hbm>>) target(%arg10 : memref<128x64xf32, #tpu.memory_space<vmem>>) target_semaphore(%arg23 : memref<!tpu.dma_semaphore, #tpu.memory_space<semaphore_mem>>)
    } else {
    }
    %add3A_1865 = arith.constant 16 : i32
    %add3A_1866 = arith.addi %arg1, %add3A_1865 : i32
    %lt3A_1867 = arith.constant 390 : i32
    %lt3A_1868 = arith.cmpi slt, %add3A_1866, %lt3A_1867 : i32
    %convert_element_type3A_1869 = arith.extui %lt3A_1868 : i1 to i32
    %cond3A_1870 = arith.constant 0 : i32
    %cond3A_1871 = arith.cmpi ne, %convert_element_type3A_1869, %cond3A_1870 : i32
    scf.if %cond3A_1871 {
      %add3A_1995 = arith.constant 16 : i32
      %add3A_1996 = arith.addi %arg1, %add3A_1995 : i32
      %mul3A_1997 = arith.constant 128 : i32
      %mul3A_1998 = arith.muli %add3A_1996, %mul3A_1997 : i32
      %dma_start3A = tpu.memref_slice %arg2[%mul3A_1998, %add3A_1840] : memref<50000x256xf32, #tpu.memory_space<hbm>> -> memref<128x64xf32, #tpu.memory_space<hbm>>
      %dma_start3A_1999 = tpu.memref_slice %arg2[%mul3A_1998, %add3A_1840] : memref<50000x256xf32, #tpu.memory_space<hbm>> -> memref<128x64xf32, #tpu.memory_space<hbm>>
      tpu.enqueue_dma source(%dma_start3A_1999 : memref<128x64xf32, #tpu.memory_space<hbm>>) target(%arg11 : memref<128x64xf32, #tpu.memory_space<vmem>>) target_semaphore(%arg24 : memref<!tpu.dma_semaphore, #tpu.memory_space<semaphore_mem>>)
    } else {
    }
    %scan3A_1872 = arith.constant 0 : i32
    %scan3A_1873 = arith.constant 0 : i32
    %scan3A_1874 = arith.constant 13 : i32
    %scan3A_1875 = arith.addi %scan3A_1873, %scan3A_1874 : i32
    %scan3A_1876 = arith.constant 1 : i32
    scf.for %scan3A_1995 = %scan3A_1873 to %scan3A_1875 step %scan3A_1876  : i32 {
      %mul3A_1996 = arith.constant 2 : i32
      %mul3A_1997 = arith.muli %mul3A_1996, %scan3A_1995 : i32
      %add3A_1998 = arith.constant 0 : i32
      %add3A_1999 = arith.addi %mul3A_1997, %add3A_1998 : i32
      %mul3A_2000 = arith.constant 16 : i32
      %mul3A_2001 = arith.muli %mul3A_2000, %add3A_1999 : i32
      %add3A_2002 = arith.addi %arg1, %mul3A_2001 : i32
      %lt3A_2003 = arith.constant 390 : i32
      %lt3A_2004 = arith.cmpi slt, %add3A_2002, %lt3A_2003 : i32
      %convert_element_type3A_2005 = arith.extui %lt3A_2004 : i1 to i32
      %cond3A_2006 = arith.constant 0 : i32
      %cond3A_2007 = arith.cmpi ne, %convert_element_type3A_2005, %cond3A_2006 : i32
      scf.if %cond3A_2007 {
        %dma_wait3A = arith.constant 0 : i32
        %dma_wait3A_2040 = tpu.memref_slice %arg2[%dma_wait3A, %add3A_1840] : memref<50000x256xf32, #tpu.memory_space<hbm>> -> memref<128x64xf32, #tpu.memory_space<hbm>>
        %dma_wait3A_2041 = arith.constant 0 : i32
        %dma_wait3A_2042 = tpu.memref_slice %arg2[%dma_wait3A_2041, %add3A_1840] : memref<50000x256xf32, #tpu.memory_space<hbm>> -> memref<128x64xf32, #tpu.memory_space<hbm>>
        tpu.wait_dma2 semaphore(%arg23 : memref<!tpu.dma_semaphore, #tpu.memory_space<semaphore_mem>>) src(%dma_wait3A_2042 : memref<128x64xf32, #tpu.memory_space<hbm>>) dst(%arg10 : memref<128x64xf32, #tpu.memory_space<vmem>>)
        %dma_start3A = arith.constant 0 : i32
        %dma_start3A_2043 = tpu.memref_slice %arg9[%add3A_1999, %dma_start3A] : memref<25x128xi32, #tpu.memory_space<vmem>> -> memref<1x128xi32, #tpu.memory_space<vmem>>
        %dma_start3A_2044 = tpu.memref_squeeze %dma_start3A_2043 : memref<1x128xi32, #tpu.memory_space<vmem>> -> memref<128xi32, #tpu.memory_space<vmem>>
        %dma_start3A_2045 = arith.constant 0 : i32
        %dma_start3A_2046 = arith.constant 0 : i32
        %dma_start3A_2047 = tpu.memref_slice %arg6[%dma_start3A_2045, %dma_start3A_2046] : memref<8192x64xf32, #tpu.memory_space<vmem_shared>> -> memref<8192x64xf32, #tpu.memory_space<vmem_shared>>
        tpu.enqueue_indirect_dma source(%arg10 : memref<128x64xf32, #tpu.memory_space<vmem>>) target(%dma_start3A_2047 : memref<8192x64xf32, #tpu.memory_space<vmem_shared>>) offsets(%dma_start3A_2044 : memref<128xi32, #tpu.memory_space<vmem>>) semaphore(%arg25 : memref<!tpu.dma_semaphore, #tpu.memory_space<semaphore_mem>>) {add = true}
      } else {
      }
      %add3A_2008 = arith.constant 2 : i32
      %add3A_2009 = arith.addi %add3A_1999, %add3A_2008 : i32
      %mul3A_2010 = arith.constant 16 : i32
      %mul3A_2011 = arith.muli %mul3A_2010, %add3A_2009 : i32
      %add3A_2012 = arith.addi %arg1, %mul3A_2011 : i32
      %lt3A_2013 = arith.constant 390 : i32
      %lt3A_2014 = arith.cmpi slt, %add3A_2012, %lt3A_2013 : i32
      %convert_element_type3A_2015 = arith.extui %lt3A_2014 : i1 to i32
      %cond3A_2016 = arith.constant 0 : i32
      %cond3A_2017 = arith.cmpi ne, %convert_element_type3A_2015, %cond3A_2016 : i32
      scf.if %cond3A_2017 {
        %dma_wait3A = arith.constant 0 : i32
        %dma_wait3A_2040 = tpu.memref_slice %arg9[%add3A_1999, %dma_wait3A] : memref<25x128xi32, #tpu.memory_space<vmem>> -> memref<1x128xi32, #tpu.memory_space<vmem>>
        %dma_wait3A_2041 = tpu.memref_squeeze %dma_wait3A_2040 : memref<1x128xi32, #tpu.memory_space<vmem>> -> memref<128xi32, #tpu.memory_space<vmem>>
        %dma_wait3A_2042 = arith.constant 0 : i32
        %dma_wait3A_2043 = arith.constant 0 : i32
        %dma_wait3A_2044 = tpu.memref_slice %arg6[%dma_wait3A_2042, %dma_wait3A_2043] : memref<8192x64xf32, #tpu.memory_space<vmem_shared>> -> memref<8192x64xf32, #tpu.memory_space<vmem_shared>>
        tpu.wait_indirect_dma semaphore(%arg25 : memref<!tpu.dma_semaphore, #tpu.memory_space<semaphore_mem>>) src(%arg10 : memref<128x64xf32, #tpu.memory_space<vmem>>) dst(%dma_wait3A_2044 : memref<8192x64xf32, #tpu.memory_space<vmem_shared>>)
        %add3A_2045 = arith.constant 2 : i32
        %add3A_2046 = arith.addi %add3A_1999, %add3A_2045 : i32
        %mul3A_2047 = arith.constant 16 : i32
        %mul3A_2048 = arith.muli %mul3A_2047, %add3A_2046 : i32
        %add3A_2049 = arith.addi %arg1, %mul3A_2048 : i32
        %lt3A_2050 = arith.constant 390 : i32
        %lt3A_2051 = arith.cmpi slt, %add3A_2049, %lt3A_2050 : i32
        %convert_element_type3A_2052 = arith.extui %lt3A_2051 : i1 to i32
        %cond3A_2053 = arith.constant 0 : i32
        %cond3A_2054 = arith.cmpi ne, %convert_element_type3A_2052, %cond3A_2053 : i32
        scf.if %cond3A_2054 {
          %mul3A_2055 = arith.constant 16 : i32
          %mul3A_2056 = arith.muli %mul3A_2055, %add3A_2046 : i32
          %add3A_2057 = arith.addi %arg1, %mul3A_2056 : i32
          %mul3A_2058 = arith.constant 128 : i32
          %mul3A_2059 = arith.muli %add3A_2057, %mul3A_2058 : i32
          %dma_start3A = tpu.memref_slice %arg2[%mul3A_2059, %add3A_1840] : memref<50000x256xf32, #tpu.memory_space<hbm>> -> memref<128x64xf32, #tpu.memory_space<hbm>>
          %dma_start3A_2060 = tpu.memref_slice %arg2[%mul3A_2059, %add3A_1840] : memref<50000x256xf32, #tpu.memory_space<hbm>> -> memref<128x64xf32, #tpu.memory_space<hbm>>
          tpu.enqueue_dma source(%dma_start3A_2060 : memref<128x64xf32, #tpu.memory_space<hbm>>) target(%arg10 : memref<128x64xf32, #tpu.memory_space<vmem>>) target_semaphore(%arg23 : memref<!tpu.dma_semaphore, #tpu.memory_space<semaphore_mem>>)
        } else {
        }
      } else {
      }
      %mul3A_2018 = arith.constant 2 : i32
      %mul3A_2019 = arith.muli %mul3A_2018, %scan3A_1995 : i32
      %add3A_2020 = arith.constant 1 : i32
      %add3A_2021 = arith.addi %mul3A_2019, %add3A_2020 : i32
      %mul3A_2022 = arith.constant 16 : i32
      %mul3A_2023 = arith.muli %mul3A_2022, %add3A_2021 : i32
      %add3A_2024 = arith.addi %arg1, %mul3A_2023 : i32
      %lt3A_2025 = arith.constant 390 : i32
      %lt3A_2026 = arith.cmpi slt, %add3A_2024, %lt3A_2025 : i32
      %convert_element_type3A_2027 = arith.extui %lt3A_2026 : i1 to i32
      %cond3A_2028 = arith.constant 0 : i32
      %cond3A_2029 = arith.cmpi ne, %convert_element_type3A_2027, %cond3A_2028 : i32
      scf.if %cond3A_2029 {
        %dma_wait3A = arith.constant 0 : i32
        %dma_wait3A_2040 = tpu.memref_slice %arg2[%dma_wait3A, %add3A_1840] : memref<50000x256xf32, #tpu.memory_space<hbm>> -> memref<128x64xf32, #tpu.memory_space<hbm>>
        %dma_wait3A_2041 = arith.constant 0 : i32
        %dma_wait3A_2042 = tpu.memref_slice %arg2[%dma_wait3A_2041, %add3A_1840] : memref<50000x256xf32, #tpu.memory_space<hbm>> -> memref<128x64xf32, #tpu.memory_space<hbm>>
        tpu.wait_dma2 semaphore(%arg24 : memref<!tpu.dma_semaphore, #tpu.memory_space<semaphore_mem>>) src(%dma_wait3A_2042 : memref<128x64xf32, #tpu.memory_space<hbm>>) dst(%arg11 : memref<128x64xf32, #tpu.memory_space<vmem>>)
        %dma_start3A = arith.constant 0 : i32
        %dma_start3A_2043 = tpu.memref_slice %arg9[%add3A_2021, %dma_start3A] : memref<25x128xi32, #tpu.memory_space<vmem>> -> memref<1x128xi32, #tpu.memory_space<vmem>>
        %dma_start3A_2044 = tpu.memref_squeeze %dma_start3A_2043 : memref<1x128xi32, #tpu.memory_space<vmem>> -> memref<128xi32, #tpu.memory_space<vmem>>
        %dma_start3A_2045 = arith.constant 0 : i32
        %dma_start3A_2046 = arith.constant 0 : i32
        %dma_start3A_2047 = tpu.memref_slice %arg6[%dma_start3A_2045, %dma_start3A_2046] : memref<8192x64xf32, #tpu.memory_space<vmem_shared>> -> memref<8192x64xf32, #tpu.memory_space<vmem_shared>>
        tpu.enqueue_indirect_dma source(%arg11 : memref<128x64xf32, #tpu.memory_space<vmem>>) target(%dma_start3A_2047 : memref<8192x64xf32, #tpu.memory_space<vmem_shared>>) offsets(%dma_start3A_2044 : memref<128xi32, #tpu.memory_space<vmem>>) semaphore(%arg26 : memref<!tpu.dma_semaphore, #tpu.memory_space<semaphore_mem>>) {add = true}
      } else {
      }
      %add3A_2030 = arith.constant 2 : i32
      %add3A_2031 = arith.addi %add3A_2021, %add3A_2030 : i32
      %mul3A_2032 = arith.constant 16 : i32
      %mul3A_2033 = arith.muli %mul3A_2032, %add3A_2031 : i32
      %add3A_2034 = arith.addi %arg1, %mul3A_2033 : i32
      %lt3A_2035 = arith.constant 390 : i32
      %lt3A_2036 = arith.cmpi slt, %add3A_2034, %lt3A_2035 : i32
      %convert_element_type3A_2037 = arith.extui %lt3A_2036 : i1 to i32
      %cond3A_2038 = arith.constant 0 : i32
      %cond3A_2039 = arith.cmpi ne, %convert_element_type3A_2037, %cond3A_2038 : i32
      scf.if %cond3A_2039 {
        %dma_wait3A = arith.constant 0 : i32
        %dma_wait3A_2040 = tpu.memref_slice %arg9[%add3A_2021, %dma_wait3A] : memref<25x128xi32, #tpu.memory_space<vmem>> -> memref<1x128xi32, #tpu.memory_space<vmem>>
        %dma_wait3A_2041 = tpu.memref_squeeze %dma_wait3A_2040 : memref<1x128xi32, #tpu.memory_space<vmem>> -> memref<128xi32, #tpu.memory_space<vmem>>
        %dma_wait3A_2042 = arith.constant 0 : i32
        %dma_wait3A_2043 = arith.constant 0 : i32
        %dma_wait3A_2044 = tpu.memref_slice %arg6[%dma_wait3A_2042, %dma_wait3A_2043] : memref<8192x64xf32, #tpu.memory_space<vmem_shared>> -> memref<8192x64xf32, #tpu.memory_space<vmem_shared>>
        tpu.wait_indirect_dma semaphore(%arg26 : memref<!tpu.dma_semaphore, #tpu.memory_space<semaphore_mem>>) src(%arg11 : memref<128x64xf32, #tpu.memory_space<vmem>>) dst(%dma_wait3A_2044 : memref<8192x64xf32, #tpu.memory_space<vmem_shared>>)
        %add3A_2045 = arith.constant 2 : i32
        %add3A_2046 = arith.addi %add3A_2021, %add3A_2045 : i32
        %mul3A_2047 = arith.constant 16 : i32
        %mul3A_2048 = arith.muli %mul3A_2047, %add3A_2046 : i32
        %add3A_2049 = arith.addi %arg1, %mul3A_2048 : i32
        %lt3A_2050 = arith.constant 390 : i32
        %lt3A_2051 = arith.cmpi slt, %add3A_2049, %lt3A_2050 : i32
        %convert_element_type3A_2052 = arith.extui %lt3A_2051 : i1 to i32
        %cond3A_2053 = arith.constant 0 : i32
        %cond3A_2054 = arith.cmpi ne, %convert_element_type3A_2052, %cond3A_2053 : i32
        scf.if %cond3A_2054 {
          %mul3A_2055 = arith.constant 16 : i32
          %mul3A_2056 = arith.muli %mul3A_2055, %add3A_2046 : i32
          %add3A_2057 = arith.addi %arg1, %mul3A_2056 : i32
          %mul3A_2058 = arith.constant 128 : i32
          %mul3A_2059 = arith.muli %add3A_2057, %mul3A_2058 : i32
          %dma_start3A = tpu.memref_slice %arg2[%mul3A_2059, %add3A_1840] : memref<50000x256xf32, #tpu.memory_space<hbm>> -> memref<128x64xf32, #tpu.memory_space<hbm>>
          %dma_start3A_2060 = tpu.memref_slice %arg2[%mul3A_2059, %add3A_1840] : memref<50000x256xf32, #tpu.memory_space<hbm>> -> memref<128x64xf32, #tpu.memory_space<hbm>>
          tpu.enqueue_dma source(%dma_start3A_2060 : memref<128x64xf32, #tpu.memory_space<hbm>>) target(%arg11 : memref<128x64xf32, #tpu.memory_space<vmem>>) target_semaphore(%arg24 : memref<!tpu.dma_semaphore, #tpu.memory_space<semaphore_mem>>)
        } else {
        }
      } else {
      }
    }
    %scan3A_1877 = arith.constant 13 : i32
    %sub3A_1878 = arith.constant 389 : i32
    %sub3A_1879 = arith.subi %sub3A_1878, %arg1 : i32
    %jit3A_1880 = arith.constant 16 : i32
    %div3A_1881 = arith.divsi %sub3A_1879, %jit3A_1880 : i32
    %sign3A_1882 = arith.constant 0 : i32
    %sign3A_1883 = arith.cmpi sgt, %sub3A_1879, %sign3A_1882 : i32
    %sign3A_1884 = arith.extui %sign3A_1883 : i1 to i32
    %sign3A_1885 = arith.constant 0 : i32
    %sign3A_1886 = arith.cmpi slt, %sub3A_1879, %sign3A_1885 : i32
    %sign3A_1887 = arith.extui %sign3A_1886 : i1 to i32
    %sign3A_1888 = arith.subi %sign3A_1884, %sign3A_1887 : i32
    %sign3A_1889 = arith.constant 0 : i32
    %sign3A_1890 = arith.cmpi sgt, %jit3A_1880, %sign3A_1889 : i32
    %sign3A_1891 = arith.extui %sign3A_1890 : i1 to i32
    %sign3A_1892 = arith.constant 0 : i32
    %sign3A_1893 = arith.cmpi slt, %jit3A_1880, %sign3A_1892 : i32
    %sign3A_1894 = arith.extui %sign3A_1893 : i1 to i32
    %sign3A_1895 = arith.subi %sign3A_1891, %sign3A_1894 : i32
    %ne3A_1896 = arith.cmpi ne, %sign3A_1888, %sign3A_1895 : i32
    %rem3A_1897 = arith.remsi %sub3A_1879, %jit3A_1880 : i32
    %ne3A_1898 = arith.constant 0 : i32
    %ne3A_1899 = arith.cmpi ne, %rem3A_1897, %ne3A_1898 : i32
    %and3A_1900 = arith.andi %ne3A_1896, %ne3A_1899 : i1
    %sub3A_1901 = arith.constant 1 : i32
    %sub3A_1902 = arith.subi %div3A_1881, %sub3A_1901 : i32
    %select_n3A_1903 = arith.select %and3A_1900, %sub3A_1902, %div3A_1881 : i32
    %add3A_1904 = arith.constant 1 : i32
    %add3A_1905 = arith.addi %select_n3A_1903, %add3A_1904 : i32
    %sub3A_1906 = arith.constant 1 : i32
    %sub3A_1907 = arith.subi %add3A_1905, %sub3A_1906 : i32
    %sub3A_1908 = arith.constant 0 : i32
    %sub3A_1909 = arith.subi %sub3A_1907, %sub3A_1908 : i32
    %jit3A_1910 = arith.constant 2 : i32
    %div3A_1911 = arith.divsi %sub3A_1909, %jit3A_1910 : i32
    %sign3A_1912 = arith.constant 0 : i32
    %sign3A_1913 = arith.cmpi sgt, %sub3A_1909, %sign3A_1912 : i32
    %sign3A_1914 = arith.extui %sign3A_1913 : i1 to i32
    %sign3A_1915 = arith.constant 0 : i32
    %sign3A_1916 = arith.cmpi slt, %sub3A_1909, %sign3A_1915 : i32
    %sign3A_1917 = arith.extui %sign3A_1916 : i1 to i32
    %sign3A_1918 = arith.subi %sign3A_1914, %sign3A_1917 : i32
    %sign3A_1919 = arith.constant 0 : i32
    %sign3A_1920 = arith.cmpi sgt, %jit3A_1910, %sign3A_1919 : i32
    %sign3A_1921 = arith.extui %sign3A_1920 : i1 to i32
    %sign3A_1922 = arith.constant 0 : i32
    %sign3A_1923 = arith.cmpi slt, %jit3A_1910, %sign3A_1922 : i32
    %sign3A_1924 = arith.extui %sign3A_1923 : i1 to i32
    %sign3A_1925 = arith.subi %sign3A_1921, %sign3A_1924 : i32
    %ne3A_1926 = arith.cmpi ne, %sign3A_1918, %sign3A_1925 : i32
    %rem3A_1927 = arith.remsi %sub3A_1909, %jit3A_1910 : i32
    %ne3A_1928 = arith.constant 0 : i32
    %ne3A_1929 = arith.cmpi ne, %rem3A_1927, %ne3A_1928 : i32
    %and3A_1930 = arith.andi %ne3A_1926, %ne3A_1929 : i1
    %sub3A_1931 = arith.constant 1 : i32
    %sub3A_1932 = arith.subi %div3A_1911, %sub3A_1931 : i32
    %select_n3A_1933 = arith.select %and3A_1930, %sub3A_1932, %div3A_1911 : i32
    %mul3A_1934 = arith.constant 2 : i32
    %mul3A_1935 = arith.muli %mul3A_1934, %select_n3A_1933 : i32
    %add3A_1936 = arith.constant 0 : i32
    %add3A_1937 = arith.addi %add3A_1936, %mul3A_1935 : i32
    %gt3A_1938 = arith.constant 0 : i32
    %gt3A_1939 = arith.cmpi sgt, %add3A_1905, %gt3A_1938 : i32
    %convert_element_type3A_1940 = arith.extui %gt3A_1939 : i1 to i32
    %cond3A_1941 = arith.constant 0 : i32
    %cond3A_1942 = arith.cmpi ne, %convert_element_type3A_1940, %cond3A_1941 : i32
    scf.if %cond3A_1942 {
      %dma_wait3A = arith.constant 0 : i32
      %dma_wait3A_1995 = tpu.memref_slice %arg9[%add3A_1937, %dma_wait3A] : memref<25x128xi32, #tpu.memory_space<vmem>> -> memref<1x128xi32, #tpu.memory_space<vmem>>
      %dma_wait3A_1996 = tpu.memref_squeeze %dma_wait3A_1995 : memref<1x128xi32, #tpu.memory_space<vmem>> -> memref<128xi32, #tpu.memory_space<vmem>>
      %dma_wait3A_1997 = arith.constant 0 : i32
      %dma_wait3A_1998 = arith.constant 0 : i32
      %dma_wait3A_1999 = tpu.memref_slice %arg6[%dma_wait3A_1997, %dma_wait3A_1998] : memref<8192x64xf32, #tpu.memory_space<vmem_shared>> -> memref<8192x64xf32, #tpu.memory_space<vmem_shared>>
      tpu.wait_indirect_dma semaphore(%arg25 : memref<!tpu.dma_semaphore, #tpu.memory_space<semaphore_mem>>) src(%arg10 : memref<128x64xf32, #tpu.memory_space<vmem>>) dst(%dma_wait3A_1999 : memref<8192x64xf32, #tpu.memory_space<vmem_shared>>)
    } else {
    }
    %sub3A_1943 = arith.constant 1 : i32
    %sub3A_1944 = arith.subi %add3A_1905, %sub3A_1943 : i32
    %sub3A_1945 = arith.constant 1 : i32
    %sub3A_1946 = arith.subi %sub3A_1944, %sub3A_1945 : i32
    %jit3A_1947 = arith.constant 2 : i32
    %div3A_1948 = arith.divsi %sub3A_1946, %jit3A_1947 : i32
    %sign3A_1949 = arith.constant 0 : i32
    %sign3A_1950 = arith.cmpi sgt, %sub3A_1946, %sign3A_1949 : i32
    %sign3A_1951 = arith.extui %sign3A_1950 : i1 to i32
    %sign3A_1952 = arith.constant 0 : i32
    %sign3A_1953 = arith.cmpi slt, %sub3A_1946, %sign3A_1952 : i32
    %sign3A_1954 = arith.extui %sign3A_1953 : i1 to i32
    %sign3A_1955 = arith.subi %sign3A_1951, %sign3A_1954 : i32
    %sign3A_1956 = arith.constant 0 : i32
    %sign3A_1957 = arith.cmpi sgt, %jit3A_1947, %sign3A_1956 : i32
    %sign3A_1958 = arith.extui %sign3A_1957 : i1 to i32
    %sign3A_1959 = arith.constant 0 : i32
    %sign3A_1960 = arith.cmpi slt, %jit3A_1947, %sign3A_1959 : i32
    %sign3A_1961 = arith.extui %sign3A_1960 : i1 to i32
    %sign3A_1962 = arith.subi %sign3A_1958, %sign3A_1961 : i32
    %ne3A_1963 = arith.cmpi ne, %sign3A_1955, %sign3A_1962 : i32
    %rem3A_1964 = arith.remsi %sub3A_1946, %jit3A_1947 : i32
    %ne3A_1965 = arith.constant 0 : i32
    %ne3A_1966 = arith.cmpi ne, %rem3A_1964, %ne3A_1965 : i32
    %and3A_1967 = arith.andi %ne3A_1963, %ne3A_1966 : i1
    %sub3A_1968 = arith.constant 1 : i32
    %sub3A_1969 = arith.subi %div3A_1948, %sub3A_1968 : i32
    %select_n3A_1970 = arith.select %and3A_1967, %sub3A_1969, %div3A_1948 : i32
    %mul3A_1971 = arith.constant 2 : i32
    %mul3A_1972 = arith.muli %mul3A_1971, %select_n3A_1970 : i32
    %add3A_1973 = arith.constant 1 : i32
    %add3A_1974 = arith.addi %add3A_1973, %mul3A_1972 : i32
    %gt3A_1975 = arith.constant 1 : i32
    %gt3A_1976 = arith.cmpi sgt, %add3A_1905, %gt3A_1975 : i32
    %convert_element_type3A_1977 = arith.extui %gt3A_1976 : i1 to i32
    %cond3A_1978 = arith.constant 0 : i32
    %cond3A_1979 = arith.cmpi ne, %convert_element_type3A_1977, %cond3A_1978 : i32
    scf.if %cond3A_1979 {
      %dma_wait3A = arith.constant 0 : i32
      %dma_wait3A_1995 = tpu.memref_slice %arg9[%add3A_1974, %dma_wait3A] : memref<25x128xi32, #tpu.memory_space<vmem>> -> memref<1x128xi32, #tpu.memory_space<vmem>>
      %dma_wait3A_1996 = tpu.memref_squeeze %dma_wait3A_1995 : memref<1x128xi32, #tpu.memory_space<vmem>> -> memref<128xi32, #tpu.memory_space<vmem>>
      %dma_wait3A_1997 = arith.constant 0 : i32
      %dma_wait3A_1998 = arith.constant 0 : i32
      %dma_wait3A_1999 = tpu.memref_slice %arg6[%dma_wait3A_1997, %dma_wait3A_1998] : memref<8192x64xf32, #tpu.memory_space<vmem_shared>> -> memref<8192x64xf32, #tpu.memory_space<vmem_shared>>
      tpu.wait_indirect_dma semaphore(%arg26 : memref<!tpu.dma_semaphore, #tpu.memory_space<semaphore_mem>>) src(%arg11 : memref<128x64xf32, #tpu.memory_space<vmem>>) dst(%dma_wait3A_1999 : memref<8192x64xf32, #tpu.memory_space<vmem_shared>>)
    } else {
    }
    %eq3A_1980 = arith.constant 15 : i32
    %eq3A_1981 = arith.cmpi eq, %arg1, %eq3A_1980 : i32
    %convert_element_type3A_1982 = arith.extui %eq3A_1981 : i1 to i32
    %cond3A_1983 = arith.constant 0 : i32
    %cond3A_1984 = arith.cmpi ne, %convert_element_type3A_1982, %cond3A_1983 : i32
    scf.if %cond3A_1984 {
      "tpu.region"() ({
        %run_scoped3A = tpu.sem_alloc : memref<!tpu.dma_semaphore, #tpu.memory_space<semaphore_mem>>
        %dma_start3A = arith.constant 49920 : i32
        %dma_start3A_2049 = tpu.memref_slice %arg3[%dma_start3A] : memref<50000xi32, #tpu.memory_space<hbm>> -> memref<80xi32, #tpu.memory_space<hbm>>
        %dma_start3A_2050 = arith.constant 49920 : i32
        %dma_start3A_2051 = tpu.memref_slice %arg3[%dma_start3A_2050] : memref<50000xi32, #tpu.memory_space<hbm>> -> memref<80xi32, #tpu.memory_space<hbm>>
        tpu.enqueue_dma source(%dma_start3A_2051 : memref<80xi32, #tpu.memory_space<hbm>>) target(%arg19 : memref<80xi32, #tpu.memory_space<vmem>>) target_semaphore(%run_scoped3A : memref<!tpu.dma_semaphore, #tpu.memory_space<semaphore_mem>>)
        %dma_wait3A = arith.constant 49920 : i32
        %dma_wait3A_2052 = tpu.memref_slice %arg3[%dma_wait3A] : memref<50000xi32, #tpu.memory_space<hbm>> -> memref<80xi32, #tpu.memory_space<hbm>>
        %dma_wait3A_2053 = arith.constant 49920 : i32
        %dma_wait3A_2054 = tpu.memref_slice %arg3[%dma_wait3A_2053] : memref<50000xi32, #tpu.memory_space<hbm>> -> memref<80xi32, #tpu.memory_space<hbm>>
        tpu.wait_dma2 semaphore(%run_scoped3A : memref<!tpu.dma_semaphore, #tpu.memory_space<semaphore_mem>>) src(%dma_wait3A_2054 : memref<80xi32, #tpu.memory_space<hbm>>) dst(%arg19 : memref<80xi32, #tpu.memory_space<vmem>>)
        tpu.yield
      }) : () -> ()
      "tpu.region"() ({
        %run_scoped3A = tpu.sem_alloc : memref<!tpu.dma_semaphore, #tpu.memory_space<semaphore_mem>>
        %dma_start3A = arith.constant 49920 : i32
        %dma_start3A_2049 = tpu.memref_slice %arg2[%dma_start3A, %add3A_1840] : memref<50000x256xf32, #tpu.memory_space<hbm>> -> memref<80x64xf32, #tpu.memory_space<hbm>>
        %dma_start3A_2050 = arith.constant 49920 : i32
        %dma_start3A_2051 = tpu.memref_slice %arg2[%dma_start3A_2050, %add3A_1840] : memref<50000x256xf32, #tpu.memory_space<hbm>> -> memref<80x64xf32, #tpu.memory_space<hbm>>
        tpu.enqueue_dma source(%dma_start3A_2051 : memref<80x64xf32, #tpu.memory_space<hbm>>) target(%arg21 : memref<80x64xf32, #tpu.memory_space<vmem>>) target_semaphore(%run_scoped3A : memref<!tpu.dma_semaphore, #tpu.memory_space<semaphore_mem>>)
        %dma_wait3A = arith.constant 49920 : i32
        %dma_wait3A_2052 = tpu.memref_slice %arg2[%dma_wait3A, %add3A_1840] : memref<50000x256xf32, #tpu.memory_space<hbm>> -> memref<80x64xf32, #tpu.memory_space<hbm>>
        %dma_wait3A_2053 = arith.constant 49920 : i32
        %dma_wait3A_2054 = tpu.memref_slice %arg2[%dma_wait3A_2053, %add3A_1840] : memref<50000x256xf32, #tpu.memory_space<hbm>> -> memref<80x64xf32, #tpu.memory_space<hbm>>
        tpu.wait_dma2 semaphore(%run_scoped3A : memref<!tpu.dma_semaphore, #tpu.memory_space<semaphore_mem>>) src(%dma_wait3A_2054 : memref<80x64xf32, #tpu.memory_space<hbm>>) dst(%arg21 : memref<80x64xf32, #tpu.memory_space<vmem>>)
        tpu.yield
      }) : () -> ()
      %get3A = arith.constant 0 : index
      %get3A_1995 = tpu.vector_load %arg19[%get3A] {strides = array<i32>} : memref<80xi32, #tpu.memory_space<vmem>>, vector<16xi32>,
      %get3A_1996 = vector.shape_cast %get3A_1995 : vector<16xi32> to vector<16xi32>
      %mul3A_1997 = arith.constant 16 : i32
      %mul3A_1998 = vector.broadcast %mul3A_1997 : i32 to vector<16xi32>
      %mul3A_1999 = arith.muli %get3A_1996, %mul3A_1998 : vector<16xi32>
      %add3A_2000 = arith.addi %mul3A_1999, %iota3A : vector<16xi32>
      %swap3A_2001 = arith.constant 0 : index
      %swap3A_2002 = tpu.vector_load %arg20[%swap3A_2001] {strides = array<i32>} : memref<80xi32, #tpu.memory_space<vmem>>, vector<16xi32>,
      %swap3A_2003 = vector.shape_cast %swap3A_2002 : vector<16xi32> to vector<16xi32>
      %swap3A_2004 = vector.shape_cast %add3A_2000 : vector<16xi32> to vector<16xi32>
      tpu.vector_store %arg20[%swap3A_2001], %swap3A_2004 {strides = array<i32>} : memref<80xi32, #tpu.memory_space<vmem>>, vector<16xi32>,
      %get3A_2005 = arith.constant 16 : index
      %get3A_2006 = tpu.vector_load %arg19[%get3A_2005] {strides = array<i32>} : memref<80xi32, #tpu.memory_space<vmem>>, vector<16xi32>,
      %get3A_2007 = vector.shape_cast %get3A_2006 : vector<16xi32> to vector<16xi32>
      %mul3A_2008 = arith.constant 16 : i32
      %mul3A_2009 = vector.broadcast %mul3A_2008 : i32 to vector<16xi32>
      %mul3A_2010 = arith.muli %get3A_2007, %mul3A_2009 : vector<16xi32>
      %add3A_2011 = arith.addi %mul3A_2010, %iota3A : vector<16xi32>
      %swap3A_2012 = arith.constant 16 : index
      %swap3A_2013 = tpu.vector_load %arg20[%swap3A_2012] {strides = array<i32>} : memref<80xi32, #tpu.memory_space<vmem>>, vector<16xi32>,
      %swap3A_2014 = vector.shape_cast %swap3A_2013 : vector<16xi32> to vector<16xi32>
      %swap3A_2015 = vector.shape_cast %add3A_2011 : vector<16xi32> to vector<16xi32>
      tpu.vector_store %arg20[%swap3A_2012], %swap3A_2015 {strides = array<i32>} : memref<80xi32, #tpu.memory_space<vmem>>, vector<16xi32>,
      %get3A_2016 = arith.constant 32 : index
      %get3A_2017 = tpu.vector_load %arg19[%get3A_2016] {strides = array<i32>} : memref<80xi32, #tpu.memory_space<vmem>>, vector<16xi32>,
      %get3A_2018 = vector.shape_cast %get3A_2017 : vector<16xi32> to vector<16xi32>
      %mul3A_2019 = arith.constant 16 : i32
      %mul3A_2020 = vector.broadcast %mul3A_2019 : i32 to vector<16xi32>
      %mul3A_2021 = arith.muli %get3A_2018, %mul3A_2020 : vector<16xi32>
      %add3A_2022 = arith.addi %mul3A_2021, %iota3A : vector<16xi32>
      %swap3A_2023 = arith.constant 32 : index
      %swap3A_2024 = tpu.vector_load %arg20[%swap3A_2023] {strides = array<i32>} : memref<80xi32, #tpu.memory_space<vmem>>, vector<16xi32>,
      %swap3A_2025 = vector.shape_cast %swap3A_2024 : vector<16xi32> to vector<16xi32>
      %swap3A_2026 = vector.shape_cast %add3A_2022 : vector<16xi32> to vector<16xi32>
      tpu.vector_store %arg20[%swap3A_2023], %swap3A_2026 {strides = array<i32>} : memref<80xi32, #tpu.memory_space<vmem>>, vector<16xi32>,
      %get3A_2027 = arith.constant 48 : index
      %get3A_2028 = tpu.vector_load %arg19[%get3A_2027] {strides = array<i32>} : memref<80xi32, #tpu.memory_space<vmem>>, vector<16xi32>,
      %get3A_2029 = vector.shape_cast %get3A_2028 : vector<16xi32> to vector<16xi32>
      %mul3A_2030 = arith.constant 16 : i32
      %mul3A_2031 = vector.broadcast %mul3A_2030 : i32 to vector<16xi32>
      %mul3A_2032 = arith.muli %get3A_2029, %mul3A_2031 : vector<16xi32>
      %add3A_2033 = arith.addi %mul3A_2032, %iota3A : vector<16xi32>
      %swap3A_2034 = arith.constant 48 : index
      %swap3A_2035 = tpu.vector_load %arg20[%swap3A_2034] {strides = array<i32>} : memref<80xi32, #tpu.memory_space<vmem>>, vector<16xi32>,
      %swap3A_2036 = vector.shape_cast %swap3A_2035 : vector<16xi32> to vector<16xi32>
      %swap3A_2037 = vector.shape_cast %add3A_2033 : vector<16xi32> to vector<16xi32>
      tpu.vector_store %arg20[%swap3A_2034], %swap3A_2037 {strides = array<i32>} : memref<80xi32, #tpu.memory_space<vmem>>, vector<16xi32>,
      %get3A_2038 = arith.constant 64 : index
      %get3A_2039 = tpu.vector_load %arg19[%get3A_2038] {strides = array<i32>} : memref<80xi32, #tpu.memory_space<vmem>>, vector<16xi32>,
      %get3A_2040 = vector.shape_cast %get3A_2039 : vector<16xi32> to vector<16xi32>
      %mul3A_2041 = arith.constant 16 : i32
      %mul3A_2042 = vector.broadcast %mul3A_2041 : i32 to vector<16xi32>
      %mul3A_2043 = arith.muli %get3A_2040, %mul3A_2042 : vector<16xi32>
      %add3A_2044 = arith.addi %mul3A_2043, %iota3A : vector<16xi32>
      %swap3A_2045 = arith.constant 64 : index
      %swap3A_2046 = tpu.vector_load %arg20[%swap3A_2045] {strides = array<i32>} : memref<80xi32, #tpu.memory_space<vmem>>, vector<16xi32>,
      %swap3A_2047 = vector.shape_cast %swap3A_2046 : vector<16xi32> to vector<16xi32>
      %swap3A_2048 = vector.shape_cast %add3A_2044 : vector<16xi32> to vector<16xi32>
      tpu.vector_store %arg20[%swap3A_2045], %swap3A_2048 {strides = array<i32>} : memref<80xi32, #tpu.memory_space<vmem>>, vector<16xi32>,
      "tpu.region"() ({
        %run_scoped3A = tpu.sem_alloc : memref<!tpu.dma_semaphore, #tpu.memory_space<semaphore_mem>>
        %dma_start3A = arith.constant 0 : i32
        %dma_start3A_2049 = arith.constant 0 : i32
        %dma_start3A_2050 = tpu.memref_slice %arg6[%dma_start3A, %dma_start3A_2049] : memref<8192x64xf32, #tpu.memory_space<vmem_shared>> -> memref<8192x64xf32, #tpu.memory_space<vmem_shared>>
        tpu.enqueue_indirect_dma source(%arg21 : memref<80x64xf32, #tpu.memory_space<vmem>>) target(%dma_start3A_2050 : memref<8192x64xf32, #tpu.memory_space<vmem_shared>>) offsets(%arg20 : memref<80xi32, #tpu.memory_space<vmem>>) semaphore(%run_scoped3A : memref<!tpu.dma_semaphore, #tpu.memory_space<semaphore_mem>>) {add = true}
        %dma_wait3A = arith.constant 0 : i32
        %dma_wait3A_2051 = arith.constant 0 : i32
        %dma_wait3A_2052 = tpu.memref_slice %arg6[%dma_wait3A, %dma_wait3A_2051] : memref<8192x64xf32, #tpu.memory_space<vmem_shared>> -> memref<8192x64xf32, #tpu.memory_space<vmem_shared>>
        tpu.wait_indirect_dma semaphore(%run_scoped3A : memref<!tpu.dma_semaphore, #tpu.memory_space<semaphore_mem>>) src(%arg21 : memref<80x64xf32, #tpu.memory_space<vmem>>) dst(%dma_wait3A_2052 : memref<8192x64xf32, #tpu.memory_space<vmem_shared>>)
        tpu.yield
      }) : () -> ()
    } else {
    }
    %barrier3A_1985 = arith.constant 0 : index
    tpu.barrier barrier_id(%barrier3A_1985)
    %mul3A_1986 = arith.constant 16 : i32
    %mul3A_1987 = arith.muli %mul3A_1986, %mul3A_3 : i32
    "tpu.region"() ({
      %run_scoped3A = tpu.sem_alloc : memref<!tpu.dma_semaphore, #tpu.memory_space<semaphore_mem>>
      %dma_start3A = arith.constant 0 : i32
      %dma_start3A_1995 = tpu.memref_slice %arg6[%mul3A_1987, %dma_start3A] : memref<8192x64xf32, #tpu.memory_space<vmem_shared>> -> memref<512x64xf32, #tpu.memory_space<vmem_shared>>
      %dma_start3A_1996 = arith.constant 0 : i32
      %dma_start3A_1997 = tpu.memref_slice %arg6[%mul3A_1987, %dma_start3A_1996] : memref<8192x64xf32, #tpu.memory_space<vmem_shared>> -> memref<512x64xf32, #tpu.memory_space<vmem_shared>>
      tpu.enqueue_dma source(%dma_start3A_1997 : memref<512x64xf32, #tpu.memory_space<vmem_shared>>) target(%arg15 : memref<512x64xf32, #tpu.memory_space<vmem>>) target_semaphore(%run_scoped3A : memref<!tpu.dma_semaphore, #tpu.memory_space<semaphore_mem>>)
      %dma_wait3A = arith.constant 0 : i32
      %dma_wait3A_1998 = tpu.memref_slice %arg6[%mul3A_1987, %dma_wait3A] : memref<8192x64xf32, #tpu.memory_space<vmem_shared>> -> memref<512x64xf32, #tpu.memory_space<vmem_shared>>
      %dma_wait3A_1999 = arith.constant 0 : i32
      %dma_wait3A_2000 = tpu.memref_slice %arg6[%mul3A_1987, %dma_wait3A_1999] : memref<8192x64xf32, #tpu.memory_space<vmem_shared>> -> memref<512x64xf32, #tpu.memory_space<vmem_shared>>
      tpu.wait_dma2 semaphore(%run_scoped3A : memref<!tpu.dma_semaphore, #tpu.memory_space<semaphore_mem>>) src(%dma_wait3A_2000 : memref<512x64xf32, #tpu.memory_space<vmem_shared>>) dst(%arg15 : memref<512x64xf32, #tpu.memory_space<vmem>>)
      tpu.yield
    }) : () -> ()
    %barrier3A_1988 = arith.constant 0 : index
    tpu.barrier barrier_id(%barrier3A_1988)
    %scan3A_1989 = arith.constant 0 : i32
    %scan3A_1990 = arith.constant 0 : i32
    %scan3A_1991 = arith.constant 32 : i32
    %scan3A_1992 = arith.addi %scan3A_1990, %scan3A_1991 : i32
    %scan3A_1993 = arith.constant 1 : i32
    scf.for %scan3A_1995 = %scan3A_1990 to %scan3A_1992 step %scan3A_1993  : i32 {
      %get3A = arith.index_cast %scan3A_1995 : i32 to index
      %get3A_1996 = arith.constant 0 : index
      %get3A_1997 = tpu.vector_load %arg17[%get3A, %get3A_1996] {strides = array<i32>} : memref<32x16xf32, #tpu.memory_space<vmem>>, vector<1x16xf32>,
      %get3A_1998 = vector.shape_cast %get3A_1997 : vector<1x16xf32> to vector<16xf32>
      %mul3A_1999 = arith.constant 16 : i32
      %mul3A_2000 = arith.muli %mul3A_1999, %scan3A_1995 : i32
      %get3A_2001 = arith.index_cast %mul3A_2000 : i32 to index
      %get3A_2002 = arith.constant 0 : index
      %get3A_2003 = tpu.vector_load %arg15[%get3A_2001, %get3A_2002] {strides = array<i32>} : memref<512x64xf32, #tpu.memory_space<vmem>>, vector<1x16xf32>,
      %get3A_2004 = vector.shape_cast %get3A_2003 : vector<1x16xf32> to vector<16xf32>
      %mul3A_2005 = arith.constant 16 : i32
      %mul3A_2006 = arith.muli %mul3A_2005, %scan3A_1995 : i32
      %add3A_2007 = arith.constant 1 : i32
      %add3A_2008 = arith.addi %mul3A_2006, %add3A_2007 : i32
      %get3A_2009 = arith.index_cast %add3A_2008 : i32 to index
      %get3A_2010 = arith.constant 0 : index
      %get3A_2011 = tpu.vector_load %arg15[%get3A_2009, %get3A_2010] {strides = array<i32>} : memref<512x64xf32, #tpu.memory_space<vmem>>, vector<1x16xf32>,
      %get3A_2012 = vector.shape_cast %get3A_2011 : vector<1x16xf32> to vector<16xf32>
      %add3A_2013 = arith.addf %get3A_2004, %get3A_2012 : vector<16xf32>
      %mul3A_2014 = arith.constant 16 : i32
      %mul3A_2015 = arith.muli %mul3A_2014, %scan3A_1995 : i32
      %add3A_2016 = arith.constant 2 : i32
      %add3A_2017 = arith.addi %mul3A_2015, %add3A_2016 : i32
      %get3A_2018 = arith.index_cast %add3A_2017 : i32 to index
      %get3A_2019 = arith.constant 0 : index
      %get3A_2020 = tpu.vector_load %arg15[%get3A_2018, %get3A_2019] {strides = array<i32>} : memref<512x64xf32, #tpu.memory_space<vmem>>, vector<1x16xf32>,
      %get3A_2021 = vector.shape_cast %get3A_2020 : vector<1x16xf32> to vector<16xf32>
      %add3A_2022 = arith.addf %add3A_2013, %get3A_2021 : vector<16xf32>
      %mul3A_2023 = arith.constant 16 : i32
      %mul3A_2024 = arith.muli %mul3A_2023, %scan3A_1995 : i32
      %add3A_2025 = arith.constant 3 : i32
      %add3A_2026 = arith.addi %mul3A_2024, %add3A_2025 : i32
      %get3A_2027 = arith.index_cast %add3A_2026 : i32 to index
      %get3A_2028 = arith.constant 0 : index
      %get3A_2029 = tpu.vector_load %arg15[%get3A_2027, %get3A_2028] {strides = array<i32>} : memref<512x64xf32, #tpu.memory_space<vmem>>, vector<1x16xf32>,
      %get3A_2030 = vector.shape_cast %get3A_2029 : vector<1x16xf32> to vector<16xf32>
      %add3A_2031 = arith.addf %add3A_2022, %get3A_2030 : vector<16xf32>
      %mul3A_2032 = arith.constant 16 : i32
      %mul3A_2033 = arith.muli %mul3A_2032, %scan3A_1995 : i32
      %add3A_2034 = arith.constant 4 : i32
      %add3A_2035 = arith.addi %mul3A_2033, %add3A_2034 : i32
      %get3A_2036 = arith.index_cast %add3A_2035 : i32 to index
      %get3A_2037 = arith.constant 0 : index
      %get3A_2038 = tpu.vector_load %arg15[%get3A_2036, %get3A_2037] {strides = array<i32>} : memref<512x64xf32, #tpu.memory_space<vmem>>, vector<1x16xf32>,
      %get3A_2039 = vector.shape_cast %get3A_2038 : vector<1x16xf32> to vector<16xf32>
      %add3A_2040 = arith.addf %add3A_2031, %get3A_2039 : vector<16xf32>
      %mul3A_2041 = arith.constant 16 : i32
      %mul3A_2042 = arith.muli %mul3A_2041, %scan3A_1995 : i32
      %add3A_2043 = arith.constant 5 : i32
      %add3A_2044 = arith.addi %mul3A_2042, %add3A_2043 : i32
      %get3A_2045 = arith.index_cast %add3A_2044 : i32 to index
      %get3A_2046 = arith.constant 0 : index
      %get3A_2047 = tpu.vector_load %arg15[%get3A_2045, %get3A_2046] {strides = array<i32>} : memref<512x64xf32, #tpu.memory_space<vmem>>, vector<1x16xf32>,
      %get3A_2048 = vector.shape_cast %get3A_2047 : vector<1x16xf32> to vector<16xf32>
      %add3A_2049 = arith.addf %add3A_2040, %get3A_2048 : vector<16xf32>
      %mul3A_2050 = arith.constant 16 : i32
      %mul3A_2051 = arith.muli %mul3A_2050, %scan3A_1995 : i32
      %add3A_2052 = arith.constant 6 : i32
      %add3A_2053 = arith.addi %mul3A_2051, %add3A_2052 : i32
      %get3A_2054 = arith.index_cast %add3A_2053 : i32 to index
      %get3A_2055 = arith.constant 0 : index
      %get3A_2056 = tpu.vector_load %arg15[%get3A_2054, %get3A_2055] {strides = array<i32>} : memref<512x64xf32, #tpu.memory_space<vmem>>, vector<1x16xf32>,
      %get3A_2057 = vector.shape_cast %get3A_2056 : vector<1x16xf32> to vector<16xf32>
      %add3A_2058 = arith.addf %add3A_2049, %get3A_2057 : vector<16xf32>
      %mul3A_2059 = arith.constant 16 : i32
      %mul3A_2060 = arith.muli %mul3A_2059, %scan3A_1995 : i32
      %add3A_2061 = arith.constant 7 : i32
      %add3A_2062 = arith.addi %mul3A_2060, %add3A_2061 : i32
      %get3A_2063 = arith.index_cast %add3A_2062 : i32 to index
      %get3A_2064 = arith.constant 0 : index
      %get3A_2065 = tpu.vector_load %arg15[%get3A_2063, %get3A_2064] {strides = array<i32>} : memref<512x64xf32, #tpu.memory_space<vmem>>, vector<1x16xf32>,
      %get3A_2066 = vector.shape_cast %get3A_2065 : vector<1x16xf32> to vector<16xf32>
      %add3A_2067 = arith.addf %add3A_2058, %get3A_2066 : vector<16xf32>
      %mul3A_2068 = arith.constant 16 : i32
      %mul3A_2069 = arith.muli %mul3A_2068, %scan3A_1995 : i32
      %add3A_2070 = arith.constant 8 : i32
      %add3A_2071 = arith.addi %mul3A_2069, %add3A_2070 : i32
      %get3A_2072 = arith.index_cast %add3A_2071 : i32 to index
      %get3A_2073 = arith.constant 0 : index
      %get3A_2074 = tpu.vector_load %arg15[%get3A_2072, %get3A_2073] {strides = array<i32>} : memref<512x64xf32, #tpu.memory_space<vmem>>, vector<1x16xf32>,
      %get3A_2075 = vector.shape_cast %get3A_2074 : vector<1x16xf32> to vector<16xf32>
      %add3A_2076 = arith.addf %add3A_2067, %get3A_2075 : vector<16xf32>
      %mul3A_2077 = arith.constant 16 : i32
      %mul3A_2078 = arith.muli %mul3A_2077, %scan3A_1995 : i32
      %add3A_2079 = arith.constant 9 : i32
      %add3A_2080 = arith.addi %mul3A_2078, %add3A_2079 : i32
      %get3A_2081 = arith.index_cast %add3A_2080 : i32 to index
      %get3A_2082 = arith.constant 0 : index
      %get3A_2083 = tpu.vector_load %arg15[%get3A_2081, %get3A_2082] {strides = array<i32>} : memref<512x64xf32, #tpu.memory_space<vmem>>, vector<1x16xf32>,
      %get3A_2084 = vector.shape_cast %get3A_2083 : vector<1x16xf32> to vector<16xf32>
      %add3A_2085 = arith.addf %add3A_2076, %get3A_2084 : vector<16xf32>
      %mul3A_2086 = arith.constant 16 : i32
      %mul3A_2087 = arith.muli %mul3A_2086, %scan3A_1995 : i32
      %add3A_2088 = arith.constant 10 : i32
      %add3A_2089 = arith.addi %mul3A_2087, %add3A_2088 : i32
      %get3A_2090 = arith.index_cast %add3A_2089 : i32 to index
      %get3A_2091 = arith.constant 0 : index
      %get3A_2092 = tpu.vector_load %arg15[%get3A_2090, %get3A_2091] {strides = array<i32>} : memref<512x64xf32, #tpu.memory_space<vmem>>, vector<1x16xf32>,
      %get3A_2093 = vector.shape_cast %get3A_2092 : vector<1x16xf32> to vector<16xf32>
      %add3A_2094 = arith.addf %add3A_2085, %get3A_2093 : vector<16xf32>
      %mul3A_2095 = arith.constant 16 : i32
      %mul3A_2096 = arith.muli %mul3A_2095, %scan3A_1995 : i32
      %add3A_2097 = arith.constant 11 : i32
      %add3A_2098 = arith.addi %mul3A_2096, %add3A_2097 : i32
      %get3A_2099 = arith.index_cast %add3A_2098 : i32 to index
      %get3A_2100 = arith.constant 0 : index
      %get3A_2101 = tpu.vector_load %arg15[%get3A_2099, %get3A_2100] {strides = array<i32>} : memref<512x64xf32, #tpu.memory_space<vmem>>, vector<1x16xf32>,
      %get3A_2102 = vector.shape_cast %get3A_2101 : vector<1x16xf32> to vector<16xf32>
      %add3A_2103 = arith.addf %add3A_2094, %get3A_2102 : vector<16xf32>
      %mul3A_2104 = arith.constant 16 : i32
      %mul3A_2105 = arith.muli %mul3A_2104, %scan3A_1995 : i32
      %add3A_2106 = arith.constant 12 : i32
      %add3A_2107 = arith.addi %mul3A_2105, %add3A_2106 : i32
      %get3A_2108 = arith.index_cast %add3A_2107 : i32 to index
      %get3A_2109 = arith.constant 0 : index
      %get3A_2110 = tpu.vector_load %arg15[%get3A_2108, %get3A_2109] {strides = array<i32>} : memref<512x64xf32, #tpu.memory_space<vmem>>, vector<1x16xf32>,
      %get3A_2111 = vector.shape_cast %get3A_2110 : vector<1x16xf32> to vector<16xf32>
      %add3A_2112 = arith.addf %add3A_2103, %get3A_2111 : vector<16xf32>
      %mul3A_2113 = arith.constant 16 : i32
      %mul3A_2114 = arith.muli %mul3A_2113, %scan3A_1995 : i32
      %add3A_2115 = arith.constant 13 : i32
      %add3A_2116 = arith.addi %mul3A_2114, %add3A_2115 : i32
      %get3A_2117 = arith.index_cast %add3A_2116 : i32 to index
      %get3A_2118 = arith.constant 0 : index
      %get3A_2119 = tpu.vector_load %arg15[%get3A_2117, %get3A_2118] {strides = array<i32>} : memref<512x64xf32, #tpu.memory_space<vmem>>, vector<1x16xf32>,
      %get3A_2120 = vector.shape_cast %get3A_2119 : vector<1x16xf32> to vector<16xf32>
      %add3A_2121 = arith.addf %add3A_2112, %get3A_2120 : vector<16xf32>
      %mul3A_2122 = arith.constant 16 : i32
      %mul3A_2123 = arith.muli %mul3A_2122, %scan3A_1995 : i32
      %add3A_2124 = arith.constant 14 : i32
      %add3A_2125 = arith.addi %mul3A_2123, %add3A_2124 : i32
      %get3A_2126 = arith.index_cast %add3A_2125 : i32 to index
      %get3A_2127 = arith.constant 0 : index
      %get3A_2128 = tpu.vector_load %arg15[%get3A_2126, %get3A_2127] {strides = array<i32>} : memref<512x64xf32, #tpu.memory_space<vmem>>, vector<1x16xf32>,
      %get3A_2129 = vector.shape_cast %get3A_2128 : vector<1x16xf32> to vector<16xf32>
      %add3A_2130 = arith.addf %add3A_2121, %get3A_2129 : vector<16xf32>
      %mul3A_2131 = arith.constant 16 : i32
      %mul3A_2132 = arith.muli %mul3A_2131, %scan3A_1995 : i32
      %add3A_2133 = arith.constant 15 : i32
      %add3A_2134 = arith.addi %mul3A_2132, %add3A_2133 : i32
      %get3A_2135 = arith.index_cast %add3A_2134 : i32 to index
      %get3A_2136 = arith.constant 0 : index
      %get3A_2137 = tpu.vector_load %arg15[%get3A_2135, %get3A_2136] {strides = array<i32>} : memref<512x64xf32, #tpu.memory_space<vmem>>, vector<1x16xf32>,
      %get3A_2138 = vector.shape_cast %get3A_2137 : vector<1x16xf32> to vector<16xf32>
      %add3A_2139 = arith.addf %add3A_2130, %get3A_2138 : vector<16xf32>
      %mul3A_2140 = arith.mulf %add3A_2139, %get3A_1998 : vector<16xf32>
      %swap3A_2141 = arith.index_cast %scan3A_1995 : i32 to index
      %swap3A_2142 = arith.constant 0 : index
      %swap3A_2143 = tpu.vector_load %arg18[%swap3A_2141, %swap3A_2142] {strides = array<i32>} : memref<32x64xf32, #tpu.memory_space<vmem>>, vector<1x16xf32>,
      %swap3A_2144 = vector.shape_cast %swap3A_2143 : vector<1x16xf32> to vector<16xf32>
      %swap3A_2145 = vector.shape_cast %mul3A_2140 : vector<16xf32> to vector<1x16xf32>
      tpu.vector_store %arg18[%swap3A_2141, %swap3A_2142], %swap3A_2145 {strides = array<i32>} : memref<32x64xf32, #tpu.memory_space<vmem>>, vector<1x16xf32>,
      %mul3A_2146 = arith.constant 16 : i32
      %mul3A_2147 = arith.muli %mul3A_2146, %scan3A_1995 : i32
      %get3A_2148 = arith.index_cast %mul3A_2147 : i32 to index
      %get3A_2149 = arith.constant 16 : index
      %get3A_2150 = tpu.vector_load %arg15[%get3A_2148, %get3A_2149] {strides = array<i32>} : memref<512x64xf32, #tpu.memory_space<vmem>>, vector<1x16xf32>,
      %get3A_2151 = vector.shape_cast %get3A_2150 : vector<1x16xf32> to vector<16xf32>
      %mul3A_2152 = arith.constant 16 : i32
      %mul3A_2153 = arith.muli %mul3A_2152, %scan3A_1995 : i32
      %add3A_2154 = arith.constant 1 : i32
      %add3A_2155 = arith.addi %mul3A_2153, %add3A_2154 : i32
      %get3A_2156 = arith.index_cast %add3A_2155 : i32 to index
      %get3A_2157 = arith.constant 16 : index
      %get3A_2158 = tpu.vector_load %arg15[%get3A_2156, %get3A_2157] {strides = array<i32>} : memref<512x64xf32, #tpu.memory_space<vmem>>, vector<1x16xf32>,
      %get3A_2159 = vector.shape_cast %get3A_2158 : vector<1x16xf32> to vector<16xf32>
      %add3A_2160 = arith.addf %get3A_2151, %get3A_2159 : vector<16xf32>
      %mul3A_2161 = arith.constant 16 : i32
      %mul3A_2162 = arith.muli %mul3A_2161, %scan3A_1995 : i32
      %add3A_2163 = arith.constant 2 : i32
      %add3A_2164 = arith.addi %mul3A_2162, %add3A_2163 : i32
      %get3A_2165 = arith.index_cast %add3A_2164 : i32 to index
      %get3A_2166 = arith.constant 16 : index
      %get3A_2167 = tpu.vector_load %arg15[%get3A_2165, %get3A_2166] {strides = array<i32>} : memref<512x64xf32, #tpu.memory_space<vmem>>, vector<1x16xf32>,
      %get3A_2168 = vector.shape_cast %get3A_2167 : vector<1x16xf32> to vector<16xf32>
      %add3A_2169 = arith.addf %add3A_2160, %get3A_2168 : vector<16xf32>
      %mul3A_2170 = arith.constant 16 : i32
      %mul3A_2171 = arith.muli %mul3A_2170, %scan3A_1995 : i32
      %add3A_2172 = arith.constant 3 : i32
      %add3A_2173 = arith.addi %mul3A_2171, %add3A_2172 : i32
      %get3A_2174 = arith.index_cast %add3A_2173 : i32 to index
      %get3A_2175 = arith.constant 16 : index
      %get3A_2176 = tpu.vector_load %arg15[%get3A_2174, %get3A_2175] {strides = array<i32>} : memref<512x64xf32, #tpu.memory_space<vmem>>, vector<1x16xf32>,
      %get3A_2177 = vector.shape_cast %get3A_2176 : vector<1x16xf32> to vector<16xf32>
      %add3A_2178 = arith.addf %add3A_2169, %get3A_2177 : vector<16xf32>
      %mul3A_2179 = arith.constant 16 : i32
      %mul3A_2180 = arith.muli %mul3A_2179, %scan3A_1995 : i32
      %add3A_2181 = arith.constant 4 : i32
      %add3A_2182 = arith.addi %mul3A_2180, %add3A_2181 : i32
      %get3A_2183 = arith.index_cast %add3A_2182 : i32 to index
      %get3A_2184 = arith.constant 16 : index
      %get3A_2185 = tpu.vector_load %arg15[%get3A_2183, %get3A_2184] {strides = array<i32>} : memref<512x64xf32, #tpu.memory_space<vmem>>, vector<1x16xf32>,
      %get3A_2186 = vector.shape_cast %get3A_2185 : vector<1x16xf32> to vector<16xf32>
      %add3A_2187 = arith.addf %add3A_2178, %get3A_2186 : vector<16xf32>
      %mul3A_2188 = arith.constant 16 : i32
      %mul3A_2189 = arith.muli %mul3A_2188, %scan3A_1995 : i32
      %add3A_2190 = arith.constant 5 : i32
      %add3A_2191 = arith.addi %mul3A_2189, %add3A_2190 : i32
      %get3A_2192 = arith.index_cast %add3A_2191 : i32 to index
      %get3A_2193 = arith.constant 16 : index
      %get3A_2194 = tpu.vector_load %arg15[%get3A_2192, %get3A_2193] {strides = array<i32>} : memref<512x64xf32, #tpu.memory_space<vmem>>, vector<1x16xf32>,
      %get3A_2195 = vector.shape_cast %get3A_2194 : vector<1x16xf32> to vector<16xf32>
      %add3A_2196 = arith.addf %add3A_2187, %get3A_2195 : vector<16xf32>
      %mul3A_2197 = arith.constant 16 : i32
      %mul3A_2198 = arith.muli %mul3A_2197, %scan3A_1995 : i32
      %add3A_2199 = arith.constant 6 : i32
      %add3A_2200 = arith.addi %mul3A_2198, %add3A_2199 : i32
      %get3A_2201 = arith.index_cast %add3A_2200 : i32 to index
      %get3A_2202 = arith.constant 16 : index
      %get3A_2203 = tpu.vector_load %arg15[%get3A_2201, %get3A_2202] {strides = array<i32>} : memref<512x64xf32, #tpu.memory_space<vmem>>, vector<1x16xf32>,
      %get3A_2204 = vector.shape_cast %get3A_2203 : vector<1x16xf32> to vector<16xf32>
      %add3A_2205 = arith.addf %add3A_2196, %get3A_2204 : vector<16xf32>
      %mul3A_2206 = arith.constant 16 : i32
      %mul3A_2207 = arith.muli %mul3A_2206, %scan3A_1995 : i32
      %add3A_2208 = arith.constant 7 : i32
      %add3A_2209 = arith.addi %mul3A_2207, %add3A_2208 : i32
      %get3A_2210 = arith.index_cast %add3A_2209 : i32 to index
      %get3A_2211 = arith.constant 16 : index
      %get3A_2212 = tpu.vector_load %arg15[%get3A_2210, %get3A_2211] {strides = array<i32>} : memref<512x64xf32, #tpu.memory_space<vmem>>, vector<1x16xf32>,
      %get3A_2213 = vector.shape_cast %get3A_2212 : vector<1x16xf32> to vector<16xf32>
      %add3A_2214 = arith.addf %add3A_2205, %get3A_2213 : vector<16xf32>
      %mul3A_2215 = arith.constant 16 : i32
      %mul3A_2216 = arith.muli %mul3A_2215, %scan3A_1995 : i32
      %add3A_2217 = arith.constant 8 : i32
      %add3A_2218 = arith.addi %mul3A_2216, %add3A_2217 : i32
      %get3A_2219 = arith.index_cast %add3A_2218 : i32 to index
      %get3A_2220 = arith.constant 16 : index
      %get3A_2221 = tpu.vector_load %arg15[%get3A_2219, %get3A_2220] {strides = array<i32>} : memref<512x64xf32, #tpu.memory_space<vmem>>, vector<1x16xf32>,
      %get3A_2222 = vector.shape_cast %get3A_2221 : vector<1x16xf32> to vector<16xf32>
      %add3A_2223 = arith.addf %add3A_2214, %get3A_2222 : vector<16xf32>
      %mul3A_2224 = arith.constant 16 : i32
      %mul3A_2225 = arith.muli %mul3A_2224, %scan3A_1995 : i32
      %add3A_2226 = arith.constant 9 : i32
      %add3A_2227 = arith.addi %mul3A_2225, %add3A_2226 : i32
      %get3A_2228 = arith.index_cast %add3A_2227 : i32 to index
      %get3A_2229 = arith.constant 16 : index
      %get3A_2230 = tpu.vector_load %arg15[%get3A_2228, %get3A_2229] {strides = array<i32>} : memref<512x64xf32, #tpu.memory_space<vmem>>, vector<1x16xf32>,
      %get3A_2231 = vector.shape_cast %get3A_2230 : vector<1x16xf32> to vector<16xf32>
      %add3A_2232 = arith.addf %add3A_2223, %get3A_2231 : vector<16xf32>
      %mul3A_2233 = arith.constant 16 : i32
      %mul3A_2234 = arith.muli %mul3A_2233, %scan3A_1995 : i32
      %add3A_2235 = arith.constant 10 : i32
      %add3A_2236 = arith.addi %mul3A_2234, %add3A_2235 : i32
      %get3A_2237 = arith.index_cast %add3A_2236 : i32 to index
      %get3A_2238 = arith.constant 16 : index
      %get3A_2239 = tpu.vector_load %arg15[%get3A_2237, %get3A_2238] {strides = array<i32>} : memref<512x64xf32, #tpu.memory_space<vmem>>, vector<1x16xf32>,
      %get3A_2240 = vector.shape_cast %get3A_2239 : vector<1x16xf32> to vector<16xf32>
      %add3A_2241 = arith.addf %add3A_2232, %get3A_2240 : vector<16xf32>
      %mul3A_2242 = arith.constant 16 : i32
      %mul3A_2243 = arith.muli %mul3A_2242, %scan3A_1995 : i32
      %add3A_2244 = arith.constant 11 : i32
      %add3A_2245 = arith.addi %mul3A_2243, %add3A_2244 : i32
      %get3A_2246 = arith.index_cast %add3A_2245 : i32 to index
      %get3A_2247 = arith.constant 16 : index
      %get3A_2248 = tpu.vector_load %arg15[%get3A_2246, %get3A_2247] {strides = array<i32>} : memref<512x64xf32, #tpu.memory_space<vmem>>, vector<1x16xf32>,
      %get3A_2249 = vector.shape_cast %get3A_2248 : vector<1x16xf32> to vector<16xf32>
      %add3A_2250 = arith.addf %add3A_2241, %get3A_2249 : vector<16xf32>
      %mul3A_2251 = arith.constant 16 : i32
      %mul3A_2252 = arith.muli %mul3A_2251, %scan3A_1995 : i32
      %add3A_2253 = arith.constant 12 : i32
      %add3A_2254 = arith.addi %mul3A_2252, %add3A_2253 : i32
      %get3A_2255 = arith.index_cast %add3A_2254 : i32 to index
      %get3A_2256 = arith.constant 16 : index
      %get3A_2257 = tpu.vector_load %arg15[%get3A_2255, %get3A_2256] {strides = array<i32>} : memref<512x64xf32, #tpu.memory_space<vmem>>, vector<1x16xf32>,
      %get3A_2258 = vector.shape_cast %get3A_2257 : vector<1x16xf32> to vector<16xf32>
      %add3A_2259 = arith.addf %add3A_2250, %get3A_2258 : vector<16xf32>
      %mul3A_2260 = arith.constant 16 : i32
      %mul3A_2261 = arith.muli %mul3A_2260, %scan3A_1995 : i32
      %add3A_2262 = arith.constant 13 : i32
      %add3A_2263 = arith.addi %mul3A_2261, %add3A_2262 : i32
      %get3A_2264 = arith.index_cast %add3A_2263 : i32 to index
      %get3A_2265 = arith.constant 16 : index
      %get3A_2266 = tpu.vector_load %arg15[%get3A_2264, %get3A_2265] {strides = array<i32>} : memref<512x64xf32, #tpu.memory_space<vmem>>, vector<1x16xf32>,
      %get3A_2267 = vector.shape_cast %get3A_2266 : vector<1x16xf32> to vector<16xf32>
      %add3A_2268 = arith.addf %add3A_2259, %get3A_2267 : vector<16xf32>
      %mul3A_2269 = arith.constant 16 : i32
      %mul3A_2270 = arith.muli %mul3A_2269, %scan3A_1995 : i32
      %add3A_2271 = arith.constant 14 : i32
      %add3A_2272 = arith.addi %mul3A_2270, %add3A_2271 : i32
      %get3A_2273 = arith.index_cast %add3A_2272 : i32 to index
      %get3A_2274 = arith.constant 16 : index
      %get3A_2275 = tpu.vector_load %arg15[%get3A_2273, %get3A_2274] {strides = array<i32>} : memref<512x64xf32, #tpu.memory_space<vmem>>, vector<1x16xf32>,
      %get3A_2276 = vector.shape_cast %get3A_2275 : vector<1x16xf32> to vector<16xf32>
      %add3A_2277 = arith.addf %add3A_2268, %get3A_2276 : vector<16xf32>
      %mul3A_2278 = arith.constant 16 : i32
      %mul3A_2279 = arith.muli %mul3A_2278, %scan3A_1995 : i32
      %add3A_2280 = arith.constant 15 : i32
      %add3A_2281 = arith.addi %mul3A_2279, %add3A_2280 : i32
      %get3A_2282 = arith.index_cast %add3A_2281 : i32 to index
      %get3A_2283 = arith.constant 16 : index
      %get3A_2284 = tpu.vector_load %arg15[%get3A_2282, %get3A_2283] {strides = array<i32>} : memref<512x64xf32, #tpu.memory_space<vmem>>, vector<1x16xf32>,
      %get3A_2285 = vector.shape_cast %get3A_2284 : vector<1x16xf32> to vector<16xf32>
      %add3A_2286 = arith.addf %add3A_2277, %get3A_2285 : vector<16xf32>
      %mul3A_2287 = arith.mulf %add3A_2286, %get3A_1998 : vector<16xf32>
      %swap3A_2288 = arith.index_cast %scan3A_1995 : i32 to index
      %swap3A_2289 = arith.constant 16 : index
      %swap3A_2290 = tpu.vector_load %arg18[%swap3A_2288, %swap3A_2289] {strides = array<i32>} : memref<32x64xf32, #tpu.memory_space<vmem>>, vector<1x16xf32>,
      %swap3A_2291 = vector.shape_cast %swap3A_2290 : vector<1x16xf32> to vector<16xf32>
      %swap3A_2292 = vector.shape_cast %mul3A_2287 : vector<16xf32> to vector<1x16xf32>
      tpu.vector_store %arg18[%swap3A_2288, %swap3A_2289], %swap3A_2292 {strides = array<i32>} : memref<32x64xf32, #tpu.memory_space<vmem>>, vector<1x16xf32>,
      %mul3A_2293 = arith.constant 16 : i32
      %mul3A_2294 = arith.muli %mul3A_2293, %scan3A_1995 : i32
      %get3A_2295 = arith.index_cast %mul3A_2294 : i32 to index
      %get3A_2296 = arith.constant 32 : index
      %get3A_2297 = tpu.vector_load %arg15[%get3A_2295, %get3A_2296] {strides = array<i32>} : memref<512x64xf32, #tpu.memory_space<vmem>>, vector<1x16xf32>,
      %get3A_2298 = vector.shape_cast %get3A_2297 : vector<1x16xf32> to vector<16xf32>
      %mul3A_2299 = arith.constant 16 : i32
      %mul3A_2300 = arith.muli %mul3A_2299, %scan3A_1995 : i32
      %add3A_2301 = arith.constant 1 : i32
      %add3A_2302 = arith.addi %mul3A_2300, %add3A_2301 : i32
      %get3A_2303 = arith.index_cast %add3A_2302 : i32 to index
      %get3A_2304 = arith.constant 32 : index
      %get3A_2305 = tpu.vector_load %arg15[%get3A_2303, %get3A_2304] {strides = array<i32>} : memref<512x64xf32, #tpu.memory_space<vmem>>, vector<1x16xf32>,
      %get3A_2306 = vector.shape_cast %get3A_2305 : vector<1x16xf32> to vector<16xf32>
      %add3A_2307 = arith.addf %get3A_2298, %get3A_2306 : vector<16xf32>
      %mul3A_2308 = arith.constant 16 : i32
      %mul3A_2309 = arith.muli %mul3A_2308, %scan3A_1995 : i32
      %add3A_2310 = arith.constant 2 : i32
      %add3A_2311 = arith.addi %mul3A_2309, %add3A_2310 : i32
      %get3A_2312 = arith.index_cast %add3A_2311 : i32 to index
      %get3A_2313 = arith.constant 32 : index
      %get3A_2314 = tpu.vector_load %arg15[%get3A_2312, %get3A_2313] {strides = array<i32>} : memref<512x64xf32, #tpu.memory_space<vmem>>, vector<1x16xf32>,
      %get3A_2315 = vector.shape_cast %get3A_2314 : vector<1x16xf32> to vector<16xf32>
      %add3A_2316 = arith.addf %add3A_2307, %get3A_2315 : vector<16xf32>
      %mul3A_2317 = arith.constant 16 : i32
      %mul3A_2318 = arith.muli %mul3A_2317, %scan3A_1995 : i32
      %add3A_2319 = arith.constant 3 : i32
      %add3A_2320 = arith.addi %mul3A_2318, %add3A_2319 : i32
      %get3A_2321 = arith.index_cast %add3A_2320 : i32 to index
      %get3A_2322 = arith.constant 32 : index
      %get3A_2323 = tpu.vector_load %arg15[%get3A_2321, %get3A_2322] {strides = array<i32>} : memref<512x64xf32, #tpu.memory_space<vmem>>, vector<1x16xf32>,
      %get3A_2324 = vector.shape_cast %get3A_2323 : vector<1x16xf32> to vector<16xf32>
      %add3A_2325 = arith.addf %add3A_2316, %get3A_2324 : vector<16xf32>
      %mul3A_2326 = arith.constant 16 : i32
      %mul3A_2327 = arith.muli %mul3A_2326, %scan3A_1995 : i32
      %add3A_2328 = arith.constant 4 : i32
      %add3A_2329 = arith.addi %mul3A_2327, %add3A_2328 : i32
      %get3A_2330 = arith.index_cast %add3A_2329 : i32 to index
      %get3A_2331 = arith.constant 32 : index
      %get3A_2332 = tpu.vector_load %arg15[%get3A_2330, %get3A_2331] {strides = array<i32>} : memref<512x64xf32, #tpu.memory_space<vmem>>, vector<1x16xf32>,
      %get3A_2333 = vector.shape_cast %get3A_2332 : vector<1x16xf32> to vector<16xf32>
      %add3A_2334 = arith.addf %add3A_2325, %get3A_2333 : vector<16xf32>
      %mul3A_2335 = arith.constant 16 : i32
      %mul3A_2336 = arith.muli %mul3A_2335, %scan3A_1995 : i32
      %add3A_2337 = arith.constant 5 : i32
      %add3A_2338 = arith.addi %mul3A_2336, %add3A_2337 : i32
      %get3A_2339 = arith.index_cast %add3A_2338 : i32 to index
      %get3A_2340 = arith.constant 32 : index
      %get3A_2341 = tpu.vector_load %arg15[%get3A_2339, %get3A_2340] {strides = array<i32>} : memref<512x64xf32, #tpu.memory_space<vmem>>, vector<1x16xf32>,
      %get3A_2342 = vector.shape_cast %get3A_2341 : vector<1x16xf32> to vector<16xf32>
      %add3A_2343 = arith.addf %add3A_2334, %get3A_2342 : vector<16xf32>
      %mul3A_2344 = arith.constant 16 : i32
      %mul3A_2345 = arith.muli %mul3A_2344, %scan3A_1995 : i32
      %add3A_2346 = arith.constant 6 : i32
      %add3A_2347 = arith.addi %mul3A_2345, %add3A_2346 : i32
      %get3A_2348 = arith.index_cast %add3A_2347 : i32 to index
      %get3A_2349 = arith.constant 32 : index
      %get3A_2350 = tpu.vector_load %arg15[%get3A_2348, %get3A_2349] {strides = array<i32>} : memref<512x64xf32, #tpu.memory_space<vmem>>, vector<1x16xf32>,
      %get3A_2351 = vector.shape_cast %get3A_2350 : vector<1x16xf32> to vector<16xf32>
      %add3A_2352 = arith.addf %add3A_2343, %get3A_2351 : vector<16xf32>
      %mul3A_2353 = arith.constant 16 : i32
      %mul3A_2354 = arith.muli %mul3A_2353, %scan3A_1995 : i32
      %add3A_2355 = arith.constant 7 : i32
      %add3A_2356 = arith.addi %mul3A_2354, %add3A_2355 : i32
      %get3A_2357 = arith.index_cast %add3A_2356 : i32 to index
      %get3A_2358 = arith.constant 32 : index
      %get3A_2359 = tpu.vector_load %arg15[%get3A_2357, %get3A_2358] {strides = array<i32>} : memref<512x64xf32, #tpu.memory_space<vmem>>, vector<1x16xf32>,
      %get3A_2360 = vector.shape_cast %get3A_2359 : vector<1x16xf32> to vector<16xf32>
      %add3A_2361 = arith.addf %add3A_2352, %get3A_2360 : vector<16xf32>
      %mul3A_2362 = arith.constant 16 : i32
      %mul3A_2363 = arith.muli %mul3A_2362, %scan3A_1995 : i32
      %add3A_2364 = arith.constant 8 : i32
      %add3A_2365 = arith.addi %mul3A_2363, %add3A_2364 : i32
      %get3A_2366 = arith.index_cast %add3A_2365 : i32 to index
      %get3A_2367 = arith.constant 32 : index
      %get3A_2368 = tpu.vector_load %arg15[%get3A_2366, %get3A_2367] {strides = array<i32>} : memref<512x64xf32, #tpu.memory_space<vmem>>, vector<1x16xf32>,
      %get3A_2369 = vector.shape_cast %get3A_2368 : vector<1x16xf32> to vector<16xf32>
      %add3A_2370 = arith.addf %add3A_2361, %get3A_2369 : vector<16xf32>
      %mul3A_2371 = arith.constant 16 : i32
      %mul3A_2372 = arith.muli %mul3A_2371, %scan3A_1995 : i32
      %add3A_2373 = arith.constant 9 : i32
      %add3A_2374 = arith.addi %mul3A_2372, %add3A_2373 : i32
      %get3A_2375 = arith.index_cast %add3A_2374 : i32 to index
      %get3A_2376 = arith.constant 32 : index
      %get3A_2377 = tpu.vector_load %arg15[%get3A_2375, %get3A_2376] {strides = array<i32>} : memref<512x64xf32, #tpu.memory_space<vmem>>, vector<1x16xf32>,
      %get3A_2378 = vector.shape_cast %get3A_2377 : vector<1x16xf32> to vector<16xf32>
      %add3A_2379 = arith.addf %add3A_2370, %get3A_2378 : vector<16xf32>
      %mul3A_2380 = arith.constant 16 : i32
      %mul3A_2381 = arith.muli %mul3A_2380, %scan3A_1995 : i32
      %add3A_2382 = arith.constant 10 : i32
      %add3A_2383 = arith.addi %mul3A_2381, %add3A_2382 : i32
      %get3A_2384 = arith.index_cast %add3A_2383 : i32 to index
      %get3A_2385 = arith.constant 32 : index
      %get3A_2386 = tpu.vector_load %arg15[%get3A_2384, %get3A_2385] {strides = array<i32>} : memref<512x64xf32, #tpu.memory_space<vmem>>, vector<1x16xf32>,
      %get3A_2387 = vector.shape_cast %get3A_2386 : vector<1x16xf32> to vector<16xf32>
      %add3A_2388 = arith.addf %add3A_2379, %get3A_2387 : vector<16xf32>
      %mul3A_2389 = arith.constant 16 : i32
      %mul3A_2390 = arith.muli %mul3A_2389, %scan3A_1995 : i32
      %add3A_2391 = arith.constant 11 : i32
      %add3A_2392 = arith.addi %mul3A_2390, %add3A_2391 : i32
      %get3A_2393 = arith.index_cast %add3A_2392 : i32 to index
      %get3A_2394 = arith.constant 32 : index
      %get3A_2395 = tpu.vector_load %arg15[%get3A_2393, %get3A_2394] {strides = array<i32>} : memref<512x64xf32, #tpu.memory_space<vmem>>, vector<1x16xf32>,
      %get3A_2396 = vector.shape_cast %get3A_2395 : vector<1x16xf32> to vector<16xf32>
      %add3A_2397 = arith.addf %add3A_2388, %get3A_2396 : vector<16xf32>
      %mul3A_2398 = arith.constant 16 : i32
      %mul3A_2399 = arith.muli %mul3A_2398, %scan3A_1995 : i32
      %add3A_2400 = arith.constant 12 : i32
      %add3A_2401 = arith.addi %mul3A_2399, %add3A_2400 : i32
      %get3A_2402 = arith.index_cast %add3A_2401 : i32 to index
      %get3A_2403 = arith.constant 32 : index
      %get3A_2404 = tpu.vector_load %arg15[%get3A_2402, %get3A_2403] {strides = array<i32>} : memref<512x64xf32, #tpu.memory_space<vmem>>, vector<1x16xf32>,
      %get3A_2405 = vector.shape_cast %get3A_2404 : vector<1x16xf32> to vector<16xf32>
      %add3A_2406 = arith.addf %add3A_2397, %get3A_2405 : vector<16xf32>
      %mul3A_2407 = arith.constant 16 : i32
      %mul3A_2408 = arith.muli %mul3A_2407, %scan3A_1995 : i32
      %add3A_2409 = arith.constant 13 : i32
      %add3A_2410 = arith.addi %mul3A_2408, %add3A_2409 : i32
      %get3A_2411 = arith.index_cast %add3A_2410 : i32 to index
      %get3A_2412 = arith.constant 32 : index
      %get3A_2413 = tpu.vector_load %arg15[%get3A_2411, %get3A_2412] {strides = array<i32>} : memref<512x64xf32, #tpu.memory_space<vmem>>, vector<1x16xf32>,
      %get3A_2414 = vector.shape_cast %get3A_2413 : vector<1x16xf32> to vector<16xf32>
      %add3A_2415 = arith.addf %add3A_2406, %get3A_2414 : vector<16xf32>
      %mul3A_2416 = arith.constant 16 : i32
      %mul3A_2417 = arith.muli %mul3A_2416, %scan3A_1995 : i32
      %add3A_2418 = arith.constant 14 : i32
      %add3A_2419 = arith.addi %mul3A_2417, %add3A_2418 : i32
      %get3A_2420 = arith.index_cast %add3A_2419 : i32 to index
      %get3A_2421 = arith.constant 32 : index
      %get3A_2422 = tpu.vector_load %arg15[%get3A_2420, %get3A_2421] {strides = array<i32>} : memref<512x64xf32, #tpu.memory_space<vmem>>, vector<1x16xf32>,
      %get3A_2423 = vector.shape_cast %get3A_2422 : vector<1x16xf32> to vector<16xf32>
      %add3A_2424 = arith.addf %add3A_2415, %get3A_2423 : vector<16xf32>
      %mul3A_2425 = arith.constant 16 : i32
      %mul3A_2426 = arith.muli %mul3A_2425, %scan3A_1995 : i32
      %add3A_2427 = arith.constant 15 : i32
      %add3A_2428 = arith.addi %mul3A_2426, %add3A_2427 : i32
      %get3A_2429 = arith.index_cast %add3A_2428 : i32 to index
      %get3A_2430 = arith.constant 32 : index
      %get3A_2431 = tpu.vector_load %arg15[%get3A_2429, %get3A_2430] {strides = array<i32>} : memref<512x64xf32, #tpu.memory_space<vmem>>, vector<1x16xf32>,
      %get3A_2432 = vector.shape_cast %get3A_2431 : vector<1x16xf32> to vector<16xf32>
      %add3A_2433 = arith.addf %add3A_2424, %get3A_2432 : vector<16xf32>
      %mul3A_2434 = arith.mulf %add3A_2433, %get3A_1998 : vector<16xf32>
      %swap3A_2435 = arith.index_cast %scan3A_1995 : i32 to index
      %swap3A_2436 = arith.constant 32 : index
      %swap3A_2437 = tpu.vector_load %arg18[%swap3A_2435, %swap3A_2436] {strides = array<i32>} : memref<32x64xf32, #tpu.memory_space<vmem>>, vector<1x16xf32>,
      %swap3A_2438 = vector.shape_cast %swap3A_2437 : vector<1x16xf32> to vector<16xf32>
      %swap3A_2439 = vector.shape_cast %mul3A_2434 : vector<16xf32> to vector<1x16xf32>
      tpu.vector_store %arg18[%swap3A_2435, %swap3A_2436], %swap3A_2439 {strides = array<i32>} : memref<32x64xf32, #tpu.memory_space<vmem>>, vector<1x16xf32>,
      %mul3A_2440 = arith.constant 16 : i32
      %mul3A_2441 = arith.muli %mul3A_2440, %scan3A_1995 : i32
      %get3A_2442 = arith.index_cast %mul3A_2441 : i32 to index
      %get3A_2443 = arith.constant 48 : index
      %get3A_2444 = tpu.vector_load %arg15[%get3A_2442, %get3A_2443] {strides = array<i32>} : memref<512x64xf32, #tpu.memory_space<vmem>>, vector<1x16xf32>,
      %get3A_2445 = vector.shape_cast %get3A_2444 : vector<1x16xf32> to vector<16xf32>
      %mul3A_2446 = arith.constant 16 : i32
      %mul3A_2447 = arith.muli %mul3A_2446, %scan3A_1995 : i32
      %add3A_2448 = arith.constant 1 : i32
      %add3A_2449 = arith.addi %mul3A_2447, %add3A_2448 : i32
      %get3A_2450 = arith.index_cast %add3A_2449 : i32 to index
      %get3A_2451 = arith.constant 48 : index
      %get3A_2452 = tpu.vector_load %arg15[%get3A_2450, %get3A_2451] {strides = array<i32>} : memref<512x64xf32, #tpu.memory_space<vmem>>, vector<1x16xf32>,
      %get3A_2453 = vector.shape_cast %get3A_2452 : vector<1x16xf32> to vector<16xf32>
      %add3A_2454 = arith.addf %get3A_2445, %get3A_2453 : vector<16xf32>
      %mul3A_2455 = arith.constant 16 : i32
      %mul3A_2456 = arith.muli %mul3A_2455, %scan3A_1995 : i32
      %add3A_2457 = arith.constant 2 : i32
      %add3A_2458 = arith.addi %mul3A_2456, %add3A_2457 : i32
      %get3A_2459 = arith.index_cast %add3A_2458 : i32 to index
      %get3A_2460 = arith.constant 48 : index
      %get3A_2461 = tpu.vector_load %arg15[%get3A_2459, %get3A_2460] {strides = array<i32>} : memref<512x64xf32, #tpu.memory_space<vmem>>, vector<1x16xf32>,
      %get3A_2462 = vector.shape_cast %get3A_2461 : vector<1x16xf32> to vector<16xf32>
      %add3A_2463 = arith.addf %add3A_2454, %get3A_2462 : vector<16xf32>
      %mul3A_2464 = arith.constant 16 : i32
      %mul3A_2465 = arith.muli %mul3A_2464, %scan3A_1995 : i32
      %add3A_2466 = arith.constant 3 : i32
      %add3A_2467 = arith.addi %mul3A_2465, %add3A_2466 : i32
      %get3A_2468 = arith.index_cast %add3A_2467 : i32 to index
      %get3A_2469 = arith.constant 48 : index
      %get3A_2470 = tpu.vector_load %arg15[%get3A_2468, %get3A_2469] {strides = array<i32>} : memref<512x64xf32, #tpu.memory_space<vmem>>, vector<1x16xf32>,
      %get3A_2471 = vector.shape_cast %get3A_2470 : vector<1x16xf32> to vector<16xf32>
      %add3A_2472 = arith.addf %add3A_2463, %get3A_2471 : vector<16xf32>
      %mul3A_2473 = arith.constant 16 : i32
      %mul3A_2474 = arith.muli %mul3A_2473, %scan3A_1995 : i32
      %add3A_2475 = arith.constant 4 : i32
      %add3A_2476 = arith.addi %mul3A_2474, %add3A_2475 : i32
      %get3A_2477 = arith.index_cast %add3A_2476 : i32 to index
      %get3A_2478 = arith.constant 48 : index
      %get3A_2479 = tpu.vector_load %arg15[%get3A_2477, %get3A_2478] {strides = array<i32>} : memref<512x64xf32, #tpu.memory_space<vmem>>, vector<1x16xf32>,
      %get3A_2480 = vector.shape_cast %get3A_2479 : vector<1x16xf32> to vector<16xf32>
      %add3A_2481 = arith.addf %add3A_2472, %get3A_2480 : vector<16xf32>
      %mul3A_2482 = arith.constant 16 : i32
      %mul3A_2483 = arith.muli %mul3A_2482, %scan3A_1995 : i32
      %add3A_2484 = arith.constant 5 : i32
      %add3A_2485 = arith.addi %mul3A_2483, %add3A_2484 : i32
      %get3A_2486 = arith.index_cast %add3A_2485 : i32 to index
      %get3A_2487 = arith.constant 48 : index
      %get3A_2488 = tpu.vector_load %arg15[%get3A_2486, %get3A_2487] {strides = array<i32>} : memref<512x64xf32, #tpu.memory_space<vmem>>, vector<1x16xf32>,
      %get3A_2489 = vector.shape_cast %get3A_2488 : vector<1x16xf32> to vector<16xf32>
      %add3A_2490 = arith.addf %add3A_2481, %get3A_2489 : vector<16xf32>
      %mul3A_2491 = arith.constant 16 : i32
      %mul3A_2492 = arith.muli %mul3A_2491, %scan3A_1995 : i32
      %add3A_2493 = arith.constant 6 : i32
      %add3A_2494 = arith.addi %mul3A_2492, %add3A_2493 : i32
      %get3A_2495 = arith.index_cast %add3A_2494 : i32 to index
      %get3A_2496 = arith.constant 48 : index
      %get3A_2497 = tpu.vector_load %arg15[%get3A_2495, %get3A_2496] {strides = array<i32>} : memref<512x64xf32, #tpu.memory_space<vmem>>, vector<1x16xf32>,
      %get3A_2498 = vector.shape_cast %get3A_2497 : vector<1x16xf32> to vector<16xf32>
      %add3A_2499 = arith.addf %add3A_2490, %get3A_2498 : vector<16xf32>
      %mul3A_2500 = arith.constant 16 : i32
      %mul3A_2501 = arith.muli %mul3A_2500, %scan3A_1995 : i32
      %add3A_2502 = arith.constant 7 : i32
      %add3A_2503 = arith.addi %mul3A_2501, %add3A_2502 : i32
      %get3A_2504 = arith.index_cast %add3A_2503 : i32 to index
      %get3A_2505 = arith.constant 48 : index
      %get3A_2506 = tpu.vector_load %arg15[%get3A_2504, %get3A_2505] {strides = array<i32>} : memref<512x64xf32, #tpu.memory_space<vmem>>, vector<1x16xf32>,
      %get3A_2507 = vector.shape_cast %get3A_2506 : vector<1x16xf32> to vector<16xf32>
      %add3A_2508 = arith.addf %add3A_2499, %get3A_2507 : vector<16xf32>
      %mul3A_2509 = arith.constant 16 : i32
      %mul3A_2510 = arith.muli %mul3A_2509, %scan3A_1995 : i32
      %add3A_2511 = arith.constant 8 : i32
      %add3A_2512 = arith.addi %mul3A_2510, %add3A_2511 : i32
      %get3A_2513 = arith.index_cast %add3A_2512 : i32 to index
      %get3A_2514 = arith.constant 48 : index
      %get3A_2515 = tpu.vector_load %arg15[%get3A_2513, %get3A_2514] {strides = array<i32>} : memref<512x64xf32, #tpu.memory_space<vmem>>, vector<1x16xf32>,
      %get3A_2516 = vector.shape_cast %get3A_2515 : vector<1x16xf32> to vector<16xf32>
      %add3A_2517 = arith.addf %add3A_2508, %get3A_2516 : vector<16xf32>
      %mul3A_2518 = arith.constant 16 : i32
      %mul3A_2519 = arith.muli %mul3A_2518, %scan3A_1995 : i32
      %add3A_2520 = arith.constant 9 : i32
      %add3A_2521 = arith.addi %mul3A_2519, %add3A_2520 : i32
      %get3A_2522 = arith.index_cast %add3A_2521 : i32 to index
      %get3A_2523 = arith.constant 48 : index
      %get3A_2524 = tpu.vector_load %arg15[%get3A_2522, %get3A_2523] {strides = array<i32>} : memref<512x64xf32, #tpu.memory_space<vmem>>, vector<1x16xf32>,
      %get3A_2525 = vector.shape_cast %get3A_2524 : vector<1x16xf32> to vector<16xf32>
      %add3A_2526 = arith.addf %add3A_2517, %get3A_2525 : vector<16xf32>
      %mul3A_2527 = arith.constant 16 : i32
      %mul3A_2528 = arith.muli %mul3A_2527, %scan3A_1995 : i32
      %add3A_2529 = arith.constant 10 : i32
      %add3A_2530 = arith.addi %mul3A_2528, %add3A_2529 : i32
      %get3A_2531 = arith.index_cast %add3A_2530 : i32 to index
      %get3A_2532 = arith.constant 48 : index
      %get3A_2533 = tpu.vector_load %arg15[%get3A_2531, %get3A_2532] {strides = array<i32>} : memref<512x64xf32, #tpu.memory_space<vmem>>, vector<1x16xf32>,
      %get3A_2534 = vector.shape_cast %get3A_2533 : vector<1x16xf32> to vector<16xf32>
      %add3A_2535 = arith.addf %add3A_2526, %get3A_2534 : vector<16xf32>
      %mul3A_2536 = arith.constant 16 : i32
      %mul3A_2537 = arith.muli %mul3A_2536, %scan3A_1995 : i32
      %add3A_2538 = arith.constant 11 : i32
      %add3A_2539 = arith.addi %mul3A_2537, %add3A_2538 : i32
      %get3A_2540 = arith.index_cast %add3A_2539 : i32 to index
      %get3A_2541 = arith.constant 48 : index
      %get3A_2542 = tpu.vector_load %arg15[%get3A_2540, %get3A_2541] {strides = array<i32>} : memref<512x64xf32, #tpu.memory_space<vmem>>, vector<1x16xf32>,
      %get3A_2543 = vector.shape_cast %get3A_2542 : vector<1x16xf32> to vector<16xf32>
      %add3A_2544 = arith.addf %add3A_2535, %get3A_2543 : vector<16xf32>
      %mul3A_2545 = arith.constant 16 : i32
      %mul3A_2546 = arith.muli %mul3A_2545, %scan3A_1995 : i32
      %add3A_2547 = arith.constant 12 : i32
      %add3A_2548 = arith.addi %mul3A_2546, %add3A_2547 : i32
      %get3A_2549 = arith.index_cast %add3A_2548 : i32 to index
      %get3A_2550 = arith.constant 48 : index
      %get3A_2551 = tpu.vector_load %arg15[%get3A_2549, %get3A_2550] {strides = array<i32>} : memref<512x64xf32, #tpu.memory_space<vmem>>, vector<1x16xf32>,
      %get3A_2552 = vector.shape_cast %get3A_2551 : vector<1x16xf32> to vector<16xf32>
      %add3A_2553 = arith.addf %add3A_2544, %get3A_2552 : vector<16xf32>
      %mul3A_2554 = arith.constant 16 : i32
      %mul3A_2555 = arith.muli %mul3A_2554, %scan3A_1995 : i32
      %add3A_2556 = arith.constant 13 : i32
      %add3A_2557 = arith.addi %mul3A_2555, %add3A_2556 : i32
      %get3A_2558 = arith.index_cast %add3A_2557 : i32 to index
      %get3A_2559 = arith.constant 48 : index
      %get3A_2560 = tpu.vector_load %arg15[%get3A_2558, %get3A_2559] {strides = array<i32>} : memref<512x64xf32, #tpu.memory_space<vmem>>, vector<1x16xf32>,
      %get3A_2561 = vector.shape_cast %get3A_2560 : vector<1x16xf32> to vector<16xf32>
      %add3A_2562 = arith.addf %add3A_2553, %get3A_2561 : vector<16xf32>
      %mul3A_2563 = arith.constant 16 : i32
      %mul3A_2564 = arith.muli %mul3A_2563, %scan3A_1995 : i32
      %add3A_2565 = arith.constant 14 : i32
      %add3A_2566 = arith.addi %mul3A_2564, %add3A_2565 : i32
      %get3A_2567 = arith.index_cast %add3A_2566 : i32 to index
      %get3A_2568 = arith.constant 48 : index
      %get3A_2569 = tpu.vector_load %arg15[%get3A_2567, %get3A_2568] {strides = array<i32>} : memref<512x64xf32, #tpu.memory_space<vmem>>, vector<1x16xf32>,
      %get3A_2570 = vector.shape_cast %get3A_2569 : vector<1x16xf32> to vector<16xf32>
      %add3A_2571 = arith.addf %add3A_2562, %get3A_2570 : vector<16xf32>
      %mul3A_2572 = arith.constant 16 : i32
      %mul3A_2573 = arith.muli %mul3A_2572, %scan3A_1995 : i32
      %add3A_2574 = arith.constant 15 : i32
      %add3A_2575 = arith.addi %mul3A_2573, %add3A_2574 : i32
      %get3A_2576 = arith.index_cast %add3A_2575 : i32 to index
      %get3A_2577 = arith.constant 48 : index
      %get3A_2578 = tpu.vector_load %arg15[%get3A_2576, %get3A_2577] {strides = array<i32>} : memref<512x64xf32, #tpu.memory_space<vmem>>, vector<1x16xf32>,
      %get3A_2579 = vector.shape_cast %get3A_2578 : vector<1x16xf32> to vector<16xf32>
      %add3A_2580 = arith.addf %add3A_2571, %get3A_2579 : vector<16xf32>
      %mul3A_2581 = arith.mulf %add3A_2580, %get3A_1998 : vector<16xf32>
      %swap3A_2582 = arith.index_cast %scan3A_1995 : i32 to index
      %swap3A_2583 = arith.constant 48 : index
      %swap3A_2584 = tpu.vector_load %arg18[%swap3A_2582, %swap3A_2583] {strides = array<i32>} : memref<32x64xf32, #tpu.memory_space<vmem>>, vector<1x16xf32>,
      %swap3A_2585 = vector.shape_cast %swap3A_2584 : vector<1x16xf32> to vector<16xf32>
      %swap3A_2586 = vector.shape_cast %mul3A_2581 : vector<16xf32> to vector<1x16xf32>
      tpu.vector_store %arg18[%swap3A_2582, %swap3A_2583], %swap3A_2586 {strides = array<i32>} : memref<32x64xf32, #tpu.memory_space<vmem>>, vector<1x16xf32>,
    }
    %scan3A_1994 = arith.constant 32 : i32
    "tpu.region"() ({
      %run_scoped3A = tpu.sem_alloc : memref<!tpu.dma_semaphore, #tpu.memory_space<semaphore_mem>>
      %dma_start3A = tpu.memref_slice %arg5[%mul3A_3, %add3A_1840] : memref<512x256xf32, #tpu.memory_space<hbm>> -> memref<32x64xf32, #tpu.memory_space<hbm>>
      %dma_start3A_1995 = tpu.memref_slice %arg5[%mul3A_3, %add3A_1840] : memref<512x256xf32, #tpu.memory_space<hbm>> -> memref<32x64xf32, #tpu.memory_space<hbm>>
      tpu.enqueue_dma source(%arg18 : memref<32x64xf32, #tpu.memory_space<vmem>>) target(%dma_start3A_1995 : memref<32x64xf32, #tpu.memory_space<hbm>>) target_semaphore(%run_scoped3A : memref<!tpu.dma_semaphore, #tpu.memory_space<semaphore_mem>>)
      %dma_wait3A = tpu.memref_slice %arg5[%mul3A_3, %add3A_1840] : memref<512x256xf32, #tpu.memory_space<hbm>> -> memref<32x64xf32, #tpu.memory_space<hbm>>
      %dma_wait3A_1996 = tpu.memref_slice %arg5[%mul3A_3, %add3A_1840] : memref<512x256xf32, #tpu.memory_space<hbm>> -> memref<32x64xf32, #tpu.memory_space<hbm>>
      tpu.wait_dma2 semaphore(%run_scoped3A : memref<!tpu.dma_semaphore, #tpu.memory_space<semaphore_mem>>) src(%arg18 : memref<32x64xf32, #tpu.memory_space<vmem>>) dst(%dma_wait3A_1996 : memref<32x64xf32, #tpu.memory_space<hbm>>)
      tpu.yield
    }) : () -> ()
    return
  }
}

</mosaic_0001>

<sc_bundles>
// kernel: kernel.3.cloned.1.call-start
scs
__scs_entry_jumppad:
0x0: {  	(pc) =	sbr.rel $0x88, $3  }
0x1: {  	(tag) =	ssettag $0x0;
	lr =	simm.s32 $0x1  }
0x2: {  	[smem:$0x3F9F] =	sst lr;
	_ =	strace $0xD0000000  }
0x3: {  	_ = 	snop  }
0x4: {  	_ = 	snop  }
0x5: {  	_ = 	snop  }
0x6: {  	_ = 	snop  }
0x7: {  	_ = 	snop  }
__scs_overlays_trampoline_lowered:
0x8: {  	[smem:$0x3FAE] =	sst s0  }
0x9: {  	[smem:$0x3FAF] =	sst s1  }
0xa: {  	[smem:$0x3FB0] =	sst s2  }
0xb: {  	[smem:$0x3FB1] =	sst s3  }
0xc: {  	[smem:$0x3FB2] =	sst s4  }
0xd: {  	[smem:$0x3FB3] =	sst s5  }
0xe: {  	[smem:$0x3FB4] =	sst s6  }
0xf: {  	[smem:$0x3FB5] =	sst s7  }
0x10: {  	[smem:$0x3FB6] =	sst s8  }
0x11: {  	[smem:$0x3FB7] =	sst s9;
	s0 =	simm.s32 @!p0 $0x0  }
0x12: {  	s1 =	sld [smem:$0x3F9D];
	s0 =	simm.s32 @p0 $0x1  }
0x13: {  	[smem:$0x3FB8] =	sst s0;
	s0 =	simm.s32 @!p1 $0x0  }
0x14: {  	s2 =	sld [smem:$0x3F9C];
	s0 =	simm.s32 @p1 $0x1  }
0x15: {  	[smem:$0x3FB9] =	sst s0;
	s0 =	simm.s32 @!p2 $0x0  }
0x16: {  	s3 =	sld [smem:$0x3FDB];
	s0 =	simm.s32 @p2 $0x1  }
0x17: {  	s4 =	simm.s32 $0x1BF5;
	[smem:$0x3FBB] =	sst s0  }
0x18: {  	s0 =	sld [smem:$0x3F9E];
	_ =	swait.ge [sflag:s4], $0x0  }
0x19: {  	s7 =	sld [smem:$0x3F9F]  }
0x1a: {  	s8 =	sadd.s32 $0xFFFFE003, lr  }
0x1b: {  	s9 =	sadd.s32 $0xFFFFFEF7, lr;
	s5 =	simm.s32 $0xFFFFFFFF;
	p2 =	slt.u32 s8, $0xFFFFF086  }
0x1c: {  	p1 =	slt.u32 s9, $0xF7A;
	s5 =	simm.s32 @!p2 $0x0  }
0x1d: {  	s5 =	simm.s32 @p1 $0x1;
	p0 =	seq.s32 s7, s2  }
0x1e: {  	s7 =	smul.u32 @!p0 $0xF7A, s2;
	p2 =	seq.s32 @!p0 s5, $0x0  }
0x1f: {  	s9 =	smul.u32 $0xF7A, s1;
	s8 =	simm.s32 @!p0 $0x1BF5;
	p2 =	por !p2, p0  }
0x20: {  	[sflag:s8] =	ssyncset.s32 @!p0 $0xFFFFF086;
	s6 =	sadd.s32 @!p0 s3, s7;
	s7 =	simm.s32 @!p0 $0x108  }
0x21: {  	s3 =	sadd.s32 s3, s9;
	s6 =	sadd.s32 @!p0 $0x88, s6;
	s7 =	simm.s32 @p2 $0x1082  }
0x22: {  	[simem:s7], [sflag:s8] =	dma.local @!p0 [hbm:s6], $0xF7A  }
0x23: {  	s9 =	sor.u32 $0xD0000000, s2;
	s6 =	simm.s32 $0x108;
	_ =	swait.ge @!p0 [sflag:s8], $0x0  }
0x24: {  	s3 =	sadd.s32 $0x88, s3;
	s6 =	simm.s32 @!p1 $0x1082;
	[sflag:s4] =	ssyncset.s32 $0xFFFFF086  }
0x25: {  	[simem:s6], [sflag:s4] =	dma.local [hbm:s3], $0xF7A  }
0x26: {  	[smem:$0x3F9F] =	sst s1;
	(tag) =	ssettag s2;
	_ =	strace s9  }
0x27: {  	s1 =	sld [smem:$0x3FAF]  }
0x28: {  	s2 =	sld [smem:$0x3FB0]  }
0x29: {  	s4 =	sld [smem:$0x3FB2]  }
0x2a: {  	p0 =	seq.s32 s5, $0x0;
	s5 =	sld [smem:$0x3FB3]  }
0x2b: {  	s6 =	sld [smem:$0x3FB4]  }
0x2c: {  	s7 =	sld [smem:$0x3FB5]  }
0x2d: {  	s3 =	simm.s32 $0x108;
	s8 =	sld [smem:$0x3FB6]  }
0x2e: {  	s3 =	simm.s32 @!p0 $0x1082;
	s9 =	sld [smem:$0x3FB7]  }
0x2f: {  	lr =	sadd.s32 s0, s3;
	s0 =	sld [smem:$0x3FAE]  }
0x30: {  	s3 =	sld [smem:$0x3FB1]  }
0x31: {  	[smem:$0x3FBA] =	sst s10  }
0x32: {  	s10 =	sld [smem:$0x3FB8];
	_ =	sdelay $0x3  }
0x33: {  	p0 =	seq.s32 s10, $0x1;
	s10 =	sld [smem:$0x3FBA];
	_ =	sdelay $0x3  }
0x34: {  	[smem:$0x3FBA] =	sst s10  }
0x35: {  	s10 =	sld [smem:$0x3FB9];
	_ =	sdelay $0x3  }
0x36: {  	p1 =	seq.s32 s10, $0x1;
	s10 =	sld [smem:$0x3FBA];
	_ =	sdelay $0x3  }
0x37: {  	[smem:$0x3FBA] =	sst s10  }
0x38: {  	s10 =	sld [smem:$0x3FBB]  }
0x39: {  	_ = 	snop;
	(pc) =	sbr.ind lr, $3  }
0x3a: {  	_ = 	snop  }
0x3b: {  	_ = 	snop  }
0x3c: {  	p2 =	seq.s32 s10, $0x1;
	s10 =	sld [smem:$0x3FBA]  }
0x3d: {  	_ =	shalt  }
0x3e: {  	_ =	shalt  }
0x3f: {  	_ =	shalt  }
0x40: {  	_ =	shalt  }
0x41: {  	_ =	shalt  }
0x42: {  	_ =	shalt  }
0x43: {  	_ =	shalt  }
0x44: {  	_ =	shalt  }
0x45: {  	_ =	shalt  }
0x46: {  	_ =	shalt  }
0x47: {  	_ =	shalt  }
0x48: {  	_ =	shalt  }
0x49: {  	_ =	shalt  }
0x4a: {  	_ =	shalt  }
0x4b: {  	_ =	shalt  }
0x4c: {  	_ =	shalt  }
0x4d: {  	_ =	shalt  }
0x4e: {  	_ =	shalt  }
0x4f: {  	_ =	shalt  }
0x50: {  	_ =	shalt  }
0x51: {  	_ =	shalt  }
0x52: {  	_ =	shalt  }
0x53: {  	_ =	shalt  }
0x54: {  	_ =	shalt  }
0x55: {  	_ =	shalt  }
0x56: {  	_ =	shalt  }
0x57: {  	_ =	shalt  }
0x58: {  	_ =	shalt  }
0x59: {  	_ =	shalt  }
0x5a: {  	_ =	shalt  }
0x5b: {  	_ =	shalt  }
0x5c: {  	_ =	shalt  }
0x5d: {  	_ =	shalt  }
0x5e: {  	_ =	shalt  }
0x5f: {  	_ =	shalt  }
0x60: {  	_ =	shalt  }
0x61: {  	_ =	shalt  }
0x62: {  	_ =	shalt  }
0x63: {  	_ =	shalt  }
0x64: {  	_ =	shalt  }
0x65: {  	_ =	shalt  }
0x66: {  	_ =	shalt  }
0x67: {  	_ =	shalt  }
0x68: {  	_ =	shalt  }
0x69: {  	_ =	shalt  }
0x6a: {  	_ =	shalt  }
0x6b: {  	_ =	shalt  }
0x6c: {  	_ =	shalt  }
0x6d: {  	_ =	shalt  }
0x6e: {  	_ =	shalt  }
0x6f: {  	_ =	shalt  }
0x70: {  	_ =	shalt  }
0x71: {  	_ =	shalt  }
0x72: {  	_ =	shalt  }
0x73: {  	_ =	shalt  }
0x74: {  	_ =	shalt  }
0x75: {  	_ =	shalt  }
0x76: {  	_ =	shalt  }
0x77: {  	_ =	shalt  }
0x78: {  	_ =	shalt  }
0x79: {  	_ =	shalt  }
0x7a: {  	_ =	shalt  }
0x7b: {  	_ =	shalt  }
0x7c: {  	_ =	shalt  }
0x7d: {  	_ =	shalt  }
0x7e: {  	_ =	shalt  }
0x7f: {  	_ =	shalt  }
0x80: {  	_ =	shalt  }
0x81: {  	_ =	shalt  }
0x82: {  	_ =	shalt  }
0x83: {  	_ =	shalt  }
0x84: {  	_ =	shalt  }
0x85: {  	_ =	shalt  }
0x86: {  	_ =	shalt  }
0x87: {  	_ =	shalt  }
.Lfunc_end0:
.L_simem_size_0:
called_computation.1_lowered:
.L_overlay_start_0:
0x88: {  	s2 =	sld [smem:$0x3FD9]  }
0x89: {  	s3 =	sld [smem:$0x3FFE];
	_ =	sdelay $0x1  }
0x8a: {  	s1 =	srdreg.scid  }
0x8b: {  	s0 =	sand.u32 $0x1, s1  }
0x8c: {  	s17 =	sshll.u32 s0, $0xA;
	s2 =	sadd.s32 s3, s2  }
0x8d: {  	s2 =	sadd.s32 s2, s17  }
0x8e: {  	[smem:$0x3FC6] =	sst s2  }
0x8f: {  	_ = 	snop  }
0x90: {  	s2 =	sld [smem:$0x3FC8]  }
0x91: {  	s18 =	sld [smem:$0x3FD0];
	(tm) =	ssettm $0x1  }
0x92: {  	s4 =	sld [smem:$0x3FFB];
	_ =	sdelay $0x3  }
0x93: {  	_ =	strace s4  }
0x94: {  	s4 =	sld [smem:$0x3FFC];
	_ =	sdelay $0x3  }
0x95: {  	_ =	strace s4  }
0x96: {  	s4 =	sld [smem:$0x3FFD];
	_ =	sdelay $0x3  }
0x97: {  	_ =	strace s4  }
0x98: {  	_ =	strace $0x8FFFFFFF  }
0x99: {  	s19 =	sld [smem:$0x3FDB];
	_ =	sdelay $0x1  }
0x9a: {  	s5 =	simm.s32 $_scs_section_size  }
0x9b: {  	s6 =	simm.s32 $_size__tile_overlayer_lowered;
	s7 =	simm.s32 $_tile_overlayer_lowered  }
0x9c: {  	s22 =	simm.s32 $0x1BFF;
	s21 =	sshll.u32 s7, $0x1;
	s4 =	sadd.s32 s5, s19  }
0x9d: {  	s8 =	simm.s32 $0x0;
	s20 =	sshll.u32 s6, $0x1;
	s6 =	sadd.s32 s21, s4  }
0x9e: {  	[timem:s8], [sflag:s22] =	dma.local [hbm:s6], s20  }
0x9f: {  	_ =	swait.ge [sflag:s22], s20  }
0xa0: {  	s5 =	ssub.s32 $0x0, s20;
	[sflag:s22] =	ssyncset.done $0x0  }
0xa1: {  	[sflag:s22] =	ssyncadd.s32 s5;
	_ =	sdelay $0x1  }
0xa2: {  	s23 =	simm.s32 $0x1B8B  }
0xa3: {  	_ =	swait.ge [sflag:s23], $0x1  }
0xa4: {  	[sflag:s23] =	ssyncset.done $0x0  }
0xa5: {  	s25 =	simm.s32 $0x1B8E;
	s24 =	sld [smem:$0x3FFE];
	[sflag:s23] =	ssyncadd.s32 $0xFFFFFFFF  }
0xa6: {  	s26 =	simm.s32 $execute0_lowered;
	[smem:$0x3FD2] =	sst s25  }
0xa7: {  	s6 =	sshll.u32 s26, $0x1;
	_ =	strace $0x80000049;
	[dreg:$0x1] =	wrdreg $0xFFFFFFFF  }
0xa8: {  	s28 =	simm.s32 $_size_execute0_lowered;
	s4 =	sadd.s32 s4, s6;
	[dreg:$0x0] =	wrdreg $0x0  }
0xa9: {  	s6 =	sshll.u32 s28, $0x1;
	[dreg:$0x2] =	wrdreg s4  }
0xaa: {  	[dreg:$0x3] =	wrdreg s6  }
0xab: {  	[dreg:$0x4] =	wrdreg $0xC0  }
0xac: {  	_ =	task [dreg:s8], $0x5FFFF  }
0xad: {  	[dreg:$0x1] =	wrdreg $0xFFFFFFFF  }
0xae: {  	[dreg:$0x0] =	wrdreg $0x60  }
0xaf: {  	[dreg:$0x2] =	wrdreg s24  }
0xb0: {  	[dreg:$0x3] =	wrdreg s2  }
0xb1: {  	[dreg:$0x4] =	wrdreg s18  }
0xb2: {  	[dreg:$0x5] =	wrdreg $0x0  }
0xb3: {  	[dreg:$0x6] =	wrdreg $0x80000  }
0xb4: {  	[dreg:$0x7] =	wrdreg $0x9  }
0xb5: {  	_ =	task.clear_ibuf [dreg:s8], $0x8FFFF;
	_ =	strace $0x90000049  }
0xb6: {  	s29 =	simm.s32 $0x9;
	_ =	strace $0x8000004B  }
0xb7: {  	_ =	swait.ge [sflag:s29], $0x1  }
0xb8: {  	[sflag:s29] =	ssyncadd.s32 $0xFFFFFFFF  }
0xb9: {  	_ =	strace $0x9000004B  }
0xba: {  	_ =	sfence  }
0xbb: {  	s30 =	sld [smem:$0x0];
	_ =	sdelay $0x2  }
0xbc: {  	s31 =	sshll.u32 s1, $0xD;
	s1 =	sshrl.u32 s1, $0x2  }
0xbd: {  	s3 =	sand.u32 $0x4000, s31;
	s1 =	sadd.s32 s1, s30  }
0xbe: {  	s0 =	sor.u32 s3, s0;
	s1 =	sshll.u32 s1, $0x11  }
0xbf: {  	s0 =	sor.u32 s1, s0  }
0xc0: {  	s0 =	sadd.s32 $0x8F2B, s0  }
0xc1: {  	[sflag:s0] =	ssyncadd.remote.s32 $0x1  }
0xc2: {  	_ =	sfence.sel $0xFFFF  }
0xc3: {  	[dreg:$0x0] =	wrdreg $0xFFFFFFFF;
	(pc) =	sbr.abs _section_cstart, $3  }
0xc4: {  	[dreg:$0x1] =	wrdreg $0xFFFFFFFF  }
0xc5: {  	_ =	task.clear_ibuf [dreg:s8], $0x2FFFF;
	_ =	strace $0x9FFFFFFF  }
0xc6: {  	(tm) =	ssettm $0x7FFFFFFF  }
0xc7: {  	_ =	shalt  }
tec
execute0_lowered:
.L_overlay_start_1:
0x0: {  	(tag) =	ssettag $0x1  }
0x1: {  	s0 =	rddreg [dreg:$0x0]  }
0x2: {  	s4 =	rddreg [dreg:$0x1]  }
0x3: {  	s6 =	rddreg [dreg:$0x2]  }
0x4: {  	s1 =	rddreg [dreg:$0x3]  }
0x5: {  	s2 =	rddreg [dreg:$0x4];
	s3 =	simm.s32 $0x0;
	s5 =	srdreg.scid  }
0x6: {  	s21 =	stileid.u32;
	[smem:$0x7FF] =	sst s3;
	s8 =	sand.u32 $0x1, s5  }
0x7: {  	s5 =	sadd.s32 $0xA00, s0;
	s0 =	sadd.s32 $0x187400, s0;
	s10 =	sshll.u32 s21, $0x4  }
0x8: {  	s20 =	sshll.u32 s21, $0x9;
	s25 =	sshll.u32 s21, $0xD;
	s26 =	sor.u32 $0x180, s21  }
0x9: {  	s4 =	sadd.s32 $0x1860, s4;
	p1 =	sgt.u32 s21, $0x5;
	p2 =	sne.s32 s21, $0xF  }
0xa: {  	_ =	strace $0x8000004A;
	s7 =	ssub.s32 $0x2, s8;
	s6 =	sadd.s32 s6, s10  }
0xb: {  	s11 =	sshll.u32 s8, $0x7;
	s12 =	sor.u32 $0x80, s20;
	s13 =	sor.u32 $0x100, s20  }
0xc: {  	s14 =	sor.u32 $0x180, s20;
	p0 =	sgt.u32 s26, $0x185;
	[dreg:$0x1c] =	wrdreg s4  }
0xd: {  	s9 =	sshrl.u32 s7, $0x1;
	[dreg:$0x6] =	wrdreg s6;
	s6 =	sshll.u32 s21, $0xF  }
0xe: {  	s22 =	sshll.u32 s12, $0x6;
	s15 =	sshll.u32 s13, $0x6;
	s16 =	sshll.u32 s14, $0x6  }
0xf: {  	s17 =	sor.u32 $0x40, s11;
	s19 =	sor.u32 s11, s25;
	s12 =	sshll.u32 s12, $0x4  }
0x10: {  	s9 =	ssub.s32 s7, s9;
	s7 =	sadd.s32 s6, s1;
	s10 =	sadd.s32 s22, s1  }
0x11: {  	s23 =	sadd.s32 s15, s1;
	s24 =	sadd.s32 s16, s1;
	s15 =	sor.u32 s11, s6  }
0x12: {  	s18 =	sor.u32 $0x80000, s6;
	s16 =	sor.u32 s25, s17;
	[dreg:$0x7] =	wrdreg s10  }
0x13: {  	s19 =	sshrl.u32 s19, $0x3;
	s12 =	sadd.s32 s12, s2;
	[dreg:$0x8] =	wrdreg s23  }
0x14: {  	s22 =	sshll.u32 s14, $0x4;
	[dreg:$0x1b] =	wrdreg s24;
	s20 =	sor.u32 s11, s18  }
0x15: {  	s16 =	sshrl.u32 s16, $0x3;
	s19 =	sadd.s32 s0, s19;
	s10 =	sshll.u32 s13, $0x4  }
0x16: {  	[dreg:$0xb] =	wrdreg s12;
	s24 =	sshrl.u32 s15, $0x3;
	s14 =	smax.u32 s9, $0x1  }
0x17: {  	s29 =	sor.u32 $0x100000, s15;
	[dreg:$0x9] =	wrdreg s19;
	s0 =	sadd.s32 s0, s16  }
0x18: {  	s16 =	sor.u32 s17, s18;
	s19 =	sadd.s32 s10, s2;
	[dreg:$0x14] =	wrdreg s14  }
0x19: {  	s23 =	sshrl.u32 s20, $0x3;
	s25 =	sadd.s32 s5, s24;
	[dreg:$0xa] =	wrdreg s0  }
0x1a: {  	s18 =	sor.u32 $0x180040, s15;
	s14 =	simm.s32 $0x80;
	[dreg:$0xc] =	wrdreg s19  }
0x1b: {  	s0 =	sshll.u32 s26, $0xF;
	[dreg:$0xe] =	wrdreg s25;
	s26 =	sadd.s32 s5, s23  }
0x1c: {  	s10 =	sshrl.u32 s16, $0x3;
	s19 =	sor.u32 $0x100040, s15;
	s20 =	sshrl.u32 s18, $0x3  }
0x1d: {  	s18 =	simm.s32 $0x40;
	s11 =	sor.u32 s11, s0;
	s0 =	sor.u32 s17, s0  }
0x1e: {  	s17 =	sor.u32 s6, s17;
	s6 =	sshrl.u32 s6, $0x2;
	[dreg:$0xf] =	wrdreg s26  }
0x1f: {  	s30 =	sadd.s32 s20, s5;
	s20 =	simm.s32 $0x100;
	s13 =	sadd.s32 s6, s2  }
0x20: {  	s6 =	sadd.s32 s22, s2;
	s16 =	sshrl.u32 s11, $0x3;
	s0 =	sshrl.u32 s0, $0x3  }
0x21: {  	s22 =	sshrl.u32 s19, $0x3;
	s19 =	simm.s32 $0xB800;
	[dreg:$0xd] =	wrdreg s6  }
0x22: {  	s6 =	sshll.u32 s8, $0x4;
	s8 =	sshrl.u32 s17, $0x3;
	s0 =	sadd.s32 s5, s0  }
0x23: {  	s17 =	sor.u32 $0x180000, s15;
	s31 =	sadd.s32 s22, s5;
	s23 =	sadd.s32 $0x400, s13  }
0x24: {  	s24 =	sadd.s32 $0xC00, s13;
	s25 =	sadd.s32 $0x1400, s13;
	[dreg:$0x16] =	wrdreg s0  }
0x25: {  	s26 =	sadd.s32 $0x1C00, s13;
	s15 =	simm.s32 $0x6;
	[dreg:$0x17] =	wrdreg s23  }
0x26: {  	s22 =	simm.s32 $0xD900;
	s4 =	sadd.s32 s6, s5;
	[dreg:$0x18] =	wrdreg s24  }
0x27: {  	s6 =	sadd.s32 s5, s8;
	s0 =	sshrl.u32 s17, $0x3;
	[dreg:$0x19] =	wrdreg s25  }
0x28: {  	[dreg:$0x1a] =	wrdreg s26;
	s17 =	simm.s32 $0x12100;
	s23 =	simm.s32 $0x1  }
0x29: {  	s24 =	simm.s32 $0x11900;
	s25 =	simm.s32 $0x3;
	s26 =	simm.s32 $0x2  }
0x2a: {  	[dreg:$0x10] =	wrdreg s6;
	s6 =	sadd.s32 s5, s10;
	s12 =	sadd.s32 $0x186000, s4  }
0x2b: {  	s4 =	sadd.s32 $0x186008, s4;
	s28 =	sadd.s32 s0, s5;
	[dreg:$0x11] =	wrdreg s6  }
0x2c: {  	s0 =	simm.s32 $0x4;
	s10 =	simm.s32 $0xB780;
	[dreg:$0x12] =	wrdreg s12  }
0x2d: {  	[dreg:$0x13] =	wrdreg s4;
	s4 =	sadd.s32 s5, s16;
	s12 =	ssub.s32 $0x186, s21  }
0x2e: {  	v0 =	vlaneseq.u32;
	v1 =	vimm.f32 $0.0e+00;
	v2 =	vimm.f32 $1.000000000e+00;
	s16 =	simm.s32 $0xF900;
	s21 =	simm.s32 $0xB900;
	[dreg:$0x15] =	wrdreg s4  }
.LBB2_1:
0x2f: {  	s4 =	rddreg [dreg:$0x6];
	s6 =	simm.s32 $0x800;
	s8 =	simm.s32 $0xA000  }
0x30: {  	[tilespmem:s8], [sflag:$0x6] =	stream.strided.gather [hbm4b:s4+s14], $0xC80, s6, s14, $0x38;
	[tilespmem:$0x1E8A0] =	vst v63  }
0x31: {  	_ =	swait.ge [sflag:s15], $0xC80  }
0x32: {  	[sflag:s15] =	ssyncset.done $0x0  }
0x33: {  	s6 =	simm.s32 $0x0;
	[sflag:s15] =	ssyncadd.s32 $0xFFFFF380  }
0x34: {  	v3 =	vld [tilespmem:s6+$0xA070]  }
0x35: {  	v5 =	vld [tilespmem:s6+$0xA000]  }
0x36: {  	v9 =	vld [tilespmem:s6+$0xA010]  }
0x37: {  	v7 =	vld [tilespmem:s6+$0xA020]  }
0x38: {  	v6 =	vld [tilespmem:s6+$0xA030]  }
0x39: {  	v4 =	vld [tilespmem:s6+$0xA040];
	v8 =	vshll.u32 v3, $0x4  }
0x3a: {  	v3 =	vld [tilespmem:s6+$0xA050];
	v10 =	vshll.u32 v5, $0x4;
	v11 =	vor.u32 v0, v8  }
0x3b: {  	s4 =	simm.s32 $0x80;
	s8 =	simm.s32 $0x400;
	v5 =	vld [tilespmem:s6+$0xA060];
	v9 =	vshll.u32 v9, $0x4;
	v8 =	vor.u32 v0, v10;
	[tilespmem:s6+$0xACF0] =	vst v11  }
.LBB2_2:
0x3c: {  	p3 =	sne.s32 s8, $0x3000;
	v10 =	vld [tilespmem:s4+$0xA070];
	[tilespmem:s6+$0xAC80] =	vst v8;
	v8 =	vor.u32 v0, v9;
	v7 =	vshll.u32 v7, $0x4  }
0x3d: {  	v9 =	vld [tilespmem:s4+$0xA000];
	[tilespmem:s6+$0xAC90] =	vst v8;
	v7 =	vor.u32 v0, v7;
	v6 =	vshll.u32 v6, $0x4  }
0x3e: {  	v11 =	vld [tilespmem:s4+$0xA010];
	[tilespmem:s6+$0xACA0] =	vst v7;
	v6 =	vor.u32 v0, v6;
	v4 =	vshll.u32 v4, $0x4  }
.Ltmp0:
0x3f: {  	v7 =	vld [tilespmem:s4+$0xA020];
	[tilespmem:s6+$0xACB0] =	vst v6;
	v4 =	vor.u32 v0, v4;
	v3 =	vshll.u32 v3, $0x4;
	(pc) =	sbr.rel @p3 .LBB2_2-.Ltmp0, $4  }
0x40: {  	v6 =	vld [tilespmem:s4+$0xA030];
	[tilespmem:s6+$0xACC0] =	vst v4;
	v3 =	vor.u32 v0, v3;
	v5 =	vshll.u32 v5, $0x4  }
0x41: {  	v4 =	vld [tilespmem:s4+$0xA040];
	v8 =	vshll.u32 v10, $0x4;
	[tilespmem:s6+$0xACD0] =	vst v3;
	v5 =	vor.u32 v0, v5  }
0x42: {  	v9 =	vshll.u32 v9, $0x4;
	v3 =	vld [tilespmem:s4+$0xA050];
	v10 =	vor.u32 v0, v8;
	[tilespmem:s6+$0xACE0] =	vst v5;
	s6 =	smov.u32 s4  }
0x43: {  	s4 =	sshra.s32 s8, $0x2;
	s8 =	sadd.s32 $0x200, s8;
	v8 =	vor.u32 v0, v9;
	v9 =	vshll.u32 v11, $0x4;
	v5 =	vld [tilespmem:s6+$0xA060];
	[tilespmem:s6+$0xACF0] =	vst v10  }
0x44: {  	v10 =	vld [tilespmem:s4+$0xA070];
	[tilespmem:s6+$0xAC80] =	vst v8;
	v57 =	vor.u32 v0, v9;
	v7 =	vshll.u32 v7, $0x4  }
0x45: {  	v58 =	vld [tilespmem:s4+$0xA000];
	[tilespmem:s6+$0xAC90] =	vst v57;
	v7 =	vor.u32 v0, v7;
	v6 =	vshll.u32 v6, $0x4  }
0x46: {  	v8 =	vld [tilespmem:s4+$0xA010];
	[tilespmem:s6+$0xACA0] =	vst v7;
	v6 =	vor.u32 v0, v6;
	v4 =	vshll.u32 v4, $0x4  }
0x47: {  	v7 =	vld [tilespmem:s4+$0xA020];
	[tilespmem:s6+$0xACB0] =	vst v6;
	v4 =	vor.u32 v0, v4;
	v3 =	vshll.u32 v3, $0x4  }
0x48: {  	v6 =	vld [tilespmem:s4+$0xA030];
	[tilespmem:s6+$0xACC0] =	vst v4;
	v3 =	vor.u32 v0, v3;
	v5 =	vshll.u32 v5, $0x4  }
0x49: {  	v4 =	vld [tilespmem:s4+$0xA040];
	[tilespmem:s6+$0xACD0] =	vst v3;
	v3 =	vor.u32 v0, v5;
	v10 =	vshll.u32 v10, $0x4  }
0x4a: {  	v59 =	vld [tilespmem:s4+$0xA050];
	[tilespmem:s6+$0xACE0] =	vst v3;
	v3 =	vshll.u32 v58, $0x4;
	v60 =	vor.u32 v0, v10  }
0x4b: {  	v61 =	vld [tilespmem:s4+$0xA060];
	v3 =	vor.u32 v0, v3;
	v8 =	vshll.u32 v8, $0x4;
	[tilespmem:s4+$0xACF0] =	vst v60  }
0x4c: {  	[tilespmem:s4+$0xAC80] =	vst v3;
	v3 =	vor.u32 v0, v8;
	v7 =	vshll.u32 v7, $0x4  }
0x4d: {  	[tilespmem:s4+$0xAC90] =	vst v3;
	v3 =	vor.u32 v0, v7;
	v6 =	vshll.u32 v6, $0x4  }
0x4e: {  	[tilespmem:s4+$0xACA0] =	vst v3;
	v3 =	vor.u32 v0, v6;
	v4 =	vshll.u32 v4, $0x4  }
0x4f: {  	[tilespmem:s4+$0xACB0] =	vst v3;
	v3 =	vor.u32 v0, v4;
	v62 =	vshll.u32 v59, $0x4  }
0x50: {  	[tilespmem:s4+$0xACC0] =	vst v3;
	v3 =	vor.u32 v0, v62;
	v63 =	vshll.u32 v61, $0x4  }
0x51: {  	[tilespmem:s4+$0xACD0] =	vst v3;
	v3 =	vor.u32 v0, v63  }
0x52: {  	s6 =	simm.s32 $0x100;
	[tilespmem:s4+$0xACE0] =	vst v3;
	s4 =	simm.s32 $0x0  }
.LBB2_4:
0x53: {  	p3 =	sne.s32 s6, $0x7F00;
	[tilespmem:s4+$0xF930] =	vst v1;
	s8 =	smov.u32 s6;
	s6 =	sadd.s32 $0x100, s6  }
.Ltmp1:
0x54: {  	[tilespmem:s4+$0xF920] =	vst v1;
	(pc) =	sbr.rel @p3 .LBB2_4-.Ltmp1, $3  }
0x55: {  	[tilespmem:s4+$0xF900] =	vst v1  }
0x56: {  	[tilespmem:s4+$0xF910] =	vst v1;
	_ =	sdelay $0x1  }
0x57: {  	s4 =	sshra.s32 s8, $0x2  }
0x58: {  	[tilespmem:s4+$0xF930] =	vst v1  }
0x59: {  	[tilespmem:s4+$0xF920] =	vst v1  }
0x5a: {  	[tilespmem:s4+$0xF900] =	vst v1  }
0x5b: {  	[tilespmem:s4+$0xF910] =	vst v1  }
0x5c: {  	[tilespmem:$0x12100] =	vst v1  }
0x5d: {  	[tilespmem:$0x12110] =	vst v1  }
0x5e: {  	[tilespmem:$0x12120] =	vst v1  }
0x5f: {  	[tilespmem:$0x12130] =	vst v1  }
0x60: {  	[tilespmem:$0x12140] =	vst v1  }
0x61: {  	[tilespmem:$0x12150] =	vst v1  }
0x62: {  	[tilespmem:$0x12160] =	vst v1  }
0x63: {  	[tilespmem:$0x12170] =	vst v1  }
0x64: {  	[tilespmem:$0x12180] =	vst v1  }
0x65: {  	[tilespmem:$0x12190] =	vst v1  }
0x66: {  	[tilespmem:$0x121A0] =	vst v1  }
0x67: {  	[tilespmem:$0x121B0] =	vst v1  }
0x68: {  	[tilespmem:$0x121C0] =	vst v1  }
0x69: {  	[tilespmem:$0x121D0] =	vst v1  }
0x6a: {  	[tilespmem:$0x121E0] =	vst v1  }
0x6b: {  	[tilespmem:$0x121F0] =	vst v1  }
0x6c: {  	[tilespmem:$0x12200] =	vst v1  }
0x6d: {  	[tilespmem:$0x12210] =	vst v1  }
0x6e: {  	[tilespmem:$0x12220] =	vst v1  }
0x6f: {  	[tilespmem:$0x12230] =	vst v1  }
0x70: {  	[tilespmem:$0x12240] =	vst v1  }
0x71: {  	[tilespmem:$0x12250] =	vst v1  }
0x72: {  	[tilespmem:$0x12260] =	vst v1  }
0x73: {  	[tilespmem:$0x12270] =	vst v1  }
0x74: {  	[tilespmem:$0x12280] =	vst v1  }
0x75: {  	[tilespmem:$0x12290] =	vst v1  }
0x76: {  	[tilespmem:$0x122A0] =	vst v1  }
0x77: {  	[tilespmem:$0x122B0] =	vst v1  }
0x78: {  	[tilespmem:$0x122C0] =	vst v1  }
0x79: {  	[tilespmem:$0x122D0] =	vst v1  }
0x7a: {  	[tilespmem:$0x122E0] =	vst v1  }
0x7b: {  	[tilespmem:$0x122F0] =	vst v1  }
0x7c: {  	[tilespmem:$0x12300] =	vst v1  }
0x7d: {  	[tilespmem:$0x12310] =	vst v1  }
0x7e: {  	[tilespmem:$0x12320] =	vst v1  }
0x7f: {  	[tilespmem:$0x12330] =	vst v1  }
0x80: {  	[tilespmem:$0x12340] =	vst v1  }
0x81: {  	[tilespmem:$0x12350] =	vst v1  }
0x82: {  	[tilespmem:$0x12360] =	vst v1  }
0x83: {  	[tilespmem:$0x12370] =	vst v1  }
0x84: {  	[tilespmem:$0x12380] =	vst v1  }
0x85: {  	[tilespmem:$0x12390] =	vst v1  }
0x86: {  	[tilespmem:$0x123A0] =	vst v1  }
0x87: {  	[tilespmem:$0x123B0] =	vst v1  }
0x88: {  	[tilespmem:$0x123C0] =	vst v1  }
0x89: {  	[tilespmem:$0x123D0] =	vst v1  }
0x8a: {  	[tilespmem:$0x123E0] =	vst v1  }
0x8b: {  	[tilespmem:$0x123F0] =	vst v1  }
0x8c: {  	[tilespmem:$0x12400] =	vst v1  }
0x8d: {  	[tilespmem:$0x12410] =	vst v1  }
0x8e: {  	[tilespmem:$0x12420] =	vst v1  }
0x8f: {  	[tilespmem:$0x12430] =	vst v1  }
0x90: {  	[tilespmem:$0x12440] =	vst v1  }
0x91: {  	[tilespmem:$0x12450] =	vst v1  }
0x92: {  	[tilespmem:$0x12460] =	vst v1  }
0x93: {  	[tilespmem:$0x12470] =	vst v1  }
0x94: {  	[tilespmem:$0x12480] =	vst v1  }
0x95: {  	[tilespmem:$0x12490] =	vst v1  }
0x96: {  	[tilespmem:$0x124A0] =	vst v1  }
0x97: {  	[tilespmem:$0x124B0] =	vst v1  }
0x98: {  	[tilespmem:$0x124C0] =	vst v1  }
0x99: {  	[tilespmem:$0x124D0] =	vst v1  }
0x9a: {  	[tilespmem:$0x124E0] =	vst v1  }
0x9b: {  	[tilespmem:$0x124F0] =	vst v1  }
0x9c: {  	[tilespmem:$0x11900] =	vst v2  }
0x9d: {  	[tilespmem:$0x11910] =	vst v2  }
0x9e: {  	[tilespmem:$0x11920] =	vst v2  }
0x9f: {  	[tilespmem:$0x11930] =	vst v2  }
0xa0: {  	[tilespmem:$0x11940] =	vst v2  }
0xa1: {  	[tilespmem:$0x11950] =	vst v2  }
0xa2: {  	[tilespmem:$0x11960] =	vst v2  }
0xa3: {  	[tilespmem:$0x11970] =	vst v2  }
0xa4: {  	[tilespmem:$0x11980] =	vst v2  }
0xa5: {  	[tilespmem:$0x11990] =	vst v2  }
0xa6: {  	[tilespmem:$0x119A0] =	vst v2  }
0xa7: {  	[tilespmem:$0x119B0] =	vst v2  }
0xa8: {  	[tilespmem:$0x119C0] =	vst v2  }
0xa9: {  	[tilespmem:$0x119D0] =	vst v2  }
0xaa: {  	[tilespmem:$0x119E0] =	vst v2  }
0xab: {  	[tilespmem:$0x119F0] =	vst v2  }
0xac: {  	[tilespmem:$0x11A00] =	vst v2  }
0xad: {  	[tilespmem:$0x11A10] =	vst v2  }
0xae: {  	[tilespmem:$0x11A20] =	vst v2  }
0xaf: {  	[tilespmem:$0x11A30] =	vst v2  }
0xb0: {  	[tilespmem:$0x11A40] =	vst v2  }
0xb1: {  	[tilespmem:$0x11A50] =	vst v2  }
0xb2: {  	[tilespmem:$0x11A60] =	vst v2  }
0xb3: {  	[tilespmem:$0x11A70] =	vst v2  }
0xb4: {  	[tilespmem:$0x11A80] =	vst v2  }
0xb5: {  	[tilespmem:$0x11A90] =	vst v2  }
0xb6: {  	[tilespmem:$0x11AA0] =	vst v2  }
0xb7: {  	[tilespmem:$0x11AB0] =	vst v2  }
0xb8: {  	[tilespmem:$0x11AC0] =	vst v2  }
0xb9: {  	[tilespmem:$0x11AD0] =	vst v2  }
0xba: {  	[tilespmem:$0x11AE0] =	vst v2  }
0xbb: {  	[tilespmem:$0x11AF0] =	vst v2  }
0xbc: {  	[tilespmem:$0x11B00] =	vst v2  }
0xbd: {  	[tilespmem:$0x11B10] =	vst v2  }
0xbe: {  	[tilespmem:$0x11B20] =	vst v2  }
0xbf: {  	[tilespmem:$0x11B30] =	vst v2  }
0xc0: {  	[tilespmem:$0x11B40] =	vst v2  }
0xc1: {  	[tilespmem:$0x11B50] =	vst v2  }
0xc2: {  	[tilespmem:$0x11B60] =	vst v2  }
0xc3: {  	[tilespmem:$0x11B70] =	vst v2  }
0xc4: {  	[tilespmem:$0x11B80] =	vst v2  }
0xc5: {  	[tilespmem:$0x11B90] =	vst v2  }
0xc6: {  	[tilespmem:$0x11BA0] =	vst v2  }
0xc7: {  	[tilespmem:$0x11BB0] =	vst v2  }
0xc8: {  	[tilespmem:$0x11BC0] =	vst v2  }
0xc9: {  	[tilespmem:$0x11BD0] =	vst v2  }
0xca: {  	[tilespmem:$0x11BE0] =	vst v2  }
0xcb: {  	[tilespmem:$0x11BF0] =	vst v2  }
0xcc: {  	[tilespmem:$0x11C00] =	vst v2  }
0xcd: {  	[tilespmem:$0x11C10] =	vst v2  }
0xce: {  	[tilespmem:$0x11C20] =	vst v2  }
0xcf: {  	[tilespmem:$0x11C30] =	vst v2  }
0xd0: {  	[tilespmem:$0x11C40] =	vst v2  }
0xd1: {  	[tilespmem:$0x11C50] =	vst v2  }
0xd2: {  	[tilespmem:$0x11C60] =	vst v2  }
0xd3: {  	[tilespmem:$0x11C70] =	vst v2  }
0xd4: {  	[tilespmem:$0x11C80] =	vst v2  }
0xd5: {  	[tilespmem:$0x11C90] =	vst v2  }
0xd6: {  	[tilespmem:$0x11CA0] =	vst v2  }
0xd7: {  	[tilespmem:$0x11CB0] =	vst v2  }
0xd8: {  	[tilespmem:$0x11CC0] =	vst v2  }
0xd9: {  	[tilespmem:$0x11CD0] =	vst v2  }
0xda: {  	[tilespmem:$0x11CE0] =	vst v2  }
0xdb: {  	[tilespmem:$0x11CF0] =	vst v2  }
0xdc: {  	[tilespmem:$0x11D00] =	vst v2  }
0xdd: {  	[tilespmem:$0x11D10] =	vst v2  }
0xde: {  	[tilespmem:$0x11D20] =	vst v2  }
0xdf: {  	[tilespmem:$0x11D30] =	vst v2  }
0xe0: {  	[tilespmem:$0x11D40] =	vst v2  }
0xe1: {  	[tilespmem:$0x11D50] =	vst v2  }
0xe2: {  	[tilespmem:$0x11D60] =	vst v2  }
0xe3: {  	[tilespmem:$0x11D70] =	vst v2  }
0xe4: {  	[tilespmem:$0x11D80] =	vst v2  }
0xe5: {  	[tilespmem:$0x11D90] =	vst v2  }
0xe6: {  	[tilespmem:$0x11DA0] =	vst v2  }
0xe7: {  	[tilespmem:$0x11DB0] =	vst v2  }
0xe8: {  	[tilespmem:$0x11DC0] =	vst v2  }
0xe9: {  	[tilespmem:$0x11DD0] =	vst v2  }
0xea: {  	[tilespmem:$0x11DE0] =	vst v2  }
0xeb: {  	[tilespmem:$0x11DF0] =	vst v2  }
0xec: {  	[tilespmem:$0x11E00] =	vst v2  }
0xed: {  	[tilespmem:$0x11E10] =	vst v2  }
0xee: {  	[tilespmem:$0x11E20] =	vst v2  }
0xef: {  	[tilespmem:$0x11E30] =	vst v2  }
0xf0: {  	[tilespmem:$0x11E40] =	vst v2  }
0xf1: {  	[tilespmem:$0x11E50] =	vst v2  }
0xf2: {  	[tilespmem:$0x11E60] =	vst v2  }
0xf3: {  	[tilespmem:$0x11E70] =	vst v2  }
0xf4: {  	[tilespmem:$0x11E80] =	vst v2  }
0xf5: {  	[tilespmem:$0x11E90] =	vst v2  }
0xf6: {  	[tilespmem:$0x11EA0] =	vst v2  }
0xf7: {  	[tilespmem:$0x11EB0] =	vst v2  }
0xf8: {  	[tilespmem:$0x11EC0] =	vst v2  }
0xf9: {  	[tilespmem:$0x11ED0] =	vst v2  }
0xfa: {  	[tilespmem:$0x11EE0] =	vst v2  }
0xfb: {  	[tilespmem:$0x11EF0] =	vst v2  }
0xfc: {  	[tilespmem:$0x11F00] =	vst v2  }
0xfd: {  	[tilespmem:$0x11F10] =	vst v2  }
0xfe: {  	[tilespmem:$0x11F20] =	vst v2  }
0xff: {  	[tilespmem:$0x11F30] =	vst v2  }
0x100: {  	[tilespmem:$0x11F40] =	vst v2  }
0x101: {  	[tilespmem:$0x11F50] =	vst v2  }
0x102: {  	[tilespmem:$0x11F60] =	vst v2  }
0x103: {  	[tilespmem:$0x11F70] =	vst v2  }
0x104: {  	[tilespmem:$0x11F80] =	vst v2  }
0x105: {  	[tilespmem:$0x11F90] =	vst v2  }
0x106: {  	[tilespmem:$0x11FA0] =	vst v2  }
0x107: {  	[tilespmem:$0x11FB0] =	vst v2  }
0x108: {  	[tilespmem:$0x11FC0] =	vst v2  }
0x109: {  	[tilespmem:$0x11FD0] =	vst v2  }
0x10a: {  	[tilespmem:$0x11FE0] =	vst v2  }
0x10b: {  	[tilespmem:$0x11FF0] =	vst v2  }
0x10c: {  	[tilespmem:$0x12000] =	vst v2  }
0x10d: {  	[tilespmem:$0x12010] =	vst v2  }
0x10e: {  	[tilespmem:$0x12020] =	vst v2  }
0x10f: {  	[tilespmem:$0x12030] =	vst v2  }
0x110: {  	[tilespmem:$0x12040] =	vst v2  }
0x111: {  	[tilespmem:$0x12050] =	vst v2  }
0x112: {  	[tilespmem:$0x12060] =	vst v2  }
0x113: {  	[tilespmem:$0x12070] =	vst v2  }
0x114: {  	[tilespmem:$0x12080] =	vst v2  }
0x115: {  	[tilespmem:$0x12090] =	vst v2  }
0x116: {  	[tilespmem:$0x120A0] =	vst v2  }
0x117: {  	[tilespmem:$0x120B0] =	vst v2  }
0x118: {  	[tilespmem:$0x120C0] =	vst v2  }
0x119: {  	[tilespmem:$0x120D0] =	vst v2  }
0x11a: {  	[tilespmem:$0x120E0] =	vst v2  }
0x11b: {  	[tilespmem:$0x120F0] =	vst v2  }
0x11c: {  	[tilespmem:$0x1E3A0] =	vst v2  }
0x11d: {  	[tilespmem:$0x1E3B0] =	vst v2  }
0x11e: {  	[tilespmem:$0x1E3C0] =	vst v2  }
0x11f: {  	[tilespmem:$0x1E3D0] =	vst v2  }
0x120: {  	[tilespmem:$0x1E3E0] =	vst v2  }
0x121: {  	[tilespmem:$0x1E3F0] =	vst v2  }
0x122: {  	[tilespmem:$0x1E400] =	vst v2  }
0x123: {  	[tilespmem:$0x1E410] =	vst v2  }
0x124: {  	[tilespmem:$0x1E420] =	vst v2  }
0x125: {  	[tilespmem:$0x1E430] =	vst v2  }
0x126: {  	[tilespmem:$0x1E440] =	vst v2  }
0x127: {  	[tilespmem:$0x1E450] =	vst v2  }
0x128: {  	[tilespmem:$0x1E460] =	vst v2  }
0x129: {  	[tilespmem:$0x1E470] =	vst v2  }
0x12a: {  	[tilespmem:$0x1E480] =	vst v2  }
0x12b: {  	[tilespmem:$0x1E490] =	vst v2  }
0x12c: {  	[tilespmem:$0x1E4A0] =	vst v2  }
0x12d: {  	[tilespmem:$0x1E4B0] =	vst v2  }
0x12e: {  	[tilespmem:$0x1E4C0] =	vst v2  }
0x12f: {  	[tilespmem:$0x1E4D0] =	vst v2  }
0x130: {  	[tilespmem:$0x1E4E0] =	vst v2  }
0x131: {  	[tilespmem:$0x1E4F0] =	vst v2  }
0x132: {  	[tilespmem:$0x1E500] =	vst v2  }
0x133: {  	[tilespmem:$0x1E510] =	vst v2  }
0x134: {  	[tilespmem:$0x1E520] =	vst v2  }
0x135: {  	[tilespmem:$0x1E530] =	vst v2  }
0x136: {  	[tilespmem:$0x1E540] =	vst v2  }
0x137: {  	[tilespmem:$0x1E550] =	vst v2  }
0x138: {  	[tilespmem:$0x1E560] =	vst v2  }
0x139: {  	[tilespmem:$0x1E570] =	vst v2  }
0x13a: {  	[tilespmem:$0x1E580] =	vst v2  }
0x13b: {  	[tilespmem:$0x1E590] =	vst v2  }
0x13c: {  	[tilespmem:$0x1E5A0] =	vst v2  }
0x13d: {  	[tilespmem:$0x1E5B0] =	vst v2  }
0x13e: {  	[tilespmem:$0x1E5C0] =	vst v2  }
0x13f: {  	[tilespmem:$0x1E5D0] =	vst v2  }
0x140: {  	[tilespmem:$0x1E5E0] =	vst v2  }
0x141: {  	[tilespmem:$0x1E5F0] =	vst v2  }
0x142: {  	[tilespmem:$0x1E600] =	vst v2  }
0x143: {  	[tilespmem:$0x1E610] =	vst v2  }
0x144: {  	[tilespmem:$0x1E620] =	vst v2  }
0x145: {  	[tilespmem:$0x1E630] =	vst v2  }
0x146: {  	[tilespmem:$0x1E640] =	vst v2  }
0x147: {  	[tilespmem:$0x1E650] =	vst v2  }
0x148: {  	[tilespmem:$0x1E660] =	vst v2  }
0x149: {  	[tilespmem:$0x1E670] =	vst v2  }
0x14a: {  	[tilespmem:$0x1E680] =	vst v2  }
0x14b: {  	[tilespmem:$0x1E690] =	vst v2  }
0x14c: {  	[tilespmem:$0x1E6A0] =	vst v2  }
0x14d: {  	[tilespmem:$0x1E6B0] =	vst v2  }
0x14e: {  	[tilespmem:$0x1E6C0] =	vst v2  }
0x14f: {  	[tilespmem:$0x1E6D0] =	vst v2  }
0x150: {  	[tilespmem:$0x1E6E0] =	vst v2  }
0x151: {  	[tilespmem:$0x1E6F0] =	vst v2  }
0x152: {  	[tilespmem:$0x1E700] =	vst v2  }
0x153: {  	[tilespmem:$0x1E710] =	vst v2  }
0x154: {  	[tilespmem:$0x1E720] =	vst v2  }
0x155: {  	[tilespmem:$0x1E730] =	vst v2  }
0x156: {  	[tilespmem:$0x1E740] =	vst v2  }
0x157: {  	[tilespmem:$0x1E750] =	vst v2  }
0x158: {  	[tilespmem:$0x1E760] =	vst v2  }
0x159: {  	[tilespmem:$0x1E770] =	vst v2  }
0x15a: {  	[tilespmem:$0x1E780] =	vst v2  }
0x15b: {  	[tilespmem:$0x1E790] =	vst v2  }
0x15c: {  	[tilespmem:$0x1E7A0] =	vst v2  }
0x15d: {  	[tilespmem:$0x1E7B0] =	vst v2  }
0x15e: {  	[tilespmem:$0x1E7C0] =	vst v2  }
0x15f: {  	[tilespmem:$0x1E7D0] =	vst v2  }
0x160: {  	[tilespmem:$0x1E7E0] =	vst v2  }
0x161: {  	[tilespmem:$0x1E7F0] =	vst v2  }
0x162: {  	[tilespmem:$0x1E800] =	vst v2  }
0x163: {  	[tilespmem:$0x1E810] =	vst v2  }
0x164: {  	[tilespmem:$0x1E820] =	vst v2  }
0x165: {  	[tilespmem:$0x1E830] =	vst v2  }
0x166: {  	[tilespmem:$0x1E840] =	vst v2  }
0x167: {  	[tilespmem:$0x1E850] =	vst v2  }
0x168: {  	[tilespmem:$0x1E860] =	vst v2  }
0x169: {  	[tilespmem:$0x1E870] =	vst v2  }
0x16a: {  	[tilespmem:$0x1E880] =	vst v2  }
0x16b: {  	[tilespmem:$0x1E890] =	vst v2  }
0x16c: {  	[spmem:s7] =	stream.linear.scatter [tilespmem:s16], [sflag:$0x6], $0x2000, $0x38;
	[tilespmem:$0x1E8A0] =	vst v63  }
0x16d: {  	_ =	swait.ge [sflag:s15], $0x2000  }
0x16e: {  	[sflag:s15] =	ssyncset.done $0x0  }
0x16f: {  	s8 =	rddreg [dreg:$0x7];
	[sflag:s15] =	ssyncadd.s32 $0xFFFFE000  }
0x170: {  	[spmem:s8] =	stream.linear.scatter [tilespmem:s16], [sflag:$0x6], $0x2000, $0x38;
	[tilespmem:$0x1E8A0] =	vst v63  }
0x171: {  	_ =	swait.ge [sflag:s15], $0x2000  }
0x172: {  	[sflag:s15] =	ssyncset.done $0x0  }
0x173: {  	s9 =	rddreg [dreg:$0x8];
	[sflag:s15] =	ssyncadd.s32 $0xFFFFE000  }
0x174: {  	[spmem:s9] =	stream.linear.scatter [tilespmem:s16], [sflag:$0x6], $0x2000, $0x38;
	[tilespmem:$0x1E8A0] =	vst v63  }
0x175: {  	_ =	swait.ge [sflag:s15], $0x2000  }
0x176: {  	[sflag:s15] =	ssyncset.done $0x0  }
0x177: {  	s11 =	rddreg [dreg:$0x1b];
	[sflag:s15] =	ssyncadd.s32 $0xFFFFE000  }
0x178: {  	[spmem:s11] =	stream.linear.scatter [tilespmem:s16], [sflag:$0x6], $0x2000, $0x38;
	[tilespmem:$0x1E8A0] =	vst v63  }
0x179: {  	_ =	swait.ge [sflag:s15], $0x2000  }
0x17a: {  	[sflag:s15] =	ssyncset.done $0x0  }
0x17b: {  	[sflag:s15] =	ssyncadd.s32 $0xFFFFE000  }
0x17c: {  	[spmem:s13] =	stream.linear.scatter [tilespmem:s17], [sflag:$0x6], $0x400, $0x38;
	[tilespmem:$0x1E8A0] =	vst v63  }
0x17d: {  	_ =	swait.ge [sflag:s15], $0x400  }
0x17e: {  	[sflag:s15] =	ssyncset.done $0x0  }
0x17f: {  	s6 =	rddreg [dreg:$0x17];
	[sflag:s15] =	ssyncadd.s32 $0xFFFFFC00  }
0x180: {  	[spmem:s6] =	stream.linear.scatter [tilespmem:s17], [sflag:$0x6], $0x400, $0x38;
	[tilespmem:$0x1E8A0] =	vst v63  }
0x181: {  	_ =	swait.ge [sflag:s15], $0x400  }
0x182: {  	[sflag:s15] =	ssyncset.done $0x0  }
0x183: {  	s8 =	rddreg [dreg:$0xb];
	[sflag:s15] =	ssyncadd.s32 $0xFFFFFC00  }
0x184: {  	[spmem:s8] =	stream.linear.scatter [tilespmem:s17], [sflag:$0x6], $0x400, $0x38;
	[tilespmem:$0x1E8A0] =	vst v63  }
0x185: {  	_ =	swait.ge [sflag:s15], $0x400  }
0x186: {  	[sflag:s15] =	ssyncset.done $0x0  }
0x187: {  	s9 =	rddreg [dreg:$0x18];
	[sflag:s15] =	ssyncadd.s32 $0xFFFFFC00  }
0x188: {  	[spmem:s9] =	stream.linear.scatter [tilespmem:s17], [sflag:$0x6], $0x400, $0x38;
	[tilespmem:$0x1E8A0] =	vst v63  }
0x189: {  	_ =	swait.ge [sflag:s15], $0x400  }
0x18a: {  	[sflag:s15] =	ssyncset.done $0x0  }
0x18b: {  	s11 =	rddreg [dreg:$0xc];
	[sflag:s15] =	ssyncadd.s32 $0xFFFFFC00  }
0x18c: {  	[spmem:s11] =	stream.linear.scatter [tilespmem:s17], [sflag:$0x6], $0x400, $0x38;
	[tilespmem:$0x1E8A0] =	vst v63  }
0x18d: {  	_ =	swait.ge [sflag:s15], $0x400  }
0x18e: {  	[sflag:s15] =	ssyncset.done $0x0  }
0x18f: {  	s6 =	rddreg [dreg:$0x19];
	[sflag:s15] =	ssyncadd.s32 $0xFFFFFC00  }
0x190: {  	[spmem:s6] =	stream.linear.scatter [tilespmem:s17], [sflag:$0x6], $0x400, $0x38;
	[tilespmem:$0x1E8A0] =	vst v63  }
0x191: {  	_ =	swait.ge [sflag:s15], $0x400  }
0x192: {  	[sflag:s15] =	ssyncset.done $0x0  }
0x193: {  	s8 =	rddreg [dreg:$0xd];
	[sflag:s15] =	ssyncadd.s32 $0xFFFFFC00  }
0x194: {  	[spmem:s8] =	stream.linear.scatter [tilespmem:s17], [sflag:$0x6], $0x400, $0x38;
	[tilespmem:$0x1E8A0] =	vst v63  }
0x195: {  	_ =	swait.ge [sflag:s15], $0x400  }
0x196: {  	[sflag:s15] =	ssyncset.done $0x0  }
0x197: {  	s9 =	rddreg [dreg:$0x1a];
	[sflag:s15] =	ssyncadd.s32 $0xFFFFFC00  }
0x198: {  	[spmem:s9] =	stream.linear.scatter [tilespmem:s17], [sflag:$0x6], $0x400, $0x38;
	[tilespmem:$0x1E8A0] =	vst v63  }
0x199: {  	_ =	swait.ge [sflag:s15], $0x400  }
0x19a: {  	[sflag:s15] =	ssyncset.done $0x0  }
0x19b: {  	[sflag:s15] =	ssyncadd.s32 $0xFFFFFC00  }
0x19c: {  	[bflag:$0x0] =	sbarrier.arrive $0xFFFF  }
0x19d: {  	s11 =	rddreg [dreg:$0xe]  }
0x19e: {  	[tilespmem:s21], [sflag:$0x1] =	stream.strided.gather [hbm4b:s11+s18], $0x2000, s20, s18, $0x38;
	[tilespmem:$0x1E8A0] =	vst v63  }
0x19f: {  	s6 =	rddreg [dreg:$0xf]  }
0x1a0: {  	[tilespmem:s22], [sflag:$0x2] =	stream.strided.gather [hbm4b:s6+s18], $0x2000, s20, s18, $0x38;
	[tilespmem:$0x1E8A0] =	vst v63  }
0x1a1: {  	_ =	swait.ge [sflag:s23], $0x2000  }
0x1a2: {  	[sflag:s23] =	ssyncset.done $0x0  }
0x1a3: {  	s8 =	simm.s32 $0xAC80;
	[sflag:s23] =	ssyncadd.s32 $0xFFFFE000  }
0x1a4: {  	[spmem:s1] =	stream.indirect.scatter.add.f32 [tilespmem:s21], [sflag:$0x3], $0x40, s8, s14, $0xb8;
	[tilespmem:$0x1E8A0] =	vst v63  }
0x1a5: {  	_ = 	snop  }
0x1a6: {  	[spmem:s2] =	stream.indirect.scatter.add.f32 [tilespmem:s24], [sflag:$0x5], $0x10, s8, s14, $0xb8;
	[tilespmem:$0x1E8A0] =	vst v63  }
0x1a7: {  	_ =	swait.ge [sflag:s25], $0x2000  }
0x1a8: {  	s9 =	sshrl.u32 s29, $0x3;
	[sflag:s25] =	ssyncset.done $0x0  }
0x1a9: {  	s4 =	sadd.s32 s5, s9;
	[sflag:s25] =	ssyncadd.s32 $0xFFFFE000  }
0x1aa: {  	[tilespmem:s21], [sflag:$0x1] =	stream.strided.gather [hbm4b:s4+s18], $0x2000, s20, s18, $0x38;
	[tilespmem:$0x1E8A0] =	vst v63  }
0x1ab: {  	_ =	swait.ge [sflag:s26], $0x2000  }
0x1ac: {  	[sflag:s26] =	ssyncset.done $0x0  }
0x1ad: {  	s11 =	simm.s32 $0xAD00;
	[sflag:s26] =	ssyncadd.s32 $0xFFFFE000  }
0x1ae: {  	[spmem:s1] =	stream.indirect.scatter.add.f32 [tilespmem:s22], [sflag:$0x4], $0x40, s11, s14, $0xb8;
	[tilespmem:$0x1E8A0] =	vst v63  }
0x1af: {  	_ = 	snop  }
0x1b0: {  	[spmem:s2] =	stream.indirect.scatter.add.f32 [tilespmem:s24], [sflag:$0x5], $0x10, s11, s14, $0xb8;
	[tilespmem:$0x1E8A0] =	vst v63  }
0x1b1: {  	_ =	swait.ge [sflag:s0], $0x2000  }
0x1b2: {  	s9 =	sadd.s32 $0x0, s28;
	s6 =	simm.s32 $0xAE00;
	[sflag:s0] =	ssyncset.done $0x0  }
0x1b3: {  	s8 =	sadd.s32 $0x100000, s29;
	s4 =	simm.s32 $0x20000;
	[sflag:s0] =	ssyncadd.s32 $0xFFFFE000  }
.LBB2_6:
0x1b4: {  	[tilespmem:s22], [sflag:$0x2] =	stream.strided.gather [hbm4b:s9+s18], $0x2000, s20, s18, $0x38;
	[tilespmem:$0x1E8A0] =	vst v63  }
0x1b5: {  	s9 =	smov.u32 s4  }
0x1b6: {  	p3 =	sne.s32 s4, $0x140000;
	s4 =	sadd.s32 $0x20000, s4;
	_ =	swait.ge [sflag:s23], $0x2000  }
0x1b7: {  	[sflag:s23] =	ssyncset.done $0x0  }
0x1b8: {  	s11 =	sadd.s32 $0xFFFFFF80, s6;
	[sflag:s23] =	ssyncadd.s32 $0xFFFFE000  }
0x1b9: {  	[spmem:s1] =	stream.indirect.scatter.add.f32 [tilespmem:s21], [sflag:$0x3], $0x40, s11, s14, $0xb8;
	[tilespmem:$0x1E8A0] =	vst v63  }
0x1ba: {  	_ = 	snop  }
0x1bb: {  	[spmem:s2] =	stream.indirect.scatter.add.f32 [tilespmem:s24], [sflag:$0x5], $0x10, s11, s14, $0xb8;
	[tilespmem:$0x1E8A0] =	vst v63  }
0x1bc: {  	_ =	swait.ge [sflag:s25], $0x2000  }
0x1bd: {  	s11 =	sshrl.u32 s8, $0x3;
	[sflag:s25] =	ssyncset.done $0x0  }
0x1be: {  	s11 =	sadd.s32 s5, s11;
	[sflag:s25] =	ssyncadd.s32 $0xFFFFE000  }
0x1bf: {  	[tilespmem:s21], [sflag:$0x1] =	stream.strided.gather [hbm4b:s11+s18], $0x2000, s20, s18, $0x38;
	[tilespmem:$0x1E8A0] =	vst v63  }
0x1c0: {  	_ =	swait.ge [sflag:s26], $0x2000  }
0x1c1: {  	[sflag:s26] =	ssyncset.done $0x0  }
0x1c2: {  	[sflag:s26] =	ssyncadd.s32 $0xFFFFE000  }
0x1c3: {  	[spmem:s1] =	stream.indirect.scatter.add.f32 [tilespmem:s22], [sflag:$0x4], $0x40, s6, s14, $0xb8;
	[tilespmem:$0x1E8A0] =	vst v63  }
.Ltmp2:
0x1c4: {  	(pc) =	sbr.rel @p3 .LBB2_6-.Ltmp2, $4  }
0x1c5: {  	[spmem:s2] =	stream.indirect.scatter.add.f32 [tilespmem:s24], [sflag:$0x5], $0x10, s6, s14, $0xb8;
	[tilespmem:$0x1E8A0] =	vst v63  }
0x1c6: {  	_ =	swait.ge [sflag:s0], $0x2000  }
0x1c7: {  	s6 =	sadd.s32 $0x100, s6;
	[sflag:s0] =	ssyncset.done $0x0  }
0x1c8: {  	s9 =	sadd.s32 s9, s28;
	s8 =	sadd.s32 $0x100000, s8;
	[sflag:s0] =	ssyncadd.s32 $0xFFFFE000  }
0x1c9: {  	[tilespmem:s22], [sflag:$0x2] =	stream.strided.gather [hbm4b:s9+s18], $0x2000, s20, s18, $0x38;
	[tilespmem:$0x1E8A0] =	vst v63  }
0x1ca: {  	_ =	swait.ge [sflag:s23], $0x2000  }
0x1cb: {  	[sflag:s23] =	ssyncset.done $0x0  }
0x1cc: {  	s4 =	simm.s32 $0xB780;
	[sflag:s23] =	ssyncadd.s32 $0xFFFFE000  }
0x1cd: {  	[spmem:s1] =	stream.indirect.scatter.add.f32 [tilespmem:s21], [sflag:$0x3], $0x40, s4, s14, $0xb8;
	[tilespmem:$0x1E8A0] =	vst v63  }
0x1ce: {  	_ = 	snop  }
0x1cf: {  	[spmem:s2] =	stream.indirect.scatter.add.f32 [tilespmem:s24], [sflag:$0x5], $0x10, s4, s14, $0xb8;
	[tilespmem:$0x1E8A0] =	vst v63  }
0x1d0: {  	s4 =	simm.s32 @!p0 $0x3  }
0x1d1: {  	_ =	swait.ge @!p0 [sflag:s4], $0x2000  }
0x1d2: {  	s6 =	simm.s32 @!p0 $0x100;
	s8 =	simm.s32 @!p0 $0xB900;
	[sflag:s4] =	ssyncset.done @!p0 $0x0  }
0x1d3: {  	s9 =	rddreg [dreg:$0x15];
	[sflag:s4] =	ssyncadd.s32 @!p0 $0xFFFFE000;
	s4 =	simm.s32 @!p0 $0x40  }
0x1d4: {  	[tilespmem:s8], [sflag:$0x1] =	stream.strided.gather @!p0 [hbm4b:s9+s4], $0x2000, s6, s4, $0x38;
	[tilespmem:$0x1E8A0] =	vst v63  }
0x1d5: {  	_ =	swait.ge [sflag:s26], $0x2000  }
0x1d6: {  	[sflag:s26] =	ssyncset.done $0x0  }
0x1d7: {  	s11 =	simm.s32 $0xB800;
	[sflag:s26] =	ssyncadd.s32 $0xFFFFE000  }
0x1d8: {  	[spmem:s1] =	stream.indirect.scatter.add.f32 [tilespmem:s22], [sflag:$0x4], $0x40, s11, s14, $0xb8;
	[tilespmem:$0x1E8A0] =	vst v63  }
0x1d9: {  	s4 =	simm.s32 @!p1 $0x1  }
0x1da: {  	[spmem:s2] =	stream.indirect.scatter.add.f32 [tilespmem:s24], [sflag:$0x5], $0x10, s11, s14, $0xb8;
	[tilespmem:$0x1E8A0] =	vst v63  }
0x1db: {  	_ =	swait.ge @!p1 [sflag:s4], $0x2000  }
0x1dc: {  	s6 =	simm.s32 @!p1 $0xB880;
	[sflag:s4] =	ssyncset.done @!p1 $0x0  }
0x1dd: {  	s8 =	simm.s32 @!p1 $0xB900;
	[sflag:s4] =	ssyncadd.s32 @!p1 $0xFFFFE000;
	s4 =	simm.s32 @!p1 $0x80  }
0x1de: {  	[spmem:s1] =	stream.indirect.scatter.add.f32 @!p1 [tilespmem:s8], [sflag:$0x3], $0x40, s6, s4, $0xb8;
	[tilespmem:$0x1E8A0] =	vst v63  }
0x1df: {  	s8 =	simm.s32 @!p1 $0x11900  }
0x1e0: {  	[spmem:s2] =	stream.indirect.scatter.add.f32 @!p1 [tilespmem:s8], [sflag:$0x5], $0x10, s6, s4, $0xb8;
	[tilespmem:$0x1E8A0] =	vst v63  }
0x1e1: {  	_ =	swait.ge [sflag:s25], $0x2000  }
0x1e2: {  	[sflag:s25] =	ssyncset.done $0x0  }
0x1e3: {  	[sflag:s25] =	ssyncadd.s32 $0xFFFFE000  }
0x1e4: {  	_ =	swait.ge [sflag:s0], $0x2000  }
0x1e5: {  	p3 =	sle.u32 s12, $0x0;
	[sflag:s0] =	ssyncset.done $0x0  }
0x1e6: {  	s6 =	simm.s32 @!p3 $0x5;
	[sflag:s0] =	ssyncadd.s32 $0xFFFFE000  }
0x1e7: {  	_ =	swait.ge @!p3 [sflag:s6], $0x800  }
0x1e8: {  	s4 =	simm.s32 $0x10;
	[sflag:s6] =	ssyncset.done @!p3 $0x0  }
.LBB2_8:
0x1e9: {  	[sflag:s6] =	ssyncadd.s32 @!p3 $0xFFFFF800;
	s6 =	smov.u32 s4;
	s4 =	sadd.s32 $0x10, s4  }
0x1ea: {  	p4 =	sne.s32 s4, $0x190  }
.Ltmp3:
0x1eb: {  	(pc) =	sbr.rel @p4 .LBB2_8-.Ltmp3, $4  }
0x1ec: {  	p3 =	sge.u32 s6, s12  }
0x1ed: {  	s6 =	simm.s32 @!p3 $0x5  }
0x1ee: {  	_ =	swait.ge @!p3 [sflag:s6], $0x800  }
0x1ef: {  	[sflag:s6] =	ssyncset.done @!p3 $0x0  }
0x1f0: {  	[sflag:s6] =	ssyncadd.s32 @!p3 $0xFFFFF800  }
0x1f1: {  	s4 =	simm.s32 @!p2 $0x0;
	s6 =	simm.s32 @!p2 $0x1CF00;
	s8 =	rddreg [dreg:$0x1c]  }
0x1f2: {  	[tilespmem:s6], [sflag:$0x6] =	stream.linear.gather @!p2 [hbm4b:s8+s4], $0x50, $0x38;
	[tilespmem:$0x1E8A0] =	vst v63  }
0x1f3: {  	s4 =	simm.s32 @!p2 $0x6  }
0x1f4: {  	_ =	swait.ge @!p2 [sflag:s4], $0x50  }
0x1f5: {  	s9 =	simm.s32 @!p2 $0x1CFA0;
	s6 =	simm.s32 @!p2 $0x40;
	[sflag:s4] =	ssyncset.done @!p2 $0x0  }
0x1f6: {  	s8 =	simm.s32 @!p2 $0x100;
	s11 =	rddreg [dreg:$0x12];
	[sflag:s4] =	ssyncadd.s32 @!p2 $0xFFFFFFB0  }
0x1f7: {  	[tilespmem:s9], [sflag:$0x6] =	stream.strided.gather @!p2 [hbm4b:s11+s6], $0x1400, s8, s6, $0x38;
	[tilespmem:$0x1E8A0] =	vst v63  }
0x1f8: {  	_ =	swait.ge @!p2 [sflag:s4], $0x1400  }
0x1f9: {  	[sflag:s4] =	ssyncset.done @!p2 $0x0  }
0x1fa: {  	[sflag:s4] =	ssyncadd.s32 @!p2 $0xFFFFEC00  }
0x1fb: {  	v3 =	vld @!p2 [tilespmem:$0x1CF00]  }
0x1fc: {  	v4 =	vld @!p2 [tilespmem:$0x1CF10]  }
0x1fd: {  	v5 =	vld @!p2 [tilespmem:$0x1CF20]  }
0x1fe: {  	v6 =	vld @!p2 [tilespmem:$0x1CF30]  }
0x1ff: {  	v7 =	vld @!p2 [tilespmem:$0x1CF40]  }
0x200: {  	v8 =	vlaneseq.u32 @!p2;
	v3 =	vshll.u32 @!p2 v3, $0x4  }
0x201: {  	v4 =	vshll.u32 @!p2 v4, $0x4;
	v3 =	vor.u32 @!p2 v8, v3  }
0x202: {  	[tilespmem:$0x1CF50] =	vst @!p2 v3;
	v3 =	vor.u32 @!p2 v8, v4;
	v4 =	vshll.u32 @!p2 v5, $0x4  }
0x203: {  	[tilespmem:$0x1CF60] =	vst @!p2 v3;
	v3 =	vor.u32 @!p2 v8, v4;
	v4 =	vshll.u32 @!p2 v6, $0x4  }
0x204: {  	[tilespmem:$0x1CF70] =	vst @!p2 v3;
	v3 =	vor.u32 @!p2 v8, v4;
	v4 =	vshll.u32 @!p2 v7, $0x4  }
0x205: {  	[tilespmem:$0x1CF80] =	vst @!p2 v3;
	v3 =	vor.u32 @!p2 v8, v4  }
0x206: {  	s6 =	simm.s32 @!p2 $0x50;
	s8 =	simm.s32 @!p2 $0x1CF50;
	[tilespmem:$0x1CF90] =	vst @!p2 v3  }
0x207: {  	[spmem:s1] =	stream.indirect.scatter.add.f32 @!p2 [tilespmem:s9], [sflag:$0x6], $0x40, s8, s6, $0xb8;
	[tilespmem:$0x1E8A0] =	vst v63  }
0x208: {  	_ =	swait.ge @!p2 [sflag:s4], $0x1400  }
0x209: {  	[sflag:s4] =	ssyncset.done @!p2 $0x0  }
0x20a: {  	s9 =	simm.s32 @!p2 $0x1E3A0;
	[sflag:s4] =	ssyncadd.s32 @!p2 $0xFFFFEC00  }
0x20b: {  	[spmem:s2] =	stream.indirect.scatter.add.f32 @!p2 [tilespmem:s9], [sflag:$0x6], $0x10, s8, s6, $0xb8;
	[tilespmem:$0x1E8A0] =	vst v63  }
0x20c: {  	_ =	swait.ge @!p2 [sflag:s4], $0x500  }
0x20d: {  	[sflag:s4] =	ssyncset.done @!p2 $0x0  }
0x20e: {  	[sflag:s4] =	ssyncadd.s32 @!p2 $0xFFFFFB00  }
0x20f: {  	s9 =	simm.s32 $0x12500;
	[bflag:$0x0] =	sbarrier.arrive $0xFFFF  }
0x210: {  	[tilespmem:s9], [sflag:$0x6] =	stream.linear.gather [spmem:s7], $0x8000, $0x38;
	[tilespmem:$0x1E8A0] =	vst v63  }
0x211: {  	_ =	swait.ge [sflag:s15], $0x8000  }
0x212: {  	[sflag:s15] =	ssyncset.done $0x0  }
0x213: {  	s11 =	simm.s32 $0x1A500;
	[sflag:s15] =	ssyncadd.s32 $0xFFFF8000  }
0x214: {  	[tilespmem:s11], [sflag:$0x6] =	stream.linear.gather [spmem:s13], $0x2000, $0x38;
	[tilespmem:$0x1E8A0] =	vst v63  }
0x215: {  	_ =	swait.ge [sflag:s15], $0x2000  }
0x216: {  	[sflag:s15] =	ssyncset.done $0x0  }
0x217: {  	[sflag:s15] =	ssyncadd.s32 $0xFFFFE000  }
0x218: {  	s6 =	simm.s32 $0x1A580;
	[bflag:$0x0] =	sbarrier.arrive $0xFFFF  }
0x219: {  	v3 =	vld [tilespmem:s6+$0xFFFFFF90]  }
0x21a: {  	s8 =	simm.s32 $0x40;
	s4 =	simm.s32 $0x0;
	v4 =	vld [tilespmem:s6+$0xFFFFFF80]  }
.LBB2_10:
0x21b: {  	p3 =	sne.s32 s8, $0x7C0  }
0x21c: {  	v5 =	vld [tilespmem:s6+$0xFFFFFFA0];
	_ =	sdelay $0x1  }
0x21d: {  	v6 =	vld [tilespmem:s6+$0xFFFFFFB0]  }
0x21e: {  	v3 =	vadd.f32 v3, v4  }
0x21f: {  	v4 =	vld [tilespmem:s6+$0xFFFFFFC0]  }
0x220: {  	v3 =	vadd.f32 v5, v3  }
0x221: {  	v5 =	vld [tilespmem:s6+$0xFFFFFFD0]  }
0x222: {  	v3 =	vadd.f32 v6, v3  }
0x223: {  	v6 =	vld [tilespmem:s6+$0xFFFFFFE0]  }
0x224: {  	v3 =	vadd.f32 v4, v3  }
0x225: {  	v4 =	vld [tilespmem:s6+$0xFFFFFFF0]  }
0x226: {  	v3 =	vadd.f32 v5, v3  }
0x227: {  	v5 =	vld [tilespmem:s6+$0x0]  }
0x228: {  	v3 =	vadd.f32 v6, v3  }
0x229: {  	v6 =	vld [tilespmem:s6+$0x10]  }
0x22a: {  	v3 =	vadd.f32 v4, v3  }
0x22b: {  	v4 =	vld [tilespmem:s6+$0x20]  }
0x22c: {  	v3 =	vadd.f32 v5, v3  }
0x22d: {  	v5 =	vld [tilespmem:s6+$0x30]  }
0x22e: {  	v3 =	vadd.f32 v6, v3  }
0x22f: {  	v6 =	vld [tilespmem:s6+$0x40]  }
0x230: {  	v3 =	vadd.f32 v4, v3  }
0x231: {  	v4 =	vld [tilespmem:s6+$0x50]  }
0x232: {  	v3 =	vadd.f32 v5, v3  }
0x233: {  	v5 =	vld [tilespmem:s6+$0x60]  }
0x234: {  	v3 =	vadd.f32 v6, v3  }
0x235: {  	v6 =	vld [tilespmem:s6+$0x70]  }
0x236: {  	v3 =	vadd.f32 v4, v3;
	_ =	sdelay $0x1  }
0x237: {  	v3 =	vadd.f32 v5, v3;
	_ =	sdelay $0x1  }
0x238: {  	v3 =	vadd.f32 v6, v3;
	_ =	sdelay $0x1  }
0x239: {  	v3 =	vmax.f32 v3, $1.000000000e+00  }
0x23a: {  	(erf) = vrcp.f32 v3;
	_ =	sdelay $0x7  }
.Ltmp4:
0x23b: {  	(pc) =	sbr.rel @p3 .LBB2_10-.Ltmp4, $4  }
0x23c: {  	s9 =	sshra.s32 s4, $0x2;
	s4 =	smov.u32 s8;
	v3 =	vpop (erf)  }
0x23d: {  	s6 =	sadd.s32 $0x100, s6;
	[tilespmem:s9+$0x1C500] =	vst v3  }
0x23e: {  	v3 =	vld [tilespmem:s6+$0xFFFFFF90]  }
0x23f: {  	s8 =	sadd.s32 $0x40, s8;
	v4 =	vld [tilespmem:s6+$0xFFFFFF80]  }
0x240: {  	_ = 	snop  }
0x241: {  	v5 =	vld [tilespmem:s6+$0xFFFFFFA0];
	_ =	sdelay $0x1  }
0x242: {  	v6 =	vld [tilespmem:s6+$0xFFFFFFB0]  }
0x243: {  	v3 =	vadd.f32 v3, v4  }
0x244: {  	v4 =	vld [tilespmem:s6+$0xFFFFFFC0]  }
0x245: {  	v3 =	vadd.f32 v5, v3  }
0x246: {  	v5 =	vld [tilespmem:s6+$0xFFFFFFD0]  }
0x247: {  	v3 =	vadd.f32 v6, v3  }
0x248: {  	v6 =	vld [tilespmem:s6+$0xFFFFFFE0]  }
0x249: {  	v3 =	vadd.f32 v4, v3  }
0x24a: {  	v4 =	vld [tilespmem:s6+$0xFFFFFFF0]  }
0x24b: {  	v3 =	vadd.f32 v5, v3  }
0x24c: {  	v5 =	vld [tilespmem:s6+$0x0]  }
0x24d: {  	v3 =	vadd.f32 v6, v3  }
0x24e: {  	v6 =	vld [tilespmem:s6+$0x10]  }
0x24f: {  	v3 =	vadd.f32 v4, v3  }
0x250: {  	v4 =	vld [tilespmem:s6+$0x20]  }
0x251: {  	v3 =	vadd.f32 v5, v3  }
0x252: {  	v5 =	vld [tilespmem:s6+$0x30]  }
0x253: {  	v3 =	vadd.f32 v6, v3  }
0x254: {  	v6 =	vld [tilespmem:s6+$0x40]  }
0x255: {  	v3 =	vadd.f32 v4, v3  }
0x256: {  	v4 =	vld [tilespmem:s6+$0x50]  }
0x257: {  	v3 =	vadd.f32 v5, v3  }
0x258: {  	v5 =	vld [tilespmem:s6+$0x60]  }
0x259: {  	v3 =	vadd.f32 v6, v3  }
0x25a: {  	v6 =	vld [tilespmem:s6+$0x70]  }
0x25b: {  	v3 =	vadd.f32 v4, v3;
	_ =	sdelay $0x1  }
0x25c: {  	v3 =	vadd.f32 v5, v3;
	_ =	sdelay $0x1  }
0x25d: {  	v3 =	vadd.f32 v6, v3;
	_ =	sdelay $0x1  }
0x25e: {  	v3 =	vmax.f32 v3, $1.000000000e+00  }
0x25f: {  	(erf) = vrcp.f32 v3;
	_ =	sdelay $0x8  }
0x260: {  	s4 =	sshra.s32 s4, $0x2;
	v3 =	vpop (erf)  }
0x261: {  	s11 =	simm.s32 $0x12700;
	[tilespmem:s4+$0x1C500] =	vst v3  }
0x262: {  	v3 =	vld [tilespmem:s11+$0xFFFFFE00]  }
0x263: {  	v4 =	vld [tilespmem:s11+$0xFFFFFE40];
	_ =	sdelay $0x1  }
0x264: {  	v5 =	vld [tilespmem:s11+$0xFFFFFE80];
	_ =	sdelay $0x1  }
0x265: {  	v6 =	vld [tilespmem:s11+$0xFFFFFEC0]  }
0x266: {  	v3 =	vadd.f32 v4, v3  }
0x267: {  	v4 =	vld [tilespmem:s11+$0xFFFFFF00]  }
0x268: {  	v3 =	vadd.f32 v5, v3  }
0x269: {  	v5 =	vld [tilespmem:s11+$0xFFFFFF40]  }
0x26a: {  	v3 =	vadd.f32 v6, v3  }
0x26b: {  	v6 =	vld [tilespmem:s11+$0xFFFFFF80]  }
0x26c: {  	v3 =	vadd.f32 v4, v3  }
0x26d: {  	v4 =	vld [tilespmem:s11+$0xFFFFFFC0]  }
0x26e: {  	v3 =	vadd.f32 v5, v3  }
0x26f: {  	v5 =	vld [tilespmem:s11+$0x0]  }
0x270: {  	v3 =	vadd.f32 v6, v3  }
0x271: {  	v6 =	vld [tilespmem:s11+$0x40]  }
0x272: {  	v3 =	vadd.f32 v4, v3  }
0x273: {  	v4 =	vld [tilespmem:s11+$0x80]  }
0x274: {  	v3 =	vadd.f32 v5, v3  }
0x275: {  	v5 =	vld [tilespmem:s11+$0xC0]  }
0x276: {  	v3 =	vadd.f32 v6, v3  }
0x277: {  	v6 =	vld [tilespmem:s11+$0x100]  }
0x278: {  	v3 =	vadd.f32 v4, v3  }
0x279: {  	v4 =	vld [tilespmem:s11+$0x140]  }
0x27a: {  	v3 =	vadd.f32 v5, v3  }
0x27b: {  	v5 =	vld [tilespmem:s11+$0x180]  }
0x27c: {  	v3 =	vadd.f32 v6, v3  }
0x27d: {  	v6 =	vld [tilespmem:s11+$0x1C0]  }
0x27e: {  	s9 =	simm.s32 $0x0;
	v4 =	vadd.f32 v4, v3  }
0x27f: {  	v3 =	vld [tilespmem:s9+$0x1C500]  }
0x280: {  	v4 =	vadd.f32 v5, v4;
	_ =	sdelay $0x1  }
0x281: {  	v4 =	vadd.f32 v6, v4;
	_ =	sdelay $0x1  }
0x282: {  	v4 =	vmul.f32 v4, v3  }
0x283: {  	s4 =	simm.s32 $0x1C720  }
0x284: {  	[tilespmem:s4+$0xFFFFFFE0] =	vst v4  }
0x285: {  	v4 =	vld [tilespmem:s11+$0xFFFFFE10]  }
0x286: {  	v5 =	vld [tilespmem:s11+$0xFFFFFE50];
	_ =	sdelay $0x1  }
0x287: {  	v6 =	vld [tilespmem:s11+$0xFFFFFE90];
	_ =	sdelay $0x1  }
0x288: {  	v7 =	vld [tilespmem:s11+$0xFFFFFED0]  }
0x289: {  	v4 =	vadd.f32 v5, v4  }
0x28a: {  	v5 =	vld [tilespmem:s11+$0xFFFFFF10]  }
0x28b: {  	v4 =	vadd.f32 v6, v4  }
0x28c: {  	v6 =	vld [tilespmem:s11+$0xFFFFFF50]  }
0x28d: {  	v4 =	vadd.f32 v7, v4  }
0x28e: {  	v7 =	vld [tilespmem:s11+$0xFFFFFF90]  }
0x28f: {  	v4 =	vadd.f32 v5, v4  }
0x290: {  	v5 =	vld [tilespmem:s11+$0xFFFFFFD0]  }
0x291: {  	v4 =	vadd.f32 v6, v4  }
0x292: {  	v6 =	vld [tilespmem:s11+$0x10]  }
0x293: {  	v4 =	vadd.f32 v7, v4  }
0x294: {  	v7 =	vld [tilespmem:s11+$0x50]  }
0x295: {  	v4 =	vadd.f32 v5, v4  }
0x296: {  	v5 =	vld [tilespmem:s11+$0x90]  }
0x297: {  	v4 =	vadd.f32 v6, v4  }
0x298: {  	v6 =	vld [tilespmem:s11+$0xD0]  }
0x299: {  	v4 =	vadd.f32 v7, v4  }
0x29a: {  	v7 =	vld [tilespmem:s11+$0x110]  }
0x29b: {  	v4 =	vadd.f32 v5, v4  }
0x29c: {  	v5 =	vld [tilespmem:s11+$0x150]  }
0x29d: {  	v4 =	vadd.f32 v6, v4  }
0x29e: {  	v6 =	vld [tilespmem:s11+$0x190]  }
0x29f: {  	v4 =	vadd.f32 v7, v4  }
0x2a0: {  	v7 =	vld [tilespmem:s11+$0x1D0]  }
0x2a1: {  	v4 =	vadd.f32 v5, v4;
	_ =	sdelay $0x1  }
0x2a2: {  	v4 =	vadd.f32 v6, v4;
	_ =	sdelay $0x1  }
0x2a3: {  	v4 =	vadd.f32 v7, v4;
	_ =	sdelay $0x1  }
0x2a4: {  	v4 =	vmul.f32 v4, v3;
	_ =	sdelay $0x1  }
0x2a5: {  	[tilespmem:s4+$0xFFFFFFF0] =	vst v4  }
0x2a6: {  	v4 =	vld [tilespmem:s11+$0xFFFFFE20]  }
0x2a7: {  	v5 =	vld [tilespmem:s11+$0xFFFFFE60];
	_ =	sdelay $0x1  }
0x2a8: {  	v6 =	vld [tilespmem:s11+$0xFFFFFEA0];
	_ =	sdelay $0x1  }
0x2a9: {  	v7 =	vld [tilespmem:s11+$0xFFFFFEE0]  }
0x2aa: {  	v4 =	vadd.f32 v5, v4  }
0x2ab: {  	v5 =	vld [tilespmem:s11+$0xFFFFFF20]  }
0x2ac: {  	v4 =	vadd.f32 v6, v4  }
0x2ad: {  	v6 =	vld [tilespmem:s11+$0xFFFFFF60]  }
0x2ae: {  	v4 =	vadd.f32 v7, v4  }
0x2af: {  	v7 =	vld [tilespmem:s11+$0xFFFFFFA0]  }
0x2b0: {  	v4 =	vadd.f32 v5, v4  }
0x2b1: {  	v5 =	vld [tilespmem:s11+$0xFFFFFFE0]  }
0x2b2: {  	v4 =	vadd.f32 v6, v4  }
0x2b3: {  	v6 =	vld [tilespmem:s11+$0x20]  }
0x2b4: {  	v4 =	vadd.f32 v7, v4  }
0x2b5: {  	v7 =	vld [tilespmem:s11+$0x60]  }
0x2b6: {  	v4 =	vadd.f32 v5, v4  }
0x2b7: {  	v5 =	vld [tilespmem:s11+$0xA0]  }
0x2b8: {  	v4 =	vadd.f32 v6, v4  }
0x2b9: {  	v6 =	vld [tilespmem:s11+$0xE0]  }
0x2ba: {  	v4 =	vadd.f32 v7, v4  }
0x2bb: {  	v7 =	vld [tilespmem:s11+$0x120]  }
0x2bc: {  	v4 =	vadd.f32 v5, v4  }
0x2bd: {  	v5 =	vld [tilespmem:s11+$0x160]  }
0x2be: {  	v4 =	vadd.f32 v6, v4  }
0x2bf: {  	v6 =	vld [tilespmem:s11+$0x1A0]  }
0x2c0: {  	v4 =	vadd.f32 v7, v4  }
0x2c1: {  	v7 =	vld [tilespmem:s11+$0x1E0]  }
0x2c2: {  	v4 =	vadd.f32 v5, v4;
	_ =	sdelay $0x1  }
0x2c3: {  	v4 =	vadd.f32 v6, v4;
	_ =	sdelay $0x1  }
0x2c4: {  	v4 =	vadd.f32 v7, v4;
	_ =	sdelay $0x1  }
0x2c5: {  	v4 =	vmul.f32 v4, v3;
	_ =	sdelay $0x1  }
0x2c6: {  	[tilespmem:s4+$0x0] =	vst v4  }
0x2c7: {  	v4 =	vld [tilespmem:s11+$0xFFFFFE30]  }
0x2c8: {  	v5 =	vld [tilespmem:s11+$0xFFFFFE70];
	_ =	sdelay $0x1  }
0x2c9: {  	v6 =	vld [tilespmem:s11+$0xFFFFFEB0];
	_ =	sdelay $0x1  }
0x2ca: {  	v7 =	vld [tilespmem:s11+$0xFFFFFEF0]  }
0x2cb: {  	v4 =	vadd.f32 v5, v4  }
0x2cc: {  	v5 =	vld [tilespmem:s11+$0xFFFFFF30]  }
0x2cd: {  	v4 =	vadd.f32 v6, v4  }
0x2ce: {  	v6 =	vld [tilespmem:s11+$0xFFFFFF70]  }
0x2cf: {  	v4 =	vadd.f32 v7, v4  }
0x2d0: {  	v7 =	vld [tilespmem:s11+$0xFFFFFFB0]  }
0x2d1: {  	v4 =	vadd.f32 v5, v4  }
0x2d2: {  	v5 =	vld [tilespmem:s11+$0xFFFFFFF0]  }
0x2d3: {  	v4 =	vadd.f32 v6, v4  }
0x2d4: {  	v6 =	vld [tilespmem:s11+$0x30]  }
0x2d5: {  	v4 =	vadd.f32 v7, v4  }
0x2d6: {  	v7 =	vld [tilespmem:s11+$0x70]  }
0x2d7: {  	v4 =	vadd.f32 v5, v4  }
0x2d8: {  	v5 =	vld [tilespmem:s11+$0xB0]  }
0x2d9: {  	v4 =	vadd.f32 v6, v4  }
0x2da: {  	v6 =	vld [tilespmem:s11+$0xF0]  }
0x2db: {  	v4 =	vadd.f32 v7, v4  }
0x2dc: {  	v7 =	vld [tilespmem:s11+$0x130]  }
0x2dd: {  	v4 =	vadd.f32 v5, v4  }
0x2de: {  	v5 =	vld [tilespmem:s11+$0x170]  }
0x2df: {  	v4 =	vadd.f32 v6, v4;
	_ =	sdelay $0x1  }
0x2e0: {  	v6 =	vld [tilespmem:s11+$0x1B0];
	v4 =	vadd.f32 v7, v4;
	_ =	sdelay $0x1  }
0x2e1: {  	v5 =	vadd.f32 v5, v4;
	v4 =	vld [tilespmem:s11+$0x1F0];
	_ =	sdelay $0x2  }
0x2e2: {  	s8 =	simm.s32 $0x1C720;
	s6 =	simm.s32 $0x40;
	v5 =	vadd.f32 v6, v5  }
.LBB2_12:
0x2e3: {  	_ = 	snop  }
0x2e4: {  	p3 =	sne.s32 s6, $0x7C0;
	s11 =	sadd.s32 $0x400, s11;
	s4 =	sadd.s32 $0x40, s4;
	v4 =	vadd.f32 v4, v5  }
0x2e5: {  	s9 =	smov.u32 s6;
	s6 =	sadd.s32 $0x40, s6  }
0x2e6: {  	v3 =	vmul.f32 v4, v3;
	_ =	sdelay $0x1  }
0x2e7: {  	[tilespmem:s8+$0x10] =	vst v3;
	s8 =	smov.u32 s4  }
0x2e8: {  	v3 =	vld [tilespmem:s11+$0xFFFFFE00]  }
0x2e9: {  	v4 =	vld [tilespmem:s11+$0xFFFFFE40];
	_ =	sdelay $0x1  }
0x2ea: {  	v5 =	vld [tilespmem:s11+$0xFFFFFE80];
	_ =	sdelay $0x1  }
0x2eb: {  	v6 =	vld [tilespmem:s11+$0xFFFFFEC0]  }
0x2ec: {  	v3 =	vadd.f32 v4, v3  }
0x2ed: {  	v4 =	vld [tilespmem:s11+$0xFFFFFF00]  }
0x2ee: {  	v3 =	vadd.f32 v5, v3  }
0x2ef: {  	v5 =	vld [tilespmem:s11+$0xFFFFFF40]  }
0x2f0: {  	v3 =	vadd.f32 v6, v3  }
0x2f1: {  	v6 =	vld [tilespmem:s11+$0xFFFFFF80]  }
0x2f2: {  	v3 =	vadd.f32 v4, v3  }
0x2f3: {  	v4 =	vld [tilespmem:s11+$0xFFFFFFC0]  }
0x2f4: {  	v3 =	vadd.f32 v5, v3  }
0x2f5: {  	v5 =	vld [tilespmem:s11+$0x0]  }
0x2f6: {  	v3 =	vadd.f32 v6, v3  }
0x2f7: {  	v6 =	vld [tilespmem:s11+$0x40]  }
0x2f8: {  	v3 =	vadd.f32 v4, v3  }
0x2f9: {  	v4 =	vld [tilespmem:s11+$0x80]  }
0x2fa: {  	v3 =	vadd.f32 v5, v3  }
0x2fb: {  	v5 =	vld [tilespmem:s11+$0xC0]  }
0x2fc: {  	v3 =	vadd.f32 v6, v3  }
0x2fd: {  	v6 =	vld [tilespmem:s11+$0x100]  }
0x2fe: {  	v3 =	vadd.f32 v4, v3  }
0x2ff: {  	v4 =	vld [tilespmem:s11+$0x140]  }
0x300: {  	v3 =	vadd.f32 v5, v3  }
0x301: {  	v5 =	vld [tilespmem:s11+$0x180]  }
0x302: {  	v3 =	vadd.f32 v6, v3  }
0x303: {  	v6 =	vld [tilespmem:s11+$0x1C0]  }
0x304: {  	s9 =	sshra.s32 s9, $0x2;
	v4 =	vadd.f32 v4, v3  }
0x305: {  	v3 =	vld [tilespmem:s9+$0x1C500]  }
0x306: {  	v4 =	vadd.f32 v5, v4;
	_ =	sdelay $0x1  }
0x307: {  	v4 =	vadd.f32 v6, v4;
	_ =	sdelay $0x1  }
0x308: {  	v4 =	vmul.f32 v4, v3;
	_ =	sdelay $0x1  }
0x309: {  	[tilespmem:s4+$0xFFFFFFE0] =	vst v4  }
0x30a: {  	v4 =	vld [tilespmem:s11+$0xFFFFFE10]  }
0x30b: {  	v5 =	vld [tilespmem:s11+$0xFFFFFE50];
	_ =	sdelay $0x1  }
0x30c: {  	v6 =	vld [tilespmem:s11+$0xFFFFFE90];
	_ =	sdelay $0x1  }
0x30d: {  	v7 =	vld [tilespmem:s11+$0xFFFFFED0]  }
0x30e: {  	v4 =	vadd.f32 v5, v4  }
0x30f: {  	v5 =	vld [tilespmem:s11+$0xFFFFFF10]  }
0x310: {  	v4 =	vadd.f32 v6, v4  }
0x311: {  	v6 =	vld [tilespmem:s11+$0xFFFFFF50]  }
0x312: {  	v4 =	vadd.f32 v7, v4  }
0x313: {  	v7 =	vld [tilespmem:s11+$0xFFFFFF90]  }
0x314: {  	v4 =	vadd.f32 v5, v4  }
0x315: {  	v5 =	vld [tilespmem:s11+$0xFFFFFFD0]  }
0x316: {  	v4 =	vadd.f32 v6, v4  }
0x317: {  	v6 =	vld [tilespmem:s11+$0x10]  }
0x318: {  	v4 =	vadd.f32 v7, v4  }
0x319: {  	v7 =	vld [tilespmem:s11+$0x50]  }
0x31a: {  	v4 =	vadd.f32 v5, v4  }
0x31b: {  	v5 =	vld [tilespmem:s11+$0x90]  }
0x31c: {  	v4 =	vadd.f32 v6, v4  }
0x31d: {  	v6 =	vld [tilespmem:s11+$0xD0]  }
0x31e: {  	v4 =	vadd.f32 v7, v4  }
0x31f: {  	v7 =	vld [tilespmem:s11+$0x110]  }
0x320: {  	v4 =	vadd.f32 v5, v4  }
0x321: {  	v5 =	vld [tilespmem:s11+$0x150]  }
0x322: {  	v4 =	vadd.f32 v6, v4  }
0x323: {  	v6 =	vld [tilespmem:s11+$0x190]  }
0x324: {  	v4 =	vadd.f32 v7, v4  }
0x325: {  	v7 =	vld [tilespmem:s11+$0x1D0]  }
0x326: {  	v4 =	vadd.f32 v5, v4;
	_ =	sdelay $0x1  }
0x327: {  	v4 =	vadd.f32 v6, v4;
	_ =	sdelay $0x1  }
0x328: {  	v4 =	vadd.f32 v7, v4;
	_ =	sdelay $0x1  }
0x329: {  	v4 =	vmul.f32 v4, v3;
	_ =	sdelay $0x1  }
0x32a: {  	[tilespmem:s4+$0xFFFFFFF0] =	vst v4  }
0x32b: {  	v4 =	vld [tilespmem:s11+$0xFFFFFE20]  }
0x32c: {  	v5 =	vld [tilespmem:s11+$0xFFFFFE60];
	_ =	sdelay $0x1  }
0x32d: {  	v6 =	vld [tilespmem:s11+$0xFFFFFEA0];
	_ =	sdelay $0x1  }
0x32e: {  	v7 =	vld [tilespmem:s11+$0xFFFFFEE0]  }
0x32f: {  	v4 =	vadd.f32 v5, v4  }
0x330: {  	v5 =	vld [tilespmem:s11+$0xFFFFFF20]  }
0x331: {  	v4 =	vadd.f32 v6, v4  }
0x332: {  	v6 =	vld [tilespmem:s11+$0xFFFFFF60]  }
0x333: {  	v4 =	vadd.f32 v7, v4  }
0x334: {  	v7 =	vld [tilespmem:s11+$0xFFFFFFA0]  }
0x335: {  	v4 =	vadd.f32 v5, v4  }
0x336: {  	v5 =	vld [tilespmem:s11+$0xFFFFFFE0]  }
0x337: {  	v4 =	vadd.f32 v6, v4  }
0x338: {  	v6 =	vld [tilespmem:s11+$0x20]  }
0x339: {  	v4 =	vadd.f32 v7, v4  }
0x33a: {  	v7 =	vld [tilespmem:s11+$0x60]  }
0x33b: {  	v4 =	vadd.f32 v5, v4  }
0x33c: {  	v5 =	vld [tilespmem:s11+$0xA0]  }
0x33d: {  	v4 =	vadd.f32 v6, v4  }
0x33e: {  	v6 =	vld [tilespmem:s11+$0xE0]  }
0x33f: {  	v4 =	vadd.f32 v7, v4  }
0x340: {  	v7 =	vld [tilespmem:s11+$0x120]  }
0x341: {  	v4 =	vadd.f32 v5, v4  }
0x342: {  	v5 =	vld [tilespmem:s11+$0x160]  }
0x343: {  	v4 =	vadd.f32 v6, v4  }
0x344: {  	v6 =	vld [tilespmem:s11+$0x1A0]  }
0x345: {  	v4 =	vadd.f32 v7, v4  }
0x346: {  	v7 =	vld [tilespmem:s11+$0x1E0]  }
0x347: {  	v4 =	vadd.f32 v5, v4;
	_ =	sdelay $0x1  }
0x348: {  	v4 =	vadd.f32 v6, v4;
	_ =	sdelay $0x1  }
0x349: {  	v4 =	vadd.f32 v7, v4;
	_ =	sdelay $0x1  }
0x34a: {  	v4 =	vmul.f32 v4, v3;
	_ =	sdelay $0x1  }
0x34b: {  	[tilespmem:s4+$0x0] =	vst v4  }
0x34c: {  	v4 =	vld [tilespmem:s11+$0xFFFFFE30]  }
0x34d: {  	v5 =	vld [tilespmem:s11+$0xFFFFFE70]  }
0x34e: {  	v6 =	vld [tilespmem:s11+$0xFFFFFEB0]  }
0x34f: {  	v7 =	vld [tilespmem:s11+$0xFFFFFEF0]  }
0x350: {  	v8 =	vld [tilespmem:s11+$0xFFFFFF30]  }
0x351: {  	v9 =	vld [tilespmem:s11+$0xFFFFFF70]  }
0x352: {  	v4 =	vadd.f32 v5, v4;
	v5 =	vld [tilespmem:s11+$0xFFFFFFB0]  }
0x353: {  	v10 =	vld [tilespmem:s11+$0xFFFFFFF0]  }
0x354: {  	v4 =	vadd.f32 v6, v4;
	v6 =	vld [tilespmem:s11+$0x30]  }
0x355: {  	v11 =	vld [tilespmem:s11+$0x70]  }
0x356: {  	v4 =	vadd.f32 v7, v4;
	v7 =	vld [tilespmem:s11+$0xB0]  }
0x357: {  	v12 =	vld [tilespmem:s11+$0xF0]  }
0x358: {  	v4 =	vadd.f32 v8, v4;
	v8 =	vld [tilespmem:s11+$0x130]  }
0x359: {  	v13 =	vld [tilespmem:s11+$0x170]  }
0x35a: {  	v9 =	vadd.f32 v9, v4;
	v14 =	vld [tilespmem:s11+$0x1B0]  }
0x35b: {  	v4 =	vld [tilespmem:s11+$0x1F0]  }
0x35c: {  	v5 =	vadd.f32 v5, v9;
	_ =	sdelay $0x1  }
0x35d: {  	v5 =	vadd.f32 v10, v5;
	_ =	sdelay $0x1  }
0x35e: {  	v5 =	vadd.f32 v6, v5;
	_ =	sdelay $0x1  }
0x35f: {  	v5 =	vadd.f32 v11, v5;
	_ =	sdelay $0x1  }
0x360: {  	v5 =	vadd.f32 v7, v5;
	_ =	sdelay $0x1  }
0x361: {  	v5 =	vadd.f32 v12, v5;
	_ =	sdelay $0x1  }
.Ltmp5:
0x362: {  	v5 =	vadd.f32 v8, v5;
	(pc) =	sbr.rel @p3 .LBB2_12-.Ltmp5, $3  }
0x363: {  	_ = 	snop  }
0x364: {  	v5 =	vadd.f32 v13, v5;
	_ =	sdelay $0x1  }
0x365: {  	v5 =	vadd.f32 v14, v5  }
0x366: {  	_ = 	snop  }
0x367: {  	v4 =	vadd.f32 v4, v5;
	_ =	sdelay $0x1  }
0x368: {  	v3 =	vmul.f32 v4, v3;
	_ =	sdelay $0x1  }
0x369: {  	s4 =	rddreg [dreg:$0x9];
	s6 =	simm.s32 $0x1C700;
	[tilespmem:s8+$0x10] =	vst v3  }
0x36a: {  	[hbm4b:s4+s18] =	stream.strided.scatter [tilespmem:s6], [sflag:$0x6], $0x800, s20, s18, $0x38;
	[tilespmem:$0x1E8A0] =	vst v63  }
0x36b: {  	_ =	swait.ge [sflag:s15], $0x800  }
0x36c: {  	[sflag:s15] =	ssyncset.done $0x0  }
0x36d: {  	[sflag:s15] =	ssyncadd.s32 $0xFFFFF800  }
0x36e: {  	[spmem:s7] =	stream.linear.scatter [tilespmem:s16], [sflag:$0x6], $0x2000, $0x38;
	[tilespmem:$0x1E8A0] =	vst v63  }
0x36f: {  	_ =	swait.ge [sflag:s15], $0x2000  }
0x370: {  	[sflag:s15] =	ssyncset.done $0x0  }
0x371: {  	s6 =	rddreg [dreg:$0x7];
	[sflag:s15] =	ssyncadd.s32 $0xFFFFE000  }
0x372: {  	[spmem:s6] =	stream.linear.scatter [tilespmem:s16], [sflag:$0x6], $0x2000, $0x38;
	[tilespmem:$0x1E8A0] =	vst v63  }
0x373: {  	_ =	swait.ge [sflag:s15], $0x2000  }
0x374: {  	[sflag:s15] =	ssyncset.done $0x0  }
0x375: {  	s8 =	rddreg [dreg:$0x8];
	[sflag:s15] =	ssyncadd.s32 $0xFFFFE000  }
0x376: {  	[spmem:s8] =	stream.linear.scatter [tilespmem:s16], [sflag:$0x6], $0x2000, $0x38;
	[tilespmem:$0x1E8A0] =	vst v63  }
0x377: {  	_ =	swait.ge [sflag:s15], $0x2000  }
0x378: {  	[sflag:s15] =	ssyncset.done $0x0  }
0x379: {  	s9 =	rddreg [dreg:$0x1b];
	[sflag:s15] =	ssyncadd.s32 $0xFFFFE000  }
0x37a: {  	[spmem:s9] =	stream.linear.scatter [tilespmem:s16], [sflag:$0x6], $0x2000, $0x38;
	[tilespmem:$0x1E8A0] =	vst v63  }
0x37b: {  	_ =	swait.ge [sflag:s15], $0x2000  }
0x37c: {  	[sflag:s15] =	ssyncset.done $0x0  }
0x37d: {  	[sflag:s15] =	ssyncadd.s32 $0xFFFFE000  }
0x37e: {  	[bflag:$0x0] =	sbarrier.arrive $0xFFFF  }
0x37f: {  	s11 =	rddreg [dreg:$0x10]  }
0x380: {  	[tilespmem:s21], [sflag:$0x1] =	stream.strided.gather [hbm4b:s11+s18], $0x2000, s20, s18, $0x38;
	[tilespmem:$0x1E8A0] =	vst v63  }
0x381: {  	s6 =	rddreg [dreg:$0x11]  }
0x382: {  	[tilespmem:s22], [sflag:$0x2] =	stream.strided.gather [hbm4b:s6+s18], $0x2000, s20, s18, $0x38;
	[tilespmem:$0x1E8A0] =	vst v63  }
0x383: {  	_ =	swait.ge [sflag:s23], $0x2000  }
0x384: {  	[sflag:s23] =	ssyncset.done $0x0  }
0x385: {  	s8 =	simm.s32 $0xAC80;
	[sflag:s23] =	ssyncadd.s32 $0xFFFFE000  }
0x386: {  	[spmem:s1] =	stream.indirect.scatter.add.f32 [tilespmem:s21], [sflag:$0x3], $0x40, s8, s14, $0xb8;
	[tilespmem:$0x1E8A0] =	vst v63  }
0x387: {  	_ =	swait.ge [sflag:s25], $0x2000  }
0x388: {  	[sflag:s25] =	ssyncset.done $0x0  }
0x389: {  	s9 =	sadd.s32 $0x0, s31;
	[sflag:s25] =	ssyncadd.s32 $0xFFFFE000  }
0x38a: {  	[tilespmem:s21], [sflag:$0x1] =	stream.strided.gather [hbm4b:s9+s18], $0x2000, s20, s18, $0x38;
	[tilespmem:$0x1E8A0] =	vst v63  }
0x38b: {  	_ =	swait.ge [sflag:s26], $0x2000  }
0x38c: {  	[sflag:s26] =	ssyncset.done $0x0  }
0x38d: {  	s11 =	simm.s32 $0xAD00;
	[sflag:s26] =	ssyncadd.s32 $0xFFFFE000  }
0x38e: {  	[spmem:s1] =	stream.indirect.scatter.add.f32 [tilespmem:s22], [sflag:$0x4], $0x40, s11, s14, $0xb8;
	[tilespmem:$0x1E8A0] =	vst v63  }
0x38f: {  	_ =	swait.ge [sflag:s0], $0x2000  }
0x390: {  	s4 =	simm.s32 $0x20000;
	[sflag:s0] =	ssyncset.done $0x0  }
0x391: {  	s6 =	simm.s32 $0xAE00;
	s8 =	sadd.s32 $0x0, s30;
	[sflag:s0] =	ssyncadd.s32 $0xFFFFE000  }
.LBB2_14:
0x392: {  	[tilespmem:s22], [sflag:$0x2] =	stream.strided.gather [hbm4b:s8+s18], $0x2000, s20, s18, $0x38;
	[tilespmem:$0x1E8A0] =	vst v63  }
0x393: {  	s8 =	smov.u32 s4  }
0x394: {  	p3 =	sne.s32 s4, $0x140000;
	s4 =	sadd.s32 $0x20000, s4;
	_ =	swait.ge [sflag:s23], $0x2000  }
0x395: {  	[sflag:s23] =	ssyncset.done $0x0  }
0x396: {  	s9 =	sadd.s32 $0xFFFFFF80, s6;
	[sflag:s23] =	ssyncadd.s32 $0xFFFFE000  }
0x397: {  	[spmem:s1] =	stream.indirect.scatter.add.f32 [tilespmem:s21], [sflag:$0x3], $0x40, s9, s14, $0xb8;
	[tilespmem:$0x1E8A0] =	vst v63  }
0x398: {  	_ =	swait.ge [sflag:s25], $0x2000  }
0x399: {  	[sflag:s25] =	ssyncset.done $0x0  }
0x39a: {  	s9 =	sadd.s32 s8, s31;
	[sflag:s25] =	ssyncadd.s32 $0xFFFFE000  }
0x39b: {  	[tilespmem:s21], [sflag:$0x1] =	stream.strided.gather [hbm4b:s9+s18], $0x2000, s20, s18, $0x38;
	[tilespmem:$0x1E8A0] =	vst v63  }
0x39c: {  	_ =	swait.ge [sflag:s26], $0x2000  }
0x39d: {  	[sflag:s26] =	ssyncset.done $0x0  }
.Ltmp6:
0x39e: {  	[sflag:s26] =	ssyncadd.s32 $0xFFFFE000;
	(pc) =	sbr.rel @p3 .LBB2_14-.Ltmp6, $4  }
0x39f: {  	[spmem:s1] =	stream.indirect.scatter.add.f32 [tilespmem:s22], [sflag:$0x4], $0x40, s6, s14, $0xb8;
	[tilespmem:$0x1E8A0] =	vst v63  }
0x3a0: {  	_ =	swait.ge [sflag:s0], $0x2000  }
0x3a1: {  	[sflag:s0] =	ssyncset.done $0x0  }
0x3a2: {  	s8 =	sadd.s32 s8, s30;
	s6 =	sadd.s32 $0x100, s6;
	[sflag:s0] =	ssyncadd.s32 $0xFFFFE000  }
0x3a3: {  	[tilespmem:s22], [sflag:$0x2] =	stream.strided.gather [hbm4b:s8+s18], $0x2000, s20, s18, $0x38;
	[tilespmem:$0x1E8A0] =	vst v63  }
0x3a4: {  	_ =	swait.ge [sflag:s23], $0x2000  }
0x3a5: {  	[sflag:s23] =	ssyncset.done $0x0  }
0x3a6: {  	s4 =	simm.s32 @!p0 $0x3;
	[sflag:s23] =	ssyncadd.s32 $0xFFFFE000  }
0x3a7: {  	[spmem:s1] =	stream.indirect.scatter.add.f32 [tilespmem:s21], [sflag:$0x3], $0x40, s10, s14, $0xb8;
	[tilespmem:$0x1E8A0] =	vst v63  }
0x3a8: {  	_ =	swait.ge @!p0 [sflag:s4], $0x2000  }
0x3a9: {  	s6 =	simm.s32 @!p0 $0x100;
	s8 =	simm.s32 @!p0 $0xB900;
	[sflag:s4] =	ssyncset.done @!p0 $0x0  }
0x3aa: {  	s9 =	rddreg [dreg:$0x16];
	[sflag:s4] =	ssyncadd.s32 @!p0 $0xFFFFE000;
	s4 =	simm.s32 @!p0 $0x40  }
0x3ab: {  	[tilespmem:s8], [sflag:$0x1] =	stream.strided.gather @!p0 [hbm4b:s9+s4], $0x2000, s6, s4, $0x38;
	[tilespmem:$0x1E8A0] =	vst v63  }
0x3ac: {  	_ =	swait.ge [sflag:s26], $0x2000  }
0x3ad: {  	[sflag:s26] =	ssyncset.done $0x0  }
0x3ae: {  	s4 =	simm.s32 @!p1 $0x1;
	[sflag:s26] =	ssyncadd.s32 $0xFFFFE000  }
0x3af: {  	[spmem:s1] =	stream.indirect.scatter.add.f32 [tilespmem:s22], [sflag:$0x4], $0x40, s19, s14, $0xb8;
	[tilespmem:$0x1E8A0] =	vst v63  }
0x3b0: {  	_ =	swait.ge @!p1 [sflag:s4], $0x2000  }
0x3b1: {  	s6 =	simm.s32 @!p1 $0xB880;
	[sflag:s4] =	ssyncset.done @!p1 $0x0  }
0x3b2: {  	s8 =	simm.s32 @!p1 $0xB900;
	[sflag:s4] =	ssyncadd.s32 @!p1 $0xFFFFE000;
	s4 =	simm.s32 @!p1 $0x80  }
0x3b3: {  	[spmem:s1] =	stream.indirect.scatter.add.f32 @!p1 [tilespmem:s8], [sflag:$0x3], $0x40, s6, s4, $0xb8;
	[tilespmem:$0x1E8A0] =	vst v63  }
0x3b4: {  	_ =	swait.ge [sflag:s25], $0x2000  }
0x3b5: {  	[sflag:s25] =	ssyncset.done $0x0  }
0x3b6: {  	[sflag:s25] =	ssyncadd.s32 $0xFFFFE000  }
0x3b7: {  	_ =	swait.ge [sflag:s0], $0x2000  }
0x3b8: {  	s4 =	simm.s32 @!p2 $0x0;
	[sflag:s0] =	ssyncset.done $0x0  }
0x3b9: {  	s6 =	simm.s32 @!p2 $0x1CF00;
	s8 =	rddreg [dreg:$0x1c];
	[sflag:s0] =	ssyncadd.s32 $0xFFFFE000  }
0x3ba: {  	[tilespmem:s6], [sflag:$0x6] =	stream.linear.gather @!p2 [hbm4b:s8+s4], $0x50, $0x38;
	[tilespmem:$0x1E8A0] =	vst v63  }
0x3bb: {  	s4 =	simm.s32 @!p2 $0x6  }
0x3bc: {  	_ =	swait.ge @!p2 [sflag:s4], $0x50  }
0x3bd: {  	s9 =	simm.s32 @!p2 $0x1CFA0;
	s6 =	simm.s32 @!p2 $0x40;
	[sflag:s4] =	ssyncset.done @!p2 $0x0  }
0x3be: {  	s8 =	simm.s32 @!p2 $0x100;
	s11 =	rddreg [dreg:$0x13];
	[sflag:s4] =	ssyncadd.s32 @!p2 $0xFFFFFFB0  }
0x3bf: {  	[tilespmem:s9], [sflag:$0x6] =	stream.strided.gather @!p2 [hbm4b:s11+s6], $0x1400, s8, s6, $0x38;
	[tilespmem:$0x1E8A0] =	vst v63  }
0x3c0: {  	_ =	swait.ge @!p2 [sflag:s4], $0x1400  }
0x3c1: {  	[sflag:s4] =	ssyncset.done @!p2 $0x0  }
0x3c2: {  	[sflag:s4] =	ssyncadd.s32 @!p2 $0xFFFFEC00  }
0x3c3: {  	v3 =	vld @!p2 [tilespmem:$0x1CF00]  }
0x3c4: {  	v4 =	vld @!p2 [tilespmem:$0x1CF10]  }
0x3c5: {  	v5 =	vld @!p2 [tilespmem:$0x1CF20]  }
0x3c6: {  	v6 =	vld @!p2 [tilespmem:$0x1CF30]  }
0x3c7: {  	v7 =	vld @!p2 [tilespmem:$0x1CF40]  }
0x3c8: {  	v8 =	vlaneseq.u32 @!p2;
	v3 =	vshll.u32 @!p2 v3, $0x4  }
0x3c9: {  	v4 =	vshll.u32 @!p2 v4, $0x4;
	v3 =	vor.u32 @!p2 v8, v3  }
0x3ca: {  	[tilespmem:$0x1CF50] =	vst @!p2 v3;
	v3 =	vor.u32 @!p2 v8, v4;
	v4 =	vshll.u32 @!p2 v5, $0x4  }
0x3cb: {  	[tilespmem:$0x1CF60] =	vst @!p2 v3;
	v3 =	vor.u32 @!p2 v8, v4;
	v4 =	vshll.u32 @!p2 v6, $0x4  }
0x3cc: {  	[tilespmem:$0x1CF70] =	vst @!p2 v3;
	v3 =	vor.u32 @!p2 v8, v4;
	v4 =	vshll.u32 @!p2 v7, $0x4  }
0x3cd: {  	[tilespmem:$0x1CF80] =	vst @!p2 v3;
	v3 =	vor.u32 @!p2 v8, v4  }
0x3ce: {  	s6 =	simm.s32 @!p2 $0x50;
	s8 =	simm.s32 @!p2 $0x1CF50;
	[tilespmem:$0x1CF90] =	vst @!p2 v3  }
0x3cf: {  	[spmem:s1] =	stream.indirect.scatter.add.f32 @!p2 [tilespmem:s9], [sflag:$0x6], $0x40, s8, s6, $0xb8;
	[tilespmem:$0x1E8A0] =	vst v63  }
0x3d0: {  	_ =	swait.ge @!p2 [sflag:s4], $0x1400  }
0x3d1: {  	[sflag:s4] =	ssyncset.done @!p2 $0x0  }
0x3d2: {  	[sflag:s4] =	ssyncadd.s32 @!p2 $0xFFFFEC00  }
0x3d3: {  	s8 =	simm.s32 $0x12500;
	[bflag:$0x0] =	sbarrier.arrive $0xFFFF  }
0x3d4: {  	[tilespmem:s8], [sflag:$0x6] =	stream.linear.gather [spmem:s7], $0x8000, $0x38;
	[tilespmem:$0x1E8A0] =	vst v63  }
0x3d5: {  	_ =	swait.ge [sflag:s15], $0x8000  }
0x3d6: {  	[sflag:s15] =	ssyncset.done $0x0  }
0x3d7: {  	[sflag:s15] =	ssyncadd.s32 $0xFFFF8000  }
0x3d8: {  	s11 =	simm.s32 $0x12700;
	[bflag:$0x0] =	sbarrier.arrive $0xFFFF  }
0x3d9: {  	v3 =	vld [tilespmem:s11+$0xFFFFFE00]  }
0x3da: {  	v4 =	vld [tilespmem:s11+$0xFFFFFE40];
	_ =	sdelay $0x1  }
0x3db: {  	v5 =	vld [tilespmem:s11+$0xFFFFFE80];
	_ =	sdelay $0x1  }
0x3dc: {  	v6 =	vld [tilespmem:s11+$0xFFFFFEC0]  }
0x3dd: {  	v3 =	vadd.f32 v4, v3  }
0x3de: {  	v4 =	vld [tilespmem:s11+$0xFFFFFF00]  }
0x3df: {  	v3 =	vadd.f32 v5, v3  }
0x3e0: {  	v5 =	vld [tilespmem:s11+$0xFFFFFF40]  }
0x3e1: {  	v3 =	vadd.f32 v6, v3  }
0x3e2: {  	v6 =	vld [tilespmem:s11+$0xFFFFFF80]  }
0x3e3: {  	v3 =	vadd.f32 v4, v3  }
0x3e4: {  	v4 =	vld [tilespmem:s11+$0xFFFFFFC0]  }
0x3e5: {  	v3 =	vadd.f32 v5, v3  }
0x3e6: {  	v5 =	vld [tilespmem:s11+$0x0]  }
0x3e7: {  	v3 =	vadd.f32 v6, v3  }
0x3e8: {  	v6 =	vld [tilespmem:s11+$0x40]  }
0x3e9: {  	v3 =	vadd.f32 v4, v3  }
0x3ea: {  	v4 =	vld [tilespmem:s11+$0x80]  }
0x3eb: {  	v3 =	vadd.f32 v5, v3  }
0x3ec: {  	v5 =	vld [tilespmem:s11+$0xC0]  }
0x3ed: {  	v3 =	vadd.f32 v6, v3  }
0x3ee: {  	v6 =	vld [tilespmem:s11+$0x100]  }
0x3ef: {  	v3 =	vadd.f32 v4, v3  }
0x3f0: {  	v4 =	vld [tilespmem:s11+$0x140]  }
0x3f1: {  	v3 =	vadd.f32 v5, v3  }
0x3f2: {  	v5 =	vld [tilespmem:s11+$0x180]  }
0x3f3: {  	v3 =	vadd.f32 v6, v3  }
0x3f4: {  	v6 =	vld [tilespmem:s11+$0x1C0]  }
0x3f5: {  	s9 =	simm.s32 $0x0;
	v4 =	vadd.f32 v4, v3  }
0x3f6: {  	v3 =	vld [tilespmem:s9+$0x1C500]  }
0x3f7: {  	v4 =	vadd.f32 v5, v4;
	_ =	sdelay $0x1  }
0x3f8: {  	v4 =	vadd.f32 v6, v4;
	_ =	sdelay $0x1  }
0x3f9: {  	v4 =	vmul.f32 v4, v3  }
0x3fa: {  	s4 =	simm.s32 $0x1C720  }
0x3fb: {  	[tilespmem:s4+$0xFFFFFFE0] =	vst v4  }
0x3fc: {  	v4 =	vld [tilespmem:s11+$0xFFFFFE10]  }
0x3fd: {  	v5 =	vld [tilespmem:s11+$0xFFFFFE50];
	_ =	sdelay $0x1  }
0x3fe: {  	v6 =	vld [tilespmem:s11+$0xFFFFFE90];
	_ =	sdelay $0x1  }
0x3ff: {  	v7 =	vld [tilespmem:s11+$0xFFFFFED0]  }
0x400: {  	v4 =	vadd.f32 v5, v4  }
0x401: {  	v5 =	vld [tilespmem:s11+$0xFFFFFF10]  }
0x402: {  	v4 =	vadd.f32 v6, v4  }
0x403: {  	v6 =	vld [tilespmem:s11+$0xFFFFFF50]  }
0x404: {  	v4 =	vadd.f32 v7, v4  }
0x405: {  	v7 =	vld [tilespmem:s11+$0xFFFFFF90]  }
0x406: {  	v4 =	vadd.f32 v5, v4  }
0x407: {  	v5 =	vld [tilespmem:s11+$0xFFFFFFD0]  }
0x408: {  	v4 =	vadd.f32 v6, v4  }
0x409: {  	v6 =	vld [tilespmem:s11+$0x10]  }
0x40a: {  	v4 =	vadd.f32 v7, v4  }
0x40b: {  	v7 =	vld [tilespmem:s11+$0x50]  }
0x40c: {  	v4 =	vadd.f32 v5, v4  }
0x40d: {  	v5 =	vld [tilespmem:s11+$0x90]  }
0x40e: {  	v4 =	vadd.f32 v6, v4  }
0x40f: {  	v6 =	vld [tilespmem:s11+$0xD0]  }
0x410: {  	v4 =	vadd.f32 v7, v4  }
0x411: {  	v7 =	vld [tilespmem:s11+$0x110]  }
0x412: {  	v4 =	vadd.f32 v5, v4  }
0x413: {  	v5 =	vld [tilespmem:s11+$0x150]  }
0x414: {  	v4 =	vadd.f32 v6, v4  }
0x415: {  	v6 =	vld [tilespmem:s11+$0x190]  }
0x416: {  	v4 =	vadd.f32 v7, v4  }
0x417: {  	v7 =	vld [tilespmem:s11+$0x1D0]  }
0x418: {  	v4 =	vadd.f32 v5, v4;
	_ =	sdelay $0x1  }
0x419: {  	v4 =	vadd.f32 v6, v4;
	_ =	sdelay $0x1  }
0x41a: {  	v4 =	vadd.f32 v7, v4;
	_ =	sdelay $0x1  }
0x41b: {  	v4 =	vmul.f32 v4, v3;
	_ =	sdelay $0x1  }
0x41c: {  	[tilespmem:s4+$0xFFFFFFF0] =	vst v4  }
0x41d: {  	v4 =	vld [tilespmem:s11+$0xFFFFFE20]  }
0x41e: {  	v5 =	vld [tilespmem:s11+$0xFFFFFE60];
	_ =	sdelay $0x1  }
0x41f: {  	v6 =	vld [tilespmem:s11+$0xFFFFFEA0];
	_ =	sdelay $0x1  }
0x420: {  	v7 =	vld [tilespmem:s11+$0xFFFFFEE0]  }
0x421: {  	v4 =	vadd.f32 v5, v4  }
0x422: {  	v5 =	vld [tilespmem:s11+$0xFFFFFF20]  }
0x423: {  	v4 =	vadd.f32 v6, v4  }
0x424: {  	v6 =	vld [tilespmem:s11+$0xFFFFFF60]  }
0x425: {  	v4 =	vadd.f32 v7, v4  }
0x426: {  	v7 =	vld [tilespmem:s11+$0xFFFFFFA0]  }
0x427: {  	v4 =	vadd.f32 v5, v4  }
0x428: {  	v5 =	vld [tilespmem:s11+$0xFFFFFFE0]  }
0x429: {  	v4 =	vadd.f32 v6, v4  }
0x42a: {  	v6 =	vld [tilespmem:s11+$0x20]  }
0x42b: {  	v4 =	vadd.f32 v7, v4  }
0x42c: {  	v7 =	vld [tilespmem:s11+$0x60]  }
0x42d: {  	v4 =	vadd.f32 v5, v4  }
0x42e: {  	v5 =	vld [tilespmem:s11+$0xA0]  }
0x42f: {  	v4 =	vadd.f32 v6, v4  }
0x430: {  	v6 =	vld [tilespmem:s11+$0xE0]  }
0x431: {  	v4 =	vadd.f32 v7, v4  }
0x432: {  	v7 =	vld [tilespmem:s11+$0x120]  }
0x433: {  	v4 =	vadd.f32 v5, v4  }
0x434: {  	v5 =	vld [tilespmem:s11+$0x160]  }
0x435: {  	v4 =	vadd.f32 v6, v4  }
0x436: {  	v6 =	vld [tilespmem:s11+$0x1A0]  }
0x437: {  	v4 =	vadd.f32 v7, v4  }
0x438: {  	v7 =	vld [tilespmem:s11+$0x1E0]  }
0x439: {  	v4 =	vadd.f32 v5, v4;
	_ =	sdelay $0x1  }
0x43a: {  	v4 =	vadd.f32 v6, v4;
	_ =	sdelay $0x1  }
0x43b: {  	v4 =	vadd.f32 v7, v4;
	_ =	sdelay $0x1  }
0x43c: {  	v4 =	vmul.f32 v4, v3;
	_ =	sdelay $0x1  }
0x43d: {  	[tilespmem:s4+$0x0] =	vst v4  }
0x43e: {  	v4 =	vld [tilespmem:s11+$0xFFFFFE30]  }
0x43f: {  	v5 =	vld [tilespmem:s11+$0xFFFFFE70];
	_ =	sdelay $0x1  }
0x440: {  	v6 =	vld [tilespmem:s11+$0xFFFFFEB0];
	_ =	sdelay $0x1  }
0x441: {  	v7 =	vld [tilespmem:s11+$0xFFFFFEF0]  }
0x442: {  	v4 =	vadd.f32 v5, v4  }
0x443: {  	v5 =	vld [tilespmem:s11+$0xFFFFFF30]  }
0x444: {  	v4 =	vadd.f32 v6, v4  }
0x445: {  	v6 =	vld [tilespmem:s11+$0xFFFFFF70]  }
0x446: {  	v4 =	vadd.f32 v7, v4  }
0x447: {  	v7 =	vld [tilespmem:s11+$0xFFFFFFB0]  }
0x448: {  	v4 =	vadd.f32 v5, v4  }
0x449: {  	v5 =	vld [tilespmem:s11+$0xFFFFFFF0]  }
0x44a: {  	v4 =	vadd.f32 v6, v4  }
0x44b: {  	v6 =	vld [tilespmem:s11+$0x30]  }
0x44c: {  	v4 =	vadd.f32 v7, v4  }
0x44d: {  	v7 =	vld [tilespmem:s11+$0x70]  }
0x44e: {  	v4 =	vadd.f32 v5, v4  }
0x44f: {  	v5 =	vld [tilespmem:s11+$0xB0]  }
0x450: {  	v4 =	vadd.f32 v6, v4  }
0x451: {  	v6 =	vld [tilespmem:s11+$0xF0]  }
0x452: {  	v4 =	vadd.f32 v7, v4  }
0x453: {  	v7 =	vld [tilespmem:s11+$0x130]  }
0x454: {  	v4 =	vadd.f32 v5, v4  }
0x455: {  	v5 =	vld [tilespmem:s11+$0x170]  }
0x456: {  	v4 =	vadd.f32 v6, v4;
	_ =	sdelay $0x1  }
0x457: {  	v6 =	vld [tilespmem:s11+$0x1B0];
	v4 =	vadd.f32 v7, v4;
	_ =	sdelay $0x1  }
0x458: {  	v5 =	vadd.f32 v5, v4;
	v4 =	vld [tilespmem:s11+$0x1F0];
	_ =	sdelay $0x2  }
0x459: {  	s6 =	simm.s32 $0x40;
	s8 =	simm.s32 $0x1C720;
	v5 =	vadd.f32 v6, v5  }
.LBB2_16:
0x45a: {  	_ = 	snop  }
0x45b: {  	p3 =	sne.s32 s6, $0x7C0;
	s11 =	sadd.s32 $0x400, s11;
	s4 =	sadd.s32 $0x40, s4;
	v4 =	vadd.f32 v4, v5  }
0x45c: {  	s9 =	smov.u32 s6;
	s6 =	sadd.s32 $0x40, s6  }
0x45d: {  	v3 =	vmul.f32 v4, v3;
	_ =	sdelay $0x1  }
0x45e: {  	[tilespmem:s8+$0x10] =	vst v3;
	s8 =	smov.u32 s4  }
0x45f: {  	v3 =	vld [tilespmem:s11+$0xFFFFFE00]  }
0x460: {  	v4 =	vld [tilespmem:s11+$0xFFFFFE40];
	_ =	sdelay $0x1  }
0x461: {  	v5 =	vld [tilespmem:s11+$0xFFFFFE80];
	_ =	sdelay $0x1  }
0x462: {  	v6 =	vld [tilespmem:s11+$0xFFFFFEC0]  }
0x463: {  	v3 =	vadd.f32 v4, v3  }
0x464: {  	v4 =	vld [tilespmem:s11+$0xFFFFFF00]  }
0x465: {  	v3 =	vadd.f32 v5, v3  }
0x466: {  	v5 =	vld [tilespmem:s11+$0xFFFFFF40]  }
0x467: {  	v3 =	vadd.f32 v6, v3  }
0x468: {  	v6 =	vld [tilespmem:s11+$0xFFFFFF80]  }
0x469: {  	v3 =	vadd.f32 v4, v3  }
0x46a: {  	v4 =	vld [tilespmem:s11+$0xFFFFFFC0]  }
0x46b: {  	v3 =	vadd.f32 v5, v3  }
0x46c: {  	v5 =	vld [tilespmem:s11+$0x0]  }
0x46d: {  	v3 =	vadd.f32 v6, v3  }
0x46e: {  	v6 =	vld [tilespmem:s11+$0x40]  }
0x46f: {  	v3 =	vadd.f32 v4, v3  }
0x470: {  	v4 =	vld [tilespmem:s11+$0x80]  }
0x471: {  	v3 =	vadd.f32 v5, v3  }
0x472: {  	v5 =	vld [tilespmem:s11+$0xC0]  }
0x473: {  	v3 =	vadd.f32 v6, v3  }
0x474: {  	v6 =	vld [tilespmem:s11+$0x100]  }
0x475: {  	v3 =	vadd.f32 v4, v3  }
0x476: {  	v4 =	vld [tilespmem:s11+$0x140]  }
0x477: {  	v3 =	vadd.f32 v5, v3  }
0x478: {  	v5 =	vld [tilespmem:s11+$0x180]  }
0x479: {  	v3 =	vadd.f32 v6, v3  }
0x47a: {  	v6 =	vld [tilespmem:s11+$0x1C0]  }
0x47b: {  	s9 =	sshra.s32 s9, $0x2;
	v4 =	vadd.f32 v4, v3  }
0x47c: {  	v3 =	vld [tilespmem:s9+$0x1C500]  }
0x47d: {  	v4 =	vadd.f32 v5, v4;
	_ =	sdelay $0x1  }
0x47e: {  	v4 =	vadd.f32 v6, v4;
	_ =	sdelay $0x1  }
0x47f: {  	v4 =	vmul.f32 v4, v3;
	_ =	sdelay $0x1  }
0x480: {  	[tilespmem:s4+$0xFFFFFFE0] =	vst v4  }
0x481: {  	v4 =	vld [tilespmem:s11+$0xFFFFFE10]  }
0x482: {  	v5 =	vld [tilespmem:s11+$0xFFFFFE50];
	_ =	sdelay $0x1  }
0x483: {  	v6 =	vld [tilespmem:s11+$0xFFFFFE90];
	_ =	sdelay $0x1  }
0x484: {  	v7 =	vld [tilespmem:s11+$0xFFFFFED0]  }
0x485: {  	v4 =	vadd.f32 v5, v4  }
0x486: {  	v5 =	vld [tilespmem:s11+$0xFFFFFF10]  }
0x487: {  	v4 =	vadd.f32 v6, v4  }
0x488: {  	v6 =	vld [tilespmem:s11+$0xFFFFFF50]  }
0x489: {  	v4 =	vadd.f32 v7, v4  }
0x48a: {  	v7 =	vld [tilespmem:s11+$0xFFFFFF90]  }
0x48b: {  	v4 =	vadd.f32 v5, v4  }
0x48c: {  	v5 =	vld [tilespmem:s11+$0xFFFFFFD0]  }
0x48d: {  	v4 =	vadd.f32 v6, v4  }
0x48e: {  	v6 =	vld [tilespmem:s11+$0x10]  }
0x48f: {  	v4 =	vadd.f32 v7, v4  }
0x490: {  	v7 =	vld [tilespmem:s11+$0x50]  }
0x491: {  	v4 =	vadd.f32 v5, v4  }
0x492: {  	v5 =	vld [tilespmem:s11+$0x90]  }
0x493: {  	v4 =	vadd.f32 v6, v4  }
0x494: {  	v6 =	vld [tilespmem:s11+$0xD0]  }
0x495: {  	v4 =	vadd.f32 v7, v4  }
0x496: {  	v7 =	vld [tilespmem:s11+$0x110]  }
0x497: {  	v4 =	vadd.f32 v5, v4  }
0x498: {  	v5 =	vld [tilespmem:s11+$0x150]  }
0x499: {  	v4 =	vadd.f32 v6, v4  }
0x49a: {  	v6 =	vld [tilespmem:s11+$0x190]  }
0x49b: {  	v4 =	vadd.f32 v7, v4  }
0x49c: {  	v7 =	vld [tilespmem:s11+$0x1D0]  }
0x49d: {  	v4 =	vadd.f32 v5, v4;
	_ =	sdelay $0x1  }
0x49e: {  	v4 =	vadd.f32 v6, v4;
	_ =	sdelay $0x1  }
0x49f: {  	v4 =	vadd.f32 v7, v4;
	_ =	sdelay $0x1  }
0x4a0: {  	v4 =	vmul.f32 v4, v3;
	_ =	sdelay $0x1  }
0x4a1: {  	[tilespmem:s4+$0xFFFFFFF0] =	vst v4  }
0x4a2: {  	v4 =	vld [tilespmem:s11+$0xFFFFFE20]  }
0x4a3: {  	v5 =	vld [tilespmem:s11+$0xFFFFFE60];
	_ =	sdelay $0x1  }
0x4a4: {  	v6 =	vld [tilespmem:s11+$0xFFFFFEA0];
	_ =	sdelay $0x1  }
0x4a5: {  	v7 =	vld [tilespmem:s11+$0xFFFFFEE0]  }
0x4a6: {  	v4 =	vadd.f32 v5, v4  }
0x4a7: {  	v5 =	vld [tilespmem:s11+$0xFFFFFF20]  }
0x4a8: {  	v4 =	vadd.f32 v6, v4  }
0x4a9: {  	v6 =	vld [tilespmem:s11+$0xFFFFFF60]  }
0x4aa: {  	v4 =	vadd.f32 v7, v4  }
0x4ab: {  	v7 =	vld [tilespmem:s11+$0xFFFFFFA0]  }
0x4ac: {  	v4 =	vadd.f32 v5, v4  }
0x4ad: {  	v5 =	vld [tilespmem:s11+$0xFFFFFFE0]  }
0x4ae: {  	v4 =	vadd.f32 v6, v4  }
0x4af: {  	v6 =	vld [tilespmem:s11+$0x20]  }
0x4b0: {  	v4 =	vadd.f32 v7, v4  }
0x4b1: {  	v7 =	vld [tilespmem:s11+$0x60]  }
0x4b2: {  	v4 =	vadd.f32 v5, v4  }
0x4b3: {  	v5 =	vld [tilespmem:s11+$0xA0]  }
0x4b4: {  	v4 =	vadd.f32 v6, v4  }
0x4b5: {  	v6 =	vld [tilespmem:s11+$0xE0]  }
0x4b6: {  	v4 =	vadd.f32 v7, v4  }
0x4b7: {  	v7 =	vld [tilespmem:s11+$0x120]  }
0x4b8: {  	v4 =	vadd.f32 v5, v4  }
0x4b9: {  	v5 =	vld [tilespmem:s11+$0x160]  }
0x4ba: {  	v4 =	vadd.f32 v6, v4  }
0x4bb: {  	v6 =	vld [tilespmem:s11+$0x1A0]  }
0x4bc: {  	v4 =	vadd.f32 v7, v4  }
0x4bd: {  	v7 =	vld [tilespmem:s11+$0x1E0]  }
0x4be: {  	v4 =	vadd.f32 v5, v4;
	_ =	sdelay $0x1  }
0x4bf: {  	v4 =	vadd.f32 v6, v4;
	_ =	sdelay $0x1  }
0x4c0: {  	v4 =	vadd.f32 v7, v4;
	_ =	sdelay $0x1  }
0x4c1: {  	v4 =	vmul.f32 v4, v3;
	_ =	sdelay $0x1  }
0x4c2: {  	[tilespmem:s4+$0x0] =	vst v4  }
0x4c3: {  	v4 =	vld [tilespmem:s11+$0xFFFFFE30]  }
0x4c4: {  	v5 =	vld [tilespmem:s11+$0xFFFFFE70]  }
0x4c5: {  	v6 =	vld [tilespmem:s11+$0xFFFFFEB0]  }
0x4c6: {  	v7 =	vld [tilespmem:s11+$0xFFFFFEF0]  }
0x4c7: {  	v8 =	vld [tilespmem:s11+$0xFFFFFF30]  }
0x4c8: {  	v9 =	vld [tilespmem:s11+$0xFFFFFF70]  }
0x4c9: {  	v4 =	vadd.f32 v5, v4;
	v5 =	vld [tilespmem:s11+$0xFFFFFFB0]  }
0x4ca: {  	v10 =	vld [tilespmem:s11+$0xFFFFFFF0]  }
0x4cb: {  	v4 =	vadd.f32 v6, v4;
	v6 =	vld [tilespmem:s11+$0x30]  }
0x4cc: {  	v11 =	vld [tilespmem:s11+$0x70]  }
0x4cd: {  	v4 =	vadd.f32 v7, v4;
	v7 =	vld [tilespmem:s11+$0xB0]  }
0x4ce: {  	v12 =	vld [tilespmem:s11+$0xF0]  }
0x4cf: {  	v4 =	vadd.f32 v8, v4;
	v8 =	vld [tilespmem:s11+$0x130]  }
0x4d0: {  	v13 =	vld [tilespmem:s11+$0x170]  }
0x4d1: {  	v9 =	vadd.f32 v9, v4;
	v14 =	vld [tilespmem:s11+$0x1B0]  }
0x4d2: {  	v4 =	vld [tilespmem:s11+$0x1F0]  }
0x4d3: {  	v5 =	vadd.f32 v5, v9;
	_ =	sdelay $0x1  }
0x4d4: {  	v5 =	vadd.f32 v10, v5;
	_ =	sdelay $0x1  }
0x4d5: {  	v5 =	vadd.f32 v6, v5;
	_ =	sdelay $0x1  }
0x4d6: {  	v5 =	vadd.f32 v11, v5;
	_ =	sdelay $0x1  }
0x4d7: {  	v5 =	vadd.f32 v7, v5;
	_ =	sdelay $0x1  }
0x4d8: {  	v5 =	vadd.f32 v12, v5;
	_ =	sdelay $0x1  }
.Ltmp7:
0x4d9: {  	v5 =	vadd.f32 v8, v5;
	(pc) =	sbr.rel @p3 .LBB2_16-.Ltmp7, $3  }
0x4da: {  	_ = 	snop  }
0x4db: {  	v5 =	vadd.f32 v13, v5;
	_ =	sdelay $0x1  }
0x4dc: {  	v5 =	vadd.f32 v14, v5  }
0x4dd: {  	_ = 	snop  }
0x4de: {  	v4 =	vadd.f32 v4, v5;
	_ =	sdelay $0x1  }
0x4df: {  	v3 =	vmul.f32 v4, v3;
	_ =	sdelay $0x1  }
0x4e0: {  	s4 =	rddreg [dreg:$0xa];
	s6 =	simm.s32 $0x1C700;
	[tilespmem:s8+$0x10] =	vst v3  }
0x4e1: {  	[hbm4b:s4+s18] =	stream.strided.scatter [tilespmem:s6], [sflag:$0x6], $0x800, s20, s18, $0x38;
	[tilespmem:$0x1E8A0] =	vst v63  }
0x4e2: {  	_ =	swait.ge [sflag:s15], $0x800  }
0x4e3: {  	s3 =	sadd.s32 $0x1, s3;
	s11 =	rddreg [dreg:$0x14]  }
0x4e4: {  	p3 =	sne.s32 s3, s11  }
.Ltmp8:
0x4e5: {  	_ = 	snop;
	(pc) =	sbr.rel @p3 .LBB2_1-.Ltmp8, $3  }
0x4e6: {  	_ =	sdelay $0x1  }
0x4e7: {  	[sflag:s15] =	ssyncset.done $0x0  }
0x4e8: {  	[sflag:s15] =	ssyncadd.s32 $0xFFFFF800  }
0x4e9: {  	_ =	sfence.sel $0x180000  }
0x4ea: {  	[bflag:$0x0] =	sbarrier.arrive $0xFFFF  }
0x4eb: {  	_ =	strace $0x9000004A  }
0x4ec: {  	s0 =	stileid.u32;
	[bflag:$0x2] =	sbarrier.arrive $0xFFFF  }
0x4ed: {  	p0 =	sne.s32 s0, $0x0;
	s0 =	rddreg [dreg:$0x5]  }
0x4ee: {  	s0 =	sadd.s32 @!p0 $0x100000, s0  }
0x4ef: {  	[sflag:s0] =	ssyncadd.tile.s32 @!p0 $0x1;
	_ =	shalt  }
.Lfunc_end2:
_tile_overlayer_lowered:
.L_overlay_start_2:
0x4f0: {  	(tag) =	ssettag $0x2  }
0x4f1: {  	s0 =	rddreg [dreg:$0x0];
	s2 =	stileid.u32  }
0x4f2: {  	s1 =	rddreg [dreg:$0x1];
	p0 =	sne.s32 s2, $0x0  }
0x4f3: {  	s3 =	rddreg [dreg:$0x2];
	[bflag:$0x3] =	sbarrier.arrive $0xFFFF;
	s2 =	simm.s32 @!p0 $0x1C06  }
0x4f4: {  	[timem:s3], [sflag:s2] =	dma.local @!p0 [hbm:s0], s1  }
0x4f5: {  	s0 =	simm.s32 @!p0 $0x6  }
0x4f6: {  	_ =	swait.ge @!p0 [sflag:s0], s1  }
0x4f7: {  	s1 =	ssub.s32 @!p0 $0x0, s1;
	[sflag:s0] =	ssyncset.done @!p0 $0x0  }
0x4f8: {  	[sflag:s0] =	ssyncadd.s32 @!p0 s1  }
0x4f9: {  	[bflag:$0x3] =	sbarrier.arrive $0xFFFF  }
0x4fa: {  	_ =	shalt  }

// kernel: sparse-core-data-format-call.cloned.1.call-start
scs
called_computation_lowered:
.L_overlay_start_0:
0x0: {  	s2 =	sld [smem:$0x3FD9]  }
0x1: {  	s3 =	sld [smem:$0x3FFE];
	_ =	sdelay $0x1  }
0x2: {  	s1 =	srdreg.scid  }
0x3: {  	s0 =	sand.u32 $0x1, s1  }
0x4: {  	s18 =	sshll.u32 s0, $0xA;
	s2 =	sadd.s32 s3, s2  }
0x5: {  	s2 =	sadd.s32 s2, s18  }
0x6: {  	[smem:$0x3FC6] =	sst s2  }
0x7: {  	_ = 	snop  }
0x8: {  	s2 =	sld [smem:$0x3FC9];
	(tm) =	ssettm $0x1  }
0x9: {  	s19 =	sld [smem:$0x3FFB];
	_ =	sdelay $0x3  }
0xa: {  	_ =	strace s19  }
0xb: {  	s3 =	sld [smem:$0x3FFC];
	_ =	sdelay $0x3  }
0xc: {  	_ =	strace s3  }
0xd: {  	s3 =	sld [smem:$0x3FFD];
	_ =	sdelay $0x3  }
0xe: {  	_ =	strace s3  }
0xf: {  	_ =	strace $0x8FFFFFFF  }
0x10: {  	s20 =	sld [smem:$0x3FDB];
	_ =	sdelay $0x1  }
0x11: {  	s4 =	simm.s32 $_scs_section_size  }
0x12: {  	s5 =	simm.s32 $_size__tile_overlayer_lowered;
	s6 =	simm.s32 $_tile_overlayer_lowered  }
0x13: {  	s23 =	simm.s32 $0x1BFF;
	s22 =	sshll.u32 s6, $0x1;
	s3 =	sadd.s32 s4, s20  }
0x14: {  	s7 =	simm.s32 $0x0;
	s21 =	sshll.u32 s5, $0x1;
	s5 =	sadd.s32 s22, s3  }
0x15: {  	[timem:s7], [sflag:s23] =	dma.local [hbm:s5], s21  }
0x16: {  	_ =	swait.ge [sflag:s23], s21  }
0x17: {  	s4 =	ssub.s32 $0x0, s21;
	[sflag:s23] =	ssyncset.done $0x0  }
0x18: {  	[sflag:s23] =	ssyncadd.s32 s4;
	_ =	sdelay $0x1  }
0x19: {  	s24 =	simm.s32 $0x1B8B  }
0x1a: {  	_ =	swait.ge [sflag:s24], $0x1  }
0x1b: {  	[sflag:s24] =	ssyncset.done $0x0  }
0x1c: {  	s26 =	simm.s32 $0x1B8E;
	s25 =	sld [smem:$0x3FFE];
	[sflag:s24] =	ssyncadd.s32 $0xFFFFFFFF  }
0x1d: {  	s27 =	simm.s32 $execute0_lowered;
	[smem:$0x3FD2] =	sst s26  }
0x1e: {  	s5 =	sshll.u32 s27, $0x1;
	_ =	strace $0x80000046;
	[dreg:$0x1] =	wrdreg $0xFFFFFFFF  }
0x1f: {  	s28 =	simm.s32 $_size_execute0_lowered;
	s3 =	sadd.s32 s3, s5;
	[dreg:$0x0] =	wrdreg $0x0  }
0x20: {  	s5 =	sshll.u32 s28, $0x1;
	[dreg:$0x2] =	wrdreg s3  }
0x21: {  	[dreg:$0x3] =	wrdreg s5  }
0x22: {  	[dreg:$0x4] =	wrdreg $0xC0  }
0x23: {  	_ =	task [dreg:s7], $0x5FFFF  }
0x24: {  	[dreg:$0x1] =	wrdreg $0xFFFFFFFF  }
0x25: {  	[dreg:$0x0] =	wrdreg $0x60  }
0x26: {  	[dreg:$0x2] =	wrdreg s2  }
0x27: {  	[dreg:$0x3] =	wrdreg s25  }
0x28: {  	[dreg:$0x4] =	wrdreg $0x9  }
0x29: {  	_ =	task.clear_ibuf [dreg:s7], $0x5FFFF;
	_ =	strace $0x90000046  }
0x2a: {  	s29 =	simm.s32 $0x9;
	_ =	strace $0x80000048  }
0x2b: {  	_ =	swait.ge [sflag:s29], $0x1  }
0x2c: {  	[sflag:s29] =	ssyncadd.s32 $0xFFFFFFFF  }
0x2d: {  	_ =	strace $0x90000048  }
0x2e: {  	_ =	sfence  }
0x2f: {  	s30 =	sld [smem:$0x0];
	_ =	sdelay $0x2  }
0x30: {  	s31 =	sshll.u32 s1, $0xD;
	s1 =	sshrl.u32 s1, $0x2  }
0x31: {  	s3 =	sand.u32 $0x4000, s31;
	s1 =	sadd.s32 s1, s30  }
0x32: {  	s0 =	sor.u32 s3, s0;
	s1 =	sshll.u32 s1, $0x11  }
0x33: {  	s0 =	sor.u32 s1, s0  }
0x34: {  	s0 =	sadd.s32 $0x8F2B, s0  }
0x35: {  	[sflag:s0] =	ssyncadd.remote.s32 $0x1  }
0x36: {  	_ =	sfence.sel $0xFFFF  }
0x37: {  	[dreg:$0x0] =	wrdreg $0xFFFFFFFF;
	(pc) =	sbr.abs _section_cstart, $3  }
0x38: {  	[dreg:$0x1] =	wrdreg $0xFFFFFFFF  }
0x39: {  	_ =	task.clear_ibuf [dreg:s7], $0x2FFFF;
	_ =	strace $0x9FFFFFFF  }
0x3a: {  	(tm) =	ssettm $0x7FFFFFFF  }
0x3b: {  	_ =	shalt  }
tec
execute0_lowered:
.L_overlay_start_1:
0x0: {  	(tag) =	ssettag $0x1  }
0x1: {  	s0 =	srdreg.scid;
	s2 =	rddreg [dreg:$0x0]  }
0x2: {  	s5 =	rddreg [dreg:$0x1];
	s1 =	stileid.u32  }
0x3: {  	s4 =	simm.s32 $0x1;
	s6 =	simm.s32 $0x2;
	s0 =	sshll.u32 s0, $0x4  }
0x4: {  	s8 =	simm.s32 $0x0;
	s9 =	simm.s32 $0x0;
	s3 =	sand.u32 $0x10, s0  }
.Ltmp0:
0x5: {  	s13 =	simm.s32 $0x0;
	s3 =	sor.u32 s1, s3;
	(pc) =	sbr.rel .LBB1_1-.Ltmp0, $4  }
0x6: {  	s0 =	rddreg [dreg:$0x2];
	_ =	strace $0x80000047;
	s3 =	sshll.u32 s3, $0x3  }
0x7: {  	s10 =	simm.s32 $0x0;
	[sflag:s4] =	ssyncpa.u1 $0x0;
	s7 =	ssub.s32 $0x1868, s3  }
0x8: {  	s12 =	simm.s32 $0x0;
	[sflag:s6] =	ssyncpa.u1 $0x0;
	s6 =	sshrl.u32 s7, $0x8  }
0x9: {  	s5 =	sadd.s32 $0xA00, s5;
	s11 =	smov.u32 s3;
	s7 =	sadd.s32 $0x2, s6  }
.LBB1_9:
0xa: {  	s15 =	sshll.u32 s12, $0xE  }
0xb: {  	s16 =	sshll.u32 s10, $0x8;
	s15 =	sand.u32 $0x4000, s15  }
0xc: {  	s16 =	sadd.s32 s5, s16;
	s15 =	sor.u32 $0x8000, s15  }
0xd: {  	[hbm4b:s16+s8] =	stream.linear.scatter [tilespmem:s15], [sflag:$0x2], s14, $0x38;
	[tilespmem:$0x10000] =	vst v63  }
.LBB1_10:
0xe: {  	p0 =	slt.u32 s12, $0x2  }
0xf: {  	p1 =	sgt.s32 @!p0 s13, $0x1862  }
0x10: {  	s14 =	smov.u32 s13;
	s15 =	sshra.s32 @!p0 s13, $0x1F;
	p1 =	por !p1, p0  }
0x11: {  	s13 =	sand.u32 @!p0 s15, s13;
	s14 =	simm.s32 @p1 $0x1862  }
0x12: {  	s13 =	ssub.s32 @!p0 s14, s13  }
0x13: {  	s13 =	sadd.s32 @!p0 $0xFFFFE79E, s13  }
0x14: {  	s14 =	sshll.u32 @!p0 s13, $0xD  }
0x15: {  	p1 =	sgt.s32 @!p0 s13, $0x7;
	s13 =	ssub.s32 @!p0 $0x10000, s14  }
0x16: {  	s15 =	sadd.s32 $0x100, s11;
	p1 =	por !p1, p0;
	s13 =	sshrl.u32 @!p0 s13, $0x2  }
0x17: {  	s13 =	simm.s32 @!p1 $0x0;
	p1 =	sgt.s32 s15, $0x1869  }
0x18: {  	s15 =	smov.u32 @p1 s3;
	p1 =	sne.s32 s12, s7  }
.Ltmp1:
0x19: {  	_ = 	snop;
	(pc) =	sbr.rel @!p1 .LBB1_11-.Ltmp1, $4  }
0x1a: {  	s14 =	simm.s32 @!p0 $0x2  }
0x1b: {  	s9 =	sadd.s32 $0x4000, s9;
	_ =	swait.ge @!p0 [sflag:s14], s13;
	s16 =	ssub.s32 @!p0 $0x0, s13  }
0x1c: {  	s13 =	smov.u32 s10;
	s12 =	sadd.s32 $0x1, s12;
	[sflag:s14] =	ssyncset.done @!p0 $0x0  }
0x1d: {  	s10 =	smov.u32 s11;
	s11 =	smov.u32 s15;
	[sflag:s14] =	ssyncadd.s32 @!p0 s16  }
.LBB1_1:
0x1e: {  	p0 =	sgt.u32 s12, s6  }
0x1f: {  	p1 =	sgt.s32 @!p0 s11, $0x1862  }
0x20: {  	s14 =	smov.u32 s11;
	s15 =	sshra.s32 @!p0 s11, $0x1F;
	p1 =	por !p1, p0  }
0x21: {  	s15 =	sand.u32 @!p0 s15, s11;
	s14 =	simm.s32 @p1 $0x1862  }
0x22: {  	s14 =	ssub.s32 @!p0 s14, s15  }
0x23: {  	s14 =	sadd.s32 @!p0 $0xFFFFE79E, s14  }
0x24: {  	s17 =	simm.s32 @!p0 $0x0;
	s15 =	sxor.u32 @!p0 $0xFFFFFFFF, s12;
	s16 =	sshll.u32 @!p0 s14, $0xD  }
0x25: {  	s15 =	sshll.u32 @!p0 s15, $0xE;
	p1 =	sgt.s32 @!p0 s14, $0x7;
	s14 =	ssub.s32 @!p0 $0x10000, s16  }
0x26: {  	p1 =	por !p1, p0;
	s16 =	sshll.u32 @!p0 s11, $0x8;
	s14 =	sshrl.u32 @!p0 s14, $0x2  }
0x27: {  	s15 =	sand.u32 @!p0 $0x4000, s15;
	s16 =	sadd.s32 @!p0 s2, s16;
	s14 =	simm.s32 @!p1 $0x0  }
0x28: {  	[tilespmem:s15], [sflag:$0x1] =	stream.linear.gather @!p0 [hbm4b:s16+s17], s14, $0x38;
	[tilespmem:$0x10000] =	vst v63  }
0x29: {  	p0 =	seq.s32 s12, $0x0  }
0x2a: {  	p1 =	sge.u32 @!p0 s12, s7  }
0x2b: {  	p0 =	por p0, p1  }
.Ltmp2:
0x2c: {  	_ = 	snop;
	(pc) =	sbr.rel @p0 .LBB1_10-.Ltmp2, $1  }
0x2d: {  	_ =	sdelay $0x3  }
0x2e: {  	p0 =	sgt.s32 s10, $0x1862;
	s14 =	smov.u32 s10;
	s15 =	sshra.s32 s10, $0x1F  }
0x2f: {  	s14 =	simm.s32 @!p0 $0x1862;
	s15 =	sand.u32 s15, s10  }
0x30: {  	s14 =	ssub.s32 s14, s15  }
0x31: {  	s16 =	sadd.s32 $0x8, s10;
	s14 =	sadd.s32 $0xFFFFE79E, s14  }
0x32: {  	p1 =	slt.s32 s16, $0x186A;
	s30 =	sshll.u32 s14, $0xD  }
0x33: {  	s16 =	simm.s32 @!p1 $0x186A;
	s15 =	ssub.s32 $0x10000, s30  }
0x34: {  	p0 =	sgt.s32 s14, $0x7;
	s14 =	sshrl.u32 s15, $0x2;
	s15 =	ssub.s32 s16, s10  }
0x35: {  	s14 =	simm.s32 @p0 $0x0;
	p0 =	slt.s32 s15, $0x1  }
.Ltmp3:
0x36: {  	_ = 	snop;
	(pc) =	sbr.rel @p0 .LBB1_9-.Ltmp3, $4  }
0x37: {  	_ = 	snop  }
0x38: {  	_ =	swait.ge [sflag:s4], s14  }
0x39: {  	s31 =	ssub.s32 $0x0, s14;
	[sflag:s4] =	ssyncset.done $0x0  }
0x3a: {  	[sflag:s4] =	ssyncadd.s32 s31  }
0x3b: {  	s16 =	sshll.u32 s9, $0x2  }
0x3c: {  	s16 =	sand.u32 $0x10000, s16  }
0x3d: {  	s16 =	sshrl.u32 s16, $0x2  }
0x3e: {  	s18 =	simm.s32 $0x0;
	s19 =	simm.s32 $0x0;
	s17 =	sor.u32 $0x8000, s16  }
.LBB1_4:
0x3f: {  	s20 =	sshra.s32 s18, $0x2  }
0x40: {  	v0 =	vmov s20;
	_ =	sdelay $0x3  }
0x41: {  	p1 =	por $0x1, $0x1;
	s20 =	simm.s32 $0x0  }
.LBB1_5:
0x42: {  	_ = 	snop  }
0x43: {  	s21 =	sshll.u32 s20, $0xA  }
0x44: {  	s21 =	sand.u32 $0x3FFFFC00, s21  }
0x45: {  	s21 =	sadd.s32 s21, s16  }
0x46: {  	v5 =	vld.idx.msk [tilespmem:v0+s21+$0x70 ss:$0x1], $0xffff  }
0x47: {  	v6 =	vld.idx.msk [tilespmem:v0+s21+$0x10 ss:$0x1], $0xffff  }
0x48: {  	v7 =	vld.idx.msk [tilespmem:v0+s21+$0x20 ss:$0x1], $0xffff  }
0x49: {  	s31 =	sshll.u32 s20, $0x7;
	v1 =	vld.idx.msk [tilespmem:v0+s21+$0x30 ss:$0x1], $0xffff  }
0x4a: {  	s20 =	sand.u32 $0x3FFFFF80, s31;
	v2 =	vld.idx.msk [tilespmem:v0+s21+$0x40 ss:$0x1], $0xffff  }
0x4b: {  	s20 =	sadd.s32 s20, s17;
	v3 =	vld.idx.msk [tilespmem:v0+s21+$0x50 ss:$0x1], $0xffff  }
0x4c: {  	v4 =	vld.idx.msk [tilespmem:v0+s21+$0x60 ss:$0x1], $0xffff;
	[tilespmem:v0+s20+$0x70 ss:$0x1] =	vst.idx.msk $0xffff, v5  }
0x4d: {  	v5 =	vld.idx.msk [tilespmem:v0+s21+$0x0 ss:$0x1], $0xffff;
	[tilespmem:v0+s20+$0x10 ss:$0x1] =	vst.idx.msk $0xffff, v6;
	s21 =	sadd.s32 $0x80, s21  }
0x4e: {  	p0 =	por p1, p1;
	s22 =	simm.s32 $0x6;
	[tilespmem:v0+s20+$0x20 ss:$0x1] =	vst.idx.msk $0xffff, v7;
	v6 =	vld.idx.msk [tilespmem:v0+s21+$0x70 ss:$0x1], $0xffff  }
.LBB1_6:
0x4f: {  	p1 =	sne.s32 s22, $0x1;
	v7 =	vld.idx.msk [tilespmem:v0+s21+$0x10 ss:$0x1], $0xffff;
	[tilespmem:v0+s20+$0x30 ss:$0x1] =	vst.idx.msk $0xffff, v1  }
0x50: {  	v8 =	vld.idx.msk [tilespmem:v0+s21+$0x20 ss:$0x1], $0xffff;
	[tilespmem:v0+s20+$0x40 ss:$0x1] =	vst.idx.msk $0xffff, v2  }
0x51: {  	v1 =	vld.idx.msk [tilespmem:v0+s21+$0x30 ss:$0x1], $0xffff;
	[tilespmem:v0+s20+$0x50 ss:$0x1] =	vst.idx.msk $0xffff, v3  }
.Ltmp4:
0x52: {  	v2 =	vld.idx.msk [tilespmem:v0+s21+$0x40 ss:$0x1], $0xffff;
	[tilespmem:v0+s20+$0x60 ss:$0x1] =	vst.idx.msk $0xffff, v4;
	(pc) =	sbr.rel @p1 .LBB1_6-.Ltmp4, $4  }
0x53: {  	v3 =	vld.idx.msk [tilespmem:v0+s21+$0x50 ss:$0x1], $0xffff;
	[tilespmem:v0+s20+$0x0 ss:$0x1] =	vst.idx.msk $0xffff, v5;
	s20 =	sadd.s32 $0x100, s20  }
0x54: {  	v4 =	vld.idx.msk [tilespmem:v0+s21+$0x60 ss:$0x1], $0xffff;
	[tilespmem:v0+s20+$0x70 ss:$0x1] =	vst.idx.msk $0xffff, v6  }
0x55: {  	v5 =	vld.idx.msk [tilespmem:v0+s21+$0x0 ss:$0x1], $0xffff;
	[tilespmem:v0+s20+$0x10 ss:$0x1] =	vst.idx.msk $0xffff, v7;
	s21 =	sadd.s32 $0x80, s21  }
0x56: {  	s22 =	sadd.s32 $0xFFFFFFFF, s22;
	v6 =	vld.idx.msk [tilespmem:v0+s21+$0x70 ss:$0x1], $0xffff;
	[tilespmem:v0+s20+$0x20 ss:$0x1] =	vst.idx.msk $0xffff, v8  }
0x57: {  	_ =	sdelay $0x3  }
0x58: {  	[tilespmem:v0+s20+$0x30 ss:$0x1] =	vst.idx.msk $0xffff, v1  }
0x59: {  	v1 =	vld.idx.msk [tilespmem:v0+s21+$0x10 ss:$0x1], $0xffff;
	[tilespmem:v0+s20+$0x40 ss:$0x1] =	vst.idx.msk $0xffff, v2  }
0x5a: {  	v2 =	vld.idx.msk [tilespmem:v0+s21+$0x20 ss:$0x1], $0xffff;
	[tilespmem:v0+s20+$0x50 ss:$0x1] =	vst.idx.msk $0xffff, v3  }
0x5b: {  	v61 =	vld.idx.msk [tilespmem:v0+s21+$0x40 ss:$0x1], $0xffff;
	[tilespmem:v0+s20+$0x60 ss:$0x1] =	vst.idx.msk $0xffff, v4  }
0x5c: {  	s31 =	sadd.s32 $0x100, s20;
	v62 =	vld.idx.msk [tilespmem:v0+s21+$0x50 ss:$0x1], $0xffff;
	[tilespmem:v0+s20+$0x0 ss:$0x1] =	vst.idx.msk $0xffff, v5  }
0x5d: {  	v63 =	vld.idx.msk [tilespmem:v0+s21+$0x60 ss:$0x1], $0xffff;
	[tilespmem:v0+s31+$0x70 ss:$0x1] =	vst.idx.msk $0xffff, v6  }
0x5e: {  	v3 =	vld.idx.msk [tilespmem:v0+s21+$0x30 ss:$0x1], $0xffff;
	[tilespmem:v0+s31+$0x10 ss:$0x1] =	vst.idx.msk $0xffff, v1  }
0x5f: {  	v1 =	vld.idx.msk [tilespmem:v0+s21+$0x0 ss:$0x1], $0xffff;
	[tilespmem:v0+s31+$0x20 ss:$0x1] =	vst.idx.msk $0xffff, v2  }
.Ltmp5:
0x60: {  	[tilespmem:v0+s31+$0x40 ss:$0x1] =	vst.idx.msk $0xffff, v61;
	(pc) =	sbr.rel @p0 .LBB1_5-.Ltmp5, $4  }
0x61: {  	[tilespmem:v0+s31+$0x50 ss:$0x1] =	vst.idx.msk $0xffff, v62  }
0x62: {  	[tilespmem:v0+s31+$0x60 ss:$0x1] =	vst.idx.msk $0xffff, v63  }
0x63: {  	[tilespmem:v0+s31+$0x30 ss:$0x1] =	vst.idx.msk $0xffff, v3  }
0x64: {  	p1 =	por $0x0, $0x0;
	s20 =	simm.s32 $0x1;
	[tilespmem:v0+s31+$0x0 ss:$0x1] =	vst.idx.msk $0xffff, v1  }
0x65: {  	s19 =	sadd.s32 $0x1, s19  }
0x66: {  	p0 =	sne.s32 s19, s15  }
.Ltmp6:
0x67: {  	_ = 	snop;
	(pc) =	sbr.rel @p0 .LBB1_4-.Ltmp6, $4  }
.Ltmp7:
0x68: {  	_ = 	snop;
	(pc) =	sbr.rel @!p0 .LBB1_9-.Ltmp7, $4  }
0x69: {  	_ = 	snop  }
0x6a: {  	_ = 	snop  }
0x6b: {  	s18 =	sadd.s32 $0x2000, s18  }
0x6c: {  	_ = 	snop  }
.LBB1_11:
0x6d: {  	_ =	sfence.sel $0x180000  }
0x6e: {  	s2 =	simm.s32 $0x1;
	[bflag:$0x0] =	sbarrier.arrive $0xFFFF  }
0x6f: {  	s31 =	simm.s32 $0x2;
	[sflag:s2] =	ssyncpa.u1 $0x1  }
0x70: {  	[sflag:s31] =	ssyncpa.u1 $0x1  }
0x71: {  	p0 =	sne.s32 s1, $0x0;
	_ =	strace $0x90000047  }
0x72: {  	s0 =	sadd.s32 @!p0 $0x100000, s0;
	[bflag:$0x2] =	sbarrier.arrive $0xFFFF  }
0x73: {  	[sflag:s0] =	ssyncadd.tile.s32 @!p0 $0x1;
	_ =	shalt  }
.Lfunc_end1:
_tile_overlayer_lowered:
.L_overlay_start_2:
0x74: {  	(tag) =	ssettag $0x2  }
0x75: {  	s0 =	rddreg [dreg:$0x0];
	s2 =	stileid.u32  }
0x76: {  	s1 =	rddreg [dreg:$0x1];
	p0 =	sne.s32 s2, $0x0  }
0x77: {  	s3 =	rddreg [dreg:$0x2];
	[bflag:$0x3] =	sbarrier.arrive $0xFFFF;
	s2 =	simm.s32 @!p0 $0x1C01  }
0x78: {  	[timem:s3], [sflag:s2] =	dma.local @!p0 [hbm:s0], s1  }
0x79: {  	s0 =	simm.s32 @!p0 $0x1  }
0x7a: {  	_ =	swait.ge @!p0 [sflag:s0], s1  }
0x7b: {  	s1 =	ssub.s32 @!p0 $0x0, s1;
	[sflag:s0] =	ssyncset.done @!p0 $0x0  }
0x7c: {  	[sflag:s0] =	ssyncadd.s32 @!p0 s1  }
0x7d: {  	[bflag:$0x3] =	sbarrier.arrive $0xFFFF  }
0x7e: {  	_ =	shalt  }

</sc_bundles>
